<compile_context>
chip_gen: v7x
topology: tpu7x:2x2x1
jax: 0.10.2.dev20260603
libtpu: 0.0.44.dev20260713+nightly
codegen_flags: <defaults>
</compile_context>

<pallas_src>
import functools

import jax
import jax.numpy as jnp
from jax import lax
from jax.experimental import pallas as pl
from jax.experimental.pallas import tpu as pltpu
from jax.experimental.pallas import tpu_sc as plsc

OUT_H = 7
OUT_W = 7
SCALE = 0.25
SR = 2

K_PER_BIN = OUT_H * OUT_W * SR * SR * 4 // (OUT_H * OUT_W)
J_PER_ROI = OUT_H * OUT_W * K_PER_BIN

N_PAD = 1024
NUM_WORKERS = 32
TOTAL_BINS = N_PAD * OUT_H * OUT_W
BINS_PER_WORKER = TOTAL_BINS // NUM_WORKERS
CHUNK_BINS = 8
CHUNKS_PER_WORKER = BINS_PER_WORKER // CHUNK_BINS


def _idxw_body(rois_ref, idx_ref, w_ref, *, H, W, HW):
    blk = rois_ref.shape[0]
    j = lax.broadcasted_iota(jnp.int32, (blk, J_PER_ROI), 1)
    ax = j % 2
    ay = (j // 2) % 2
    sx = (j // 4) % 2
    sy = (j // 8) % 2
    q = (j // 16) % OUT_W
    p = j // (16 * OUT_W)

    bidx = rois_ref[:, 0:1].astype(jnp.int32)
    x1 = rois_ref[:, 1:2] * SCALE
    y1 = rois_ref[:, 2:3] * SCALE
    x2 = rois_ref[:, 3:4] * SCALE
    y2 = rois_ref[:, 4:5] * SCALE
    roi_w = jnp.maximum(x2 - x1, 1.0)
    roi_h = jnp.maximum(y2 - y1, 1.0)
    jy = (p * SR + sy).astype(jnp.float32)
    jx = (q * SR + sx).astype(jnp.float32)
    y = y1 + (jy + 0.5) * (roi_h / (OUT_H * SR))
    x = x1 + (jx + 0.5) * (roi_w / (OUT_W * SR))

    vy = (y >= -1.0) & (y <= float(H))
    vx = (x >= -1.0) & (x <= float(W))
    yc = jnp.clip(y, 0.0, float(H - 1))
    xc = jnp.clip(x, 0.0, float(W - 1))
    yl = jnp.floor(yc)
    xl = jnp.floor(xc)
    ly = yc - yl
    lx = xc - xl
    yl_i = yl.astype(jnp.int32)
    xl_i = xl.astype(jnp.int32)
    yh_i = jnp.minimum(yl_i + 1, H - 1)
    xh_i = jnp.minimum(xl_i + 1, W - 1)

    ypt = jnp.where(ay == 1, yh_i, yl_i)
    xpt = jnp.where(ax == 1, xh_i, xl_i)
    wy = jnp.where(ay == 1, ly, 1.0 - ly)
    wx = jnp.where(ax == 1, lx, 1.0 - lx)
    valid = (vy & vx).astype(jnp.float32)

    idx_ref[...] = bidx * HW + ypt * W + xpt
    w_ref[...] = wy * wx * valid * (1.0 / (SR * SR))


def _compute_idx_w(rois_pad, H, W):
    blk = 128
    grid = N_PAD // blk
    return pl.pallas_call(
        functools.partial(_idxw_body, H=H, W=W, HW=H * W),
        grid=(grid,),
        in_specs=[pl.BlockSpec((blk, 5), lambda i: (i, 0))],
        out_specs=[
            pl.BlockSpec((blk, J_PER_ROI), lambda i: (i, 0)),
            pl.BlockSpec((blk, J_PER_ROI), lambda i: (i, 0)),
        ],
        out_shape=[
            jax.ShapeDtypeStruct((N_PAD, J_PER_ROI), jnp.int32),
            jax.ShapeDtypeStruct((N_PAD, J_PER_ROI), jnp.float32),
        ],
    )(rois_pad)


def _sc_body(idx_hbm, w_hbm, table_hbm, out_hbm,
             idx_v, w_v, rows0, rows1, out0, out1,
             sem_g0, sem_g1, sem_o0, sem_o1):
    nc = 2
    wid = lax.axis_index("s") * nc + lax.axis_index("c")
    base_bin = wid * BINS_PER_WORKER

    kpc = CHUNK_BINS * K_PER_BIN
    pltpu.sync_copy(idx_hbm.at[pl.ds(base_bin * K_PER_BIN, BINS_PER_WORKER * K_PER_BIN)], idx_v)
    pltpu.sync_copy(w_hbm.at[pl.ds(base_bin * K_PER_BIN, BINS_PER_WORKER * K_PER_BIN)], w_v)

    bufs = ((rows0, sem_g0, out0, sem_o0), (rows1, sem_g1, out1, sem_o1))

    pltpu.async_copy(table_hbm.at[idx_v.at[pl.ds(0, kpc)]], rows0, sem_g0)
    pltpu.async_copy(table_hbm.at[idx_v.at[pl.ds(kpc, kpc)]], rows1, sem_g1)

    def pair_body(g, _):
        for par in range(2):
            rows_v, sem_g, out_v, sem_o = bufs[par]
            ch = 2 * g + par
            bin0 = base_bin + ch * CHUNK_BINS
            pltpu.make_async_copy(table_hbm.at[idx_v.at[pl.ds(ch * kpc, kpc)]], rows_v, sem_g).wait()
            @pl.when(g > 0)
            def _():
                pltpu.make_async_copy(
                    out_v, out_hbm.at[pl.ds(bin0, CHUNK_BINS)], sem_o).wait()

            def bin_body(i, _):
                wv = w_v[pl.ds(ch * kpc + i * K_PER_BIN, K_PER_BIN)]
                acc = [jnp.zeros((16,), jnp.float32) for _ in range(16)]
                for k in range(K_PER_BIN):
                    wk = jnp.broadcast_to(wv[k], (16,))
                    r = i * K_PER_BIN + k
                    for c in range(16):
                        acc[c] = acc[c] + wk * rows_v[r, pl.ds(c * 16, 16)]
                for c in range(16):
                    out_v[i, pl.ds(c * 16, 16)] = acc[c]
                return 0

            lax.fori_loop(0, CHUNK_BINS, bin_body, 0)
            pltpu.async_copy(out_v, out_hbm.at[pl.ds(bin0, CHUNK_BINS)], sem_o)
            @pl.when(ch + 2 < CHUNKS_PER_WORKER)
            def _():
                pltpu.async_copy(table_hbm.at[idx_v.at[pl.ds((ch + 2) * kpc, kpc)]], rows_v, sem_g)
        return 0

    lax.fori_loop(0, CHUNKS_PER_WORKER // 2, pair_body, 0)
    last0 = base_bin + (CHUNKS_PER_WORKER - 2) * CHUNK_BINS
    last1 = base_bin + (CHUNKS_PER_WORKER - 1) * CHUNK_BINS
    pltpu.make_async_copy(out0, out_hbm.at[pl.ds(last0, CHUNK_BINS)], sem_o0).wait()
    pltpu.make_async_copy(out1, out_hbm.at[pl.ds(last1, CHUNK_BINS)], sem_o1).wait()


def _sc_gather(idx_flat, w_flat, table):
    C = table.shape[1]
    mesh = plsc.VectorSubcoreMesh(core_axis_name="c", subcore_axis_name="s")
    run = pl.kernel(
        _sc_body,
        out_type=jax.ShapeDtypeStruct((TOTAL_BINS, C), jnp.float32),
        mesh=mesh,
        scratch_types=[
            pltpu.VMEM((BINS_PER_WORKER * K_PER_BIN,), jnp.int32),
            pltpu.VMEM((BINS_PER_WORKER * K_PER_BIN,), jnp.float32),
            pltpu.VMEM((CHUNK_BINS * K_PER_BIN, C), jnp.float32),
            pltpu.VMEM((CHUNK_BINS * K_PER_BIN, C), jnp.float32),
            pltpu.VMEM((CHUNK_BINS, C), jnp.float32),
            pltpu.VMEM((CHUNK_BINS, C), jnp.float32),
            pltpu.SemaphoreType.DMA,
            pltpu.SemaphoreType.DMA,
            pltpu.SemaphoreType.DMA,
            pltpu.SemaphoreType.DMA,
        ],
    )
    return run(idx_flat, w_flat, table)


def kernel(input, rois):
    B, C, H, W = input.shape
    N = rois.shape[0]
    nbins = OUT_H * OUT_W
    table = jnp.transpose(input, (0, 2, 3, 1)).reshape(B * H * W, C)
    rois_pad = jnp.zeros((N_PAD, 5), jnp.float32).at[:N].set(rois.astype(jnp.float32))
    idx, w = _compute_idx_w(rois_pad, H, W)
    out_rows = _sc_gather(idx.reshape(-1), w.reshape(-1), table)
    out = out_rows.reshape(N_PAD, nbins, C)
    out = jnp.transpose(out, (0, 2, 1))
    return out[:N].reshape(N, C, OUT_H, OUT_W)

# --- scband reference (transcript-rebuilt; emitter-appended) ---
"""Pipeline reference for scband-roialign-40261023432732 (READ-ONLY COPY).

The authoritative reference and input builder live on the scoring server;
editing this copy changes nothing except your own understanding.
"""

import jax, jax.numpy as jnp
import numpy as np

OUTPUT_SIZE = (7, 7)
SPATIAL_SCALE = 0.25
SAMPLING_RATIO = 2


def setup_inputs(seed: int = 0) -> dict:
    key = jax.random.key(seed)
    k1, k2, k3, k4 = jax.random.split(key, 4)
    B, C, H, W = 2, 256, 200, 200
    N = 1000
    feat = jax.random.normal(k1, (B, C, H, W), dtype=jnp.float32)
    # rois: [batch_idx, x1, y1, x2, y2] in image coords (image is 800x800, spatial_scale=0.25)
    bidx = jax.random.randint(k2, (N,), 0, B).astype(jnp.float32)
    xy1 = jax.random.uniform(k3, (N, 2), minval=0.0, maxval=600.0, dtype=jnp.float32)
    wh = jax.random.uniform(k4, (N, 2), minval=16.0, maxval=200.0, dtype=jnp.float32)
    xy2 = jnp.minimum(xy1 + wh, 800.0)
    rois = jnp.concatenate([bidx[:, None], xy1[:, 0:1], xy1[:, 1:2], xy2[:, 0:1], xy2[:, 1:2]], axis=1)
    return {"input": feat, "rois": rois}


def _roi_align(feat, rois, output_size, spatial_scale, sampling_ratio):
    ph, pw = output_size
    sr = sampling_ratio
    B, C, H, W = feat.shape
    rois = rois.astype(jnp.float32)
    bidx = rois[:, 0].astype(jnp.int32)
    x1 = rois[:, 1] * spatial_scale
    y1 = rois[:, 2] * spatial_scale
    x2 = rois[:, 3] * spatial_scale
    y2 = rois[:, 4] * spatial_scale
    roi_w = jnp.maximum(x2 - x1, 1.0)
    roi_h = jnp.maximum(y2 - y1, 1.0)
    bin_w = roi_w / pw
    bin_h = roi_h / ph
    # combined sample coordinate j = bin_index*sr + sub_index -> coord = start + (j+0.5)*bin/sr
    jy = jnp.arange(ph * sr, dtype=jnp.float32)
    jx = jnp.arange(pw * sr, dtype=jnp.float32)
    ys = y1[:, None] + (jy[None, :] + 0.5) * (bin_h / sr)[:, None]  # [N, ph*sr]
    xs = x1[:, None] + (jx[None, :] + 0.5) * (bin_w / sr)[:, None]  # [N, pw*sr]

    def sample_one(b, ys_i, xs_i):
        img = feat[b]  # [C, H, W]
        Y, X = jnp.meshgrid(ys_i, xs_i, indexing='ij')
        y = Y.ravel()
        x = X.ravel()
        valid = ((y >= -1.0) & (y <= H) & (x >= -1.0) & (x <= W)).astype(feat.dtype)
        y = jnp.clip(y, 0.0, H - 1.0)
        x = jnp.clip(x, 0.0, W - 1.0)
        yl = jnp.floor(y).astype(jnp.int32)
        xl = jnp.floor(x).astype(jnp.int32)
        yh = jnp.minimum(yl + 1, H - 1)
        xh = jnp.minimum(xl + 1, W - 1)
        ly = y - yl.astype(feat.dtype)
        lx = x - xl.astype(feat.dtype)
        hy = 1.0 - ly
        hx = 1.0 - lx
        v1 = img[:, yl, xl]
        v2 = img[:, yl, xh]
        v3 = img[:, yh, xl]
        v4 = img[:, yh, xh]
        val = hy * hx * v1 + hy * lx * v2 + ly * hx * v3 + ly * lx * v4
        val = val * valid
        val = val.reshape(C, ph, sr, pw, sr)
        return val.mean(axis=(2, 4))  # average over sr*sr samples per bin

    return jax.vmap(sample_one)(bidx, ys, xs)  # [N, C, ph, pw]


def reference(input, rois):
    return _roi_align(input, rois, OUTPUT_SIZE, SPATIAL_SCALE, SAMPLING_RATIO)

if __name__ == "__main__":
    import jax
    _d = setup_inputs()
    print(jax.jit(kernel)(*tuple(_d.values())))

</pallas_src>

<mosaic_0001>
#map = affine_map<(d0, d1) -> (0)>
#map1 = affine_map<(d0, d1) -> (0, 0)>
module attributes {stable_mosaic.version = 14 : i64} {
  func.func @_sc_body(%arg0: i32, %arg1: i32, %arg2: memref<802816xi32, #tpu.memory_space<hbm>>, %arg3: memref<802816xf32, #tpu.memory_space<hbm>>, %arg4: memref<80000x256xf32, #tpu.memory_space<hbm>>, %arg5: memref<50176x256xf32, #tpu.memory_space<hbm>>, %arg6: memref<25088xi32, #tpu.memory_space<vmem>>, %arg7: memref<25088xf32, #tpu.memory_space<vmem>>, %arg8: memref<128x256xf32, #tpu.memory_space<vmem>>, %arg9: memref<128x256xf32, #tpu.memory_space<vmem>>, %arg10: memref<8x256xf32, #tpu.memory_space<vmem>>, %arg11: memref<8x256xf32, #tpu.memory_space<vmem>>, %arg12: memref<!tpu.dma_semaphore, #tpu.memory_space<semaphore_mem>>, %arg13: memref<!tpu.dma_semaphore, #tpu.memory_space<semaphore_mem>>, %arg14: memref<!tpu.dma_semaphore, #tpu.memory_space<semaphore_mem>>, %arg15: memref<!tpu.dma_semaphore, #tpu.memory_space<semaphore_mem>>) attributes {dimension_semantics = [#tpu.dimension_semantics<core_parallel>, #tpu.dimension_semantics<subcore_parallel>], iteration_bounds = array<i64: 2, 16>, scalar_prefetch = 0 : i64, scratch_operands = 10 : i64, tpu.core_type = #tpu.core_type<sc_vector_subcore>, window_params = [{transform_indices = #map}, {transform_indices = #map}, {transform_indices = #map1}, {transform_indices = #map1}]} {
    %mul3A = arith.constant 2 : i32
    %mul3A_0 = arith.muli %arg1, %mul3A : i32
    %add3A = arith.addi %mul3A_0, %arg0 : i32
    %mul3A_1 = arith.constant 1568 : i32
    %mul3A_2 = arith.muli %add3A, %mul3A_1 : i32
    %mul3A_3 = arith.constant 16 : i32
    %mul3A_4 = arith.muli %mul3A_2, %mul3A_3 : i32
    "tpu.region"() ({
      %run_scoped3A = tpu.sem_alloc : memref<!tpu.dma_semaphore, #tpu.memory_space<semaphore_mem>>
      %dma_start3A_33 = tpu.memref_slice %arg2[%mul3A_4] : memref<802816xi32, #tpu.memory_space<hbm>> -> memref<25088xi32, #tpu.memory_space<hbm>>
      %dma_start3A_34 = tpu.memref_slice %arg2[%mul3A_4] : memref<802816xi32, #tpu.memory_space<hbm>> -> memref<25088xi32, #tpu.memory_space<hbm>>
      tpu.enqueue_dma source(%dma_start3A_34 : memref<25088xi32, #tpu.memory_space<hbm>>) target(%arg6 : memref<25088xi32, #tpu.memory_space<vmem>>) target_semaphore(%run_scoped3A : memref<!tpu.dma_semaphore, #tpu.memory_space<semaphore_mem>>)
      %dma_wait3A_35 = tpu.memref_slice %arg2[%mul3A_4] : memref<802816xi32, #tpu.memory_space<hbm>> -> memref<25088xi32, #tpu.memory_space<hbm>>
      %dma_wait3A_36 = tpu.memref_slice %arg2[%mul3A_4] : memref<802816xi32, #tpu.memory_space<hbm>> -> memref<25088xi32, #tpu.memory_space<hbm>>
      tpu.wait_dma2 semaphore(%run_scoped3A : memref<!tpu.dma_semaphore, #tpu.memory_space<semaphore_mem>>) src(%dma_wait3A_36 : memref<25088xi32, #tpu.memory_space<hbm>>) dst(%arg6 : memref<25088xi32, #tpu.memory_space<vmem>>)
      tpu.yield
    }) : () -> ()
    %mul3A_5 = arith.constant 16 : i32
    %mul3A_6 = arith.muli %mul3A_2, %mul3A_5 : i32
    "tpu.region"() ({
      %run_scoped3A = tpu.sem_alloc : memref<!tpu.dma_semaphore, #tpu.memory_space<semaphore_mem>>
      %dma_start3A_33 = tpu.memref_slice %arg3[%mul3A_6] : memref<802816xf32, #tpu.memory_space<hbm>> -> memref<25088xf32, #tpu.memory_space<hbm>>
      %dma_start3A_34 = tpu.memref_slice %arg3[%mul3A_6] : memref<802816xf32, #tpu.memory_space<hbm>> -> memref<25088xf32, #tpu.memory_space<hbm>>
      tpu.enqueue_dma source(%dma_start3A_34 : memref<25088xf32, #tpu.memory_space<hbm>>) target(%arg7 : memref<25088xf32, #tpu.memory_space<vmem>>) target_semaphore(%run_scoped3A : memref<!tpu.dma_semaphore, #tpu.memory_space<semaphore_mem>>)
      %dma_wait3A_35 = tpu.memref_slice %arg3[%mul3A_6] : memref<802816xf32, #tpu.memory_space<hbm>> -> memref<25088xf32, #tpu.memory_space<hbm>>
      %dma_wait3A_36 = tpu.memref_slice %arg3[%mul3A_6] : memref<802816xf32, #tpu.memory_space<hbm>> -> memref<25088xf32, #tpu.memory_space<hbm>>
      tpu.wait_dma2 semaphore(%run_scoped3A : memref<!tpu.dma_semaphore, #tpu.memory_space<semaphore_mem>>) src(%dma_wait3A_36 : memref<25088xf32, #tpu.memory_space<hbm>>) dst(%arg7 : memref<25088xf32, #tpu.memory_space<vmem>>)
      tpu.yield
    }) : () -> ()
    %dma_start3A = arith.constant 0 : i32
    %dma_start3A_7 = tpu.memref_slice %arg6[%dma_start3A] : memref<25088xi32, #tpu.memory_space<vmem>> -> memref<128xi32, #tpu.memory_space<vmem>>
    %dma_start3A_8 = arith.constant 0 : i32
    %dma_start3A_9 = arith.constant 0 : i32
    %dma_start3A_10 = tpu.memref_slice %arg4[%dma_start3A_8, %dma_start3A_9] : memref<80000x256xf32, #tpu.memory_space<hbm>> -> memref<80000x256xf32, #tpu.memory_space<hbm>>
    tpu.enqueue_indirect_dma source(%dma_start3A_10 : memref<80000x256xf32, #tpu.memory_space<hbm>>) target(%arg8 : memref<128x256xf32, #tpu.memory_space<vmem>>) offsets(%dma_start3A_7 : memref<128xi32, #tpu.memory_space<vmem>>) semaphore(%arg12 : memref<!tpu.dma_semaphore, #tpu.memory_space<semaphore_mem>>)
    %dma_start3A_11 = arith.constant 128 : i32
    %dma_start3A_12 = tpu.memref_slice %arg6[%dma_start3A_11] : memref<25088xi32, #tpu.memory_space<vmem>> -> memref<128xi32, #tpu.memory_space<vmem>>
    %dma_start3A_13 = arith.constant 0 : i32
    %dma_start3A_14 = arith.constant 0 : i32
    %dma_start3A_15 = tpu.memref_slice %arg4[%dma_start3A_13, %dma_start3A_14] : memref<80000x256xf32, #tpu.memory_space<hbm>> -> memref<80000x256xf32, #tpu.memory_space<hbm>>
    tpu.enqueue_indirect_dma source(%dma_start3A_15 : memref<80000x256xf32, #tpu.memory_space<hbm>>) target(%arg9 : memref<128x256xf32, #tpu.memory_space<vmem>>) offsets(%dma_start3A_12 : memref<128xi32, #tpu.memory_space<vmem>>) semaphore(%arg13 : memref<!tpu.dma_semaphore, #tpu.memory_space<semaphore_mem>>)
    %scan3A = arith.constant 0 : i32
    %scan3A_16 = arith.constant 0 : i32
    %scan3A_17 = arith.constant 98 : i32
    %scan3A_18 = arith.addi %scan3A_16, %scan3A_17 : i32
    %scan3A_19 = arith.constant 1 : i32
    %scan3A_20 = scf.for %scan3A_33 = %scan3A_16 to %scan3A_18 step %scan3A_19 iter_args(%scan3A_34 = %scan3A) -> (i32)  : i32 {
      %mul3A_35 = arith.constant 2 : i32
      %mul3A_36 = arith.muli %mul3A_35, %scan3A_33 : i32
      %add3A_37 = arith.constant 0 : i32
      %add3A_38 = arith.addi %mul3A_36, %add3A_37 : i32
      %mul3A_39 = arith.constant 8 : i32
      %mul3A_40 = arith.muli %add3A_38, %mul3A_39 : i32
      %add3A_41 = arith.addi %mul3A_2, %mul3A_40 : i32
      %mul3A_42 = arith.constant 128 : i32
      %mul3A_43 = arith.muli %add3A_38, %mul3A_42 : i32
      %dma_wait3A_44 = tpu.memref_slice %arg6[%mul3A_43] : memref<25088xi32, #tpu.memory_space<vmem>> -> memref<128xi32, #tpu.memory_space<vmem>>
      %dma_wait3A_45 = arith.constant 0 : i32
      %dma_wait3A_46 = arith.constant 0 : i32
      %dma_wait3A_47 = tpu.memref_slice %arg4[%dma_wait3A_45, %dma_wait3A_46] : memref<80000x256xf32, #tpu.memory_space<hbm>> -> memref<80000x256xf32, #tpu.memory_space<hbm>>
      tpu.wait_indirect_dma semaphore(%arg12 : memref<!tpu.dma_semaphore, #tpu.memory_space<semaphore_mem>>) src(%dma_wait3A_47 : memref<80000x256xf32, #tpu.memory_space<hbm>>) dst(%arg8 : memref<128x256xf32, #tpu.memory_space<vmem>>)
      %gt3A = arith.constant 0 : i32
      %gt3A_48 = arith.cmpi sgt, %scan3A_33, %gt3A : i32
      %convert_element_type3A = arith.extui %gt3A_48 : i1 to i32
      %cond3A = arith.constant 0 : i32
      %cond3A_49 = arith.cmpi ne, %convert_element_type3A, %cond3A : i32
      scf.if %cond3A_49 {
        %dma_wait3A_104 = arith.constant 0 : i32
        %dma_wait3A_105 = tpu.memref_slice %arg5[%add3A_41, %dma_wait3A_104] : memref<50176x256xf32, #tpu.memory_space<hbm>> -> memref<8x256xf32, #tpu.memory_space<hbm>>
        %dma_wait3A_106 = arith.constant 0 : i32
        %dma_wait3A_107 = tpu.memref_slice %arg5[%add3A_41, %dma_wait3A_106] : memref<50176x256xf32, #tpu.memory_space<hbm>> -> memref<8x256xf32, #tpu.memory_space<hbm>>
        tpu.wait_dma2 semaphore(%arg14 : memref<!tpu.dma_semaphore, #tpu.memory_space<semaphore_mem>>) src(%arg10 : memref<8x256xf32, #tpu.memory_space<vmem>>) dst(%dma_wait3A_107 : memref<8x256xf32, #tpu.memory_space<hbm>>)
      } else {
      }
      %scan3A_50 = arith.constant 0 : i32
      %scan3A_51 = arith.constant 0 : i32
      %scan3A_52 = arith.constant 8 : i32
      %scan3A_53 = arith.addi %scan3A_51, %scan3A_52 : i32
      %scan3A_54 = arith.constant 1 : i32
      %scan3A_55 = scf.for %scan3A_104 = %scan3A_51 to %scan3A_53 step %scan3A_54 iter_args(%scan3A_105 = %scan3A_50) -> (i32)  : i32 {
        %mul3A_106 = arith.constant 128 : i32
        %mul3A_107 = arith.muli %add3A_38, %mul3A_106 : i32
        %mul3A_108 = arith.constant 16 : i32
        %mul3A_109 = arith.muli %scan3A_104, %mul3A_108 : i32
        %add3A_110 = arith.addi %mul3A_107, %mul3A_109 : i32
        %get3A = arith.index_cast %add3A_110 : i32 to index
        %get3A_111 = tpu.vector_load %arg7[%get3A] {strides = array<i32>} : memref<25088xf32, #tpu.memory_space<vmem>>, vector<16xf32>,
        %get3A_112 = vector.shape_cast %get3A_111 : vector<16xf32> to vector<16xf32>
        %broadcast_in_dim3A = arith.constant 0.000000e+00 : f32
        %broadcast_in_dim3A_113 = vector.broadcast %broadcast_in_dim3A : f32 to vector<16xf32>
        %broadcast_in_dim3A_114 = arith.constant 0.000000e+00 : f32
        %broadcast_in_dim3A_115 = vector.broadcast %broadcast_in_dim3A_114 : f32 to vector<16xf32>
        %broadcast_in_dim3A_116 = arith.constant 0.000000e+00 : f32
        %broadcast_in_dim3A_117 = vector.broadcast %broadcast_in_dim3A_116 : f32 to vector<16xf32>
        %broadcast_in_dim3A_118 = arith.constant 0.000000e+00 : f32
        %broadcast_in_dim3A_119 = vector.broadcast %broadcast_in_dim3A_118 : f32 to vector<16xf32>
        %broadcast_in_dim3A_120 = arith.constant 0.000000e+00 : f32
        %broadcast_in_dim3A_121 = vector.broadcast %broadcast_in_dim3A_120 : f32 to vector<16xf32>
        %broadcast_in_dim3A_122 = arith.constant 0.000000e+00 : f32
        %broadcast_in_dim3A_123 = vector.broadcast %broadcast_in_dim3A_122 : f32 to vector<16xf32>
        %broadcast_in_dim3A_124 = arith.constant 0.000000e+00 : f32
        %broadcast_in_dim3A_125 = vector.broadcast %broadcast_in_dim3A_124 : f32 to vector<16xf32>
        %broadcast_in_dim3A_126 = arith.constant 0.000000e+00 : f32
        %broadcast_in_dim3A_127 = vector.broadcast %broadcast_in_dim3A_126 : f32 to vector<16xf32>
        %broadcast_in_dim3A_128 = arith.constant 0.000000e+00 : f32
        %broadcast_in_dim3A_129 = vector.broadcast %broadcast_in_dim3A_128 : f32 to vector<16xf32>
        %broadcast_in_dim3A_130 = arith.constant 0.000000e+00 : f32
        %broadcast_in_dim3A_131 = vector.broadcast %broadcast_in_dim3A_130 : f32 to vector<16xf32>
        %broadcast_in_dim3A_132 = arith.constant 0.000000e+00 : f32
        %broadcast_in_dim3A_133 = vector.broadcast %broadcast_in_dim3A_132 : f32 to vector<16xf32>
        %broadcast_in_dim3A_134 = arith.constant 0.000000e+00 : f32
        %broadcast_in_dim3A_135 = vector.broadcast %broadcast_in_dim3A_134 : f32 to vector<16xf32>
        %broadcast_in_dim3A_136 = arith.constant 0.000000e+00 : f32
        %broadcast_in_dim3A_137 = vector.broadcast %broadcast_in_dim3A_136 : f32 to vector<16xf32>
        %broadcast_in_dim3A_138 = arith.constant 0.000000e+00 : f32
        %broadcast_in_dim3A_139 = vector.broadcast %broadcast_in_dim3A_138 : f32 to vector<16xf32>
        %broadcast_in_dim3A_140 = arith.constant 0.000000e+00 : f32
        %broadcast_in_dim3A_141 = vector.broadcast %broadcast_in_dim3A_140 : f32 to vector<16xf32>
        %broadcast_in_dim3A_142 = arith.constant 0.000000e+00 : f32
        %broadcast_in_dim3A_143 = vector.broadcast %broadcast_in_dim3A_142 : f32 to vector<16xf32>
        %slice3A = vector.extract_strided_slice %get3A_112 {offsets = [0], sizes = [1], strides = [1]} : vector<16xf32> to vector<1xf32>
        %squeeze3A = vector.extract %slice3A[0] : f32 from vector<1xf32>
        %broadcast_in_dim3A_144 = vector.broadcast %squeeze3A : f32 to vector<16xf32>
        %mul3A_145 = arith.constant 16 : i32
        %mul3A_146 = arith.muli %scan3A_104, %mul3A_145 : i32
        %add3A_147 = arith.constant 0 : i32
        %add3A_148 = arith.addi %mul3A_146, %add3A_147 : i32
        %get3A_149 = arith.index_cast %add3A_148 : i32 to index
        %get3A_150 = arith.constant 0 : index
        %get3A_151 = tpu.vector_load %arg8[%get3A_149, %get3A_150] {strides = array<i32>} : memref<128x256xf32, #tpu.memory_space<vmem>>, vector<1x16xf32>,
        %get3A_152 = vector.shape_cast %get3A_151 : vector<1x16xf32> to vector<16xf32>
        %mul3A_153 = arith.mulf %broadcast_in_dim3A_144, %get3A_152 : vector<16xf32>
        %add3A_154 = arith.addf %broadcast_in_dim3A_113, %mul3A_153 : vector<16xf32>
        %get3A_155 = arith.index_cast %add3A_148 : i32 to index
        %get3A_156 = arith.constant 16 : index
        %get3A_157 = tpu.vector_load %arg8[%get3A_155, %get3A_156] {strides = array<i32>} : memref<128x256xf32, #tpu.memory_space<vmem>>, vector<1x16xf32>,
        %get3A_158 = vector.shape_cast %get3A_157 : vector<1x16xf32> to vector<16xf32>
        %mul3A_159 = arith.mulf %broadcast_in_dim3A_144, %get3A_158 : vector<16xf32>
        %add3A_160 = arith.addf %broadcast_in_dim3A_115, %mul3A_159 : vector<16xf32>
        %get3A_161 = arith.index_cast %add3A_148 : i32 to index
        %get3A_162 = arith.constant 32 : index
        %get3A_163 = tpu.vector_load %arg8[%get3A_161, %get3A_162] {strides = array<i32>} : memref<128x256xf32, #tpu.memory_space<vmem>>, vector<1x16xf32>,
        %get3A_164 = vector.shape_cast %get3A_163 : vector<1x16xf32> to vector<16xf32>
        %mul3A_165 = arith.mulf %broadcast_in_dim3A_144, %get3A_164 : vector<16xf32>
        %add3A_166 = arith.addf %broadcast_in_dim3A_117, %mul3A_165 : vector<16xf32>
        %get3A_167 = arith.index_cast %add3A_148 : i32 to index
        %get3A_168 = arith.constant 48 : index
        %get3A_169 = tpu.vector_load %arg8[%get3A_167, %get3A_168] {strides = array<i32>} : memref<128x256xf32, #tpu.memory_space<vmem>>, vector<1x16xf32>,
        %get3A_170 = vector.shape_cast %get3A_169 : vector<1x16xf32> to vector<16xf32>
        %mul3A_171 = arith.mulf %broadcast_in_dim3A_144, %get3A_170 : vector<16xf32>
        %add3A_172 = arith.addf %broadcast_in_dim3A_119, %mul3A_171 : vector<16xf32>
        %get3A_173 = arith.index_cast %add3A_148 : i32 to index
        %get3A_174 = arith.constant 64 : index
        %get3A_175 = tpu.vector_load %arg8[%get3A_173, %get3A_174] {strides = array<i32>} : memref<128x256xf32, #tpu.memory_space<vmem>>, vector<1x16xf32>,
        %get3A_176 = vector.shape_cast %get3A_175 : vector<1x16xf32> to vector<16xf32>
        %mul3A_177 = arith.mulf %broadcast_in_dim3A_144, %get3A_176 : vector<16xf32>
        %add3A_178 = arith.addf %broadcast_in_dim3A_121, %mul3A_177 : vector<16xf32>
        %get3A_179 = arith.index_cast %add3A_148 : i32 to index
        %get3A_180 = arith.constant 80 : index
        %get3A_181 = tpu.vector_load %arg8[%get3A_179, %get3A_180] {strides = array<i32>} : memref<128x256xf32, #tpu.memory_space<vmem>>, vector<1x16xf32>,
        %get3A_182 = vector.shape_cast %get3A_181 : vector<1x16xf32> to vector<16xf32>
        %mul3A_183 = arith.mulf %broadcast_in_dim3A_144, %get3A_182 : vector<16xf32>
        %add3A_184 = arith.addf %broadcast_in_dim3A_123, %mul3A_183 : vector<16xf32>
        %get3A_185 = arith.index_cast %add3A_148 : i32 to index
        %get3A_186 = arith.constant 96 : index
        %get3A_187 = tpu.vector_load %arg8[%get3A_185, %get3A_186] {strides = array<i32>} : memref<128x256xf32, #tpu.memory_space<vmem>>, vector<1x16xf32>,
        %get3A_188 = vector.shape_cast %get3A_187 : vector<1x16xf32> to vector<16xf32>
        %mul3A_189 = arith.mulf %broadcast_in_dim3A_144, %get3A_188 : vector<16xf32>
        %add3A_190 = arith.addf %broadcast_in_dim3A_125, %mul3A_189 : vector<16xf32>
        %get3A_191 = arith.index_cast %add3A_148 : i32 to index
        %get3A_192 = arith.constant 112 : index
        %get3A_193 = tpu.vector_load %arg8[%get3A_191, %get3A_192] {strides = array<i32>} : memref<128x256xf32, #tpu.memory_space<vmem>>, vector<1x16xf32>,
        %get3A_194 = vector.shape_cast %get3A_193 : vector<1x16xf32> to vector<16xf32>
        %mul3A_195 = arith.mulf %broadcast_in_dim3A_144, %get3A_194 : vector<16xf32>
        %add3A_196 = arith.addf %broadcast_in_dim3A_127, %mul3A_195 : vector<16xf32>
        %get3A_197 = arith.index_cast %add3A_148 : i32 to index
        %get3A_198 = arith.constant 128 : index
        %get3A_199 = tpu.vector_load %arg8[%get3A_197, %get3A_198] {strides = array<i32>} : memref<128x256xf32, #tpu.memory_space<vmem>>, vector<1x16xf32>,
        %get3A_200 = vector.shape_cast %get3A_199 : vector<1x16xf32> to vector<16xf32>
        %mul3A_201 = arith.mulf %broadcast_in_dim3A_144, %get3A_200 : vector<16xf32>
        %add3A_202 = arith.addf %broadcast_in_dim3A_129, %mul3A_201 : vector<16xf32>
        %get3A_203 = arith.index_cast %add3A_148 : i32 to index
        %get3A_204 = arith.constant 144 : index
        %get3A_205 = tpu.vector_load %arg8[%get3A_203, %get3A_204] {strides = array<i32>} : memref<128x256xf32, #tpu.memory_space<vmem>>, vector<1x16xf32>,
        %get3A_206 = vector.shape_cast %get3A_205 : vector<1x16xf32> to vector<16xf32>
        %mul3A_207 = arith.mulf %broadcast_in_dim3A_144, %get3A_206 : vector<16xf32>
        %add3A_208 = arith.addf %broadcast_in_dim3A_131, %mul3A_207 : vector<16xf32>
        %get3A_209 = arith.index_cast %add3A_148 : i32 to index
        %get3A_210 = arith.constant 160 : index
        %get3A_211 = tpu.vector_load %arg8[%get3A_209, %get3A_210] {strides = array<i32>} : memref<128x256xf32, #tpu.memory_space<vmem>>, vector<1x16xf32>,
        %get3A_212 = vector.shape_cast %get3A_211 : vector<1x16xf32> to vector<16xf32>
        %mul3A_213 = arith.mulf %broadcast_in_dim3A_144, %get3A_212 : vector<16xf32>
        %add3A_214 = arith.addf %broadcast_in_dim3A_133, %mul3A_213 : vector<16xf32>
        %get3A_215 = arith.index_cast %add3A_148 : i32 to index
        %get3A_216 = arith.constant 176 : index
        %get3A_217 = tpu.vector_load %arg8[%get3A_215, %get3A_216] {strides = array<i32>} : memref<128x256xf32, #tpu.memory_space<vmem>>, vector<1x16xf32>,
        %get3A_218 = vector.shape_cast %get3A_217 : vector<1x16xf32> to vector<16xf32>
        %mul3A_219 = arith.mulf %broadcast_in_dim3A_144, %get3A_218 : vector<16xf32>
        %add3A_220 = arith.addf %broadcast_in_dim3A_135, %mul3A_219 : vector<16xf32>
        %get3A_221 = arith.index_cast %add3A_148 : i32 to index
        %get3A_222 = arith.constant 192 : index
        %get3A_223 = tpu.vector_load %arg8[%get3A_221, %get3A_222] {strides = array<i32>} : memref<128x256xf32, #tpu.memory_space<vmem>>, vector<1x16xf32>,
        %get3A_224 = vector.shape_cast %get3A_223 : vector<1x16xf32> to vector<16xf32>
        %mul3A_225 = arith.mulf %broadcast_in_dim3A_144, %get3A_224 : vector<16xf32>
        %add3A_226 = arith.addf %broadcast_in_dim3A_137, %mul3A_225 : vector<16xf32>
        %get3A_227 = arith.index_cast %add3A_148 : i32 to index
        %get3A_228 = arith.constant 208 : index
        %get3A_229 = tpu.vector_load %arg8[%get3A_227, %get3A_228] {strides = array<i32>} : memref<128x256xf32, #tpu.memory_space<vmem>>, vector<1x16xf32>,
        %get3A_230 = vector.shape_cast %get3A_229 : vector<1x16xf32> to vector<16xf32>
        %mul3A_231 = arith.mulf %broadcast_in_dim3A_144, %get3A_230 : vector<16xf32>
        %add3A_232 = arith.addf %broadcast_in_dim3A_139, %mul3A_231 : vector<16xf32>
        %get3A_233 = arith.index_cast %add3A_148 : i32 to index
        %get3A_234 = arith.constant 224 : index
        %get3A_235 = tpu.vector_load %arg8[%get3A_233, %get3A_234] {strides = array<i32>} : memref<128x256xf32, #tpu.memory_space<vmem>>, vector<1x16xf32>,
        %get3A_236 = vector.shape_cast %get3A_235 : vector<1x16xf32> to vector<16xf32>
        %mul3A_237 = arith.mulf %broadcast_in_dim3A_144, %get3A_236 : vector<16xf32>
        %add3A_238 = arith.addf %broadcast_in_dim3A_141, %mul3A_237 : vector<16xf32>
        %get3A_239 = arith.index_cast %add3A_148 : i32 to index
        %get3A_240 = arith.constant 240 : index
        %get3A_241 = tpu.vector_load %arg8[%get3A_239, %get3A_240] {strides = array<i32>} : memref<128x256xf32, #tpu.memory_space<vmem>>, vector<1x16xf32>,
        %get3A_242 = vector.shape_cast %get3A_241 : vector<1x16xf32> to vector<16xf32>
        %mul3A_243 = arith.mulf %broadcast_in_dim3A_144, %get3A_242 : vector<16xf32>
        %add3A_244 = arith.addf %broadcast_in_dim3A_143, %mul3A_243 : vector<16xf32>
        %slice3A_245 = vector.extract_strided_slice %get3A_112 {offsets = [1], sizes = [1], strides = [1]} : vector<16xf32> to vector<1xf32>
        %squeeze3A_246 = vector.extract %slice3A_245[0] : f32 from vector<1xf32>
        %broadcast_in_dim3A_247 = vector.broadcast %squeeze3A_246 : f32 to vector<16xf32>
        %mul3A_248 = arith.constant 16 : i32
        %mul3A_249 = arith.muli %scan3A_104, %mul3A_248 : i32
        %add3A_250 = arith.constant 1 : i32
        %add3A_251 = arith.addi %mul3A_249, %add3A_250 : i32
        %get3A_252 = arith.index_cast %add3A_251 : i32 to index
        %get3A_253 = arith.constant 0 : index
        %get3A_254 = tpu.vector_load %arg8[%get3A_252, %get3A_253] {strides = array<i32>} : memref<128x256xf32, #tpu.memory_space<vmem>>, vector<1x16xf32>,
        %get3A_255 = vector.shape_cast %get3A_254 : vector<1x16xf32> to vector<16xf32>
        %mul3A_256 = arith.mulf %broadcast_in_dim3A_247, %get3A_255 : vector<16xf32>
        %add3A_257 = arith.addf %add3A_154, %mul3A_256 : vector<16xf32>
        %get3A_258 = arith.index_cast %add3A_251 : i32 to index
        %get3A_259 = arith.constant 16 : index
        %get3A_260 = tpu.vector_load %arg8[%get3A_258, %get3A_259] {strides = array<i32>} : memref<128x256xf32, #tpu.memory_space<vmem>>, vector<1x16xf32>,
        %get3A_261 = vector.shape_cast %get3A_260 : vector<1x16xf32> to vector<16xf32>
        %mul3A_262 = arith.mulf %broadcast_in_dim3A_247, %get3A_261 : vector<16xf32>
        %add3A_263 = arith.addf %add3A_160, %mul3A_262 : vector<16xf32>
        %get3A_264 = arith.index_cast %add3A_251 : i32 to index
        %get3A_265 = arith.constant 32 : index
        %get3A_266 = tpu.vector_load %arg8[%get3A_264, %get3A_265] {strides = array<i32>} : memref<128x256xf32, #tpu.memory_space<vmem>>, vector<1x16xf32>,
        %get3A_267 = vector.shape_cast %get3A_266 : vector<1x16xf32> to vector<16xf32>
        %mul3A_268 = arith.mulf %broadcast_in_dim3A_247, %get3A_267 : vector<16xf32>
        %add3A_269 = arith.addf %add3A_166, %mul3A_268 : vector<16xf32>
        %get3A_270 = arith.index_cast %add3A_251 : i32 to index
        %get3A_271 = arith.constant 48 : index
        %get3A_272 = tpu.vector_load %arg8[%get3A_270, %get3A_271] {strides = array<i32>} : memref<128x256xf32, #tpu.memory_space<vmem>>, vector<1x16xf32>,
        %get3A_273 = vector.shape_cast %get3A_272 : vector<1x16xf32> to vector<16xf32>
        %mul3A_274 = arith.mulf %broadcast_in_dim3A_247, %get3A_273 : vector<16xf32>
        %add3A_275 = arith.addf %add3A_172, %mul3A_274 : vector<16xf32>
        %get3A_276 = arith.index_cast %add3A_251 : i32 to index
        %get3A_277 = arith.constant 64 : index
        %get3A_278 = tpu.vector_load %arg8[%get3A_276, %get3A_277] {strides = array<i32>} : memref<128x256xf32, #tpu.memory_space<vmem>>, vector<1x16xf32>,
        %get3A_279 = vector.shape_cast %get3A_278 : vector<1x16xf32> to vector<16xf32>
        %mul3A_280 = arith.mulf %broadcast_in_dim3A_247, %get3A_279 : vector<16xf32>
        %add3A_281 = arith.addf %add3A_178, %mul3A_280 : vector<16xf32>
        %get3A_282 = arith.index_cast %add3A_251 : i32 to index
        %get3A_283 = arith.constant 80 : index
        %get3A_284 = tpu.vector_load %arg8[%get3A_282, %get3A_283] {strides = array<i32>} : memref<128x256xf32, #tpu.memory_space<vmem>>, vector<1x16xf32>,
        %get3A_285 = vector.shape_cast %get3A_284 : vector<1x16xf32> to vector<16xf32>
        %mul3A_286 = arith.mulf %broadcast_in_dim3A_247, %get3A_285 : vector<16xf32>
        %add3A_287 = arith.addf %add3A_184, %mul3A_286 : vector<16xf32>
        %get3A_288 = arith.index_cast %add3A_251 : i32 to index
        %get3A_289 = arith.constant 96 : index
        %get3A_290 = tpu.vector_load %arg8[%get3A_288, %get3A_289] {strides = array<i32>} : memref<128x256xf32, #tpu.memory_space<vmem>>, vector<1x16xf32>,
        %get3A_291 = vector.shape_cast %get3A_290 : vector<1x16xf32> to vector<16xf32>
        %mul3A_292 = arith.mulf %broadcast_in_dim3A_247, %get3A_291 : vector<16xf32>
        %add3A_293 = arith.addf %add3A_190, %mul3A_292 : vector<16xf32>
        %get3A_294 = arith.index_cast %add3A_251 : i32 to index
        %get3A_295 = arith.constant 112 : index
        %get3A_296 = tpu.vector_load %arg8[%get3A_294, %get3A_295] {strides = array<i32>} : memref<128x256xf32, #tpu.memory_space<vmem>>, vector<1x16xf32>,
        %get3A_297 = vector.shape_cast %get3A_296 : vector<1x16xf32> to vector<16xf32>
        %mul3A_298 = arith.mulf %broadcast_in_dim3A_247, %get3A_297 : vector<16xf32>
        %add3A_299 = arith.addf %add3A_196, %mul3A_298 : vector<16xf32>
        %get3A_300 = arith.index_cast %add3A_251 : i32 to index
        %get3A_301 = arith.constant 128 : index
        %get3A_302 = tpu.vector_load %arg8[%get3A_300, %get3A_301] {strides = array<i32>} : memref<128x256xf32, #tpu.memory_space<vmem>>, vector<1x16xf32>,
        %get3A_303 = vector.shape_cast %get3A_302 : vector<1x16xf32> to vector<16xf32>
        %mul3A_304 = arith.mulf %broadcast_in_dim3A_247, %get3A_303 : vector<16xf32>
        %add3A_305 = arith.addf %add3A_202, %mul3A_304 : vector<16xf32>
        %get3A_306 = arith.index_cast %add3A_251 : i32 to index
        %get3A_307 = arith.constant 144 : index
        %get3A_308 = tpu.vector_load %arg8[%get3A_306, %get3A_307] {strides = array<i32>} : memref<128x256xf32, #tpu.memory_space<vmem>>, vector<1x16xf32>,
        %get3A_309 = vector.shape_cast %get3A_308 : vector<1x16xf32> to vector<16xf32>
        %mul3A_310 = arith.mulf %broadcast_in_dim3A_247, %get3A_309 : vector<16xf32>
        %add3A_311 = arith.addf %add3A_208, %mul3A_310 : vector<16xf32>
        %get3A_312 = arith.index_cast %add3A_251 : i32 to index
        %get3A_313 = arith.constant 160 : index
        %get3A_314 = tpu.vector_load %arg8[%get3A_312, %get3A_313] {strides = array<i32>} : memref<128x256xf32, #tpu.memory_space<vmem>>, vector<1x16xf32>,
        %get3A_315 = vector.shape_cast %get3A_314 : vector<1x16xf32> to vector<16xf32>
        %mul3A_316 = arith.mulf %broadcast_in_dim3A_247, %get3A_315 : vector<16xf32>
        %add3A_317 = arith.addf %add3A_214, %mul3A_316 : vector<16xf32>
        %get3A_318 = arith.index_cast %add3A_251 : i32 to index
        %get3A_319 = arith.constant 176 : index
        %get3A_320 = tpu.vector_load %arg8[%get3A_318, %get3A_319] {strides = array<i32>} : memref<128x256xf32, #tpu.memory_space<vmem>>, vector<1x16xf32>,
        %get3A_321 = vector.shape_cast %get3A_320 : vector<1x16xf32> to vector<16xf32>
        %mul3A_322 = arith.mulf %broadcast_in_dim3A_247, %get3A_321 : vector<16xf32>
        %add3A_323 = arith.addf %add3A_220, %mul3A_322 : vector<16xf32>
        %get3A_324 = arith.index_cast %add3A_251 : i32 to index
        %get3A_325 = arith.constant 192 : index
        %get3A_326 = tpu.vector_load %arg8[%get3A_324, %get3A_325] {strides = array<i32>} : memref<128x256xf32, #tpu.memory_space<vmem>>, vector<1x16xf32>,
        %get3A_327 = vector.shape_cast %get3A_326 : vector<1x16xf32> to vector<16xf32>
        %mul3A_328 = arith.mulf %broadcast_in_dim3A_247, %get3A_327 : vector<16xf32>
        %add3A_329 = arith.addf %add3A_226, %mul3A_328 : vector<16xf32>
        %get3A_330 = arith.index_cast %add3A_251 : i32 to index
        %get3A_331 = arith.constant 208 : index
        %get3A_332 = tpu.vector_load %arg8[%get3A_330, %get3A_331] {strides = array<i32>} : memref<128x256xf32, #tpu.memory_space<vmem>>, vector<1x16xf32>,
        %get3A_333 = vector.shape_cast %get3A_332 : vector<1x16xf32> to vector<16xf32>
        %mul3A_334 = arith.mulf %broadcast_in_dim3A_247, %get3A_333 : vector<16xf32>
        %add3A_335 = arith.addf %add3A_232, %mul3A_334 : vector<16xf32>
        %get3A_336 = arith.index_cast %add3A_251 : i32 to index
        %get3A_337 = arith.constant 224 : index
        %get3A_338 = tpu.vector_load %arg8[%get3A_336, %get3A_337] {strides = array<i32>} : memref<128x256xf32, #tpu.memory_space<vmem>>, vector<1x16xf32>,
        %get3A_339 = vector.shape_cast %get3A_338 : vector<1x16xf32> to vector<16xf32>
        %mul3A_340 = arith.mulf %broadcast_in_dim3A_247, %get3A_339 : vector<16xf32>
        %add3A_341 = arith.addf %add3A_238, %mul3A_340 : vector<16xf32>
        %get3A_342 = arith.index_cast %add3A_251 : i32 to index
        %get3A_343 = arith.constant 240 : index
        %get3A_344 = tpu.vector_load %arg8[%get3A_342, %get3A_343] {strides = array<i32>} : memref<128x256xf32, #tpu.memory_space<vmem>>, vector<1x16xf32>,
        %get3A_345 = vector.shape_cast %get3A_344 : vector<1x16xf32> to vector<16xf32>
        %mul3A_346 = arith.mulf %broadcast_in_dim3A_247, %get3A_345 : vector<16xf32>
        %add3A_347 = arith.addf %add3A_244, %mul3A_346 : vector<16xf32>
        %slice3A_348 = vector.extract_strided_slice %get3A_112 {offsets = [2], sizes = [1], strides = [1]} : vector<16xf32> to vector<1xf32>
        %squeeze3A_349 = vector.extract %slice3A_348[0] : f32 from vector<1xf32>
        %broadcast_in_dim3A_350 = vector.broadcast %squeeze3A_349 : f32 to vector<16xf32>
        %mul3A_351 = arith.constant 16 : i32
        %mul3A_352 = arith.muli %scan3A_104, %mul3A_351 : i32
        %add3A_353 = arith.constant 2 : i32
        %add3A_354 = arith.addi %mul3A_352, %add3A_353 : i32
        %get3A_355 = arith.index_cast %add3A_354 : i32 to index
        %get3A_356 = arith.constant 0 : index
        %get3A_357 = tpu.vector_load %arg8[%get3A_355, %get3A_356] {strides = array<i32>} : memref<128x256xf32, #tpu.memory_space<vmem>>, vector<1x16xf32>,
        %get3A_358 = vector.shape_cast %get3A_357 : vector<1x16xf32> to vector<16xf32>
        %mul3A_359 = arith.mulf %broadcast_in_dim3A_350, %get3A_358 : vector<16xf32>
        %add3A_360 = arith.addf %add3A_257, %mul3A_359 : vector<16xf32>
        %get3A_361 = arith.index_cast %add3A_354 : i32 to index
        %get3A_362 = arith.constant 16 : index
        %get3A_363 = tpu.vector_load %arg8[%get3A_361, %get3A_362] {strides = array<i32>} : memref<128x256xf32, #tpu.memory_space<vmem>>, vector<1x16xf32>,
        %get3A_364 = vector.shape_cast %get3A_363 : vector<1x16xf32> to vector<16xf32>
        %mul3A_365 = arith.mulf %broadcast_in_dim3A_350, %get3A_364 : vector<16xf32>
        %add3A_366 = arith.addf %add3A_263, %mul3A_365 : vector<16xf32>
        %get3A_367 = arith.index_cast %add3A_354 : i32 to index
        %get3A_368 = arith.constant 32 : index
        %get3A_369 = tpu.vector_load %arg8[%get3A_367, %get3A_368] {strides = array<i32>} : memref<128x256xf32, #tpu.memory_space<vmem>>, vector<1x16xf32>,
        %get3A_370 = vector.shape_cast %get3A_369 : vector<1x16xf32> to vector<16xf32>
        %mul3A_371 = arith.mulf %broadcast_in_dim3A_350, %get3A_370 : vector<16xf32>
        %add3A_372 = arith.addf %add3A_269, %mul3A_371 : vector<16xf32>
        %get3A_373 = arith.index_cast %add3A_354 : i32 to index
        %get3A_374 = arith.constant 48 : index
        %get3A_375 = tpu.vector_load %arg8[%get3A_373, %get3A_374] {strides = array<i32>} : memref<128x256xf32, #tpu.memory_space<vmem>>, vector<1x16xf32>,
        %get3A_376 = vector.shape_cast %get3A_375 : vector<1x16xf32> to vector<16xf32>
        %mul3A_377 = arith.mulf %broadcast_in_dim3A_350, %get3A_376 : vector<16xf32>
        %add3A_378 = arith.addf %add3A_275, %mul3A_377 : vector<16xf32>
        %get3A_379 = arith.index_cast %add3A_354 : i32 to index
        %get3A_380 = arith.constant 64 : index
        %get3A_381 = tpu.vector_load %arg8[%get3A_379, %get3A_380] {strides = array<i32>} : memref<128x256xf32, #tpu.memory_space<vmem>>, vector<1x16xf32>,
        %get3A_382 = vector.shape_cast %get3A_381 : vector<1x16xf32> to vector<16xf32>
        %mul3A_383 = arith.mulf %broadcast_in_dim3A_350, %get3A_382 : vector<16xf32>
        %add3A_384 = arith.addf %add3A_281, %mul3A_383 : vector<16xf32>
        %get3A_385 = arith.index_cast %add3A_354 : i32 to index
        %get3A_386 = arith.constant 80 : index
        %get3A_387 = tpu.vector_load %arg8[%get3A_385, %get3A_386] {strides = array<i32>} : memref<128x256xf32, #tpu.memory_space<vmem>>, vector<1x16xf32>,
        %get3A_388 = vector.shape_cast %get3A_387 : vector<1x16xf32> to vector<16xf32>
        %mul3A_389 = arith.mulf %broadcast_in_dim3A_350, %get3A_388 : vector<16xf32>
        %add3A_390 = arith.addf %add3A_287, %mul3A_389 : vector<16xf32>
        %get3A_391 = arith.index_cast %add3A_354 : i32 to index
        %get3A_392 = arith.constant 96 : index
        %get3A_393 = tpu.vector_load %arg8[%get3A_391, %get3A_392] {strides = array<i32>} : memref<128x256xf32, #tpu.memory_space<vmem>>, vector<1x16xf32>,
        %get3A_394 = vector.shape_cast %get3A_393 : vector<1x16xf32> to vector<16xf32>
        %mul3A_395 = arith.mulf %broadcast_in_dim3A_350, %get3A_394 : vector<16xf32>
        %add3A_396 = arith.addf %add3A_293, %mul3A_395 : vector<16xf32>
        %get3A_397 = arith.index_cast %add3A_354 : i32 to index
        %get3A_398 = arith.constant 112 : index
        %get3A_399 = tpu.vector_load %arg8[%get3A_397, %get3A_398] {strides = array<i32>} : memref<128x256xf32, #tpu.memory_space<vmem>>, vector<1x16xf32>,
        %get3A_400 = vector.shape_cast %get3A_399 : vector<1x16xf32> to vector<16xf32>
        %mul3A_401 = arith.mulf %broadcast_in_dim3A_350, %get3A_400 : vector<16xf32>
        %add3A_402 = arith.addf %add3A_299, %mul3A_401 : vector<16xf32>
        %get3A_403 = arith.index_cast %add3A_354 : i32 to index
        %get3A_404 = arith.constant 128 : index
        %get3A_405 = tpu.vector_load %arg8[%get3A_403, %get3A_404] {strides = array<i32>} : memref<128x256xf32, #tpu.memory_space<vmem>>, vector<1x16xf32>,
        %get3A_406 = vector.shape_cast %get3A_405 : vector<1x16xf32> to vector<16xf32>
        %mul3A_407 = arith.mulf %broadcast_in_dim3A_350, %get3A_406 : vector<16xf32>
        %add3A_408 = arith.addf %add3A_305, %mul3A_407 : vector<16xf32>
        %get3A_409 = arith.index_cast %add3A_354 : i32 to index
        %get3A_410 = arith.constant 144 : index
        %get3A_411 = tpu.vector_load %arg8[%get3A_409, %get3A_410] {strides = array<i32>} : memref<128x256xf32, #tpu.memory_space<vmem>>, vector<1x16xf32>,
        %get3A_412 = vector.shape_cast %get3A_411 : vector<1x16xf32> to vector<16xf32>
        %mul3A_413 = arith.mulf %broadcast_in_dim3A_350, %get3A_412 : vector<16xf32>
        %add3A_414 = arith.addf %add3A_311, %mul3A_413 : vector<16xf32>
        %get3A_415 = arith.index_cast %add3A_354 : i32 to index
        %get3A_416 = arith.constant 160 : index
        %get3A_417 = tpu.vector_load %arg8[%get3A_415, %get3A_416] {strides = array<i32>} : memref<128x256xf32, #tpu.memory_space<vmem>>, vector<1x16xf32>,
        %get3A_418 = vector.shape_cast %get3A_417 : vector<1x16xf32> to vector<16xf32>
        %mul3A_419 = arith.mulf %broadcast_in_dim3A_350, %get3A_418 : vector<16xf32>
        %add3A_420 = arith.addf %add3A_317, %mul3A_419 : vector<16xf32>
        %get3A_421 = arith.index_cast %add3A_354 : i32 to index
        %get3A_422 = arith.constant 176 : index
        %get3A_423 = tpu.vector_load %arg8[%get3A_421, %get3A_422] {strides = array<i32>} : memref<128x256xf32, #tpu.memory_space<vmem>>, vector<1x16xf32>,
        %get3A_424 = vector.shape_cast %get3A_423 : vector<1x16xf32> to vector<16xf32>
        %mul3A_425 = arith.mulf %broadcast_in_dim3A_350, %get3A_424 : vector<16xf32>
        %add3A_426 = arith.addf %add3A_323, %mul3A_425 : vector<16xf32>
        %get3A_427 = arith.index_cast %add3A_354 : i32 to index
        %get3A_428 = arith.constant 192 : index
        %get3A_429 = tpu.vector_load %arg8[%get3A_427, %get3A_428] {strides = array<i32>} : memref<128x256xf32, #tpu.memory_space<vmem>>, vector<1x16xf32>,
        %get3A_430 = vector.shape_cast %get3A_429 : vector<1x16xf32> to vector<16xf32>
        %mul3A_431 = arith.mulf %broadcast_in_dim3A_350, %get3A_430 : vector<16xf32>
        %add3A_432 = arith.addf %add3A_329, %mul3A_431 : vector<16xf32>
        %get3A_433 = arith.index_cast %add3A_354 : i32 to index
        %get3A_434 = arith.constant 208 : index
        %get3A_435 = tpu.vector_load %arg8[%get3A_433, %get3A_434] {strides = array<i32>} : memref<128x256xf32, #tpu.memory_space<vmem>>, vector<1x16xf32>,
        %get3A_436 = vector.shape_cast %get3A_435 : vector<1x16xf32> to vector<16xf32>
        %mul3A_437 = arith.mulf %broadcast_in_dim3A_350, %get3A_436 : vector<16xf32>
        %add3A_438 = arith.addf %add3A_335, %mul3A_437 : vector<16xf32>
        %get3A_439 = arith.index_cast %add3A_354 : i32 to index
        %get3A_440 = arith.constant 224 : index
        %get3A_441 = tpu.vector_load %arg8[%get3A_439, %get3A_440] {strides = array<i32>} : memref<128x256xf32, #tpu.memory_space<vmem>>, vector<1x16xf32>,
        %get3A_442 = vector.shape_cast %get3A_441 : vector<1x16xf32> to vector<16xf32>
        %mul3A_443 = arith.mulf %broadcast_in_dim3A_350, %get3A_442 : vector<16xf32>
        %add3A_444 = arith.addf %add3A_341, %mul3A_443 : vector<16xf32>
        %get3A_445 = arith.index_cast %add3A_354 : i32 to index
        %get3A_446 = arith.constant 240 : index
        %get3A_447 = tpu.vector_load %arg8[%get3A_445, %get3A_446] {strides = array<i32>} : memref<128x256xf32, #tpu.memory_space<vmem>>, vector<1x16xf32>,
        %get3A_448 = vector.shape_cast %get3A_447 : vector<1x16xf32> to vector<16xf32>
        %mul3A_449 = arith.mulf %broadcast_in_dim3A_350, %get3A_448 : vector<16xf32>
        %add3A_450 = arith.addf %add3A_347, %mul3A_449 : vector<16xf32>
        %slice3A_451 = vector.extract_strided_slice %get3A_112 {offsets = [3], sizes = [1], strides = [1]} : vector<16xf32> to vector<1xf32>
        %squeeze3A_452 = vector.extract %slice3A_451[0] : f32 from vector<1xf32>
        %broadcast_in_dim3A_453 = vector.broadcast %squeeze3A_452 : f32 to vector<16xf32>
        %mul3A_454 = arith.constant 16 : i32
        %mul3A_455 = arith.muli %scan3A_104, %mul3A_454 : i32
        %add3A_456 = arith.constant 3 : i32
        %add3A_457 = arith.addi %mul3A_455, %add3A_456 : i32
        %get3A_458 = arith.index_cast %add3A_457 : i32 to index
        %get3A_459 = arith.constant 0 : index
        %get3A_460 = tpu.vector_load %arg8[%get3A_458, %get3A_459] {strides = array<i32>} : memref<128x256xf32, #tpu.memory_space<vmem>>, vector<1x16xf32>,
        %get3A_461 = vector.shape_cast %get3A_460 : vector<1x16xf32> to vector<16xf32>
        %mul3A_462 = arith.mulf %broadcast_in_dim3A_453, %get3A_461 : vector<16xf32>
        %add3A_463 = arith.addf %add3A_360, %mul3A_462 : vector<16xf32>
        %get3A_464 = arith.index_cast %add3A_457 : i32 to index
        %get3A_465 = arith.constant 16 : index
        %get3A_466 = tpu.vector_load %arg8[%get3A_464, %get3A_465] {strides = array<i32>} : memref<128x256xf32, #tpu.memory_space<vmem>>, vector<1x16xf32>,
        %get3A_467 = vector.shape_cast %get3A_466 : vector<1x16xf32> to vector<16xf32>
        %mul3A_468 = arith.mulf %broadcast_in_dim3A_453, %get3A_467 : vector<16xf32>
        %add3A_469 = arith.addf %add3A_366, %mul3A_468 : vector<16xf32>
        %get3A_470 = arith.index_cast %add3A_457 : i32 to index
        %get3A_471 = arith.constant 32 : index
        %get3A_472 = tpu.vector_load %arg8[%get3A_470, %get3A_471] {strides = array<i32>} : memref<128x256xf32, #tpu.memory_space<vmem>>, vector<1x16xf32>,
        %get3A_473 = vector.shape_cast %get3A_472 : vector<1x16xf32> to vector<16xf32>
        %mul3A_474 = arith.mulf %broadcast_in_dim3A_453, %get3A_473 : vector<16xf32>
        %add3A_475 = arith.addf %add3A_372, %mul3A_474 : vector<16xf32>
        %get3A_476 = arith.index_cast %add3A_457 : i32 to index
        %get3A_477 = arith.constant 48 : index
        %get3A_478 = tpu.vector_load %arg8[%get3A_476, %get3A_477] {strides = array<i32>} : memref<128x256xf32, #tpu.memory_space<vmem>>, vector<1x16xf32>,
        %get3A_479 = vector.shape_cast %get3A_478 : vector<1x16xf32> to vector<16xf32>
        %mul3A_480 = arith.mulf %broadcast_in_dim3A_453, %get3A_479 : vector<16xf32>
        %add3A_481 = arith.addf %add3A_378, %mul3A_480 : vector<16xf32>
        %get3A_482 = arith.index_cast %add3A_457 : i32 to index
        %get3A_483 = arith.constant 64 : index
        %get3A_484 = tpu.vector_load %arg8[%get3A_482, %get3A_483] {strides = array<i32>} : memref<128x256xf32, #tpu.memory_space<vmem>>, vector<1x16xf32>,
        %get3A_485 = vector.shape_cast %get3A_484 : vector<1x16xf32> to vector<16xf32>
        %mul3A_486 = arith.mulf %broadcast_in_dim3A_453, %get3A_485 : vector<16xf32>
        %add3A_487 = arith.addf %add3A_384, %mul3A_486 : vector<16xf32>
        %get3A_488 = arith.index_cast %add3A_457 : i32 to index
        %get3A_489 = arith.constant 80 : index
        %get3A_490 = tpu.vector_load %arg8[%get3A_488, %get3A_489] {strides = array<i32>} : memref<128x256xf32, #tpu.memory_space<vmem>>, vector<1x16xf32>,
        %get3A_491 = vector.shape_cast %get3A_490 : vector<1x16xf32> to vector<16xf32>
        %mul3A_492 = arith.mulf %broadcast_in_dim3A_453, %get3A_491 : vector<16xf32>
        %add3A_493 = arith.addf %add3A_390, %mul3A_492 : vector<16xf32>
        %get3A_494 = arith.index_cast %add3A_457 : i32 to index
        %get3A_495 = arith.constant 96 : index
        %get3A_496 = tpu.vector_load %arg8[%get3A_494, %get3A_495] {strides = array<i32>} : memref<128x256xf32, #tpu.memory_space<vmem>>, vector<1x16xf32>,
        %get3A_497 = vector.shape_cast %get3A_496 : vector<1x16xf32> to vector<16xf32>
        %mul3A_498 = arith.mulf %broadcast_in_dim3A_453, %get3A_497 : vector<16xf32>
        %add3A_499 = arith.addf %add3A_396, %mul3A_498 : vector<16xf32>
        %get3A_500 = arith.index_cast %add3A_457 : i32 to index
        %get3A_501 = arith.constant 112 : index
        %get3A_502 = tpu.vector_load %arg8[%get3A_500, %get3A_501] {strides = array<i32>} : memref<128x256xf32, #tpu.memory_space<vmem>>, vector<1x16xf32>,
        %get3A_503 = vector.shape_cast %get3A_502 : vector<1x16xf32> to vector<16xf32>
        %mul3A_504 = arith.mulf %broadcast_in_dim3A_453, %get3A_503 : vector<16xf32>
        %add3A_505 = arith.addf %add3A_402, %mul3A_504 : vector<16xf32>
        %get3A_506 = arith.index_cast %add3A_457 : i32 to index
        %get3A_507 = arith.constant 128 : index
        %get3A_508 = tpu.vector_load %arg8[%get3A_506, %get3A_507] {strides = array<i32>} : memref<128x256xf32, #tpu.memory_space<vmem>>, vector<1x16xf32>,
        %get3A_509 = vector.shape_cast %get3A_508 : vector<1x16xf32> to vector<16xf32>
        %mul3A_510 = arith.mulf %broadcast_in_dim3A_453, %get3A_509 : vector<16xf32>
        %add3A_511 = arith.addf %add3A_408, %mul3A_510 : vector<16xf32>
        %get3A_512 = arith.index_cast %add3A_457 : i32 to index
        %get3A_513 = arith.constant 144 : index
        %get3A_514 = tpu.vector_load %arg8[%get3A_512, %get3A_513] {strides = array<i32>} : memref<128x256xf32, #tpu.memory_space<vmem>>, vector<1x16xf32>,
        %get3A_515 = vector.shape_cast %get3A_514 : vector<1x16xf32> to vector<16xf32>
        %mul3A_516 = arith.mulf %broadcast_in_dim3A_453, %get3A_515 : vector<16xf32>
        %add3A_517 = arith.addf %add3A_414, %mul3A_516 : vector<16xf32>
        %get3A_518 = arith.index_cast %add3A_457 : i32 to index
        %get3A_519 = arith.constant 160 : index
        %get3A_520 = tpu.vector_load %arg8[%get3A_518, %get3A_519] {strides = array<i32>} : memref<128x256xf32, #tpu.memory_space<vmem>>, vector<1x16xf32>,
        %get3A_521 = vector.shape_cast %get3A_520 : vector<1x16xf32> to vector<16xf32>
        %mul3A_522 = arith.mulf %broadcast_in_dim3A_453, %get3A_521 : vector<16xf32>
        %add3A_523 = arith.addf %add3A_420, %mul3A_522 : vector<16xf32>
        %get3A_524 = arith.index_cast %add3A_457 : i32 to index
        %get3A_525 = arith.constant 176 : index
        %get3A_526 = tpu.vector_load %arg8[%get3A_524, %get3A_525] {strides = array<i32>} : memref<128x256xf32, #tpu.memory_space<vmem>>, vector<1x16xf32>,
        %get3A_527 = vector.shape_cast %get3A_526 : vector<1x16xf32> to vector<16xf32>
        %mul3A_528 = arith.mulf %broadcast_in_dim3A_453, %get3A_527 : vector<16xf32>
        %add3A_529 = arith.addf %add3A_426, %mul3A_528 : vector<16xf32>
        %get3A_530 = arith.index_cast %add3A_457 : i32 to index
        %get3A_531 = arith.constant 192 : index
        %get3A_532 = tpu.vector_load %arg8[%get3A_530, %get3A_531] {strides = array<i32>} : memref<128x256xf32, #tpu.memory_space<vmem>>, vector<1x16xf32>,
        %get3A_533 = vector.shape_cast %get3A_532 : vector<1x16xf32> to vector<16xf32>
        %mul3A_534 = arith.mulf %broadcast_in_dim3A_453, %get3A_533 : vector<16xf32>
        %add3A_535 = arith.addf %add3A_432, %mul3A_534 : vector<16xf32>
        %get3A_536 = arith.index_cast %add3A_457 : i32 to index
        %get3A_537 = arith.constant 208 : index
        %get3A_538 = tpu.vector_load %arg8[%get3A_536, %get3A_537] {strides = array<i32>} : memref<128x256xf32, #tpu.memory_space<vmem>>, vector<1x16xf32>,
        %get3A_539 = vector.shape_cast %get3A_538 : vector<1x16xf32> to vector<16xf32>
        %mul3A_540 = arith.mulf %broadcast_in_dim3A_453, %get3A_539 : vector<16xf32>
        %add3A_541 = arith.addf %add3A_438, %mul3A_540 : vector<16xf32>
        %get3A_542 = arith.index_cast %add3A_457 : i32 to index
        %get3A_543 = arith.constant 224 : index
        %get3A_544 = tpu.vector_load %arg8[%get3A_542, %get3A_543] {strides = array<i32>} : memref<128x256xf32, #tpu.memory_space<vmem>>, vector<1x16xf32>,
        %get3A_545 = vector.shape_cast %get3A_544 : vector<1x16xf32> to vector<16xf32>
        %mul3A_546 = arith.mulf %broadcast_in_dim3A_453, %get3A_545 : vector<16xf32>
        %add3A_547 = arith.addf %add3A_444, %mul3A_546 : vector<16xf32>
        %get3A_548 = arith.index_cast %add3A_457 : i32 to index
        %get3A_549 = arith.constant 240 : index
        %get3A_550 = tpu.vector_load %arg8[%get3A_548, %get3A_549] {strides = array<i32>} : memref<128x256xf32, #tpu.memory_space<vmem>>, vector<1x16xf32>,
        %get3A_551 = vector.shape_cast %get3A_550 : vector<1x16xf32> to vector<16xf32>
        %mul3A_552 = arith.mulf %broadcast_in_dim3A_453, %get3A_551 : vector<16xf32>
        %add3A_553 = arith.addf %add3A_450, %mul3A_552 : vector<16xf32>
        %slice3A_554 = vector.extract_strided_slice %get3A_112 {offsets = [4], sizes = [1], strides = [1]} : vector<16xf32> to vector<1xf32>
        %squeeze3A_555 = vector.extract %slice3A_554[0] : f32 from vector<1xf32>
        %broadcast_in_dim3A_556 = vector.broadcast %squeeze3A_555 : f32 to vector<16xf32>
        %mul3A_557 = arith.constant 16 : i32
        %mul3A_558 = arith.muli %scan3A_104, %mul3A_557 : i32
        %add3A_559 = arith.constant 4 : i32
        %add3A_560 = arith.addi %mul3A_558, %add3A_559 : i32
        %get3A_561 = arith.index_cast %add3A_560 : i32 to index
        %get3A_562 = arith.constant 0 : index
        %get3A_563 = tpu.vector_load %arg8[%get3A_561, %get3A_562] {strides = array<i32>} : memref<128x256xf32, #tpu.memory_space<vmem>>, vector<1x16xf32>,
        %get3A_564 = vector.shape_cast %get3A_563 : vector<1x16xf32> to vector<16xf32>
        %mul3A_565 = arith.mulf %broadcast_in_dim3A_556, %get3A_564 : vector<16xf32>
        %add3A_566 = arith.addf %add3A_463, %mul3A_565 : vector<16xf32>
        %get3A_567 = arith.index_cast %add3A_560 : i32 to index
        %get3A_568 = arith.constant 16 : index
        %get3A_569 = tpu.vector_load %arg8[%get3A_567, %get3A_568] {strides = array<i32>} : memref<128x256xf32, #tpu.memory_space<vmem>>, vector<1x16xf32>,
        %get3A_570 = vector.shape_cast %get3A_569 : vector<1x16xf32> to vector<16xf32>
        %mul3A_571 = arith.mulf %broadcast_in_dim3A_556, %get3A_570 : vector<16xf32>
        %add3A_572 = arith.addf %add3A_469, %mul3A_571 : vector<16xf32>
        %get3A_573 = arith.index_cast %add3A_560 : i32 to index
        %get3A_574 = arith.constant 32 : index
        %get3A_575 = tpu.vector_load %arg8[%get3A_573, %get3A_574] {strides = array<i32>} : memref<128x256xf32, #tpu.memory_space<vmem>>, vector<1x16xf32>,
        %get3A_576 = vector.shape_cast %get3A_575 : vector<1x16xf32> to vector<16xf32>
        %mul3A_577 = arith.mulf %broadcast_in_dim3A_556, %get3A_576 : vector<16xf32>
        %add3A_578 = arith.addf %add3A_475, %mul3A_577 : vector<16xf32>
        %get3A_579 = arith.index_cast %add3A_560 : i32 to index
        %get3A_580 = arith.constant 48 : index
        %get3A_581 = tpu.vector_load %arg8[%get3A_579, %get3A_580] {strides = array<i32>} : memref<128x256xf32, #tpu.memory_space<vmem>>, vector<1x16xf32>,
        %get3A_582 = vector.shape_cast %get3A_581 : vector<1x16xf32> to vector<16xf32>
        %mul3A_583 = arith.mulf %broadcast_in_dim3A_556, %get3A_582 : vector<16xf32>
        %add3A_584 = arith.addf %add3A_481, %mul3A_583 : vector<16xf32>
        %get3A_585 = arith.index_cast %add3A_560 : i32 to index
        %get3A_586 = arith.constant 64 : index
        %get3A_587 = tpu.vector_load %arg8[%get3A_585, %get3A_586] {strides = array<i32>} : memref<128x256xf32, #tpu.memory_space<vmem>>, vector<1x16xf32>,
        %get3A_588 = vector.shape_cast %get3A_587 : vector<1x16xf32> to vector<16xf32>
        %mul3A_589 = arith.mulf %broadcast_in_dim3A_556, %get3A_588 : vector<16xf32>
        %add3A_590 = arith.addf %add3A_487, %mul3A_589 : vector<16xf32>
        %get3A_591 = arith.index_cast %add3A_560 : i32 to index
        %get3A_592 = arith.constant 80 : index
        %get3A_593 = tpu.vector_load %arg8[%get3A_591, %get3A_592] {strides = array<i32>} : memref<128x256xf32, #tpu.memory_space<vmem>>, vector<1x16xf32>,
        %get3A_594 = vector.shape_cast %get3A_593 : vector<1x16xf32> to vector<16xf32>
        %mul3A_595 = arith.mulf %broadcast_in_dim3A_556, %get3A_594 : vector<16xf32>
        %add3A_596 = arith.addf %add3A_493, %mul3A_595 : vector<16xf32>
        %get3A_597 = arith.index_cast %add3A_560 : i32 to index
        %get3A_598 = arith.constant 96 : index
        %get3A_599 = tpu.vector_load %arg8[%get3A_597, %get3A_598] {strides = array<i32>} : memref<128x256xf32, #tpu.memory_space<vmem>>, vector<1x16xf32>,
        %get3A_600 = vector.shape_cast %get3A_599 : vector<1x16xf32> to vector<16xf32>
        %mul3A_601 = arith.mulf %broadcast_in_dim3A_556, %get3A_600 : vector<16xf32>
        %add3A_602 = arith.addf %add3A_499, %mul3A_601 : vector<16xf32>
        %get3A_603 = arith.index_cast %add3A_560 : i32 to index
        %get3A_604 = arith.constant 112 : index
        %get3A_605 = tpu.vector_load %arg8[%get3A_603, %get3A_604] {strides = array<i32>} : memref<128x256xf32, #tpu.memory_space<vmem>>, vector<1x16xf32>,
        %get3A_606 = vector.shape_cast %get3A_605 : vector<1x16xf32> to vector<16xf32>
        %mul3A_607 = arith.mulf %broadcast_in_dim3A_556, %get3A_606 : vector<16xf32>
        %add3A_608 = arith.addf %add3A_505, %mul3A_607 : vector<16xf32>
        %get3A_609 = arith.index_cast %add3A_560 : i32 to index
        %get3A_610 = arith.constant 128 : index
        %get3A_611 = tpu.vector_load %arg8[%get3A_609, %get3A_610] {strides = array<i32>} : memref<128x256xf32, #tpu.memory_space<vmem>>, vector<1x16xf32>,
        %get3A_612 = vector.shape_cast %get3A_611 : vector<1x16xf32> to vector<16xf32>
        %mul3A_613 = arith.mulf %broadcast_in_dim3A_556, %get3A_612 : vector<16xf32>
        %add3A_614 = arith.addf %add3A_511, %mul3A_613 : vector<16xf32>
        %get3A_615 = arith.index_cast %add3A_560 : i32 to index
        %get3A_616 = arith.constant 144 : index
        %get3A_617 = tpu.vector_load %arg8[%get3A_615, %get3A_616] {strides = array<i32>} : memref<128x256xf32, #tpu.memory_space<vmem>>, vector<1x16xf32>,
        %get3A_618 = vector.shape_cast %get3A_617 : vector<1x16xf32> to vector<16xf32>
        %mul3A_619 = arith.mulf %broadcast_in_dim3A_556, %get3A_618 : vector<16xf32>
        %add3A_620 = arith.addf %add3A_517, %mul3A_619 : vector<16xf32>
        %get3A_621 = arith.index_cast %add3A_560 : i32 to index
        %get3A_622 = arith.constant 160 : index
        %get3A_623 = tpu.vector_load %arg8[%get3A_621, %get3A_622] {strides = array<i32>} : memref<128x256xf32, #tpu.memory_space<vmem>>, vector<1x16xf32>,
        %get3A_624 = vector.shape_cast %get3A_623 : vector<1x16xf32> to vector<16xf32>
        %mul3A_625 = arith.mulf %broadcast_in_dim3A_556, %get3A_624 : vector<16xf32>
        %add3A_626 = arith.addf %add3A_523, %mul3A_625 : vector<16xf32>
        %get3A_627 = arith.index_cast %add3A_560 : i32 to index
        %get3A_628 = arith.constant 176 : index
        %get3A_629 = tpu.vector_load %arg8[%get3A_627, %get3A_628] {strides = array<i32>} : memref<128x256xf32, #tpu.memory_space<vmem>>, vector<1x16xf32>,
        %get3A_630 = vector.shape_cast %get3A_629 : vector<1x16xf32> to vector<16xf32>
        %mul3A_631 = arith.mulf %broadcast_in_dim3A_556, %get3A_630 : vector<16xf32>
        %add3A_632 = arith.addf %add3A_529, %mul3A_631 : vector<16xf32>
        %get3A_633 = arith.index_cast %add3A_560 : i32 to index
        %get3A_634 = arith.constant 192 : index
        %get3A_635 = tpu.vector_load %arg8[%get3A_633, %get3A_634] {strides = array<i32>} : memref<128x256xf32, #tpu.memory_space<vmem>>, vector<1x16xf32>,
        %get3A_636 = vector.shape_cast %get3A_635 : vector<1x16xf32> to vector<16xf32>
        %mul3A_637 = arith.mulf %broadcast_in_dim3A_556, %get3A_636 : vector<16xf32>
        %add3A_638 = arith.addf %add3A_535, %mul3A_637 : vector<16xf32>
        %get3A_639 = arith.index_cast %add3A_560 : i32 to index
        %get3A_640 = arith.constant 208 : index
        %get3A_641 = tpu.vector_load %arg8[%get3A_639, %get3A_640] {strides = array<i32>} : memref<128x256xf32, #tpu.memory_space<vmem>>, vector<1x16xf32>,
        %get3A_642 = vector.shape_cast %get3A_641 : vector<1x16xf32> to vector<16xf32>
        %mul3A_643 = arith.mulf %broadcast_in_dim3A_556, %get3A_642 : vector<16xf32>
        %add3A_644 = arith.addf %add3A_541, %mul3A_643 : vector<16xf32>
        %get3A_645 = arith.index_cast %add3A_560 : i32 to index
        %get3A_646 = arith.constant 224 : index
        %get3A_647 = tpu.vector_load %arg8[%get3A_645, %get3A_646] {strides = array<i32>} : memref<128x256xf32, #tpu.memory_space<vmem>>, vector<1x16xf32>,
        %get3A_648 = vector.shape_cast %get3A_647 : vector<1x16xf32> to vector<16xf32>
        %mul3A_649 = arith.mulf %broadcast_in_dim3A_556, %get3A_648 : vector<16xf32>
        %add3A_650 = arith.addf %add3A_547, %mul3A_649 : vector<16xf32>
        %get3A_651 = arith.index_cast %add3A_560 : i32 to index
        %get3A_652 = arith.constant 240 : index
        %get3A_653 = tpu.vector_load %arg8[%get3A_651, %get3A_652] {strides = array<i32>} : memref<128x256xf32, #tpu.memory_space<vmem>>, vector<1x16xf32>,
        %get3A_654 = vector.shape_cast %get3A_653 : vector<1x16xf32> to vector<16xf32>
        %mul3A_655 = arith.mulf %broadcast_in_dim3A_556, %get3A_654 : vector<16xf32>
        %add3A_656 = arith.addf %add3A_553, %mul3A_655 : vector<16xf32>
        %slice3A_657 = vector.extract_strided_slice %get3A_112 {offsets = [5], sizes = [1], strides = [1]} : vector<16xf32> to vector<1xf32>
        %squeeze3A_658 = vector.extract %slice3A_657[0] : f32 from vector<1xf32>
        %broadcast_in_dim3A_659 = vector.broadcast %squeeze3A_658 : f32 to vector<16xf32>
        %mul3A_660 = arith.constant 16 : i32
        %mul3A_661 = arith.muli %scan3A_104, %mul3A_660 : i32
        %add3A_662 = arith.constant 5 : i32
        %add3A_663 = arith.addi %mul3A_661, %add3A_662 : i32
        %get3A_664 = arith.index_cast %add3A_663 : i32 to index
        %get3A_665 = arith.constant 0 : index
        %get3A_666 = tpu.vector_load %arg8[%get3A_664, %get3A_665] {strides = array<i32>} : memref<128x256xf32, #tpu.memory_space<vmem>>, vector<1x16xf32>,
        %get3A_667 = vector.shape_cast %get3A_666 : vector<1x16xf32> to vector<16xf32>
        %mul3A_668 = arith.mulf %broadcast_in_dim3A_659, %get3A_667 : vector<16xf32>
        %add3A_669 = arith.addf %add3A_566, %mul3A_668 : vector<16xf32>
        %get3A_670 = arith.index_cast %add3A_663 : i32 to index
        %get3A_671 = arith.constant 16 : index
        %get3A_672 = tpu.vector_load %arg8[%get3A_670, %get3A_671] {strides = array<i32>} : memref<128x256xf32, #tpu.memory_space<vmem>>, vector<1x16xf32>,
        %get3A_673 = vector.shape_cast %get3A_672 : vector<1x16xf32> to vector<16xf32>
        %mul3A_674 = arith.mulf %broadcast_in_dim3A_659, %get3A_673 : vector<16xf32>
        %add3A_675 = arith.addf %add3A_572, %mul3A_674 : vector<16xf32>
        %get3A_676 = arith.index_cast %add3A_663 : i32 to index
        %get3A_677 = arith.constant 32 : index
        %get3A_678 = tpu.vector_load %arg8[%get3A_676, %get3A_677] {strides = array<i32>} : memref<128x256xf32, #tpu.memory_space<vmem>>, vector<1x16xf32>,
        %get3A_679 = vector.shape_cast %get3A_678 : vector<1x16xf32> to vector<16xf32>
        %mul3A_680 = arith.mulf %broadcast_in_dim3A_659, %get3A_679 : vector<16xf32>
        %add3A_681 = arith.addf %add3A_578, %mul3A_680 : vector<16xf32>
        %get3A_682 = arith.index_cast %add3A_663 : i32 to index
        %get3A_683 = arith.constant 48 : index
        %get3A_684 = tpu.vector_load %arg8[%get3A_682, %get3A_683] {strides = array<i32>} : memref<128x256xf32, #tpu.memory_space<vmem>>, vector<1x16xf32>,
        %get3A_685 = vector.shape_cast %get3A_684 : vector<1x16xf32> to vector<16xf32>
        %mul3A_686 = arith.mulf %broadcast_in_dim3A_659, %get3A_685 : vector<16xf32>
        %add3A_687 = arith.addf %add3A_584, %mul3A_686 : vector<16xf32>
        %get3A_688 = arith.index_cast %add3A_663 : i32 to index
        %get3A_689 = arith.constant 64 : index
        %get3A_690 = tpu.vector_load %arg8[%get3A_688, %get3A_689] {strides = array<i32>} : memref<128x256xf32, #tpu.memory_space<vmem>>, vector<1x16xf32>,
        %get3A_691 = vector.shape_cast %get3A_690 : vector<1x16xf32> to vector<16xf32>
        %mul3A_692 = arith.mulf %broadcast_in_dim3A_659, %get3A_691 : vector<16xf32>
        %add3A_693 = arith.addf %add3A_590, %mul3A_692 : vector<16xf32>
        %get3A_694 = arith.index_cast %add3A_663 : i32 to index
        %get3A_695 = arith.constant 80 : index
        %get3A_696 = tpu.vector_load %arg8[%get3A_694, %get3A_695] {strides = array<i32>} : memref<128x256xf32, #tpu.memory_space<vmem>>, vector<1x16xf32>,
        %get3A_697 = vector.shape_cast %get3A_696 : vector<1x16xf32> to vector<16xf32>
        %mul3A_698 = arith.mulf %broadcast_in_dim3A_659, %get3A_697 : vector<16xf32>
        %add3A_699 = arith.addf %add3A_596, %mul3A_698 : vector<16xf32>
        %get3A_700 = arith.index_cast %add3A_663 : i32 to index
        %get3A_701 = arith.constant 96 : index
        %get3A_702 = tpu.vector_load %arg8[%get3A_700, %get3A_701] {strides = array<i32>} : memref<128x256xf32, #tpu.memory_space<vmem>>, vector<1x16xf32>,
        %get3A_703 = vector.shape_cast %get3A_702 : vector<1x16xf32> to vector<16xf32>
        %mul3A_704 = arith.mulf %broadcast_in_dim3A_659, %get3A_703 : vector<16xf32>
        %add3A_705 = arith.addf %add3A_602, %mul3A_704 : vector<16xf32>
        %get3A_706 = arith.index_cast %add3A_663 : i32 to index
        %get3A_707 = arith.constant 112 : index
        %get3A_708 = tpu.vector_load %arg8[%get3A_706, %get3A_707] {strides = array<i32>} : memref<128x256xf32, #tpu.memory_space<vmem>>, vector<1x16xf32>,
        %get3A_709 = vector.shape_cast %get3A_708 : vector<1x16xf32> to vector<16xf32>
        %mul3A_710 = arith.mulf %broadcast_in_dim3A_659, %get3A_709 : vector<16xf32>
        %add3A_711 = arith.addf %add3A_608, %mul3A_710 : vector<16xf32>
        %get3A_712 = arith.index_cast %add3A_663 : i32 to index
        %get3A_713 = arith.constant 128 : index
        %get3A_714 = tpu.vector_load %arg8[%get3A_712, %get3A_713] {strides = array<i32>} : memref<128x256xf32, #tpu.memory_space<vmem>>, vector<1x16xf32>,
        %get3A_715 = vector.shape_cast %get3A_714 : vector<1x16xf32> to vector<16xf32>
        %mul3A_716 = arith.mulf %broadcast_in_dim3A_659, %get3A_715 : vector<16xf32>
        %add3A_717 = arith.addf %add3A_614, %mul3A_716 : vector<16xf32>
        %get3A_718 = arith.index_cast %add3A_663 : i32 to index
        %get3A_719 = arith.constant 144 : index
        %get3A_720 = tpu.vector_load %arg8[%get3A_718, %get3A_719] {strides = array<i32>} : memref<128x256xf32, #tpu.memory_space<vmem>>, vector<1x16xf32>,
        %get3A_721 = vector.shape_cast %get3A_720 : vector<1x16xf32> to vector<16xf32>
        %mul3A_722 = arith.mulf %broadcast_in_dim3A_659, %get3A_721 : vector<16xf32>
        %add3A_723 = arith.addf %add3A_620, %mul3A_722 : vector<16xf32>
        %get3A_724 = arith.index_cast %add3A_663 : i32 to index
        %get3A_725 = arith.constant 160 : index
        %get3A_726 = tpu.vector_load %arg8[%get3A_724, %get3A_725] {strides = array<i32>} : memref<128x256xf32, #tpu.memory_space<vmem>>, vector<1x16xf32>,
        %get3A_727 = vector.shape_cast %get3A_726 : vector<1x16xf32> to vector<16xf32>
        %mul3A_728 = arith.mulf %broadcast_in_dim3A_659, %get3A_727 : vector<16xf32>
        %add3A_729 = arith.addf %add3A_626, %mul3A_728 : vector<16xf32>
        %get3A_730 = arith.index_cast %add3A_663 : i32 to index
        %get3A_731 = arith.constant 176 : index
        %get3A_732 = tpu.vector_load %arg8[%get3A_730, %get3A_731] {strides = array<i32>} : memref<128x256xf32, #tpu.memory_space<vmem>>, vector<1x16xf32>,
        %get3A_733 = vector.shape_cast %get3A_732 : vector<1x16xf32> to vector<16xf32>
        %mul3A_734 = arith.mulf %broadcast_in_dim3A_659, %get3A_733 : vector<16xf32>
        %add3A_735 = arith.addf %add3A_632, %mul3A_734 : vector<16xf32>
        %get3A_736 = arith.index_cast %add3A_663 : i32 to index
        %get3A_737 = arith.constant 192 : index
        %get3A_738 = tpu.vector_load %arg8[%get3A_736, %get3A_737] {strides = array<i32>} : memref<128x256xf32, #tpu.memory_space<vmem>>, vector<1x16xf32>,
        %get3A_739 = vector.shape_cast %get3A_738 : vector<1x16xf32> to vector<16xf32>
        %mul3A_740 = arith.mulf %broadcast_in_dim3A_659, %get3A_739 : vector<16xf32>
        %add3A_741 = arith.addf %add3A_638, %mul3A_740 : vector<16xf32>
        %get3A_742 = arith.index_cast %add3A_663 : i32 to index
        %get3A_743 = arith.constant 208 : index
        %get3A_744 = tpu.vector_load %arg8[%get3A_742, %get3A_743] {strides = array<i32>} : memref<128x256xf32, #tpu.memory_space<vmem>>, vector<1x16xf32>,
        %get3A_745 = vector.shape_cast %get3A_744 : vector<1x16xf32> to vector<16xf32>
        %mul3A_746 = arith.mulf %broadcast_in_dim3A_659, %get3A_745 : vector<16xf32>
        %add3A_747 = arith.addf %add3A_644, %mul3A_746 : vector<16xf32>
        %get3A_748 = arith.index_cast %add3A_663 : i32 to index
        %get3A_749 = arith.constant 224 : index
        %get3A_750 = tpu.vector_load %arg8[%get3A_748, %get3A_749] {strides = array<i32>} : memref<128x256xf32, #tpu.memory_space<vmem>>, vector<1x16xf32>,
        %get3A_751 = vector.shape_cast %get3A_750 : vector<1x16xf32> to vector<16xf32>
        %mul3A_752 = arith.mulf %broadcast_in_dim3A_659, %get3A_751 : vector<16xf32>
        %add3A_753 = arith.addf %add3A_650, %mul3A_752 : vector<16xf32>
        %get3A_754 = arith.index_cast %add3A_663 : i32 to index
        %get3A_755 = arith.constant 240 : index
        %get3A_756 = tpu.vector_load %arg8[%get3A_754, %get3A_755] {strides = array<i32>} : memref<128x256xf32, #tpu.memory_space<vmem>>, vector<1x16xf32>,
        %get3A_757 = vector.shape_cast %get3A_756 : vector<1x16xf32> to vector<16xf32>
        %mul3A_758 = arith.mulf %broadcast_in_dim3A_659, %get3A_757 : vector<16xf32>
        %add3A_759 = arith.addf %add3A_656, %mul3A_758 : vector<16xf32>
        %slice3A_760 = vector.extract_strided_slice %get3A_112 {offsets = [6], sizes = [1], strides = [1]} : vector<16xf32> to vector<1xf32>
        %squeeze3A_761 = vector.extract %slice3A_760[0] : f32 from vector<1xf32>
        %broadcast_in_dim3A_762 = vector.broadcast %squeeze3A_761 : f32 to vector<16xf32>
        %mul3A_763 = arith.constant 16 : i32
        %mul3A_764 = arith.muli %scan3A_104, %mul3A_763 : i32
        %add3A_765 = arith.constant 6 : i32
        %add3A_766 = arith.addi %mul3A_764, %add3A_765 : i32
        %get3A_767 = arith.index_cast %add3A_766 : i32 to index
        %get3A_768 = arith.constant 0 : index
        %get3A_769 = tpu.vector_load %arg8[%get3A_767, %get3A_768] {strides = array<i32>} : memref<128x256xf32, #tpu.memory_space<vmem>>, vector<1x16xf32>,
        %get3A_770 = vector.shape_cast %get3A_769 : vector<1x16xf32> to vector<16xf32>
        %mul3A_771 = arith.mulf %broadcast_in_dim3A_762, %get3A_770 : vector<16xf32>
        %add3A_772 = arith.addf %add3A_669, %mul3A_771 : vector<16xf32>
        %get3A_773 = arith.index_cast %add3A_766 : i32 to index
        %get3A_774 = arith.constant 16 : index
        %get3A_775 = tpu.vector_load %arg8[%get3A_773, %get3A_774] {strides = array<i32>} : memref<128x256xf32, #tpu.memory_space<vmem>>, vector<1x16xf32>,
        %get3A_776 = vector.shape_cast %get3A_775 : vector<1x16xf32> to vector<16xf32>
        %mul3A_777 = arith.mulf %broadcast_in_dim3A_762, %get3A_776 : vector<16xf32>
        %add3A_778 = arith.addf %add3A_675, %mul3A_777 : vector<16xf32>
        %get3A_779 = arith.index_cast %add3A_766 : i32 to index
        %get3A_780 = arith.constant 32 : index
        %get3A_781 = tpu.vector_load %arg8[%get3A_779, %get3A_780] {strides = array<i32>} : memref<128x256xf32, #tpu.memory_space<vmem>>, vector<1x16xf32>,
        %get3A_782 = vector.shape_cast %get3A_781 : vector<1x16xf32> to vector<16xf32>
        %mul3A_783 = arith.mulf %broadcast_in_dim3A_762, %get3A_782 : vector<16xf32>
        %add3A_784 = arith.addf %add3A_681, %mul3A_783 : vector<16xf32>
        %get3A_785 = arith.index_cast %add3A_766 : i32 to index
        %get3A_786 = arith.constant 48 : index
        %get3A_787 = tpu.vector_load %arg8[%get3A_785, %get3A_786] {strides = array<i32>} : memref<128x256xf32, #tpu.memory_space<vmem>>, vector<1x16xf32>,
        %get3A_788 = vector.shape_cast %get3A_787 : vector<1x16xf32> to vector<16xf32>
        %mul3A_789 = arith.mulf %broadcast_in_dim3A_762, %get3A_788 : vector<16xf32>
        %add3A_790 = arith.addf %add3A_687, %mul3A_789 : vector<16xf32>
        %get3A_791 = arith.index_cast %add3A_766 : i32 to index
        %get3A_792 = arith.constant 64 : index
        %get3A_793 = tpu.vector_load %arg8[%get3A_791, %get3A_792] {strides = array<i32>} : memref<128x256xf32, #tpu.memory_space<vmem>>, vector<1x16xf32>,
        %get3A_794 = vector.shape_cast %get3A_793 : vector<1x16xf32> to vector<16xf32>
        %mul3A_795 = arith.mulf %broadcast_in_dim3A_762, %get3A_794 : vector<16xf32>
        %add3A_796 = arith.addf %add3A_693, %mul3A_795 : vector<16xf32>
        %get3A_797 = arith.index_cast %add3A_766 : i32 to index
        %get3A_798 = arith.constant 80 : index
        %get3A_799 = tpu.vector_load %arg8[%get3A_797, %get3A_798] {strides = array<i32>} : memref<128x256xf32, #tpu.memory_space<vmem>>, vector<1x16xf32>,
        %get3A_800 = vector.shape_cast %get3A_799 : vector<1x16xf32> to vector<16xf32>
        %mul3A_801 = arith.mulf %broadcast_in_dim3A_762, %get3A_800 : vector<16xf32>
        %add3A_802 = arith.addf %add3A_699, %mul3A_801 : vector<16xf32>
        %get3A_803 = arith.index_cast %add3A_766 : i32 to index
        %get3A_804 = arith.constant 96 : index
        %get3A_805 = tpu.vector_load %arg8[%get3A_803, %get3A_804] {strides = array<i32>} : memref<128x256xf32, #tpu.memory_space<vmem>>, vector<1x16xf32>,
        %get3A_806 = vector.shape_cast %get3A_805 : vector<1x16xf32> to vector<16xf32>
        %mul3A_807 = arith.mulf %broadcast_in_dim3A_762, %get3A_806 : vector<16xf32>
        %add3A_808 = arith.addf %add3A_705, %mul3A_807 : vector<16xf32>
        %get3A_809 = arith.index_cast %add3A_766 : i32 to index
        %get3A_810 = arith.constant 112 : index
        %get3A_811 = tpu.vector_load %arg8[%get3A_809, %get3A_810] {strides = array<i32>} : memref<128x256xf32, #tpu.memory_space<vmem>>, vector<1x16xf32>,
        %get3A_812 = vector.shape_cast %get3A_811 : vector<1x16xf32> to vector<16xf32>
        %mul3A_813 = arith.mulf %broadcast_in_dim3A_762, %get3A_812 : vector<16xf32>
        %add3A_814 = arith.addf %add3A_711, %mul3A_813 : vector<16xf32>
        %get3A_815 = arith.index_cast %add3A_766 : i32 to index
        %get3A_816 = arith.constant 128 : index
        %get3A_817 = tpu.vector_load %arg8[%get3A_815, %get3A_816] {strides = array<i32>} : memref<128x256xf32, #tpu.memory_space<vmem>>, vector<1x16xf32>,
        %get3A_818 = vector.shape_cast %get3A_817 : vector<1x16xf32> to vector<16xf32>
        %mul3A_819 = arith.mulf %broadcast_in_dim3A_762, %get3A_818 : vector<16xf32>
        %add3A_820 = arith.addf %add3A_717, %mul3A_819 : vector<16xf32>
        %get3A_821 = arith.index_cast %add3A_766 : i32 to index
        %get3A_822 = arith.constant 144 : index
        %get3A_823 = tpu.vector_load %arg8[%get3A_821, %get3A_822] {strides = array<i32>} : memref<128x256xf32, #tpu.memory_space<vmem>>, vector<1x16xf32>,
        %get3A_824 = vector.shape_cast %get3A_823 : vector<1x16xf32> to vector<16xf32>
        %mul3A_825 = arith.mulf %broadcast_in_dim3A_762, %get3A_824 : vector<16xf32>
        %add3A_826 = arith.addf %add3A_723, %mul3A_825 : vector<16xf32>
        %get3A_827 = arith.index_cast %add3A_766 : i32 to index
        %get3A_828 = arith.constant 160 : index
        %get3A_829 = tpu.vector_load %arg8[%get3A_827, %get3A_828] {strides = array<i32>} : memref<128x256xf32, #tpu.memory_space<vmem>>, vector<1x16xf32>,
        %get3A_830 = vector.shape_cast %get3A_829 : vector<1x16xf32> to vector<16xf32>
        %mul3A_831 = arith.mulf %broadcast_in_dim3A_762, %get3A_830 : vector<16xf32>
        %add3A_832 = arith.addf %add3A_729, %mul3A_831 : vector<16xf32>
        %get3A_833 = arith.index_cast %add3A_766 : i32 to index
        %get3A_834 = arith.constant 176 : index
        %get3A_835 = tpu.vector_load %arg8[%get3A_833, %get3A_834] {strides = array<i32>} : memref<128x256xf32, #tpu.memory_space<vmem>>, vector<1x16xf32>,
        %get3A_836 = vector.shape_cast %get3A_835 : vector<1x16xf32> to vector<16xf32>
        %mul3A_837 = arith.mulf %broadcast_in_dim3A_762, %get3A_836 : vector<16xf32>
        %add3A_838 = arith.addf %add3A_735, %mul3A_837 : vector<16xf32>
        %get3A_839 = arith.index_cast %add3A_766 : i32 to index
        %get3A_840 = arith.constant 192 : index
        %get3A_841 = tpu.vector_load %arg8[%get3A_839, %get3A_840] {strides = array<i32>} : memref<128x256xf32, #tpu.memory_space<vmem>>, vector<1x16xf32>,
        %get3A_842 = vector.shape_cast %get3A_841 : vector<1x16xf32> to vector<16xf32>
        %mul3A_843 = arith.mulf %broadcast_in_dim3A_762, %get3A_842 : vector<16xf32>
        %add3A_844 = arith.addf %add3A_741, %mul3A_843 : vector<16xf32>
        %get3A_845 = arith.index_cast %add3A_766 : i32 to index
        %get3A_846 = arith.constant 208 : index
        %get3A_847 = tpu.vector_load %arg8[%get3A_845, %get3A_846] {strides = array<i32>} : memref<128x256xf32, #tpu.memory_space<vmem>>, vector<1x16xf32>,
        %get3A_848 = vector.shape_cast %get3A_847 : vector<1x16xf32> to vector<16xf32>
        %mul3A_849 = arith.mulf %broadcast_in_dim3A_762, %get3A_848 : vector<16xf32>
        %add3A_850 = arith.addf %add3A_747, %mul3A_849 : vector<16xf32>
        %get3A_851 = arith.index_cast %add3A_766 : i32 to index
        %get3A_852 = arith.constant 224 : index
        %get3A_853 = tpu.vector_load %arg8[%get3A_851, %get3A_852] {strides = array<i32>} : memref<128x256xf32, #tpu.memory_space<vmem>>, vector<1x16xf32>,
        %get3A_854 = vector.shape_cast %get3A_853 : vector<1x16xf32> to vector<16xf32>
        %mul3A_855 = arith.mulf %broadcast_in_dim3A_762, %get3A_854 : vector<16xf32>
        %add3A_856 = arith.addf %add3A_753, %mul3A_855 : vector<16xf32>
        %get3A_857 = arith.index_cast %add3A_766 : i32 to index
        %get3A_858 = arith.constant 240 : index
        %get3A_859 = tpu.vector_load %arg8[%get3A_857, %get3A_858] {strides = array<i32>} : memref<128x256xf32, #tpu.memory_space<vmem>>, vector<1x16xf32>,
        %get3A_860 = vector.shape_cast %get3A_859 : vector<1x16xf32> to vector<16xf32>
        %mul3A_861 = arith.mulf %broadcast_in_dim3A_762, %get3A_860 : vector<16xf32>
        %add3A_862 = arith.addf %add3A_759, %mul3A_861 : vector<16xf32>
        %slice3A_863 = vector.extract_strided_slice %get3A_112 {offsets = [7], sizes = [1], strides = [1]} : vector<16xf32> to vector<1xf32>
        %squeeze3A_864 = vector.extract %slice3A_863[0] : f32 from vector<1xf32>
        %broadcast_in_dim3A_865 = vector.broadcast %squeeze3A_864 : f32 to vector<16xf32>
        %mul3A_866 = arith.constant 16 : i32
        %mul3A_867 = arith.muli %scan3A_104, %mul3A_866 : i32
        %add3A_868 = arith.constant 7 : i32
        %add3A_869 = arith.addi %mul3A_867, %add3A_868 : i32
        %get3A_870 = arith.index_cast %add3A_869 : i32 to index
        %get3A_871 = arith.constant 0 : index
        %get3A_872 = tpu.vector_load %arg8[%get3A_870, %get3A_871] {strides = array<i32>} : memref<128x256xf32, #tpu.memory_space<vmem>>, vector<1x16xf32>,
        %get3A_873 = vector.shape_cast %get3A_872 : vector<1x16xf32> to vector<16xf32>
        %mul3A_874 = arith.mulf %broadcast_in_dim3A_865, %get3A_873 : vector<16xf32>
        %add3A_875 = arith.addf %add3A_772, %mul3A_874 : vector<16xf32>
        %get3A_876 = arith.index_cast %add3A_869 : i32 to index
        %get3A_877 = arith.constant 16 : index
        %get3A_878 = tpu.vector_load %arg8[%get3A_876, %get3A_877] {strides = array<i32>} : memref<128x256xf32, #tpu.memory_space<vmem>>, vector<1x16xf32>,
        %get3A_879 = vector.shape_cast %get3A_878 : vector<1x16xf32> to vector<16xf32>
        %mul3A_880 = arith.mulf %broadcast_in_dim3A_865, %get3A_879 : vector<16xf32>
        %add3A_881 = arith.addf %add3A_778, %mul3A_880 : vector<16xf32>
        %get3A_882 = arith.index_cast %add3A_869 : i32 to index
        %get3A_883 = arith.constant 32 : index
        %get3A_884 = tpu.vector_load %arg8[%get3A_882, %get3A_883] {strides = array<i32>} : memref<128x256xf32, #tpu.memory_space<vmem>>, vector<1x16xf32>,
        %get3A_885 = vector.shape_cast %get3A_884 : vector<1x16xf32> to vector<16xf32>
        %mul3A_886 = arith.mulf %broadcast_in_dim3A_865, %get3A_885 : vector<16xf32>
        %add3A_887 = arith.addf %add3A_784, %mul3A_886 : vector<16xf32>
        %get3A_888 = arith.index_cast %add3A_869 : i32 to index
        %get3A_889 = arith.constant 48 : index
        %get3A_890 = tpu.vector_load %arg8[%get3A_888, %get3A_889] {strides = array<i32>} : memref<128x256xf32, #tpu.memory_space<vmem>>, vector<1x16xf32>,
        %get3A_891 = vector.shape_cast %get3A_890 : vector<1x16xf32> to vector<16xf32>
        %mul3A_892 = arith.mulf %broadcast_in_dim3A_865, %get3A_891 : vector<16xf32>
        %add3A_893 = arith.addf %add3A_790, %mul3A_892 : vector<16xf32>
        %get3A_894 = arith.index_cast %add3A_869 : i32 to index
        %get3A_895 = arith.constant 64 : index
        %get3A_896 = tpu.vector_load %arg8[%get3A_894, %get3A_895] {strides = array<i32>} : memref<128x256xf32, #tpu.memory_space<vmem>>, vector<1x16xf32>,
        %get3A_897 = vector.shape_cast %get3A_896 : vector<1x16xf32> to vector<16xf32>
        %mul3A_898 = arith.mulf %broadcast_in_dim3A_865, %get3A_897 : vector<16xf32>
        %add3A_899 = arith.addf %add3A_796, %mul3A_898 : vector<16xf32>
        %get3A_900 = arith.index_cast %add3A_869 : i32 to index
        %get3A_901 = arith.constant 80 : index
        %get3A_902 = tpu.vector_load %arg8[%get3A_900, %get3A_901] {strides = array<i32>} : memref<128x256xf32, #tpu.memory_space<vmem>>, vector<1x16xf32>,
        %get3A_903 = vector.shape_cast %get3A_902 : vector<1x16xf32> to vector<16xf32>
        %mul3A_904 = arith.mulf %broadcast_in_dim3A_865, %get3A_903 : vector<16xf32>
        %add3A_905 = arith.addf %add3A_802, %mul3A_904 : vector<16xf32>
        %get3A_906 = arith.index_cast %add3A_869 : i32 to index
        %get3A_907 = arith.constant 96 : index
        %get3A_908 = tpu.vector_load %arg8[%get3A_906, %get3A_907] {strides = array<i32>} : memref<128x256xf32, #tpu.memory_space<vmem>>, vector<1x16xf32>,
        %get3A_909 = vector.shape_cast %get3A_908 : vector<1x16xf32> to vector<16xf32>
        %mul3A_910 = arith.mulf %broadcast_in_dim3A_865, %get3A_909 : vector<16xf32>
        %add3A_911 = arith.addf %add3A_808, %mul3A_910 : vector<16xf32>
        %get3A_912 = arith.index_cast %add3A_869 : i32 to index
        %get3A_913 = arith.constant 112 : index
        %get3A_914 = tpu.vector_load %arg8[%get3A_912, %get3A_913] {strides = array<i32>} : memref<128x256xf32, #tpu.memory_space<vmem>>, vector<1x16xf32>,
        %get3A_915 = vector.shape_cast %get3A_914 : vector<1x16xf32> to vector<16xf32>
        %mul3A_916 = arith.mulf %broadcast_in_dim3A_865, %get3A_915 : vector<16xf32>
        %add3A_917 = arith.addf %add3A_814, %mul3A_916 : vector<16xf32>
        %get3A_918 = arith.index_cast %add3A_869 : i32 to index
        %get3A_919 = arith.constant 128 : index
        %get3A_920 = tpu.vector_load %arg8[%get3A_918, %get3A_919] {strides = array<i32>} : memref<128x256xf32, #tpu.memory_space<vmem>>, vector<1x16xf32>,
        %get3A_921 = vector.shape_cast %get3A_920 : vector<1x16xf32> to vector<16xf32>
        %mul3A_922 = arith.mulf %broadcast_in_dim3A_865, %get3A_921 : vector<16xf32>
        %add3A_923 = arith.addf %add3A_820, %mul3A_922 : vector<16xf32>
        %get3A_924 = arith.index_cast %add3A_869 : i32 to index
        %get3A_925 = arith.constant 144 : index
        %get3A_926 = tpu.vector_load %arg8[%get3A_924, %get3A_925] {strides = array<i32>} : memref<128x256xf32, #tpu.memory_space<vmem>>, vector<1x16xf32>,
        %get3A_927 = vector.shape_cast %get3A_926 : vector<1x16xf32> to vector<16xf32>
        %mul3A_928 = arith.mulf %broadcast_in_dim3A_865, %get3A_927 : vector<16xf32>
        %add3A_929 = arith.addf %add3A_826, %mul3A_928 : vector<16xf32>
        %get3A_930 = arith.index_cast %add3A_869 : i32 to index
        %get3A_931 = arith.constant 160 : index
        %get3A_932 = tpu.vector_load %arg8[%get3A_930, %get3A_931] {strides = array<i32>} : memref<128x256xf32, #tpu.memory_space<vmem>>, vector<1x16xf32>,
        %get3A_933 = vector.shape_cast %get3A_932 : vector<1x16xf32> to vector<16xf32>
        %mul3A_934 = arith.mulf %broadcast_in_dim3A_865, %get3A_933 : vector<16xf32>
        %add3A_935 = arith.addf %add3A_832, %mul3A_934 : vector<16xf32>
        %get3A_936 = arith.index_cast %add3A_869 : i32 to index
        %get3A_937 = arith.constant 176 : index
        %get3A_938 = tpu.vector_load %arg8[%get3A_936, %get3A_937] {strides = array<i32>} : memref<128x256xf32, #tpu.memory_space<vmem>>, vector<1x16xf32>,
        %get3A_939 = vector.shape_cast %get3A_938 : vector<1x16xf32> to vector<16xf32>
        %mul3A_940 = arith.mulf %broadcast_in_dim3A_865, %get3A_939 : vector<16xf32>
        %add3A_941 = arith.addf %add3A_838, %mul3A_940 : vector<16xf32>
        %get3A_942 = arith.index_cast %add3A_869 : i32 to index
        %get3A_943 = arith.constant 192 : index
        %get3A_944 = tpu.vector_load %arg8[%get3A_942, %get3A_943] {strides = array<i32>} : memref<128x256xf32, #tpu.memory_space<vmem>>, vector<1x16xf32>,
        %get3A_945 = vector.shape_cast %get3A_944 : vector<1x16xf32> to vector<16xf32>
        %mul3A_946 = arith.mulf %broadcast_in_dim3A_865, %get3A_945 : vector<16xf32>
        %add3A_947 = arith.addf %add3A_844, %mul3A_946 : vector<16xf32>
        %get3A_948 = arith.index_cast %add3A_869 : i32 to index
        %get3A_949 = arith.constant 208 : index
        %get3A_950 = tpu.vector_load %arg8[%get3A_948, %get3A_949] {strides = array<i32>} : memref<128x256xf32, #tpu.memory_space<vmem>>, vector<1x16xf32>,
        %get3A_951 = vector.shape_cast %get3A_950 : vector<1x16xf32> to vector<16xf32>
        %mul3A_952 = arith.mulf %broadcast_in_dim3A_865, %get3A_951 : vector<16xf32>
        %add3A_953 = arith.addf %add3A_850, %mul3A_952 : vector<16xf32>
        %get3A_954 = arith.index_cast %add3A_869 : i32 to index
        %get3A_955 = arith.constant 224 : index
        %get3A_956 = tpu.vector_load %arg8[%get3A_954, %get3A_955] {strides = array<i32>} : memref<128x256xf32, #tpu.memory_space<vmem>>, vector<1x16xf32>,
        %get3A_957 = vector.shape_cast %get3A_956 : vector<1x16xf32> to vector<16xf32>
        %mul3A_958 = arith.mulf %broadcast_in_dim3A_865, %get3A_957 : vector<16xf32>
        %add3A_959 = arith.addf %add3A_856, %mul3A_958 : vector<16xf32>
        %get3A_960 = arith.index_cast %add3A_869 : i32 to index
        %get3A_961 = arith.constant 240 : index
        %get3A_962 = tpu.vector_load %arg8[%get3A_960, %get3A_961] {strides = array<i32>} : memref<128x256xf32, #tpu.memory_space<vmem>>, vector<1x16xf32>,
        %get3A_963 = vector.shape_cast %get3A_962 : vector<1x16xf32> to vector<16xf32>
        %mul3A_964 = arith.mulf %broadcast_in_dim3A_865, %get3A_963 : vector<16xf32>
        %add3A_965 = arith.addf %add3A_862, %mul3A_964 : vector<16xf32>
        %slice3A_966 = vector.extract_strided_slice %get3A_112 {offsets = [8], sizes = [1], strides = [1]} : vector<16xf32> to vector<1xf32>
        %squeeze3A_967 = vector.extract %slice3A_966[0] : f32 from vector<1xf32>
        %broadcast_in_dim3A_968 = vector.broadcast %squeeze3A_967 : f32 to vector<16xf32>
        %mul3A_969 = arith.constant 16 : i32
        %mul3A_970 = arith.muli %scan3A_104, %mul3A_969 : i32
        %add3A_971 = arith.constant 8 : i32
        %add3A_972 = arith.addi %mul3A_970, %add3A_971 : i32
        %get3A_973 = arith.index_cast %add3A_972 : i32 to index
        %get3A_974 = arith.constant 0 : index
        %get3A_975 = tpu.vector_load %arg8[%get3A_973, %get3A_974] {strides = array<i32>} : memref<128x256xf32, #tpu.memory_space<vmem>>, vector<1x16xf32>,
        %get3A_976 = vector.shape_cast %get3A_975 : vector<1x16xf32> to vector<16xf32>
        %mul3A_977 = arith.mulf %broadcast_in_dim3A_968, %get3A_976 : vector<16xf32>
        %add3A_978 = arith.addf %add3A_875, %mul3A_977 : vector<16xf32>
        %get3A_979 = arith.index_cast %add3A_972 : i32 to index
        %get3A_980 = arith.constant 16 : index
        %get3A_981 = tpu.vector_load %arg8[%get3A_979, %get3A_980] {strides = array<i32>} : memref<128x256xf32, #tpu.memory_space<vmem>>, vector<1x16xf32>,
        %get3A_982 = vector.shape_cast %get3A_981 : vector<1x16xf32> to vector<16xf32>
        %mul3A_983 = arith.mulf %broadcast_in_dim3A_968, %get3A_982 : vector<16xf32>
        %add3A_984 = arith.addf %add3A_881, %mul3A_983 : vector<16xf32>
        %get3A_985 = arith.index_cast %add3A_972 : i32 to index
        %get3A_986 = arith.constant 32 : index
        %get3A_987 = tpu.vector_load %arg8[%get3A_985, %get3A_986] {strides = array<i32>} : memref<128x256xf32, #tpu.memory_space<vmem>>, vector<1x16xf32>,
        %get3A_988 = vector.shape_cast %get3A_987 : vector<1x16xf32> to vector<16xf32>
        %mul3A_989 = arith.mulf %broadcast_in_dim3A_968, %get3A_988 : vector<16xf32>
        %add3A_990 = arith.addf %add3A_887, %mul3A_989 : vector<16xf32>
        %get3A_991 = arith.index_cast %add3A_972 : i32 to index
        %get3A_992 = arith.constant 48 : index
        %get3A_993 = tpu.vector_load %arg8[%get3A_991, %get3A_992] {strides = array<i32>} : memref<128x256xf32, #tpu.memory_space<vmem>>, vector<1x16xf32>,
        %get3A_994 = vector.shape_cast %get3A_993 : vector<1x16xf32> to vector<16xf32>
        %mul3A_995 = arith.mulf %broadcast_in_dim3A_968, %get3A_994 : vector<16xf32>
        %add3A_996 = arith.addf %add3A_893, %mul3A_995 : vector<16xf32>
        %get3A_997 = arith.index_cast %add3A_972 : i32 to index
        %get3A_998 = arith.constant 64 : index
        %get3A_999 = tpu.vector_load %arg8[%get3A_997, %get3A_998] {strides = array<i32>} : memref<128x256xf32, #tpu.memory_space<vmem>>, vector<1x16xf32>,
        %get3A_1000 = vector.shape_cast %get3A_999 : vector<1x16xf32> to vector<16xf32>
        %mul3A_1001 = arith.mulf %broadcast_in_dim3A_968, %get3A_1000 : vector<16xf32>
        %add3A_1002 = arith.addf %add3A_899, %mul3A_1001 : vector<16xf32>
        %get3A_1003 = arith.index_cast %add3A_972 : i32 to index
        %get3A_1004 = arith.constant 80 : index
        %get3A_1005 = tpu.vector_load %arg8[%get3A_1003, %get3A_1004] {strides = array<i32>} : memref<128x256xf32, #tpu.memory_space<vmem>>, vector<1x16xf32>,
        %get3A_1006 = vector.shape_cast %get3A_1005 : vector<1x16xf32> to vector<16xf32>
        %mul3A_1007 = arith.mulf %broadcast_in_dim3A_968, %get3A_1006 : vector<16xf32>
        %add3A_1008 = arith.addf %add3A_905, %mul3A_1007 : vector<16xf32>
        %get3A_1009 = arith.index_cast %add3A_972 : i32 to index
        %get3A_1010 = arith.constant 96 : index
        %get3A_1011 = tpu.vector_load %arg8[%get3A_1009, %get3A_1010] {strides = array<i32>} : memref<128x256xf32, #tpu.memory_space<vmem>>, vector<1x16xf32>,
        %get3A_1012 = vector.shape_cast %get3A_1011 : vector<1x16xf32> to vector<16xf32>
        %mul3A_1013 = arith.mulf %broadcast_in_dim3A_968, %get3A_1012 : vector<16xf32>
        %add3A_1014 = arith.addf %add3A_911, %mul3A_1013 : vector<16xf32>
        %get3A_1015 = arith.index_cast %add3A_972 : i32 to index
        %get3A_1016 = arith.constant 112 : index
        %get3A_1017 = tpu.vector_load %arg8[%get3A_1015, %get3A_1016] {strides = array<i32>} : memref<128x256xf32, #tpu.memory_space<vmem>>, vector<1x16xf32>,
        %get3A_1018 = vector.shape_cast %get3A_1017 : vector<1x16xf32> to vector<16xf32>
        %mul3A_1019 = arith.mulf %broadcast_in_dim3A_968, %get3A_1018 : vector<16xf32>
        %add3A_1020 = arith.addf %add3A_917, %mul3A_1019 : vector<16xf32>
        %get3A_1021 = arith.index_cast %add3A_972 : i32 to index
        %get3A_1022 = arith.constant 128 : index
        %get3A_1023 = tpu.vector_load %arg8[%get3A_1021, %get3A_1022] {strides = array<i32>} : memref<128x256xf32, #tpu.memory_space<vmem>>, vector<1x16xf32>,
        %get3A_1024 = vector.shape_cast %get3A_1023 : vector<1x16xf32> to vector<16xf32>
        %mul3A_1025 = arith.mulf %broadcast_in_dim3A_968, %get3A_1024 : vector<16xf32>
        %add3A_1026 = arith.addf %add3A_923, %mul3A_1025 : vector<16xf32>
        %get3A_1027 = arith.index_cast %add3A_972 : i32 to index
        %get3A_1028 = arith.constant 144 : index
        %get3A_1029 = tpu.vector_load %arg8[%get3A_1027, %get3A_1028] {strides = array<i32>} : memref<128x256xf32, #tpu.memory_space<vmem>>, vector<1x16xf32>,
        %get3A_1030 = vector.shape_cast %get3A_1029 : vector<1x16xf32> to vector<16xf32>
        %mul3A_1031 = arith.mulf %broadcast_in_dim3A_968, %get3A_1030 : vector<16xf32>
        %add3A_1032 = arith.addf %add3A_929, %mul3A_1031 : vector<16xf32>
        %get3A_1033 = arith.index_cast %add3A_972 : i32 to index
        %get3A_1034 = arith.constant 160 : index
        %get3A_1035 = tpu.vector_load %arg8[%get3A_1033, %get3A_1034] {strides = array<i32>} : memref<128x256xf32, #tpu.memory_space<vmem>>, vector<1x16xf32>,
        %get3A_1036 = vector.shape_cast %get3A_1035 : vector<1x16xf32> to vector<16xf32>
        %mul3A_1037 = arith.mulf %broadcast_in_dim3A_968, %get3A_1036 : vector<16xf32>
        %add3A_1038 = arith.addf %add3A_935, %mul3A_1037 : vector<16xf32>
        %get3A_1039 = arith.index_cast %add3A_972 : i32 to index
        %get3A_1040 = arith.constant 176 : index
        %get3A_1041 = tpu.vector_load %arg8[%get3A_1039, %get3A_1040] {strides = array<i32>} : memref<128x256xf32, #tpu.memory_space<vmem>>, vector<1x16xf32>,
        %get3A_1042 = vector.shape_cast %get3A_1041 : vector<1x16xf32> to vector<16xf32>
        %mul3A_1043 = arith.mulf %broadcast_in_dim3A_968, %get3A_1042 : vector<16xf32>
        %add3A_1044 = arith.addf %add3A_941, %mul3A_1043 : vector<16xf32>
        %get3A_1045 = arith.index_cast %add3A_972 : i32 to index
        %get3A_1046 = arith.constant 192 : index
        %get3A_1047 = tpu.vector_load %arg8[%get3A_1045, %get3A_1046] {strides = array<i32>} : memref<128x256xf32, #tpu.memory_space<vmem>>, vector<1x16xf32>,
        %get3A_1048 = vector.shape_cast %get3A_1047 : vector<1x16xf32> to vector<16xf32>
        %mul3A_1049 = arith.mulf %broadcast_in_dim3A_968, %get3A_1048 : vector<16xf32>
        %add3A_1050 = arith.addf %add3A_947, %mul3A_1049 : vector<16xf32>
        %get3A_1051 = arith.index_cast %add3A_972 : i32 to index
        %get3A_1052 = arith.constant 208 : index
        %get3A_1053 = tpu.vector_load %arg8[%get3A_1051, %get3A_1052] {strides = array<i32>} : memref<128x256xf32, #tpu.memory_space<vmem>>, vector<1x16xf32>,
        %get3A_1054 = vector.shape_cast %get3A_1053 : vector<1x16xf32> to vector<16xf32>
        %mul3A_1055 = arith.mulf %broadcast_in_dim3A_968, %get3A_1054 : vector<16xf32>
        %add3A_1056 = arith.addf %add3A_953, %mul3A_1055 : vector<16xf32>
        %get3A_1057 = arith.index_cast %add3A_972 : i32 to index
        %get3A_1058 = arith.constant 224 : index
        %get3A_1059 = tpu.vector_load %arg8[%get3A_1057, %get3A_1058] {strides = array<i32>} : memref<128x256xf32, #tpu.memory_space<vmem>>, vector<1x16xf32>,
        %get3A_1060 = vector.shape_cast %get3A_1059 : vector<1x16xf32> to vector<16xf32>
        %mul3A_1061 = arith.mulf %broadcast_in_dim3A_968, %get3A_1060 : vector<16xf32>
        %add3A_1062 = arith.addf %add3A_959, %mul3A_1061 : vector<16xf32>
        %get3A_1063 = arith.index_cast %add3A_972 : i32 to index
        %get3A_1064 = arith.constant 240 : index
        %get3A_1065 = tpu.vector_load %arg8[%get3A_1063, %get3A_1064] {strides = array<i32>} : memref<128x256xf32, #tpu.memory_space<vmem>>, vector<1x16xf32>,
        %get3A_1066 = vector.shape_cast %get3A_1065 : vector<1x16xf32> to vector<16xf32>
        %mul3A_1067 = arith.mulf %broadcast_in_dim3A_968, %get3A_1066 : vector<16xf32>
        %add3A_1068 = arith.addf %add3A_965, %mul3A_1067 : vector<16xf32>
        %slice3A_1069 = vector.extract_strided_slice %get3A_112 {offsets = [9], sizes = [1], strides = [1]} : vector<16xf32> to vector<1xf32>
        %squeeze3A_1070 = vector.extract %slice3A_1069[0] : f32 from vector<1xf32>
        %broadcast_in_dim3A_1071 = vector.broadcast %squeeze3A_1070 : f32 to vector<16xf32>
        %mul3A_1072 = arith.constant 16 : i32
        %mul3A_1073 = arith.muli %scan3A_104, %mul3A_1072 : i32
        %add3A_1074 = arith.constant 9 : i32
        %add3A_1075 = arith.addi %mul3A_1073, %add3A_1074 : i32
        %get3A_1076 = arith.index_cast %add3A_1075 : i32 to index
        %get3A_1077 = arith.constant 0 : index
        %get3A_1078 = tpu.vector_load %arg8[%get3A_1076, %get3A_1077] {strides = array<i32>} : memref<128x256xf32, #tpu.memory_space<vmem>>, vector<1x16xf32>,
        %get3A_1079 = vector.shape_cast %get3A_1078 : vector<1x16xf32> to vector<16xf32>
        %mul3A_1080 = arith.mulf %broadcast_in_dim3A_1071, %get3A_1079 : vector<16xf32>
        %add3A_1081 = arith.addf %add3A_978, %mul3A_1080 : vector<16xf32>
        %get3A_1082 = arith.index_cast %add3A_1075 : i32 to index
        %get3A_1083 = arith.constant 16 : index
        %get3A_1084 = tpu.vector_load %arg8[%get3A_1082, %get3A_1083] {strides = array<i32>} : memref<128x256xf32, #tpu.memory_space<vmem>>, vector<1x16xf32>,
        %get3A_1085 = vector.shape_cast %get3A_1084 : vector<1x16xf32> to vector<16xf32>
        %mul3A_1086 = arith.mulf %broadcast_in_dim3A_1071, %get3A_1085 : vector<16xf32>
        %add3A_1087 = arith.addf %add3A_984, %mul3A_1086 : vector<16xf32>
        %get3A_1088 = arith.index_cast %add3A_1075 : i32 to index
        %get3A_1089 = arith.constant 32 : index
        %get3A_1090 = tpu.vector_load %arg8[%get3A_1088, %get3A_1089] {strides = array<i32>} : memref<128x256xf32, #tpu.memory_space<vmem>>, vector<1x16xf32>,
        %get3A_1091 = vector.shape_cast %get3A_1090 : vector<1x16xf32> to vector<16xf32>
        %mul3A_1092 = arith.mulf %broadcast_in_dim3A_1071, %get3A_1091 : vector<16xf32>
        %add3A_1093 = arith.addf %add3A_990, %mul3A_1092 : vector<16xf32>
        %get3A_1094 = arith.index_cast %add3A_1075 : i32 to index
        %get3A_1095 = arith.constant 48 : index
        %get3A_1096 = tpu.vector_load %arg8[%get3A_1094, %get3A_1095] {strides = array<i32>} : memref<128x256xf32, #tpu.memory_space<vmem>>, vector<1x16xf32>,
        %get3A_1097 = vector.shape_cast %get3A_1096 : vector<1x16xf32> to vector<16xf32>
        %mul3A_1098 = arith.mulf %broadcast_in_dim3A_1071, %get3A_1097 : vector<16xf32>
        %add3A_1099 = arith.addf %add3A_996, %mul3A_1098 : vector<16xf32>
        %get3A_1100 = arith.index_cast %add3A_1075 : i32 to index
        %get3A_1101 = arith.constant 64 : index
        %get3A_1102 = tpu.vector_load %arg8[%get3A_1100, %get3A_1101] {strides = array<i32>} : memref<128x256xf32, #tpu.memory_space<vmem>>, vector<1x16xf32>,
        %get3A_1103 = vector.shape_cast %get3A_1102 : vector<1x16xf32> to vector<16xf32>
        %mul3A_1104 = arith.mulf %broadcast_in_dim3A_1071, %get3A_1103 : vector<16xf32>
        %add3A_1105 = arith.addf %add3A_1002, %mul3A_1104 : vector<16xf32>
        %get3A_1106 = arith.index_cast %add3A_1075 : i32 to index
        %get3A_1107 = arith.constant 80 : index
        %get3A_1108 = tpu.vector_load %arg8[%get3A_1106, %get3A_1107] {strides = array<i32>} : memref<128x256xf32, #tpu.memory_space<vmem>>, vector<1x16xf32>,
        %get3A_1109 = vector.shape_cast %get3A_1108 : vector<1x16xf32> to vector<16xf32>
        %mul3A_1110 = arith.mulf %broadcast_in_dim3A_1071, %get3A_1109 : vector<16xf32>
        %add3A_1111 = arith.addf %add3A_1008, %mul3A_1110 : vector<16xf32>
        %get3A_1112 = arith.index_cast %add3A_1075 : i32 to index
        %get3A_1113 = arith.constant 96 : index
        %get3A_1114 = tpu.vector_load %arg8[%get3A_1112, %get3A_1113] {strides = array<i32>} : memref<128x256xf32, #tpu.memory_space<vmem>>, vector<1x16xf32>,
        %get3A_1115 = vector.shape_cast %get3A_1114 : vector<1x16xf32> to vector<16xf32>
        %mul3A_1116 = arith.mulf %broadcast_in_dim3A_1071, %get3A_1115 : vector<16xf32>
        %add3A_1117 = arith.addf %add3A_1014, %mul3A_1116 : vector<16xf32>
        %get3A_1118 = arith.index_cast %add3A_1075 : i32 to index
        %get3A_1119 = arith.constant 112 : index
        %get3A_1120 = tpu.vector_load %arg8[%get3A_1118, %get3A_1119] {strides = array<i32>} : memref<128x256xf32, #tpu.memory_space<vmem>>, vector<1x16xf32>,
        %get3A_1121 = vector.shape_cast %get3A_1120 : vector<1x16xf32> to vector<16xf32>
        %mul3A_1122 = arith.mulf %broadcast_in_dim3A_1071, %get3A_1121 : vector<16xf32>
        %add3A_1123 = arith.addf %add3A_1020, %mul3A_1122 : vector<16xf32>
        %get3A_1124 = arith.index_cast %add3A_1075 : i32 to index
        %get3A_1125 = arith.constant 128 : index
        %get3A_1126 = tpu.vector_load %arg8[%get3A_1124, %get3A_1125] {strides = array<i32>} : memref<128x256xf32, #tpu.memory_space<vmem>>, vector<1x16xf32>,
        %get3A_1127 = vector.shape_cast %get3A_1126 : vector<1x16xf32> to vector<16xf32>
        %mul3A_1128 = arith.mulf %broadcast_in_dim3A_1071, %get3A_1127 : vector<16xf32>
        %add3A_1129 = arith.addf %add3A_1026, %mul3A_1128 : vector<16xf32>
        %get3A_1130 = arith.index_cast %add3A_1075 : i32 to index
        %get3A_1131 = arith.constant 144 : index
        %get3A_1132 = tpu.vector_load %arg8[%get3A_1130, %get3A_1131] {strides = array<i32>} : memref<128x256xf32, #tpu.memory_space<vmem>>, vector<1x16xf32>,
        %get3A_1133 = vector.shape_cast %get3A_1132 : vector<1x16xf32> to vector<16xf32>
        %mul3A_1134 = arith.mulf %broadcast_in_dim3A_1071, %get3A_1133 : vector<16xf32>
        %add3A_1135 = arith.addf %add3A_1032, %mul3A_1134 : vector<16xf32>
        %get3A_1136 = arith.index_cast %add3A_1075 : i32 to index
        %get3A_1137 = arith.constant 160 : index
        %get3A_1138 = tpu.vector_load %arg8[%get3A_1136, %get3A_1137] {strides = array<i32>} : memref<128x256xf32, #tpu.memory_space<vmem>>, vector<1x16xf32>,
        %get3A_1139 = vector.shape_cast %get3A_1138 : vector<1x16xf32> to vector<16xf32>
        %mul3A_1140 = arith.mulf %broadcast_in_dim3A_1071, %get3A_1139 : vector<16xf32>
        %add3A_1141 = arith.addf %add3A_1038, %mul3A_1140 : vector<16xf32>
        %get3A_1142 = arith.index_cast %add3A_1075 : i32 to index
        %get3A_1143 = arith.constant 176 : index
        %get3A_1144 = tpu.vector_load %arg8[%get3A_1142, %get3A_1143] {strides = array<i32>} : memref<128x256xf32, #tpu.memory_space<vmem>>, vector<1x16xf32>,
        %get3A_1145 = vector.shape_cast %get3A_1144 : vector<1x16xf32> to vector<16xf32>
        %mul3A_1146 = arith.mulf %broadcast_in_dim3A_1071, %get3A_1145 : vector<16xf32>
        %add3A_1147 = arith.addf %add3A_1044, %mul3A_1146 : vector<16xf32>
        %get3A_1148 = arith.index_cast %add3A_1075 : i32 to index
        %get3A_1149 = arith.constant 192 : index
        %get3A_1150 = tpu.vector_load %arg8[%get3A_1148, %get3A_1149] {strides = array<i32>} : memref<128x256xf32, #tpu.memory_space<vmem>>, vector<1x16xf32>,
        %get3A_1151 = vector.shape_cast %get3A_1150 : vector<1x16xf32> to vector<16xf32>
        %mul3A_1152 = arith.mulf %broadcast_in_dim3A_1071, %get3A_1151 : vector<16xf32>
        %add3A_1153 = arith.addf %add3A_1050, %mul3A_1152 : vector<16xf32>
        %get3A_1154 = arith.index_cast %add3A_1075 : i32 to index
        %get3A_1155 = arith.constant 208 : index
        %get3A_1156 = tpu.vector_load %arg8[%get3A_1154, %get3A_1155] {strides = array<i32>} : memref<128x256xf32, #tpu.memory_space<vmem>>, vector<1x16xf32>,
        %get3A_1157 = vector.shape_cast %get3A_1156 : vector<1x16xf32> to vector<16xf32>
        %mul3A_1158 = arith.mulf %broadcast_in_dim3A_1071, %get3A_1157 : vector<16xf32>
        %add3A_1159 = arith.addf %add3A_1056, %mul3A_1158 : vector<16xf32>
        %get3A_1160 = arith.index_cast %add3A_1075 : i32 to index
        %get3A_1161 = arith.constant 224 : index
        %get3A_1162 = tpu.vector_load %arg8[%get3A_1160, %get3A_1161] {strides = array<i32>} : memref<128x256xf32, #tpu.memory_space<vmem>>, vector<1x16xf32>,
        %get3A_1163 = vector.shape_cast %get3A_1162 : vector<1x16xf32> to vector<16xf32>
        %mul3A_1164 = arith.mulf %broadcast_in_dim3A_1071, %get3A_1163 : vector<16xf32>
        %add3A_1165 = arith.addf %add3A_1062, %mul3A_1164 : vector<16xf32>
        %get3A_1166 = arith.index_cast %add3A_1075 : i32 to index
        %get3A_1167 = arith.constant 240 : index
        %get3A_1168 = tpu.vector_load %arg8[%get3A_1166, %get3A_1167] {strides = array<i32>} : memref<128x256xf32, #tpu.memory_space<vmem>>, vector<1x16xf32>,
        %get3A_1169 = vector.shape_cast %get3A_1168 : vector<1x16xf32> to vector<16xf32>
        %mul3A_1170 = arith.mulf %broadcast_in_dim3A_1071, %get3A_1169 : vector<16xf32>
        %add3A_1171 = arith.addf %add3A_1068, %mul3A_1170 : vector<16xf32>
        %slice3A_1172 = vector.extract_strided_slice %get3A_112 {offsets = [10], sizes = [1], strides = [1]} : vector<16xf32> to vector<1xf32>
        %squeeze3A_1173 = vector.extract %slice3A_1172[0] : f32 from vector<1xf32>
        %broadcast_in_dim3A_1174 = vector.broadcast %squeeze3A_1173 : f32 to vector<16xf32>
        %mul3A_1175 = arith.constant 16 : i32
        %mul3A_1176 = arith.muli %scan3A_104, %mul3A_1175 : i32
        %add3A_1177 = arith.constant 10 : i32
        %add3A_1178 = arith.addi %mul3A_1176, %add3A_1177 : i32
        %get3A_1179 = arith.index_cast %add3A_1178 : i32 to index
        %get3A_1180 = arith.constant 0 : index
        %get3A_1181 = tpu.vector_load %arg8[%get3A_1179, %get3A_1180] {strides = array<i32>} : memref<128x256xf32, #tpu.memory_space<vmem>>, vector<1x16xf32>,
        %get3A_1182 = vector.shape_cast %get3A_1181 : vector<1x16xf32> to vector<16xf32>
        %mul3A_1183 = arith.mulf %broadcast_in_dim3A_1174, %get3A_1182 : vector<16xf32>
        %add3A_1184 = arith.addf %add3A_1081, %mul3A_1183 : vector<16xf32>
        %get3A_1185 = arith.index_cast %add3A_1178 : i32 to index
        %get3A_1186 = arith.constant 16 : index
        %get3A_1187 = tpu.vector_load %arg8[%get3A_1185, %get3A_1186] {strides = array<i32>} : memref<128x256xf32, #tpu.memory_space<vmem>>, vector<1x16xf32>,
        %get3A_1188 = vector.shape_cast %get3A_1187 : vector<1x16xf32> to vector<16xf32>
        %mul3A_1189 = arith.mulf %broadcast_in_dim3A_1174, %get3A_1188 : vector<16xf32>
        %add3A_1190 = arith.addf %add3A_1087, %mul3A_1189 : vector<16xf32>
        %get3A_1191 = arith.index_cast %add3A_1178 : i32 to index
        %get3A_1192 = arith.constant 32 : index
        %get3A_1193 = tpu.vector_load %arg8[%get3A_1191, %get3A_1192] {strides = array<i32>} : memref<128x256xf32, #tpu.memory_space<vmem>>, vector<1x16xf32>,
        %get3A_1194 = vector.shape_cast %get3A_1193 : vector<1x16xf32> to vector<16xf32>
        %mul3A_1195 = arith.mulf %broadcast_in_dim3A_1174, %get3A_1194 : vector<16xf32>
        %add3A_1196 = arith.addf %add3A_1093, %mul3A_1195 : vector<16xf32>
        %get3A_1197 = arith.index_cast %add3A_1178 : i32 to index
        %get3A_1198 = arith.constant 48 : index
        %get3A_1199 = tpu.vector_load %arg8[%get3A_1197, %get3A_1198] {strides = array<i32>} : memref<128x256xf32, #tpu.memory_space<vmem>>, vector<1x16xf32>,
        %get3A_1200 = vector.shape_cast %get3A_1199 : vector<1x16xf32> to vector<16xf32>
        %mul3A_1201 = arith.mulf %broadcast_in_dim3A_1174, %get3A_1200 : vector<16xf32>
        %add3A_1202 = arith.addf %add3A_1099, %mul3A_1201 : vector<16xf32>
        %get3A_1203 = arith.index_cast %add3A_1178 : i32 to index
        %get3A_1204 = arith.constant 64 : index
        %get3A_1205 = tpu.vector_load %arg8[%get3A_1203, %get3A_1204] {strides = array<i32>} : memref<128x256xf32, #tpu.memory_space<vmem>>, vector<1x16xf32>,
        %get3A_1206 = vector.shape_cast %get3A_1205 : vector<1x16xf32> to vector<16xf32>
        %mul3A_1207 = arith.mulf %broadcast_in_dim3A_1174, %get3A_1206 : vector<16xf32>
        %add3A_1208 = arith.addf %add3A_1105, %mul3A_1207 : vector<16xf32>
        %get3A_1209 = arith.index_cast %add3A_1178 : i32 to index
        %get3A_1210 = arith.constant 80 : index
        %get3A_1211 = tpu.vector_load %arg8[%get3A_1209, %get3A_1210] {strides = array<i32>} : memref<128x256xf32, #tpu.memory_space<vmem>>, vector<1x16xf32>,
        %get3A_1212 = vector.shape_cast %get3A_1211 : vector<1x16xf32> to vector<16xf32>
        %mul3A_1213 = arith.mulf %broadcast_in_dim3A_1174, %get3A_1212 : vector<16xf32>
        %add3A_1214 = arith.addf %add3A_1111, %mul3A_1213 : vector<16xf32>
        %get3A_1215 = arith.index_cast %add3A_1178 : i32 to index
        %get3A_1216 = arith.constant 96 : index
        %get3A_1217 = tpu.vector_load %arg8[%get3A_1215, %get3A_1216] {strides = array<i32>} : memref<128x256xf32, #tpu.memory_space<vmem>>, vector<1x16xf32>,
        %get3A_1218 = vector.shape_cast %get3A_1217 : vector<1x16xf32> to vector<16xf32>
        %mul3A_1219 = arith.mulf %broadcast_in_dim3A_1174, %get3A_1218 : vector<16xf32>
        %add3A_1220 = arith.addf %add3A_1117, %mul3A_1219 : vector<16xf32>
        %get3A_1221 = arith.index_cast %add3A_1178 : i32 to index
        %get3A_1222 = arith.constant 112 : index
        %get3A_1223 = tpu.vector_load %arg8[%get3A_1221, %get3A_1222] {strides = array<i32>} : memref<128x256xf32, #tpu.memory_space<vmem>>, vector<1x16xf32>,
        %get3A_1224 = vector.shape_cast %get3A_1223 : vector<1x16xf32> to vector<16xf32>
        %mul3A_1225 = arith.mulf %broadcast_in_dim3A_1174, %get3A_1224 : vector<16xf32>
        %add3A_1226 = arith.addf %add3A_1123, %mul3A_1225 : vector<16xf32>
        %get3A_1227 = arith.index_cast %add3A_1178 : i32 to index
        %get3A_1228 = arith.constant 128 : index
        %get3A_1229 = tpu.vector_load %arg8[%get3A_1227, %get3A_1228] {strides = array<i32>} : memref<128x256xf32, #tpu.memory_space<vmem>>, vector<1x16xf32>,
        %get3A_1230 = vector.shape_cast %get3A_1229 : vector<1x16xf32> to vector<16xf32>
        %mul3A_1231 = arith.mulf %broadcast_in_dim3A_1174, %get3A_1230 : vector<16xf32>
        %add3A_1232 = arith.addf %add3A_1129, %mul3A_1231 : vector<16xf32>
        %get3A_1233 = arith.index_cast %add3A_1178 : i32 to index
        %get3A_1234 = arith.constant 144 : index
        %get3A_1235 = tpu.vector_load %arg8[%get3A_1233, %get3A_1234] {strides = array<i32>} : memref<128x256xf32, #tpu.memory_space<vmem>>, vector<1x16xf32>,
        %get3A_1236 = vector.shape_cast %get3A_1235 : vector<1x16xf32> to vector<16xf32>
        %mul3A_1237 = arith.mulf %broadcast_in_dim3A_1174, %get3A_1236 : vector<16xf32>
        %add3A_1238 = arith.addf %add3A_1135, %mul3A_1237 : vector<16xf32>
        %get3A_1239 = arith.index_cast %add3A_1178 : i32 to index
        %get3A_1240 = arith.constant 160 : index
        %get3A_1241 = tpu.vector_load %arg8[%get3A_1239, %get3A_1240] {strides = array<i32>} : memref<128x256xf32, #tpu.memory_space<vmem>>, vector<1x16xf32>,
        %get3A_1242 = vector.shape_cast %get3A_1241 : vector<1x16xf32> to vector<16xf32>
        %mul3A_1243 = arith.mulf %broadcast_in_dim3A_1174, %get3A_1242 : vector<16xf32>
        %add3A_1244 = arith.addf %add3A_1141, %mul3A_1243 : vector<16xf32>
        %get3A_1245 = arith.index_cast %add3A_1178 : i32 to index
        %get3A_1246 = arith.constant 176 : index
        %get3A_1247 = tpu.vector_load %arg8[%get3A_1245, %get3A_1246] {strides = array<i32>} : memref<128x256xf32, #tpu.memory_space<vmem>>, vector<1x16xf32>,
        %get3A_1248 = vector.shape_cast %get3A_1247 : vector<1x16xf32> to vector<16xf32>
        %mul3A_1249 = arith.mulf %broadcast_in_dim3A_1174, %get3A_1248 : vector<16xf32>
        %add3A_1250 = arith.addf %add3A_1147, %mul3A_1249 : vector<16xf32>
        %get3A_1251 = arith.index_cast %add3A_1178 : i32 to index
        %get3A_1252 = arith.constant 192 : index
        %get3A_1253 = tpu.vector_load %arg8[%get3A_1251, %get3A_1252] {strides = array<i32>} : memref<128x256xf32, #tpu.memory_space<vmem>>, vector<1x16xf32>,
        %get3A_1254 = vector.shape_cast %get3A_1253 : vector<1x16xf32> to vector<16xf32>
        %mul3A_1255 = arith.mulf %broadcast_in_dim3A_1174, %get3A_1254 : vector<16xf32>
        %add3A_1256 = arith.addf %add3A_1153, %mul3A_1255 : vector<16xf32>
        %get3A_1257 = arith.index_cast %add3A_1178 : i32 to index
        %get3A_1258 = arith.constant 208 : index
        %get3A_1259 = tpu.vector_load %arg8[%get3A_1257, %get3A_1258] {strides = array<i32>} : memref<128x256xf32, #tpu.memory_space<vmem>>, vector<1x16xf32>,
        %get3A_1260 = vector.shape_cast %get3A_1259 : vector<1x16xf32> to vector<16xf32>
        %mul3A_1261 = arith.mulf %broadcast_in_dim3A_1174, %get3A_1260 : vector<16xf32>
        %add3A_1262 = arith.addf %add3A_1159, %mul3A_1261 : vector<16xf32>
        %get3A_1263 = arith.index_cast %add3A_1178 : i32 to index
        %get3A_1264 = arith.constant 224 : index
        %get3A_1265 = tpu.vector_load %arg8[%get3A_1263, %get3A_1264] {strides = array<i32>} : memref<128x256xf32, #tpu.memory_space<vmem>>, vector<1x16xf32>,
        %get3A_1266 = vector.shape_cast %get3A_1265 : vector<1x16xf32> to vector<16xf32>
        %mul3A_1267 = arith.mulf %broadcast_in_dim3A_1174, %get3A_1266 : vector<16xf32>
        %add3A_1268 = arith.addf %add3A_1165, %mul3A_1267 : vector<16xf32>
        %get3A_1269 = arith.index_cast %add3A_1178 : i32 to index
        %get3A_1270 = arith.constant 240 : index
        %get3A_1271 = tpu.vector_load %arg8[%get3A_1269, %get3A_1270] {strides = array<i32>} : memref<128x256xf32, #tpu.memory_space<vmem>>, vector<1x16xf32>,
        %get3A_1272 = vector.shape_cast %get3A_1271 : vector<1x16xf32> to vector<16xf32>
        %mul3A_1273 = arith.mulf %broadcast_in_dim3A_1174, %get3A_1272 : vector<16xf32>
        %add3A_1274 = arith.addf %add3A_1171, %mul3A_1273 : vector<16xf32>
        %slice3A_1275 = vector.extract_strided_slice %get3A_112 {offsets = [11], sizes = [1], strides = [1]} : vector<16xf32> to vector<1xf32>
        %squeeze3A_1276 = vector.extract %slice3A_1275[0] : f32 from vector<1xf32>
        %broadcast_in_dim3A_1277 = vector.broadcast %squeeze3A_1276 : f32 to vector<16xf32>
        %mul3A_1278 = arith.constant 16 : i32
        %mul3A_1279 = arith.muli %scan3A_104, %mul3A_1278 : i32
        %add3A_1280 = arith.constant 11 : i32
        %add3A_1281 = arith.addi %mul3A_1279, %add3A_1280 : i32
        %get3A_1282 = arith.index_cast %add3A_1281 : i32 to index
        %get3A_1283 = arith.constant 0 : index
        %get3A_1284 = tpu.vector_load %arg8[%get3A_1282, %get3A_1283] {strides = array<i32>} : memref<128x256xf32, #tpu.memory_space<vmem>>, vector<1x16xf32>,
        %get3A_1285 = vector.shape_cast %get3A_1284 : vector<1x16xf32> to vector<16xf32>
        %mul3A_1286 = arith.mulf %broadcast_in_dim3A_1277, %get3A_1285 : vector<16xf32>
        %add3A_1287 = arith.addf %add3A_1184, %mul3A_1286 : vector<16xf32>
        %get3A_1288 = arith.index_cast %add3A_1281 : i32 to index
        %get3A_1289 = arith.constant 16 : index
        %get3A_1290 = tpu.vector_load %arg8[%get3A_1288, %get3A_1289] {strides = array<i32>} : memref<128x256xf32, #tpu.memory_space<vmem>>, vector<1x16xf32>,
        %get3A_1291 = vector.shape_cast %get3A_1290 : vector<1x16xf32> to vector<16xf32>
        %mul3A_1292 = arith.mulf %broadcast_in_dim3A_1277, %get3A_1291 : vector<16xf32>
        %add3A_1293 = arith.addf %add3A_1190, %mul3A_1292 : vector<16xf32>
        %get3A_1294 = arith.index_cast %add3A_1281 : i32 to index
        %get3A_1295 = arith.constant 32 : index
        %get3A_1296 = tpu.vector_load %arg8[%get3A_1294, %get3A_1295] {strides = array<i32>} : memref<128x256xf32, #tpu.memory_space<vmem>>, vector<1x16xf32>,
        %get3A_1297 = vector.shape_cast %get3A_1296 : vector<1x16xf32> to vector<16xf32>
        %mul3A_1298 = arith.mulf %broadcast_in_dim3A_1277, %get3A_1297 : vector<16xf32>
        %add3A_1299 = arith.addf %add3A_1196, %mul3A_1298 : vector<16xf32>
        %get3A_1300 = arith.index_cast %add3A_1281 : i32 to index
        %get3A_1301 = arith.constant 48 : index
        %get3A_1302 = tpu.vector_load %arg8[%get3A_1300, %get3A_1301] {strides = array<i32>} : memref<128x256xf32, #tpu.memory_space<vmem>>, vector<1x16xf32>,
        %get3A_1303 = vector.shape_cast %get3A_1302 : vector<1x16xf32> to vector<16xf32>
        %mul3A_1304 = arith.mulf %broadcast_in_dim3A_1277, %get3A_1303 : vector<16xf32>
        %add3A_1305 = arith.addf %add3A_1202, %mul3A_1304 : vector<16xf32>
        %get3A_1306 = arith.index_cast %add3A_1281 : i32 to index
        %get3A_1307 = arith.constant 64 : index
        %get3A_1308 = tpu.vector_load %arg8[%get3A_1306, %get3A_1307] {strides = array<i32>} : memref<128x256xf32, #tpu.memory_space<vmem>>, vector<1x16xf32>,
        %get3A_1309 = vector.shape_cast %get3A_1308 : vector<1x16xf32> to vector<16xf32>
        %mul3A_1310 = arith.mulf %broadcast_in_dim3A_1277, %get3A_1309 : vector<16xf32>
        %add3A_1311 = arith.addf %add3A_1208, %mul3A_1310 : vector<16xf32>
        %get3A_1312 = arith.index_cast %add3A_1281 : i32 to index
        %get3A_1313 = arith.constant 80 : index
        %get3A_1314 = tpu.vector_load %arg8[%get3A_1312, %get3A_1313] {strides = array<i32>} : memref<128x256xf32, #tpu.memory_space<vmem>>, vector<1x16xf32>,
        %get3A_1315 = vector.shape_cast %get3A_1314 : vector<1x16xf32> to vector<16xf32>
        %mul3A_1316 = arith.mulf %broadcast_in_dim3A_1277, %get3A_1315 : vector<16xf32>
        %add3A_1317 = arith.addf %add3A_1214, %mul3A_1316 : vector<16xf32>
        %get3A_1318 = arith.index_cast %add3A_1281 : i32 to index
        %get3A_1319 = arith.constant 96 : index
        %get3A_1320 = tpu.vector_load %arg8[%get3A_1318, %get3A_1319] {strides = array<i32>} : memref<128x256xf32, #tpu.memory_space<vmem>>, vector<1x16xf32>,
        %get3A_1321 = vector.shape_cast %get3A_1320 : vector<1x16xf32> to vector<16xf32>
        %mul3A_1322 = arith.mulf %broadcast_in_dim3A_1277, %get3A_1321 : vector<16xf32>
        %add3A_1323 = arith.addf %add3A_1220, %mul3A_1322 : vector<16xf32>
        %get3A_1324 = arith.index_cast %add3A_1281 : i32 to index
        %get3A_1325 = arith.constant 112 : index
        %get3A_1326 = tpu.vector_load %arg8[%get3A_1324, %get3A_1325] {strides = array<i32>} : memref<128x256xf32, #tpu.memory_space<vmem>>, vector<1x16xf32>,
        %get3A_1327 = vector.shape_cast %get3A_1326 : vector<1x16xf32> to vector<16xf32>
        %mul3A_1328 = arith.mulf %broadcast_in_dim3A_1277, %get3A_1327 : vector<16xf32>
        %add3A_1329 = arith.addf %add3A_1226, %mul3A_1328 : vector<16xf32>
        %get3A_1330 = arith.index_cast %add3A_1281 : i32 to index
        %get3A_1331 = arith.constant 128 : index
        %get3A_1332 = tpu.vector_load %arg8[%get3A_1330, %get3A_1331] {strides = array<i32>} : memref<128x256xf32, #tpu.memory_space<vmem>>, vector<1x16xf32>,
        %get3A_1333 = vector.shape_cast %get3A_1332 : vector<1x16xf32> to vector<16xf32>
        %mul3A_1334 = arith.mulf %broadcast_in_dim3A_1277, %get3A_1333 : vector<16xf32>
        %add3A_1335 = arith.addf %add3A_1232, %mul3A_1334 : vector<16xf32>
        %get3A_1336 = arith.index_cast %add3A_1281 : i32 to index
        %get3A_1337 = arith.constant 144 : index
        %get3A_1338 = tpu.vector_load %arg8[%get3A_1336, %get3A_1337] {strides = array<i32>} : memref<128x256xf32, #tpu.memory_space<vmem>>, vector<1x16xf32>,
        %get3A_1339 = vector.shape_cast %get3A_1338 : vector<1x16xf32> to vector<16xf32>
        %mul3A_1340 = arith.mulf %broadcast_in_dim3A_1277, %get3A_1339 : vector<16xf32>
        %add3A_1341 = arith.addf %add3A_1238, %mul3A_1340 : vector<16xf32>
        %get3A_1342 = arith.index_cast %add3A_1281 : i32 to index
        %get3A_1343 = arith.constant 160 : index
        %get3A_1344 = tpu.vector_load %arg8[%get3A_1342, %get3A_1343] {strides = array<i32>} : memref<128x256xf32, #tpu.memory_space<vmem>>, vector<1x16xf32>,
        %get3A_1345 = vector.shape_cast %get3A_1344 : vector<1x16xf32> to vector<16xf32>
        %mul3A_1346 = arith.mulf %broadcast_in_dim3A_1277, %get3A_1345 : vector<16xf32>
        %add3A_1347 = arith.addf %add3A_1244, %mul3A_1346 : vector<16xf32>
        %get3A_1348 = arith.index_cast %add3A_1281 : i32 to index
        %get3A_1349 = arith.constant 176 : index
        %get3A_1350 = tpu.vector_load %arg8[%get3A_1348, %get3A_1349] {strides = array<i32>} : memref<128x256xf32, #tpu.memory_space<vmem>>, vector<1x16xf32>,
        %get3A_1351 = vector.shape_cast %get3A_1350 : vector<1x16xf32> to vector<16xf32>
        %mul3A_1352 = arith.mulf %broadcast_in_dim3A_1277, %get3A_1351 : vector<16xf32>
        %add3A_1353 = arith.addf %add3A_1250, %mul3A_1352 : vector<16xf32>
        %get3A_1354 = arith.index_cast %add3A_1281 : i32 to index
        %get3A_1355 = arith.constant 192 : index
        %get3A_1356 = tpu.vector_load %arg8[%get3A_1354, %get3A_1355] {strides = array<i32>} : memref<128x256xf32, #tpu.memory_space<vmem>>, vector<1x16xf32>,
        %get3A_1357 = vector.shape_cast %get3A_1356 : vector<1x16xf32> to vector<16xf32>
        %mul3A_1358 = arith.mulf %broadcast_in_dim3A_1277, %get3A_1357 : vector<16xf32>
        %add3A_1359 = arith.addf %add3A_1256, %mul3A_1358 : vector<16xf32>
        %get3A_1360 = arith.index_cast %add3A_1281 : i32 to index
        %get3A_1361 = arith.constant 208 : index
        %get3A_1362 = tpu.vector_load %arg8[%get3A_1360, %get3A_1361] {strides = array<i32>} : memref<128x256xf32, #tpu.memory_space<vmem>>, vector<1x16xf32>,
        %get3A_1363 = vector.shape_cast %get3A_1362 : vector<1x16xf32> to vector<16xf32>
        %mul3A_1364 = arith.mulf %broadcast_in_dim3A_1277, %get3A_1363 : vector<16xf32>
        %add3A_1365 = arith.addf %add3A_1262, %mul3A_1364 : vector<16xf32>
        %get3A_1366 = arith.index_cast %add3A_1281 : i32 to index
        %get3A_1367 = arith.constant 224 : index
        %get3A_1368 = tpu.vector_load %arg8[%get3A_1366, %get3A_1367] {strides = array<i32>} : memref<128x256xf32, #tpu.memory_space<vmem>>, vector<1x16xf32>,
        %get3A_1369 = vector.shape_cast %get3A_1368 : vector<1x16xf32> to vector<16xf32>
        %mul3A_1370 = arith.mulf %broadcast_in_dim3A_1277, %get3A_1369 : vector<16xf32>
        %add3A_1371 = arith.addf %add3A_1268, %mul3A_1370 : vector<16xf32>
        %get3A_1372 = arith.index_cast %add3A_1281 : i32 to index
        %get3A_1373 = arith.constant 240 : index
        %get3A_1374 = tpu.vector_load %arg8[%get3A_1372, %get3A_1373] {strides = array<i32>} : memref<128x256xf32, #tpu.memory_space<vmem>>, vector<1x16xf32>,
        %get3A_1375 = vector.shape_cast %get3A_1374 : vector<1x16xf32> to vector<16xf32>
        %mul3A_1376 = arith.mulf %broadcast_in_dim3A_1277, %get3A_1375 : vector<16xf32>
        %add3A_1377 = arith.addf %add3A_1274, %mul3A_1376 : vector<16xf32>
        %slice3A_1378 = vector.extract_strided_slice %get3A_112 {offsets = [12], sizes = [1], strides = [1]} : vector<16xf32> to vector<1xf32>
        %squeeze3A_1379 = vector.extract %slice3A_1378[0] : f32 from vector<1xf32>
        %broadcast_in_dim3A_1380 = vector.broadcast %squeeze3A_1379 : f32 to vector<16xf32>
        %mul3A_1381 = arith.constant 16 : i32
        %mul3A_1382 = arith.muli %scan3A_104, %mul3A_1381 : i32
        %add3A_1383 = arith.constant 12 : i32
        %add3A_1384 = arith.addi %mul3A_1382, %add3A_1383 : i32
        %get3A_1385 = arith.index_cast %add3A_1384 : i32 to index
        %get3A_1386 = arith.constant 0 : index
        %get3A_1387 = tpu.vector_load %arg8[%get3A_1385, %get3A_1386] {strides = array<i32>} : memref<128x256xf32, #tpu.memory_space<vmem>>, vector<1x16xf32>,
        %get3A_1388 = vector.shape_cast %get3A_1387 : vector<1x16xf32> to vector<16xf32>
        %mul3A_1389 = arith.mulf %broadcast_in_dim3A_1380, %get3A_1388 : vector<16xf32>
        %add3A_1390 = arith.addf %add3A_1287, %mul3A_1389 : vector<16xf32>
        %get3A_1391 = arith.index_cast %add3A_1384 : i32 to index
        %get3A_1392 = arith.constant 16 : index
        %get3A_1393 = tpu.vector_load %arg8[%get3A_1391, %get3A_1392] {strides = array<i32>} : memref<128x256xf32, #tpu.memory_space<vmem>>, vector<1x16xf32>,
        %get3A_1394 = vector.shape_cast %get3A_1393 : vector<1x16xf32> to vector<16xf32>
        %mul3A_1395 = arith.mulf %broadcast_in_dim3A_1380, %get3A_1394 : vector<16xf32>
        %add3A_1396 = arith.addf %add3A_1293, %mul3A_1395 : vector<16xf32>
        %get3A_1397 = arith.index_cast %add3A_1384 : i32 to index
        %get3A_1398 = arith.constant 32 : index
        %get3A_1399 = tpu.vector_load %arg8[%get3A_1397, %get3A_1398] {strides = array<i32>} : memref<128x256xf32, #tpu.memory_space<vmem>>, vector<1x16xf32>,
        %get3A_1400 = vector.shape_cast %get3A_1399 : vector<1x16xf32> to vector<16xf32>
        %mul3A_1401 = arith.mulf %broadcast_in_dim3A_1380, %get3A_1400 : vector<16xf32>
        %add3A_1402 = arith.addf %add3A_1299, %mul3A_1401 : vector<16xf32>
        %get3A_1403 = arith.index_cast %add3A_1384 : i32 to index
        %get3A_1404 = arith.constant 48 : index
        %get3A_1405 = tpu.vector_load %arg8[%get3A_1403, %get3A_1404] {strides = array<i32>} : memref<128x256xf32, #tpu.memory_space<vmem>>, vector<1x16xf32>,
        %get3A_1406 = vector.shape_cast %get3A_1405 : vector<1x16xf32> to vector<16xf32>
        %mul3A_1407 = arith.mulf %broadcast_in_dim3A_1380, %get3A_1406 : vector<16xf32>
        %add3A_1408 = arith.addf %add3A_1305, %mul3A_1407 : vector<16xf32>
        %get3A_1409 = arith.index_cast %add3A_1384 : i32 to index
        %get3A_1410 = arith.constant 64 : index
        %get3A_1411 = tpu.vector_load %arg8[%get3A_1409, %get3A_1410] {strides = array<i32>} : memref<128x256xf32, #tpu.memory_space<vmem>>, vector<1x16xf32>,
        %get3A_1412 = vector.shape_cast %get3A_1411 : vector<1x16xf32> to vector<16xf32>
        %mul3A_1413 = arith.mulf %broadcast_in_dim3A_1380, %get3A_1412 : vector<16xf32>
        %add3A_1414 = arith.addf %add3A_1311, %mul3A_1413 : vector<16xf32>
        %get3A_1415 = arith.index_cast %add3A_1384 : i32 to index
        %get3A_1416 = arith.constant 80 : index
        %get3A_1417 = tpu.vector_load %arg8[%get3A_1415, %get3A_1416] {strides = array<i32>} : memref<128x256xf32, #tpu.memory_space<vmem>>, vector<1x16xf32>,
        %get3A_1418 = vector.shape_cast %get3A_1417 : vector<1x16xf32> to vector<16xf32>
        %mul3A_1419 = arith.mulf %broadcast_in_dim3A_1380, %get3A_1418 : vector<16xf32>
        %add3A_1420 = arith.addf %add3A_1317, %mul3A_1419 : vector<16xf32>
        %get3A_1421 = arith.index_cast %add3A_1384 : i32 to index
        %get3A_1422 = arith.constant 96 : index
        %get3A_1423 = tpu.vector_load %arg8[%get3A_1421, %get3A_1422] {strides = array<i32>} : memref<128x256xf32, #tpu.memory_space<vmem>>, vector<1x16xf32>,
        %get3A_1424 = vector.shape_cast %get3A_1423 : vector<1x16xf32> to vector<16xf32>
        %mul3A_1425 = arith.mulf %broadcast_in_dim3A_1380, %get3A_1424 : vector<16xf32>
        %add3A_1426 = arith.addf %add3A_1323, %mul3A_1425 : vector<16xf32>
        %get3A_1427 = arith.index_cast %add3A_1384 : i32 to index
        %get3A_1428 = arith.constant 112 : index
        %get3A_1429 = tpu.vector_load %arg8[%get3A_1427, %get3A_1428] {strides = array<i32>} : memref<128x256xf32, #tpu.memory_space<vmem>>, vector<1x16xf32>,
        %get3A_1430 = vector.shape_cast %get3A_1429 : vector<1x16xf32> to vector<16xf32>
        %mul3A_1431 = arith.mulf %broadcast_in_dim3A_1380, %get3A_1430 : vector<16xf32>
        %add3A_1432 = arith.addf %add3A_1329, %mul3A_1431 : vector<16xf32>
        %get3A_1433 = arith.index_cast %add3A_1384 : i32 to index
        %get3A_1434 = arith.constant 128 : index
        %get3A_1435 = tpu.vector_load %arg8[%get3A_1433, %get3A_1434] {strides = array<i32>} : memref<128x256xf32, #tpu.memory_space<vmem>>, vector<1x16xf32>,
        %get3A_1436 = vector.shape_cast %get3A_1435 : vector<1x16xf32> to vector<16xf32>
        %mul3A_1437 = arith.mulf %broadcast_in_dim3A_1380, %get3A_1436 : vector<16xf32>
        %add3A_1438 = arith.addf %add3A_1335, %mul3A_1437 : vector<16xf32>
        %get3A_1439 = arith.index_cast %add3A_1384 : i32 to index
        %get3A_1440 = arith.constant 144 : index
        %get3A_1441 = tpu.vector_load %arg8[%get3A_1439, %get3A_1440] {strides = array<i32>} : memref<128x256xf32, #tpu.memory_space<vmem>>, vector<1x16xf32>,
        %get3A_1442 = vector.shape_cast %get3A_1441 : vector<1x16xf32> to vector<16xf32>
        %mul3A_1443 = arith.mulf %broadcast_in_dim3A_1380, %get3A_1442 : vector<16xf32>
        %add3A_1444 = arith.addf %add3A_1341, %mul3A_1443 : vector<16xf32>
        %get3A_1445 = arith.index_cast %add3A_1384 : i32 to index
        %get3A_1446 = arith.constant 160 : index
        %get3A_1447 = tpu.vector_load %arg8[%get3A_1445, %get3A_1446] {strides = array<i32>} : memref<128x256xf32, #tpu.memory_space<vmem>>, vector<1x16xf32>,
        %get3A_1448 = vector.shape_cast %get3A_1447 : vector<1x16xf32> to vector<16xf32>
        %mul3A_1449 = arith.mulf %broadcast_in_dim3A_1380, %get3A_1448 : vector<16xf32>
        %add3A_1450 = arith.addf %add3A_1347, %mul3A_1449 : vector<16xf32>
        %get3A_1451 = arith.index_cast %add3A_1384 : i32 to index
        %get3A_1452 = arith.constant 176 : index
        %get3A_1453 = tpu.vector_load %arg8[%get3A_1451, %get3A_1452] {strides = array<i32>} : memref<128x256xf32, #tpu.memory_space<vmem>>, vector<1x16xf32>,
        %get3A_1454 = vector.shape_cast %get3A_1453 : vector<1x16xf32> to vector<16xf32>
        %mul3A_1455 = arith.mulf %broadcast_in_dim3A_1380, %get3A_1454 : vector<16xf32>
        %add3A_1456 = arith.addf %add3A_1353, %mul3A_1455 : vector<16xf32>
        %get3A_1457 = arith.index_cast %add3A_1384 : i32 to index
        %get3A_1458 = arith.constant 192 : index
        %get3A_1459 = tpu.vector_load %arg8[%get3A_1457, %get3A_1458] {strides = array<i32>} : memref<128x256xf32, #tpu.memory_space<vmem>>, vector<1x16xf32>,
        %get3A_1460 = vector.shape_cast %get3A_1459 : vector<1x16xf32> to vector<16xf32>
        %mul3A_1461 = arith.mulf %broadcast_in_dim3A_1380, %get3A_1460 : vector<16xf32>
        %add3A_1462 = arith.addf %add3A_1359, %mul3A_1461 : vector<16xf32>
        %get3A_1463 = arith.index_cast %add3A_1384 : i32 to index
        %get3A_1464 = arith.constant 208 : index
        %get3A_1465 = tpu.vector_load %arg8[%get3A_1463, %get3A_1464] {strides = array<i32>} : memref<128x256xf32, #tpu.memory_space<vmem>>, vector<1x16xf32>,
        %get3A_1466 = vector.shape_cast %get3A_1465 : vector<1x16xf32> to vector<16xf32>
        %mul3A_1467 = arith.mulf %broadcast_in_dim3A_1380, %get3A_1466 : vector<16xf32>
        %add3A_1468 = arith.addf %add3A_1365, %mul3A_1467 : vector<16xf32>
        %get3A_1469 = arith.index_cast %add3A_1384 : i32 to index
        %get3A_1470 = arith.constant 224 : index
        %get3A_1471 = tpu.vector_load %arg8[%get3A_1469, %get3A_1470] {strides = array<i32>} : memref<128x256xf32, #tpu.memory_space<vmem>>, vector<1x16xf32>,
        %get3A_1472 = vector.shape_cast %get3A_1471 : vector<1x16xf32> to vector<16xf32>
        %mul3A_1473 = arith.mulf %broadcast_in_dim3A_1380, %get3A_1472 : vector<16xf32>
        %add3A_1474 = arith.addf %add3A_1371, %mul3A_1473 : vector<16xf32>
        %get3A_1475 = arith.index_cast %add3A_1384 : i32 to index
        %get3A_1476 = arith.constant 240 : index
        %get3A_1477 = tpu.vector_load %arg8[%get3A_1475, %get3A_1476] {strides = array<i32>} : memref<128x256xf32, #tpu.memory_space<vmem>>, vector<1x16xf32>,
        %get3A_1478 = vector.shape_cast %get3A_1477 : vector<1x16xf32> to vector<16xf32>
        %mul3A_1479 = arith.mulf %broadcast_in_dim3A_1380, %get3A_1478 : vector<16xf32>
        %add3A_1480 = arith.addf %add3A_1377, %mul3A_1479 : vector<16xf32>
        %slice3A_1481 = vector.extract_strided_slice %get3A_112 {offsets = [13], sizes = [1], strides = [1]} : vector<16xf32> to vector<1xf32>
        %squeeze3A_1482 = vector.extract %slice3A_1481[0] : f32 from vector<1xf32>
        %broadcast_in_dim3A_1483 = vector.broadcast %squeeze3A_1482 : f32 to vector<16xf32>
        %mul3A_1484 = arith.constant 16 : i32
        %mul3A_1485 = arith.muli %scan3A_104, %mul3A_1484 : i32
        %add3A_1486 = arith.constant 13 : i32
        %add3A_1487 = arith.addi %mul3A_1485, %add3A_1486 : i32
        %get3A_1488 = arith.index_cast %add3A_1487 : i32 to index
        %get3A_1489 = arith.constant 0 : index
        %get3A_1490 = tpu.vector_load %arg8[%get3A_1488, %get3A_1489] {strides = array<i32>} : memref<128x256xf32, #tpu.memory_space<vmem>>, vector<1x16xf32>,
        %get3A_1491 = vector.shape_cast %get3A_1490 : vector<1x16xf32> to vector<16xf32>
        %mul3A_1492 = arith.mulf %broadcast_in_dim3A_1483, %get3A_1491 : vector<16xf32>
        %add3A_1493 = arith.addf %add3A_1390, %mul3A_1492 : vector<16xf32>
        %get3A_1494 = arith.index_cast %add3A_1487 : i32 to index
        %get3A_1495 = arith.constant 16 : index
        %get3A_1496 = tpu.vector_load %arg8[%get3A_1494, %get3A_1495] {strides = array<i32>} : memref<128x256xf32, #tpu.memory_space<vmem>>, vector<1x16xf32>,
        %get3A_1497 = vector.shape_cast %get3A_1496 : vector<1x16xf32> to vector<16xf32>
        %mul3A_1498 = arith.mulf %broadcast_in_dim3A_1483, %get3A_1497 : vector<16xf32>
        %add3A_1499 = arith.addf %add3A_1396, %mul3A_1498 : vector<16xf32>
        %get3A_1500 = arith.index_cast %add3A_1487 : i32 to index
        %get3A_1501 = arith.constant 32 : index
        %get3A_1502 = tpu.vector_load %arg8[%get3A_1500, %get3A_1501] {strides = array<i32>} : memref<128x256xf32, #tpu.memory_space<vmem>>, vector<1x16xf32>,
        %get3A_1503 = vector.shape_cast %get3A_1502 : vector<1x16xf32> to vector<16xf32>
        %mul3A_1504 = arith.mulf %broadcast_in_dim3A_1483, %get3A_1503 : vector<16xf32>
        %add3A_1505 = arith.addf %add3A_1402, %mul3A_1504 : vector<16xf32>
        %get3A_1506 = arith.index_cast %add3A_1487 : i32 to index
        %get3A_1507 = arith.constant 48 : index
        %get3A_1508 = tpu.vector_load %arg8[%get3A_1506, %get3A_1507] {strides = array<i32>} : memref<128x256xf32, #tpu.memory_space<vmem>>, vector<1x16xf32>,
        %get3A_1509 = vector.shape_cast %get3A_1508 : vector<1x16xf32> to vector<16xf32>
        %mul3A_1510 = arith.mulf %broadcast_in_dim3A_1483, %get3A_1509 : vector<16xf32>
        %add3A_1511 = arith.addf %add3A_1408, %mul3A_1510 : vector<16xf32>
        %get3A_1512 = arith.index_cast %add3A_1487 : i32 to index
        %get3A_1513 = arith.constant 64 : index
        %get3A_1514 = tpu.vector_load %arg8[%get3A_1512, %get3A_1513] {strides = array<i32>} : memref<128x256xf32, #tpu.memory_space<vmem>>, vector<1x16xf32>,
        %get3A_1515 = vector.shape_cast %get3A_1514 : vector<1x16xf32> to vector<16xf32>
        %mul3A_1516 = arith.mulf %broadcast_in_dim3A_1483, %get3A_1515 : vector<16xf32>
        %add3A_1517 = arith.addf %add3A_1414, %mul3A_1516 : vector<16xf32>
        %get3A_1518 = arith.index_cast %add3A_1487 : i32 to index
        %get3A_1519 = arith.constant 80 : index
        %get3A_1520 = tpu.vector_load %arg8[%get3A_1518, %get3A_1519] {strides = array<i32>} : memref<128x256xf32, #tpu.memory_space<vmem>>, vector<1x16xf32>,
        %get3A_1521 = vector.shape_cast %get3A_1520 : vector<1x16xf32> to vector<16xf32>
        %mul3A_1522 = arith.mulf %broadcast_in_dim3A_1483, %get3A_1521 : vector<16xf32>
        %add3A_1523 = arith.addf %add3A_1420, %mul3A_1522 : vector<16xf32>
        %get3A_1524 = arith.index_cast %add3A_1487 : i32 to index
        %get3A_1525 = arith.constant 96 : index
        %get3A_1526 = tpu.vector_load %arg8[%get3A_1524, %get3A_1525] {strides = array<i32>} : memref<128x256xf32, #tpu.memory_space<vmem>>, vector<1x16xf32>,
        %get3A_1527 = vector.shape_cast %get3A_1526 : vector<1x16xf32> to vector<16xf32>
        %mul3A_1528 = arith.mulf %broadcast_in_dim3A_1483, %get3A_1527 : vector<16xf32>
        %add3A_1529 = arith.addf %add3A_1426, %mul3A_1528 : vector<16xf32>
        %get3A_1530 = arith.index_cast %add3A_1487 : i32 to index
        %get3A_1531 = arith.constant 112 : index
        %get3A_1532 = tpu.vector_load %arg8[%get3A_1530, %get3A_1531] {strides = array<i32>} : memref<128x256xf32, #tpu.memory_space<vmem>>, vector<1x16xf32>,
        %get3A_1533 = vector.shape_cast %get3A_1532 : vector<1x16xf32> to vector<16xf32>
        %mul3A_1534 = arith.mulf %broadcast_in_dim3A_1483, %get3A_1533 : vector<16xf32>
        %add3A_1535 = arith.addf %add3A_1432, %mul3A_1534 : vector<16xf32>
        %get3A_1536 = arith.index_cast %add3A_1487 : i32 to index
        %get3A_1537 = arith.constant 128 : index
        %get3A_1538 = tpu.vector_load %arg8[%get3A_1536, %get3A_1537] {strides = array<i32>} : memref<128x256xf32, #tpu.memory_space<vmem>>, vector<1x16xf32>,
        %get3A_1539 = vector.shape_cast %get3A_1538 : vector<1x16xf32> to vector<16xf32>
        %mul3A_1540 = arith.mulf %broadcast_in_dim3A_1483, %get3A_1539 : vector<16xf32>
        %add3A_1541 = arith.addf %add3A_1438, %mul3A_1540 : vector<16xf32>
        %get3A_1542 = arith.index_cast %add3A_1487 : i32 to index
        %get3A_1543 = arith.constant 144 : index
        %get3A_1544 = tpu.vector_load %arg8[%get3A_1542, %get3A_1543] {strides = array<i32>} : memref<128x256xf32, #tpu.memory_space<vmem>>, vector<1x16xf32>,
        %get3A_1545 = vector.shape_cast %get3A_1544 : vector<1x16xf32> to vector<16xf32>
        %mul3A_1546 = arith.mulf %broadcast_in_dim3A_1483, %get3A_1545 : vector<16xf32>
        %add3A_1547 = arith.addf %add3A_1444, %mul3A_1546 : vector<16xf32>
        %get3A_1548 = arith.index_cast %add3A_1487 : i32 to index
        %get3A_1549 = arith.constant 160 : index
        %get3A_1550 = tpu.vector_load %arg8[%get3A_1548, %get3A_1549] {strides = array<i32>} : memref<128x256xf32, #tpu.memory_space<vmem>>, vector<1x16xf32>,
        %get3A_1551 = vector.shape_cast %get3A_1550 : vector<1x16xf32> to vector<16xf32>
        %mul3A_1552 = arith.mulf %broadcast_in_dim3A_1483, %get3A_1551 : vector<16xf32>
        %add3A_1553 = arith.addf %add3A_1450, %mul3A_1552 : vector<16xf32>
        %get3A_1554 = arith.index_cast %add3A_1487 : i32 to index
        %get3A_1555 = arith.constant 176 : index
        %get3A_1556 = tpu.vector_load %arg8[%get3A_1554, %get3A_1555] {strides = array<i32>} : memref<128x256xf32, #tpu.memory_space<vmem>>, vector<1x16xf32>,
        %get3A_1557 = vector.shape_cast %get3A_1556 : vector<1x16xf32> to vector<16xf32>
        %mul3A_1558 = arith.mulf %broadcast_in_dim3A_1483, %get3A_1557 : vector<16xf32>
        %add3A_1559 = arith.addf %add3A_1456, %mul3A_1558 : vector<16xf32>
        %get3A_1560 = arith.index_cast %add3A_1487 : i32 to index
        %get3A_1561 = arith.constant 192 : index
        %get3A_1562 = tpu.vector_load %arg8[%get3A_1560, %get3A_1561] {strides = array<i32>} : memref<128x256xf32, #tpu.memory_space<vmem>>, vector<1x16xf32>,
        %get3A_1563 = vector.shape_cast %get3A_1562 : vector<1x16xf32> to vector<16xf32>
        %mul3A_1564 = arith.mulf %broadcast_in_dim3A_1483, %get3A_1563 : vector<16xf32>
        %add3A_1565 = arith.addf %add3A_1462, %mul3A_1564 : vector<16xf32>
        %get3A_1566 = arith.index_cast %add3A_1487 : i32 to index
        %get3A_1567 = arith.constant 208 : index
        %get3A_1568 = tpu.vector_load %arg8[%get3A_1566, %get3A_1567] {strides = array<i32>} : memref<128x256xf32, #tpu.memory_space<vmem>>, vector<1x16xf32>,
        %get3A_1569 = vector.shape_cast %get3A_1568 : vector<1x16xf32> to vector<16xf32>
        %mul3A_1570 = arith.mulf %broadcast_in_dim3A_1483, %get3A_1569 : vector<16xf32>
        %add3A_1571 = arith.addf %add3A_1468, %mul3A_1570 : vector<16xf32>
        %get3A_1572 = arith.index_cast %add3A_1487 : i32 to index
        %get3A_1573 = arith.constant 224 : index
        %get3A_1574 = tpu.vector_load %arg8[%get3A_1572, %get3A_1573] {strides = array<i32>} : memref<128x256xf32, #tpu.memory_space<vmem>>, vector<1x16xf32>,
        %get3A_1575 = vector.shape_cast %get3A_1574 : vector<1x16xf32> to vector<16xf32>
        %mul3A_1576 = arith.mulf %broadcast_in_dim3A_1483, %get3A_1575 : vector<16xf32>
        %add3A_1577 = arith.addf %add3A_1474, %mul3A_1576 : vector<16xf32>
        %get3A_1578 = arith.index_cast %add3A_1487 : i32 to index
        %get3A_1579 = arith.constant 240 : index
        %get3A_1580 = tpu.vector_load %arg8[%get3A_1578, %get3A_1579] {strides = array<i32>} : memref<128x256xf32, #tpu.memory_space<vmem>>, vector<1x16xf32>,
        %get3A_1581 = vector.shape_cast %get3A_1580 : vector<1x16xf32> to vector<16xf32>
        %mul3A_1582 = arith.mulf %broadcast_in_dim3A_1483, %get3A_1581 : vector<16xf32>
        %add3A_1583 = arith.addf %add3A_1480, %mul3A_1582 : vector<16xf32>
        %slice3A_1584 = vector.extract_strided_slice %get3A_112 {offsets = [14], sizes = [1], strides = [1]} : vector<16xf32> to vector<1xf32>
        %squeeze3A_1585 = vector.extract %slice3A_1584[0] : f32 from vector<1xf32>
        %broadcast_in_dim3A_1586 = vector.broadcast %squeeze3A_1585 : f32 to vector<16xf32>
        %mul3A_1587 = arith.constant 16 : i32
        %mul3A_1588 = arith.muli %scan3A_104, %mul3A_1587 : i32
        %add3A_1589 = arith.constant 14 : i32
        %add3A_1590 = arith.addi %mul3A_1588, %add3A_1589 : i32
        %get3A_1591 = arith.index_cast %add3A_1590 : i32 to index
        %get3A_1592 = arith.constant 0 : index
        %get3A_1593 = tpu.vector_load %arg8[%get3A_1591, %get3A_1592] {strides = array<i32>} : memref<128x256xf32, #tpu.memory_space<vmem>>, vector<1x16xf32>,
        %get3A_1594 = vector.shape_cast %get3A_1593 : vector<1x16xf32> to vector<16xf32>
        %mul3A_1595 = arith.mulf %broadcast_in_dim3A_1586, %get3A_1594 : vector<16xf32>
        %add3A_1596 = arith.addf %add3A_1493, %mul3A_1595 : vector<16xf32>
        %get3A_1597 = arith.index_cast %add3A_1590 : i32 to index
        %get3A_1598 = arith.constant 16 : index
        %get3A_1599 = tpu.vector_load %arg8[%get3A_1597, %get3A_1598] {strides = array<i32>} : memref<128x256xf32, #tpu.memory_space<vmem>>, vector<1x16xf32>,
        %get3A_1600 = vector.shape_cast %get3A_1599 : vector<1x16xf32> to vector<16xf32>
        %mul3A_1601 = arith.mulf %broadcast_in_dim3A_1586, %get3A_1600 : vector<16xf32>
        %add3A_1602 = arith.addf %add3A_1499, %mul3A_1601 : vector<16xf32>
        %get3A_1603 = arith.index_cast %add3A_1590 : i32 to index
        %get3A_1604 = arith.constant 32 : index
        %get3A_1605 = tpu.vector_load %arg8[%get3A_1603, %get3A_1604] {strides = array<i32>} : memref<128x256xf32, #tpu.memory_space<vmem>>, vector<1x16xf32>,
        %get3A_1606 = vector.shape_cast %get3A_1605 : vector<1x16xf32> to vector<16xf32>
        %mul3A_1607 = arith.mulf %broadcast_in_dim3A_1586, %get3A_1606 : vector<16xf32>
        %add3A_1608 = arith.addf %add3A_1505, %mul3A_1607 : vector<16xf32>
        %get3A_1609 = arith.index_cast %add3A_1590 : i32 to index
        %get3A_1610 = arith.constant 48 : index
        %get3A_1611 = tpu.vector_load %arg8[%get3A_1609, %get3A_1610] {strides = array<i32>} : memref<128x256xf32, #tpu.memory_space<vmem>>, vector<1x16xf32>,
        %get3A_1612 = vector.shape_cast %get3A_1611 : vector<1x16xf32> to vector<16xf32>
        %mul3A_1613 = arith.mulf %broadcast_in_dim3A_1586, %get3A_1612 : vector<16xf32>
        %add3A_1614 = arith.addf %add3A_1511, %mul3A_1613 : vector<16xf32>
        %get3A_1615 = arith.index_cast %add3A_1590 : i32 to index
        %get3A_1616 = arith.constant 64 : index
        %get3A_1617 = tpu.vector_load %arg8[%get3A_1615, %get3A_1616] {strides = array<i32>} : memref<128x256xf32, #tpu.memory_space<vmem>>, vector<1x16xf32>,
        %get3A_1618 = vector.shape_cast %get3A_1617 : vector<1x16xf32> to vector<16xf32>
        %mul3A_1619 = arith.mulf %broadcast_in_dim3A_1586, %get3A_1618 : vector<16xf32>
        %add3A_1620 = arith.addf %add3A_1517, %mul3A_1619 : vector<16xf32>
        %get3A_1621 = arith.index_cast %add3A_1590 : i32 to index
        %get3A_1622 = arith.constant 80 : index
        %get3A_1623 = tpu.vector_load %arg8[%get3A_1621, %get3A_1622] {strides = array<i32>} : memref<128x256xf32, #tpu.memory_space<vmem>>, vector<1x16xf32>,
        %get3A_1624 = vector.shape_cast %get3A_1623 : vector<1x16xf32> to vector<16xf32>
        %mul3A_1625 = arith.mulf %broadcast_in_dim3A_1586, %get3A_1624 : vector<16xf32>
        %add3A_1626 = arith.addf %add3A_1523, %mul3A_1625 : vector<16xf32>
        %get3A_1627 = arith.index_cast %add3A_1590 : i32 to index
        %get3A_1628 = arith.constant 96 : index
        %get3A_1629 = tpu.vector_load %arg8[%get3A_1627, %get3A_1628] {strides = array<i32>} : memref<128x256xf32, #tpu.memory_space<vmem>>, vector<1x16xf32>,
        %get3A_1630 = vector.shape_cast %get3A_1629 : vector<1x16xf32> to vector<16xf32>
        %mul3A_1631 = arith.mulf %broadcast_in_dim3A_1586, %get3A_1630 : vector<16xf32>
        %add3A_1632 = arith.addf %add3A_1529, %mul3A_1631 : vector<16xf32>
        %get3A_1633 = arith.index_cast %add3A_1590 : i32 to index
        %get3A_1634 = arith.constant 112 : index
        %get3A_1635 = tpu.vector_load %arg8[%get3A_1633, %get3A_1634] {strides = array<i32>} : memref<128x256xf32, #tpu.memory_space<vmem>>, vector<1x16xf32>,
        %get3A_1636 = vector.shape_cast %get3A_1635 : vector<1x16xf32> to vector<16xf32>
        %mul3A_1637 = arith.mulf %broadcast_in_dim3A_1586, %get3A_1636 : vector<16xf32>
        %add3A_1638 = arith.addf %add3A_1535, %mul3A_1637 : vector<16xf32>
        %get3A_1639 = arith.index_cast %add3A_1590 : i32 to index
        %get3A_1640 = arith.constant 128 : index
        %get3A_1641 = tpu.vector_load %arg8[%get3A_1639, %get3A_1640] {strides = array<i32>} : memref<128x256xf32, #tpu.memory_space<vmem>>, vector<1x16xf32>,
        %get3A_1642 = vector.shape_cast %get3A_1641 : vector<1x16xf32> to vector<16xf32>
        %mul3A_1643 = arith.mulf %broadcast_in_dim3A_1586, %get3A_1642 : vector<16xf32>
        %add3A_1644 = arith.addf %add3A_1541, %mul3A_1643 : vector<16xf32>
        %get3A_1645 = arith.index_cast %add3A_1590 : i32 to index
        %get3A_1646 = arith.constant 144 : index
        %get3A_1647 = tpu.vector_load %arg8[%get3A_1645, %get3A_1646] {strides = array<i32>} : memref<128x256xf32, #tpu.memory_space<vmem>>, vector<1x16xf32>,
        %get3A_1648 = vector.shape_cast %get3A_1647 : vector<1x16xf32> to vector<16xf32>
        %mul3A_1649 = arith.mulf %broadcast_in_dim3A_1586, %get3A_1648 : vector<16xf32>
        %add3A_1650 = arith.addf %add3A_1547, %mul3A_1649 : vector<16xf32>
        %get3A_1651 = arith.index_cast %add3A_1590 : i32 to index
        %get3A_1652 = arith.constant 160 : index
        %get3A_1653 = tpu.vector_load %arg8[%get3A_1651, %get3A_1652] {strides = array<i32>} : memref<128x256xf32, #tpu.memory_space<vmem>>, vector<1x16xf32>,
        %get3A_1654 = vector.shape_cast %get3A_1653 : vector<1x16xf32> to vector<16xf32>
        %mul3A_1655 = arith.mulf %broadcast_in_dim3A_1586, %get3A_1654 : vector<16xf32>
        %add3A_1656 = arith.addf %add3A_1553, %mul3A_1655 : vector<16xf32>
        %get3A_1657 = arith.index_cast %add3A_1590 : i32 to index
        %get3A_1658 = arith.constant 176 : index
        %get3A_1659 = tpu.vector_load %arg8[%get3A_1657, %get3A_1658] {strides = array<i32>} : memref<128x256xf32, #tpu.memory_space<vmem>>, vector<1x16xf32>,
        %get3A_1660 = vector.shape_cast %get3A_1659 : vector<1x16xf32> to vector<16xf32>
        %mul3A_1661 = arith.mulf %broadcast_in_dim3A_1586, %get3A_1660 : vector<16xf32>
        %add3A_1662 = arith.addf %add3A_1559, %mul3A_1661 : vector<16xf32>
        %get3A_1663 = arith.index_cast %add3A_1590 : i32 to index
        %get3A_1664 = arith.constant 192 : index
        %get3A_1665 = tpu.vector_load %arg8[%get3A_1663, %get3A_1664] {strides = array<i32>} : memref<128x256xf32, #tpu.memory_space<vmem>>, vector<1x16xf32>,
        %get3A_1666 = vector.shape_cast %get3A_1665 : vector<1x16xf32> to vector<16xf32>
        %mul3A_1667 = arith.mulf %broadcast_in_dim3A_1586, %get3A_1666 : vector<16xf32>
        %add3A_1668 = arith.addf %add3A_1565, %mul3A_1667 : vector<16xf32>
        %get3A_1669 = arith.index_cast %add3A_1590 : i32 to index
        %get3A_1670 = arith.constant 208 : index
        %get3A_1671 = tpu.vector_load %arg8[%get3A_1669, %get3A_1670] {strides = array<i32>} : memref<128x256xf32, #tpu.memory_space<vmem>>, vector<1x16xf32>,
        %get3A_1672 = vector.shape_cast %get3A_1671 : vector<1x16xf32> to vector<16xf32>
        %mul3A_1673 = arith.mulf %broadcast_in_dim3A_1586, %get3A_1672 : vector<16xf32>
        %add3A_1674 = arith.addf %add3A_1571, %mul3A_1673 : vector<16xf32>
        %get3A_1675 = arith.index_cast %add3A_1590 : i32 to index
        %get3A_1676 = arith.constant 224 : index
        %get3A_1677 = tpu.vector_load %arg8[%get3A_1675, %get3A_1676] {strides = array<i32>} : memref<128x256xf32, #tpu.memory_space<vmem>>, vector<1x16xf32>,
        %get3A_1678 = vector.shape_cast %get3A_1677 : vector<1x16xf32> to vector<16xf32>
        %mul3A_1679 = arith.mulf %broadcast_in_dim3A_1586, %get3A_1678 : vector<16xf32>
        %add3A_1680 = arith.addf %add3A_1577, %mul3A_1679 : vector<16xf32>
        %get3A_1681 = arith.index_cast %add3A_1590 : i32 to index
        %get3A_1682 = arith.constant 240 : index
        %get3A_1683 = tpu.vector_load %arg8[%get3A_1681, %get3A_1682] {strides = array<i32>} : memref<128x256xf32, #tpu.memory_space<vmem>>, vector<1x16xf32>,
        %get3A_1684 = vector.shape_cast %get3A_1683 : vector<1x16xf32> to vector<16xf32>
        %mul3A_1685 = arith.mulf %broadcast_in_dim3A_1586, %get3A_1684 : vector<16xf32>
        %add3A_1686 = arith.addf %add3A_1583, %mul3A_1685 : vector<16xf32>
        %slice3A_1687 = vector.extract_strided_slice %get3A_112 {offsets = [15], sizes = [1], strides = [1]} : vector<16xf32> to vector<1xf32>
        %squeeze3A_1688 = vector.extract %slice3A_1687[0] : f32 from vector<1xf32>
        %broadcast_in_dim3A_1689 = vector.broadcast %squeeze3A_1688 : f32 to vector<16xf32>
        %mul3A_1690 = arith.constant 16 : i32
        %mul3A_1691 = arith.muli %scan3A_104, %mul3A_1690 : i32
        %add3A_1692 = arith.constant 15 : i32
        %add3A_1693 = arith.addi %mul3A_1691, %add3A_1692 : i32
        %get3A_1694 = arith.index_cast %add3A_1693 : i32 to index
        %get3A_1695 = arith.constant 0 : index
        %get3A_1696 = tpu.vector_load %arg8[%get3A_1694, %get3A_1695] {strides = array<i32>} : memref<128x256xf32, #tpu.memory_space<vmem>>, vector<1x16xf32>,
        %get3A_1697 = vector.shape_cast %get3A_1696 : vector<1x16xf32> to vector<16xf32>
        %mul3A_1698 = arith.mulf %broadcast_in_dim3A_1689, %get3A_1697 : vector<16xf32>
        %add3A_1699 = arith.addf %add3A_1596, %mul3A_1698 : vector<16xf32>
        %get3A_1700 = arith.index_cast %add3A_1693 : i32 to index
        %get3A_1701 = arith.constant 16 : index
        %get3A_1702 = tpu.vector_load %arg8[%get3A_1700, %get3A_1701] {strides = array<i32>} : memref<128x256xf32, #tpu.memory_space<vmem>>, vector<1x16xf32>,
        %get3A_1703 = vector.shape_cast %get3A_1702 : vector<1x16xf32> to vector<16xf32>
        %mul3A_1704 = arith.mulf %broadcast_in_dim3A_1689, %get3A_1703 : vector<16xf32>
        %add3A_1705 = arith.addf %add3A_1602, %mul3A_1704 : vector<16xf32>
        %get3A_1706 = arith.index_cast %add3A_1693 : i32 to index
        %get3A_1707 = arith.constant 32 : index
        %get3A_1708 = tpu.vector_load %arg8[%get3A_1706, %get3A_1707] {strides = array<i32>} : memref<128x256xf32, #tpu.memory_space<vmem>>, vector<1x16xf32>,
        %get3A_1709 = vector.shape_cast %get3A_1708 : vector<1x16xf32> to vector<16xf32>
        %mul3A_1710 = arith.mulf %broadcast_in_dim3A_1689, %get3A_1709 : vector<16xf32>
        %add3A_1711 = arith.addf %add3A_1608, %mul3A_1710 : vector<16xf32>
        %get3A_1712 = arith.index_cast %add3A_1693 : i32 to index
        %get3A_1713 = arith.constant 48 : index
        %get3A_1714 = tpu.vector_load %arg8[%get3A_1712, %get3A_1713] {strides = array<i32>} : memref<128x256xf32, #tpu.memory_space<vmem>>, vector<1x16xf32>,
        %get3A_1715 = vector.shape_cast %get3A_1714 : vector<1x16xf32> to vector<16xf32>
        %mul3A_1716 = arith.mulf %broadcast_in_dim3A_1689, %get3A_1715 : vector<16xf32>
        %add3A_1717 = arith.addf %add3A_1614, %mul3A_1716 : vector<16xf32>
        %get3A_1718 = arith.index_cast %add3A_1693 : i32 to index
        %get3A_1719 = arith.constant 64 : index
        %get3A_1720 = tpu.vector_load %arg8[%get3A_1718, %get3A_1719] {strides = array<i32>} : memref<128x256xf32, #tpu.memory_space<vmem>>, vector<1x16xf32>,
        %get3A_1721 = vector.shape_cast %get3A_1720 : vector<1x16xf32> to vector<16xf32>
        %mul3A_1722 = arith.mulf %broadcast_in_dim3A_1689, %get3A_1721 : vector<16xf32>
        %add3A_1723 = arith.addf %add3A_1620, %mul3A_1722 : vector<16xf32>
        %get3A_1724 = arith.index_cast %add3A_1693 : i32 to index
        %get3A_1725 = arith.constant 80 : index
        %get3A_1726 = tpu.vector_load %arg8[%get3A_1724, %get3A_1725] {strides = array<i32>} : memref<128x256xf32, #tpu.memory_space<vmem>>, vector<1x16xf32>,
        %get3A_1727 = vector.shape_cast %get3A_1726 : vector<1x16xf32> to vector<16xf32>
        %mul3A_1728 = arith.mulf %broadcast_in_dim3A_1689, %get3A_1727 : vector<16xf32>
        %add3A_1729 = arith.addf %add3A_1626, %mul3A_1728 : vector<16xf32>
        %get3A_1730 = arith.index_cast %add3A_1693 : i32 to index
        %get3A_1731 = arith.constant 96 : index
        %get3A_1732 = tpu.vector_load %arg8[%get3A_1730, %get3A_1731] {strides = array<i32>} : memref<128x256xf32, #tpu.memory_space<vmem>>, vector<1x16xf32>,
        %get3A_1733 = vector.shape_cast %get3A_1732 : vector<1x16xf32> to vector<16xf32>
        %mul3A_1734 = arith.mulf %broadcast_in_dim3A_1689, %get3A_1733 : vector<16xf32>
        %add3A_1735 = arith.addf %add3A_1632, %mul3A_1734 : vector<16xf32>
        %get3A_1736 = arith.index_cast %add3A_1693 : i32 to index
        %get3A_1737 = arith.constant 112 : index
        %get3A_1738 = tpu.vector_load %arg8[%get3A_1736, %get3A_1737] {strides = array<i32>} : memref<128x256xf32, #tpu.memory_space<vmem>>, vector<1x16xf32>,
        %get3A_1739 = vector.shape_cast %get3A_1738 : vector<1x16xf32> to vector<16xf32>
        %mul3A_1740 = arith.mulf %broadcast_in_dim3A_1689, %get3A_1739 : vector<16xf32>
        %add3A_1741 = arith.addf %add3A_1638, %mul3A_1740 : vector<16xf32>
        %get3A_1742 = arith.index_cast %add3A_1693 : i32 to index
        %get3A_1743 = arith.constant 128 : index
        %get3A_1744 = tpu.vector_load %arg8[%get3A_1742, %get3A_1743] {strides = array<i32>} : memref<128x256xf32, #tpu.memory_space<vmem>>, vector<1x16xf32>,
        %get3A_1745 = vector.shape_cast %get3A_1744 : vector<1x16xf32> to vector<16xf32>
        %mul3A_1746 = arith.mulf %broadcast_in_dim3A_1689, %get3A_1745 : vector<16xf32>
        %add3A_1747 = arith.addf %add3A_1644, %mul3A_1746 : vector<16xf32>
        %get3A_1748 = arith.index_cast %add3A_1693 : i32 to index
        %get3A_1749 = arith.constant 144 : index
        %get3A_1750 = tpu.vector_load %arg8[%get3A_1748, %get3A_1749] {strides = array<i32>} : memref<128x256xf32, #tpu.memory_space<vmem>>, vector<1x16xf32>,
        %get3A_1751 = vector.shape_cast %get3A_1750 : vector<1x16xf32> to vector<16xf32>
        %mul3A_1752 = arith.mulf %broadcast_in_dim3A_1689, %get3A_1751 : vector<16xf32>
        %add3A_1753 = arith.addf %add3A_1650, %mul3A_1752 : vector<16xf32>
        %get3A_1754 = arith.index_cast %add3A_1693 : i32 to index
        %get3A_1755 = arith.constant 160 : index
        %get3A_1756 = tpu.vector_load %arg8[%get3A_1754, %get3A_1755] {strides = array<i32>} : memref<128x256xf32, #tpu.memory_space<vmem>>, vector<1x16xf32>,
        %get3A_1757 = vector.shape_cast %get3A_1756 : vector<1x16xf32> to vector<16xf32>
        %mul3A_1758 = arith.mulf %broadcast_in_dim3A_1689, %get3A_1757 : vector<16xf32>
        %add3A_1759 = arith.addf %add3A_1656, %mul3A_1758 : vector<16xf32>
        %get3A_1760 = arith.index_cast %add3A_1693 : i32 to index
        %get3A_1761 = arith.constant 176 : index
        %get3A_1762 = tpu.vector_load %arg8[%get3A_1760, %get3A_1761] {strides = array<i32>} : memref<128x256xf32, #tpu.memory_space<vmem>>, vector<1x16xf32>,
        %get3A_1763 = vector.shape_cast %get3A_1762 : vector<1x16xf32> to vector<16xf32>
        %mul3A_1764 = arith.mulf %broadcast_in_dim3A_1689, %get3A_1763 : vector<16xf32>
        %add3A_1765 = arith.addf %add3A_1662, %mul3A_1764 : vector<16xf32>
        %get3A_1766 = arith.index_cast %add3A_1693 : i32 to index
        %get3A_1767 = arith.constant 192 : index
        %get3A_1768 = tpu.vector_load %arg8[%get3A_1766, %get3A_1767] {strides = array<i32>} : memref<128x256xf32, #tpu.memory_space<vmem>>, vector<1x16xf32>,
        %get3A_1769 = vector.shape_cast %get3A_1768 : vector<1x16xf32> to vector<16xf32>
        %mul3A_1770 = arith.mulf %broadcast_in_dim3A_1689, %get3A_1769 : vector<16xf32>
        %add3A_1771 = arith.addf %add3A_1668, %mul3A_1770 : vector<16xf32>
        %get3A_1772 = arith.index_cast %add3A_1693 : i32 to index
        %get3A_1773 = arith.constant 208 : index
        %get3A_1774 = tpu.vector_load %arg8[%get3A_1772, %get3A_1773] {strides = array<i32>} : memref<128x256xf32, #tpu.memory_space<vmem>>, vector<1x16xf32>,
        %get3A_1775 = vector.shape_cast %get3A_1774 : vector<1x16xf32> to vector<16xf32>
        %mul3A_1776 = arith.mulf %broadcast_in_dim3A_1689, %get3A_1775 : vector<16xf32>
        %add3A_1777 = arith.addf %add3A_1674, %mul3A_1776 : vector<16xf32>
        %get3A_1778 = arith.index_cast %add3A_1693 : i32 to index
        %get3A_1779 = arith.constant 224 : index
        %get3A_1780 = tpu.vector_load %arg8[%get3A_1778, %get3A_1779] {strides = array<i32>} : memref<128x256xf32, #tpu.memory_space<vmem>>, vector<1x16xf32>,
        %get3A_1781 = vector.shape_cast %get3A_1780 : vector<1x16xf32> to vector<16xf32>
        %mul3A_1782 = arith.mulf %broadcast_in_dim3A_1689, %get3A_1781 : vector<16xf32>
        %add3A_1783 = arith.addf %add3A_1680, %mul3A_1782 : vector<16xf32>
        %get3A_1784 = arith.index_cast %add3A_1693 : i32 to index
        %get3A_1785 = arith.constant 240 : index
        %get3A_1786 = tpu.vector_load %arg8[%get3A_1784, %get3A_1785] {strides = array<i32>} : memref<128x256xf32, #tpu.memory_space<vmem>>, vector<1x16xf32>,
        %get3A_1787 = vector.shape_cast %get3A_1786 : vector<1x16xf32> to vector<16xf32>
        %mul3A_1788 = arith.mulf %broadcast_in_dim3A_1689, %get3A_1787 : vector<16xf32>
        %add3A_1789 = arith.addf %add3A_1686, %mul3A_1788 : vector<16xf32>
        %swap3A = arith.index_cast %scan3A_104 : i32 to index
        %swap3A_1790 = arith.constant 0 : index
        %swap3A_1791 = tpu.vector_load %arg10[%swap3A, %swap3A_1790] {strides = array<i32>} : memref<8x256xf32, #tpu.memory_space<vmem>>, vector<1x16xf32>,
        %swap3A_1792 = vector.shape_cast %swap3A_1791 : vector<1x16xf32> to vector<16xf32>
        %swap3A_1793 = vector.shape_cast %add3A_1699 : vector<16xf32> to vector<1x16xf32>
        tpu.vector_store %arg10[%swap3A, %swap3A_1790], %swap3A_1793 {strides = array<i32>} : memref<8x256xf32, #tpu.memory_space<vmem>>, vector<1x16xf32>,
        %swap3A_1794 = arith.index_cast %scan3A_104 : i32 to index
        %swap3A_1795 = arith.constant 16 : index
        %swap3A_1796 = tpu.vector_load %arg10[%swap3A_1794, %swap3A_1795] {strides = array<i32>} : memref<8x256xf32, #tpu.memory_space<vmem>>, vector<1x16xf32>,
        %swap3A_1797 = vector.shape_cast %swap3A_1796 : vector<1x16xf32> to vector<16xf32>
        %swap3A_1798 = vector.shape_cast %add3A_1705 : vector<16xf32> to vector<1x16xf32>
        tpu.vector_store %arg10[%swap3A_1794, %swap3A_1795], %swap3A_1798 {strides = array<i32>} : memref<8x256xf32, #tpu.memory_space<vmem>>, vector<1x16xf32>,
        %swap3A_1799 = arith.index_cast %scan3A_104 : i32 to index
        %swap3A_1800 = arith.constant 32 : index
        %swap3A_1801 = tpu.vector_load %arg10[%swap3A_1799, %swap3A_1800] {strides = array<i32>} : memref<8x256xf32, #tpu.memory_space<vmem>>, vector<1x16xf32>,
        %swap3A_1802 = vector.shape_cast %swap3A_1801 : vector<1x16xf32> to vector<16xf32>
        %swap3A_1803 = vector.shape_cast %add3A_1711 : vector<16xf32> to vector<1x16xf32>
        tpu.vector_store %arg10[%swap3A_1799, %swap3A_1800], %swap3A_1803 {strides = array<i32>} : memref<8x256xf32, #tpu.memory_space<vmem>>, vector<1x16xf32>,
        %swap3A_1804 = arith.index_cast %scan3A_104 : i32 to index
        %swap3A_1805 = arith.constant 48 : index
        %swap3A_1806 = tpu.vector_load %arg10[%swap3A_1804, %swap3A_1805] {strides = array<i32>} : memref<8x256xf32, #tpu.memory_space<vmem>>, vector<1x16xf32>,
        %swap3A_1807 = vector.shape_cast %swap3A_1806 : vector<1x16xf32> to vector<16xf32>
        %swap3A_1808 = vector.shape_cast %add3A_1717 : vector<16xf32> to vector<1x16xf32>
        tpu.vector_store %arg10[%swap3A_1804, %swap3A_1805], %swap3A_1808 {strides = array<i32>} : memref<8x256xf32, #tpu.memory_space<vmem>>, vector<1x16xf32>,
        %swap3A_1809 = arith.index_cast %scan3A_104 : i32 to index
        %swap3A_1810 = arith.constant 64 : index
        %swap3A_1811 = tpu.vector_load %arg10[%swap3A_1809, %swap3A_1810] {strides = array<i32>} : memref<8x256xf32, #tpu.memory_space<vmem>>, vector<1x16xf32>,
        %swap3A_1812 = vector.shape_cast %swap3A_1811 : vector<1x16xf32> to vector<16xf32>
        %swap3A_1813 = vector.shape_cast %add3A_1723 : vector<16xf32> to vector<1x16xf32>
        tpu.vector_store %arg10[%swap3A_1809, %swap3A_1810], %swap3A_1813 {strides = array<i32>} : memref<8x256xf32, #tpu.memory_space<vmem>>, vector<1x16xf32>,
        %swap3A_1814 = arith.index_cast %scan3A_104 : i32 to index
        %swap3A_1815 = arith.constant 80 : index
        %swap3A_1816 = tpu.vector_load %arg10[%swap3A_1814, %swap3A_1815] {strides = array<i32>} : memref<8x256xf32, #tpu.memory_space<vmem>>, vector<1x16xf32>,
        %swap3A_1817 = vector.shape_cast %swap3A_1816 : vector<1x16xf32> to vector<16xf32>
        %swap3A_1818 = vector.shape_cast %add3A_1729 : vector<16xf32> to vector<1x16xf32>
        tpu.vector_store %arg10[%swap3A_1814, %swap3A_1815], %swap3A_1818 {strides = array<i32>} : memref<8x256xf32, #tpu.memory_space<vmem>>, vector<1x16xf32>,
        %swap3A_1819 = arith.index_cast %scan3A_104 : i32 to index
        %swap3A_1820 = arith.constant 96 : index
        %swap3A_1821 = tpu.vector_load %arg10[%swap3A_1819, %swap3A_1820] {strides = array<i32>} : memref<8x256xf32, #tpu.memory_space<vmem>>, vector<1x16xf32>,
        %swap3A_1822 = vector.shape_cast %swap3A_1821 : vector<1x16xf32> to vector<16xf32>
        %swap3A_1823 = vector.shape_cast %add3A_1735 : vector<16xf32> to vector<1x16xf32>
        tpu.vector_store %arg10[%swap3A_1819, %swap3A_1820], %swap3A_1823 {strides = array<i32>} : memref<8x256xf32, #tpu.memory_space<vmem>>, vector<1x16xf32>,
        %swap3A_1824 = arith.index_cast %scan3A_104 : i32 to index
        %swap3A_1825 = arith.constant 112 : index
        %swap3A_1826 = tpu.vector_load %arg10[%swap3A_1824, %swap3A_1825] {strides = array<i32>} : memref<8x256xf32, #tpu.memory_space<vmem>>, vector<1x16xf32>,
        %swap3A_1827 = vector.shape_cast %swap3A_1826 : vector<1x16xf32> to vector<16xf32>
        %swap3A_1828 = vector.shape_cast %add3A_1741 : vector<16xf32> to vector<1x16xf32>
        tpu.vector_store %arg10[%swap3A_1824, %swap3A_1825], %swap3A_1828 {strides = array<i32>} : memref<8x256xf32, #tpu.memory_space<vmem>>, vector<1x16xf32>,
        %swap3A_1829 = arith.index_cast %scan3A_104 : i32 to index
        %swap3A_1830 = arith.constant 128 : index
        %swap3A_1831 = tpu.vector_load %arg10[%swap3A_1829, %swap3A_1830] {strides = array<i32>} : memref<8x256xf32, #tpu.memory_space<vmem>>, vector<1x16xf32>,
        %swap3A_1832 = vector.shape_cast %swap3A_1831 : vector<1x16xf32> to vector<16xf32>
        %swap3A_1833 = vector.shape_cast %add3A_1747 : vector<16xf32> to vector<1x16xf32>
        tpu.vector_store %arg10[%swap3A_1829, %swap3A_1830], %swap3A_1833 {strides = array<i32>} : memref<8x256xf32, #tpu.memory_space<vmem>>, vector<1x16xf32>,
        %swap3A_1834 = arith.index_cast %scan3A_104 : i32 to index
        %swap3A_1835 = arith.constant 144 : index
        %swap3A_1836 = tpu.vector_load %arg10[%swap3A_1834, %swap3A_1835] {strides = array<i32>} : memref<8x256xf32, #tpu.memory_space<vmem>>, vector<1x16xf32>,
        %swap3A_1837 = vector.shape_cast %swap3A_1836 : vector<1x16xf32> to vector<16xf32>
        %swap3A_1838 = vector.shape_cast %add3A_1753 : vector<16xf32> to vector<1x16xf32>
        tpu.vector_store %arg10[%swap3A_1834, %swap3A_1835], %swap3A_1838 {strides = array<i32>} : memref<8x256xf32, #tpu.memory_space<vmem>>, vector<1x16xf32>,
        %swap3A_1839 = arith.index_cast %scan3A_104 : i32 to index
        %swap3A_1840 = arith.constant 160 : index
        %swap3A_1841 = tpu.vector_load %arg10[%swap3A_1839, %swap3A_1840] {strides = array<i32>} : memref<8x256xf32, #tpu.memory_space<vmem>>, vector<1x16xf32>,
        %swap3A_1842 = vector.shape_cast %swap3A_1841 : vector<1x16xf32> to vector<16xf32>
        %swap3A_1843 = vector.shape_cast %add3A_1759 : vector<16xf32> to vector<1x16xf32>
        tpu.vector_store %arg10[%swap3A_1839, %swap3A_1840], %swap3A_1843 {strides = array<i32>} : memref<8x256xf32, #tpu.memory_space<vmem>>, vector<1x16xf32>,
        %swap3A_1844 = arith.index_cast %scan3A_104 : i32 to index
        %swap3A_1845 = arith.constant 176 : index
        %swap3A_1846 = tpu.vector_load %arg10[%swap3A_1844, %swap3A_1845] {strides = array<i32>} : memref<8x256xf32, #tpu.memory_space<vmem>>, vector<1x16xf32>,
        %swap3A_1847 = vector.shape_cast %swap3A_1846 : vector<1x16xf32> to vector<16xf32>
        %swap3A_1848 = vector.shape_cast %add3A_1765 : vector<16xf32> to vector<1x16xf32>
        tpu.vector_store %arg10[%swap3A_1844, %swap3A_1845], %swap3A_1848 {strides = array<i32>} : memref<8x256xf32, #tpu.memory_space<vmem>>, vector<1x16xf32>,
        %swap3A_1849 = arith.index_cast %scan3A_104 : i32 to index
        %swap3A_1850 = arith.constant 192 : index
        %swap3A_1851 = tpu.vector_load %arg10[%swap3A_1849, %swap3A_1850] {strides = array<i32>} : memref<8x256xf32, #tpu.memory_space<vmem>>, vector<1x16xf32>,
        %swap3A_1852 = vector.shape_cast %swap3A_1851 : vector<1x16xf32> to vector<16xf32>
        %swap3A_1853 = vector.shape_cast %add3A_1771 : vector<16xf32> to vector<1x16xf32>
        tpu.vector_store %arg10[%swap3A_1849, %swap3A_1850], %swap3A_1853 {strides = array<i32>} : memref<8x256xf32, #tpu.memory_space<vmem>>, vector<1x16xf32>,
        %swap3A_1854 = arith.index_cast %scan3A_104 : i32 to index
        %swap3A_1855 = arith.constant 208 : index
        %swap3A_1856 = tpu.vector_load %arg10[%swap3A_1854, %swap3A_1855] {strides = array<i32>} : memref<8x256xf32, #tpu.memory_space<vmem>>, vector<1x16xf32>,
        %swap3A_1857 = vector.shape_cast %swap3A_1856 : vector<1x16xf32> to vector<16xf32>
        %swap3A_1858 = vector.shape_cast %add3A_1777 : vector<16xf32> to vector<1x16xf32>
        tpu.vector_store %arg10[%swap3A_1854, %swap3A_1855], %swap3A_1858 {strides = array<i32>} : memref<8x256xf32, #tpu.memory_space<vmem>>, vector<1x16xf32>,
        %swap3A_1859 = arith.index_cast %scan3A_104 : i32 to index
        %swap3A_1860 = arith.constant 224 : index
        %swap3A_1861 = tpu.vector_load %arg10[%swap3A_1859, %swap3A_1860] {strides = array<i32>} : memref<8x256xf32, #tpu.memory_space<vmem>>, vector<1x16xf32>,
        %swap3A_1862 = vector.shape_cast %swap3A_1861 : vector<1x16xf32> to vector<16xf32>
        %swap3A_1863 = vector.shape_cast %add3A_1783 : vector<16xf32> to vector<1x16xf32>
        tpu.vector_store %arg10[%swap3A_1859, %swap3A_1860], %swap3A_1863 {strides = array<i32>} : memref<8x256xf32, #tpu.memory_space<vmem>>, vector<1x16xf32>,
        %swap3A_1864 = arith.index_cast %scan3A_104 : i32 to index
        %swap3A_1865 = arith.constant 240 : index
        %swap3A_1866 = tpu.vector_load %arg10[%swap3A_1864, %swap3A_1865] {strides = array<i32>} : memref<8x256xf32, #tpu.memory_space<vmem>>, vector<1x16xf32>,
        %swap3A_1867 = vector.shape_cast %swap3A_1866 : vector<1x16xf32> to vector<16xf32>
        %swap3A_1868 = vector.shape_cast %add3A_1789 : vector<16xf32> to vector<1x16xf32>
        tpu.vector_store %arg10[%swap3A_1864, %swap3A_1865], %swap3A_1868 {strides = array<i32>} : memref<8x256xf32, #tpu.memory_space<vmem>>, vector<1x16xf32>,
        %scan3A_1869 = arith.constant 0 : i32
        scf.yield %scan3A_1869 : i32
      }
      %scan3A_56 = arith.constant 8 : i32
      %dma_start3A_57 = arith.constant 0 : i32
      %dma_start3A_58 = tpu.memref_slice %arg5[%add3A_41, %dma_start3A_57] : memref<50176x256xf32, #tpu.memory_space<hbm>> -> memref<8x256xf32, #tpu.memory_space<hbm>>
      %dma_start3A_59 = arith.constant 0 : i32
      %dma_start3A_60 = tpu.memref_slice %arg5[%add3A_41, %dma_start3A_59] : memref<50176x256xf32, #tpu.memory_space<hbm>> -> memref<8x256xf32, #tpu.memory_space<hbm>>
      tpu.enqueue_dma source(%arg10 : memref<8x256xf32, #tpu.memory_space<vmem>>) target(%dma_start3A_60 : memref<8x256xf32, #tpu.memory_space<hbm>>) target_semaphore(%arg14 : memref<!tpu.dma_semaphore, #tpu.memory_space<semaphore_mem>>)
      %add3A_61 = arith.constant 2 : i32
      %add3A_62 = arith.addi %add3A_38, %add3A_61 : i32
      %lt3A = arith.constant 196 : i32
      %lt3A_63 = arith.cmpi slt, %add3A_62, %lt3A : i32
      %convert_element_type3A_64 = arith.extui %lt3A_63 : i1 to i32
      %cond3A_65 = arith.constant 0 : i32
      %cond3A_66 = arith.cmpi ne, %convert_element_type3A_64, %cond3A_65 : i32
      scf.if %cond3A_66 {
        %add3A_104 = arith.constant 2 : i32
        %add3A_105 = arith.addi %add3A_38, %add3A_104 : i32
        %mul3A_106 = arith.constant 128 : i32
        %mul3A_107 = arith.muli %add3A_105, %mul3A_106 : i32
        %dma_start3A_108 = tpu.memref_slice %arg6[%mul3A_107] : memref<25088xi32, #tpu.memory_space<vmem>> -> memref<128xi32, #tpu.memory_space<vmem>>
        %dma_start3A_109 = arith.constant 0 : i32
        %dma_start3A_110 = arith.constant 0 : i32
        %dma_start3A_111 = tpu.memref_slice %arg4[%dma_start3A_109, %dma_start3A_110] : memref<80000x256xf32, #tpu.memory_space<hbm>> -> memref<80000x256xf32, #tpu.memory_space<hbm>>
        tpu.enqueue_indirect_dma source(%dma_start3A_111 : memref<80000x256xf32, #tpu.memory_space<hbm>>) target(%arg8 : memref<128x256xf32, #tpu.memory_space<vmem>>) offsets(%dma_start3A_108 : memref<128xi32, #tpu.memory_space<vmem>>) semaphore(%arg12 : memref<!tpu.dma_semaphore, #tpu.memory_space<semaphore_mem>>)
      } else {
      }
      %mul3A_67 = arith.constant 2 : i32
      %mul3A_68 = arith.muli %mul3A_67, %scan3A_33 : i32
      %add3A_69 = arith.constant 1 : i32
      %add3A_70 = arith.addi %mul3A_68, %add3A_69 : i32
      %mul3A_71 = arith.constant 8 : i32
      %mul3A_72 = arith.muli %add3A_70, %mul3A_71 : i32
      %add3A_73 = arith.addi %mul3A_2, %mul3A_72 : i32
      %mul3A_74 = arith.constant 128 : i32
      %mul3A_75 = arith.muli %add3A_70, %mul3A_74 : i32
      %dma_wait3A_76 = tpu.memref_slice %arg6[%mul3A_75] : memref<25088xi32, #tpu.memory_space<vmem>> -> memref<128xi32, #tpu.memory_space<vmem>>
      %dma_wait3A_77 = arith.constant 0 : i32
      %dma_wait3A_78 = arith.constant 0 : i32
      %dma_wait3A_79 = tpu.memref_slice %arg4[%dma_wait3A_77, %dma_wait3A_78] : memref<80000x256xf32, #tpu.memory_space<hbm>> -> memref<80000x256xf32, #tpu.memory_space<hbm>>
      tpu.wait_indirect_dma semaphore(%arg13 : memref<!tpu.dma_semaphore, #tpu.memory_space<semaphore_mem>>) src(%dma_wait3A_79 : memref<80000x256xf32, #tpu.memory_space<hbm>>) dst(%arg9 : memref<128x256xf32, #tpu.memory_space<vmem>>)
      %gt3A_80 = arith.constant 0 : i32
      %gt3A_81 = arith.cmpi sgt, %scan3A_33, %gt3A_80 : i32
      %convert_element_type3A_82 = arith.extui %gt3A_81 : i1 to i32
      %cond3A_83 = arith.constant 0 : i32
      %cond3A_84 = arith.cmpi ne, %convert_element_type3A_82, %cond3A_83 : i32
      scf.if %cond3A_84 {
        %dma_wait3A_104 = arith.constant 0 : i32
        %dma_wait3A_105 = tpu.memref_slice %arg5[%add3A_73, %dma_wait3A_104] : memref<50176x256xf32, #tpu.memory_space<hbm>> -> memref<8x256xf32, #tpu.memory_space<hbm>>
        %dma_wait3A_106 = arith.constant 0 : i32
        %dma_wait3A_107 = tpu.memref_slice %arg5[%add3A_73, %dma_wait3A_106] : memref<50176x256xf32, #tpu.memory_space<hbm>> -> memref<8x256xf32, #tpu.memory_space<hbm>>
        tpu.wait_dma2 semaphore(%arg15 : memref<!tpu.dma_semaphore, #tpu.memory_space<semaphore_mem>>) src(%arg11 : memref<8x256xf32, #tpu.memory_space<vmem>>) dst(%dma_wait3A_107 : memref<8x256xf32, #tpu.memory_space<hbm>>)
      } else {
      }
      %scan3A_85 = arith.constant 0 : i32
      %scan3A_86 = arith.constant 0 : i32
      %scan3A_87 = arith.constant 8 : i32
      %scan3A_88 = arith.addi %scan3A_86, %scan3A_87 : i32
      %scan3A_89 = arith.constant 1 : i32
      %scan3A_90 = scf.for %scan3A_104 = %scan3A_86 to %scan3A_88 step %scan3A_89 iter_args(%scan3A_105 = %scan3A_85) -> (i32)  : i32 {
        %mul3A_106 = arith.constant 128 : i32
        %mul3A_107 = arith.muli %add3A_70, %mul3A_106 : i32
        %mul3A_108 = arith.constant 16 : i32
        %mul3A_109 = arith.muli %scan3A_104, %mul3A_108 : i32
        %add3A_110 = arith.addi %mul3A_107, %mul3A_109 : i32
        %get3A = arith.index_cast %add3A_110 : i32 to index
        %get3A_111 = tpu.vector_load %arg7[%get3A] {strides = array<i32>} : memref<25088xf32, #tpu.memory_space<vmem>>, vector<16xf32>,
        %get3A_112 = vector.shape_cast %get3A_111 : vector<16xf32> to vector<16xf32>
        %broadcast_in_dim3A = arith.constant 0.000000e+00 : f32
        %broadcast_in_dim3A_113 = vector.broadcast %broadcast_in_dim3A : f32 to vector<16xf32>
        %broadcast_in_dim3A_114 = arith.constant 0.000000e+00 : f32
        %broadcast_in_dim3A_115 = vector.broadcast %broadcast_in_dim3A_114 : f32 to vector<16xf32>
        %broadcast_in_dim3A_116 = arith.constant 0.000000e+00 : f32
        %broadcast_in_dim3A_117 = vector.broadcast %broadcast_in_dim3A_116 : f32 to vector<16xf32>
        %broadcast_in_dim3A_118 = arith.constant 0.000000e+00 : f32
        %broadcast_in_dim3A_119 = vector.broadcast %broadcast_in_dim3A_118 : f32 to vector<16xf32>
        %broadcast_in_dim3A_120 = arith.constant 0.000000e+00 : f32
        %broadcast_in_dim3A_121 = vector.broadcast %broadcast_in_dim3A_120 : f32 to vector<16xf32>
        %broadcast_in_dim3A_122 = arith.constant 0.000000e+00 : f32
        %broadcast_in_dim3A_123 = vector.broadcast %broadcast_in_dim3A_122 : f32 to vector<16xf32>
        %broadcast_in_dim3A_124 = arith.constant 0.000000e+00 : f32
        %broadcast_in_dim3A_125 = vector.broadcast %broadcast_in_dim3A_124 : f32 to vector<16xf32>
        %broadcast_in_dim3A_126 = arith.constant 0.000000e+00 : f32
        %broadcast_in_dim3A_127 = vector.broadcast %broadcast_in_dim3A_126 : f32 to vector<16xf32>
        %broadcast_in_dim3A_128 = arith.constant 0.000000e+00 : f32
        %broadcast_in_dim3A_129 = vector.broadcast %broadcast_in_dim3A_128 : f32 to vector<16xf32>
        %broadcast_in_dim3A_130 = arith.constant 0.000000e+00 : f32
        %broadcast_in_dim3A_131 = vector.broadcast %broadcast_in_dim3A_130 : f32 to vector<16xf32>
        %broadcast_in_dim3A_132 = arith.constant 0.000000e+00 : f32
        %broadcast_in_dim3A_133 = vector.broadcast %broadcast_in_dim3A_132 : f32 to vector<16xf32>
        %broadcast_in_dim3A_134 = arith.constant 0.000000e+00 : f32
        %broadcast_in_dim3A_135 = vector.broadcast %broadcast_in_dim3A_134 : f32 to vector<16xf32>
        %broadcast_in_dim3A_136 = arith.constant 0.000000e+00 : f32
        %broadcast_in_dim3A_137 = vector.broadcast %broadcast_in_dim3A_136 : f32 to vector<16xf32>
        %broadcast_in_dim3A_138 = arith.constant 0.000000e+00 : f32
        %broadcast_in_dim3A_139 = vector.broadcast %broadcast_in_dim3A_138 : f32 to vector<16xf32>
        %broadcast_in_dim3A_140 = arith.constant 0.000000e+00 : f32
        %broadcast_in_dim3A_141 = vector.broadcast %broadcast_in_dim3A_140 : f32 to vector<16xf32>
        %broadcast_in_dim3A_142 = arith.constant 0.000000e+00 : f32
        %broadcast_in_dim3A_143 = vector.broadcast %broadcast_in_dim3A_142 : f32 to vector<16xf32>
        %slice3A = vector.extract_strided_slice %get3A_112 {offsets = [0], sizes = [1], strides = [1]} : vector<16xf32> to vector<1xf32>
        %squeeze3A = vector.extract %slice3A[0] : f32 from vector<1xf32>
        %broadcast_in_dim3A_144 = vector.broadcast %squeeze3A : f32 to vector<16xf32>
        %mul3A_145 = arith.constant 16 : i32
        %mul3A_146 = arith.muli %scan3A_104, %mul3A_145 : i32
        %add3A_147 = arith.constant 0 : i32
        %add3A_148 = arith.addi %mul3A_146, %add3A_147 : i32
        %get3A_149 = arith.index_cast %add3A_148 : i32 to index
        %get3A_150 = arith.constant 0 : index
        %get3A_151 = tpu.vector_load %arg9[%get3A_149, %get3A_150] {strides = array<i32>} : memref<128x256xf32, #tpu.memory_space<vmem>>, vector<1x16xf32>,
        %get3A_152 = vector.shape_cast %get3A_151 : vector<1x16xf32> to vector<16xf32>
        %mul3A_153 = arith.mulf %broadcast_in_dim3A_144, %get3A_152 : vector<16xf32>
        %add3A_154 = arith.addf %broadcast_in_dim3A_113, %mul3A_153 : vector<16xf32>
        %get3A_155 = arith.index_cast %add3A_148 : i32 to index
        %get3A_156 = arith.constant 16 : index
        %get3A_157 = tpu.vector_load %arg9[%get3A_155, %get3A_156] {strides = array<i32>} : memref<128x256xf32, #tpu.memory_space<vmem>>, vector<1x16xf32>,
        %get3A_158 = vector.shape_cast %get3A_157 : vector<1x16xf32> to vector<16xf32>
        %mul3A_159 = arith.mulf %broadcast_in_dim3A_144, %get3A_158 : vector<16xf32>
        %add3A_160 = arith.addf %broadcast_in_dim3A_115, %mul3A_159 : vector<16xf32>
        %get3A_161 = arith.index_cast %add3A_148 : i32 to index
        %get3A_162 = arith.constant 32 : index
        %get3A_163 = tpu.vector_load %arg9[%get3A_161, %get3A_162] {strides = array<i32>} : memref<128x256xf32, #tpu.memory_space<vmem>>, vector<1x16xf32>,
        %get3A_164 = vector.shape_cast %get3A_163 : vector<1x16xf32> to vector<16xf32>
        %mul3A_165 = arith.mulf %broadcast_in_dim3A_144, %get3A_164 : vector<16xf32>
        %add3A_166 = arith.addf %broadcast_in_dim3A_117, %mul3A_165 : vector<16xf32>
        %get3A_167 = arith.index_cast %add3A_148 : i32 to index
        %get3A_168 = arith.constant 48 : index
        %get3A_169 = tpu.vector_load %arg9[%get3A_167, %get3A_168] {strides = array<i32>} : memref<128x256xf32, #tpu.memory_space<vmem>>, vector<1x16xf32>,
        %get3A_170 = vector.shape_cast %get3A_169 : vector<1x16xf32> to vector<16xf32>
        %mul3A_171 = arith.mulf %broadcast_in_dim3A_144, %get3A_170 : vector<16xf32>
        %add3A_172 = arith.addf %broadcast_in_dim3A_119, %mul3A_171 : vector<16xf32>
        %get3A_173 = arith.index_cast %add3A_148 : i32 to index
        %get3A_174 = arith.constant 64 : index
        %get3A_175 = tpu.vector_load %arg9[%get3A_173, %get3A_174] {strides = array<i32>} : memref<128x256xf32, #tpu.memory_space<vmem>>, vector<1x16xf32>,
        %get3A_176 = vector.shape_cast %get3A_175 : vector<1x16xf32> to vector<16xf32>
        %mul3A_177 = arith.mulf %broadcast_in_dim3A_144, %get3A_176 : vector<16xf32>
        %add3A_178 = arith.addf %broadcast_in_dim3A_121, %mul3A_177 : vector<16xf32>
        %get3A_179 = arith.index_cast %add3A_148 : i32 to index
        %get3A_180 = arith.constant 80 : index
        %get3A_181 = tpu.vector_load %arg9[%get3A_179, %get3A_180] {strides = array<i32>} : memref<128x256xf32, #tpu.memory_space<vmem>>, vector<1x16xf32>,
        %get3A_182 = vector.shape_cast %get3A_181 : vector<1x16xf32> to vector<16xf32>
        %mul3A_183 = arith.mulf %broadcast_in_dim3A_144, %get3A_182 : vector<16xf32>
        %add3A_184 = arith.addf %broadcast_in_dim3A_123, %mul3A_183 : vector<16xf32>
        %get3A_185 = arith.index_cast %add3A_148 : i32 to index
        %get3A_186 = arith.constant 96 : index
        %get3A_187 = tpu.vector_load %arg9[%get3A_185, %get3A_186] {strides = array<i32>} : memref<128x256xf32, #tpu.memory_space<vmem>>, vector<1x16xf32>,
        %get3A_188 = vector.shape_cast %get3A_187 : vector<1x16xf32> to vector<16xf32>
        %mul3A_189 = arith.mulf %broadcast_in_dim3A_144, %get3A_188 : vector<16xf32>
        %add3A_190 = arith.addf %broadcast_in_dim3A_125, %mul3A_189 : vector<16xf32>
        %get3A_191 = arith.index_cast %add3A_148 : i32 to index
        %get3A_192 = arith.constant 112 : index
        %get3A_193 = tpu.vector_load %arg9[%get3A_191, %get3A_192] {strides = array<i32>} : memref<128x256xf32, #tpu.memory_space<vmem>>, vector<1x16xf32>,
        %get3A_194 = vector.shape_cast %get3A_193 : vector<1x16xf32> to vector<16xf32>
        %mul3A_195 = arith.mulf %broadcast_in_dim3A_144, %get3A_194 : vector<16xf32>
        %add3A_196 = arith.addf %broadcast_in_dim3A_127, %mul3A_195 : vector<16xf32>
        %get3A_197 = arith.index_cast %add3A_148 : i32 to index
        %get3A_198 = arith.constant 128 : index
        %get3A_199 = tpu.vector_load %arg9[%get3A_197, %get3A_198] {strides = array<i32>} : memref<128x256xf32, #tpu.memory_space<vmem>>, vector<1x16xf32>,
        %get3A_200 = vector.shape_cast %get3A_199 : vector<1x16xf32> to vector<16xf32>
        %mul3A_201 = arith.mulf %broadcast_in_dim3A_144, %get3A_200 : vector<16xf32>
        %add3A_202 = arith.addf %broadcast_in_dim3A_129, %mul3A_201 : vector<16xf32>
        %get3A_203 = arith.index_cast %add3A_148 : i32 to index
        %get3A_204 = arith.constant 144 : index
        %get3A_205 = tpu.vector_load %arg9[%get3A_203, %get3A_204] {strides = array<i32>} : memref<128x256xf32, #tpu.memory_space<vmem>>, vector<1x16xf32>,
        %get3A_206 = vector.shape_cast %get3A_205 : vector<1x16xf32> to vector<16xf32>
        %mul3A_207 = arith.mulf %broadcast_in_dim3A_144, %get3A_206 : vector<16xf32>
        %add3A_208 = arith.addf %broadcast_in_dim3A_131, %mul3A_207 : vector<16xf32>
        %get3A_209 = arith.index_cast %add3A_148 : i32 to index
        %get3A_210 = arith.constant 160 : index
        %get3A_211 = tpu.vector_load %arg9[%get3A_209, %get3A_210] {strides = array<i32>} : memref<128x256xf32, #tpu.memory_space<vmem>>, vector<1x16xf32>,
        %get3A_212 = vector.shape_cast %get3A_211 : vector<1x16xf32> to vector<16xf32>
        %mul3A_213 = arith.mulf %broadcast_in_dim3A_144, %get3A_212 : vector<16xf32>
        %add3A_214 = arith.addf %broadcast_in_dim3A_133, %mul3A_213 : vector<16xf32>
        %get3A_215 = arith.index_cast %add3A_148 : i32 to index
        %get3A_216 = arith.constant 176 : index
        %get3A_217 = tpu.vector_load %arg9[%get3A_215, %get3A_216] {strides = array<i32>} : memref<128x256xf32, #tpu.memory_space<vmem>>, vector<1x16xf32>,
        %get3A_218 = vector.shape_cast %get3A_217 : vector<1x16xf32> to vector<16xf32>
        %mul3A_219 = arith.mulf %broadcast_in_dim3A_144, %get3A_218 : vector<16xf32>
        %add3A_220 = arith.addf %broadcast_in_dim3A_135, %mul3A_219 : vector<16xf32>
        %get3A_221 = arith.index_cast %add3A_148 : i32 to index
        %get3A_222 = arith.constant 192 : index
        %get3A_223 = tpu.vector_load %arg9[%get3A_221, %get3A_222] {strides = array<i32>} : memref<128x256xf32, #tpu.memory_space<vmem>>, vector<1x16xf32>,
        %get3A_224 = vector.shape_cast %get3A_223 : vector<1x16xf32> to vector<16xf32>
        %mul3A_225 = arith.mulf %broadcast_in_dim3A_144, %get3A_224 : vector<16xf32>
        %add3A_226 = arith.addf %broadcast_in_dim3A_137, %mul3A_225 : vector<16xf32>
        %get3A_227 = arith.index_cast %add3A_148 : i32 to index
        %get3A_228 = arith.constant 208 : index
        %get3A_229 = tpu.vector_load %arg9[%get3A_227, %get3A_228] {strides = array<i32>} : memref<128x256xf32, #tpu.memory_space<vmem>>, vector<1x16xf32>,
        %get3A_230 = vector.shape_cast %get3A_229 : vector<1x16xf32> to vector<16xf32>
        %mul3A_231 = arith.mulf %broadcast_in_dim3A_144, %get3A_230 : vector<16xf32>
        %add3A_232 = arith.addf %broadcast_in_dim3A_139, %mul3A_231 : vector<16xf32>
        %get3A_233 = arith.index_cast %add3A_148 : i32 to index
        %get3A_234 = arith.constant 224 : index
        %get3A_235 = tpu.vector_load %arg9[%get3A_233, %get3A_234] {strides = array<i32>} : memref<128x256xf32, #tpu.memory_space<vmem>>, vector<1x16xf32>,
        %get3A_236 = vector.shape_cast %get3A_235 : vector<1x16xf32> to vector<16xf32>
        %mul3A_237 = arith.mulf %broadcast_in_dim3A_144, %get3A_236 : vector<16xf32>
        %add3A_238 = arith.addf %broadcast_in_dim3A_141, %mul3A_237 : vector<16xf32>
        %get3A_239 = arith.index_cast %add3A_148 : i32 to index
        %get3A_240 = arith.constant 240 : index
        %get3A_241 = tpu.vector_load %arg9[%get3A_239, %get3A_240] {strides = array<i32>} : memref<128x256xf32, #tpu.memory_space<vmem>>, vector<1x16xf32>,
        %get3A_242 = vector.shape_cast %get3A_241 : vector<1x16xf32> to vector<16xf32>
        %mul3A_243 = arith.mulf %broadcast_in_dim3A_144, %get3A_242 : vector<16xf32>
        %add3A_244 = arith.addf %broadcast_in_dim3A_143, %mul3A_243 : vector<16xf32>
        %slice3A_245 = vector.extract_strided_slice %get3A_112 {offsets = [1], sizes = [1], strides = [1]} : vector<16xf32> to vector<1xf32>
        %squeeze3A_246 = vector.extract %slice3A_245[0] : f32 from vector<1xf32>
        %broadcast_in_dim3A_247 = vector.broadcast %squeeze3A_246 : f32 to vector<16xf32>
        %mul3A_248 = arith.constant 16 : i32
        %mul3A_249 = arith.muli %scan3A_104, %mul3A_248 : i32
        %add3A_250 = arith.constant 1 : i32
        %add3A_251 = arith.addi %mul3A_249, %add3A_250 : i32
        %get3A_252 = arith.index_cast %add3A_251 : i32 to index
        %get3A_253 = arith.constant 0 : index
        %get3A_254 = tpu.vector_load %arg9[%get3A_252, %get3A_253] {strides = array<i32>} : memref<128x256xf32, #tpu.memory_space<vmem>>, vector<1x16xf32>,
        %get3A_255 = vector.shape_cast %get3A_254 : vector<1x16xf32> to vector<16xf32>
        %mul3A_256 = arith.mulf %broadcast_in_dim3A_247, %get3A_255 : vector<16xf32>
        %add3A_257 = arith.addf %add3A_154, %mul3A_256 : vector<16xf32>
        %get3A_258 = arith.index_cast %add3A_251 : i32 to index
        %get3A_259 = arith.constant 16 : index
        %get3A_260 = tpu.vector_load %arg9[%get3A_258, %get3A_259] {strides = array<i32>} : memref<128x256xf32, #tpu.memory_space<vmem>>, vector<1x16xf32>,
        %get3A_261 = vector.shape_cast %get3A_260 : vector<1x16xf32> to vector<16xf32>
        %mul3A_262 = arith.mulf %broadcast_in_dim3A_247, %get3A_261 : vector<16xf32>
        %add3A_263 = arith.addf %add3A_160, %mul3A_262 : vector<16xf32>
        %get3A_264 = arith.index_cast %add3A_251 : i32 to index
        %get3A_265 = arith.constant 32 : index
        %get3A_266 = tpu.vector_load %arg9[%get3A_264, %get3A_265] {strides = array<i32>} : memref<128x256xf32, #tpu.memory_space<vmem>>, vector<1x16xf32>,
        %get3A_267 = vector.shape_cast %get3A_266 : vector<1x16xf32> to vector<16xf32>
        %mul3A_268 = arith.mulf %broadcast_in_dim3A_247, %get3A_267 : vector<16xf32>
        %add3A_269 = arith.addf %add3A_166, %mul3A_268 : vector<16xf32>
        %get3A_270 = arith.index_cast %add3A_251 : i32 to index
        %get3A_271 = arith.constant 48 : index
        %get3A_272 = tpu.vector_load %arg9[%get3A_270, %get3A_271] {strides = array<i32>} : memref<128x256xf32, #tpu.memory_space<vmem>>, vector<1x16xf32>,
        %get3A_273 = vector.shape_cast %get3A_272 : vector<1x16xf32> to vector<16xf32>
        %mul3A_274 = arith.mulf %broadcast_in_dim3A_247, %get3A_273 : vector<16xf32>
        %add3A_275 = arith.addf %add3A_172, %mul3A_274 : vector<16xf32>
        %get3A_276 = arith.index_cast %add3A_251 : i32 to index
        %get3A_277 = arith.constant 64 : index
        %get3A_278 = tpu.vector_load %arg9[%get3A_276, %get3A_277] {strides = array<i32>} : memref<128x256xf32, #tpu.memory_space<vmem>>, vector<1x16xf32>,
        %get3A_279 = vector.shape_cast %get3A_278 : vector<1x16xf32> to vector<16xf32>
        %mul3A_280 = arith.mulf %broadcast_in_dim3A_247, %get3A_279 : vector<16xf32>
        %add3A_281 = arith.addf %add3A_178, %mul3A_280 : vector<16xf32>
        %get3A_282 = arith.index_cast %add3A_251 : i32 to index
        %get3A_283 = arith.constant 80 : index
        %get3A_284 = tpu.vector_load %arg9[%get3A_282, %get3A_283] {strides = array<i32>} : memref<128x256xf32, #tpu.memory_space<vmem>>, vector<1x16xf32>,
        %get3A_285 = vector.shape_cast %get3A_284 : vector<1x16xf32> to vector<16xf32>
        %mul3A_286 = arith.mulf %broadcast_in_dim3A_247, %get3A_285 : vector<16xf32>
        %add3A_287 = arith.addf %add3A_184, %mul3A_286 : vector<16xf32>
        %get3A_288 = arith.index_cast %add3A_251 : i32 to index
        %get3A_289 = arith.constant 96 : index
        %get3A_290 = tpu.vector_load %arg9[%get3A_288, %get3A_289] {strides = array<i32>} : memref<128x256xf32, #tpu.memory_space<vmem>>, vector<1x16xf32>,
        %get3A_291 = vector.shape_cast %get3A_290 : vector<1x16xf32> to vector<16xf32>
        %mul3A_292 = arith.mulf %broadcast_in_dim3A_247, %get3A_291 : vector<16xf32>
        %add3A_293 = arith.addf %add3A_190, %mul3A_292 : vector<16xf32>
        %get3A_294 = arith.index_cast %add3A_251 : i32 to index
        %get3A_295 = arith.constant 112 : index
        %get3A_296 = tpu.vector_load %arg9[%get3A_294, %get3A_295] {strides = array<i32>} : memref<128x256xf32, #tpu.memory_space<vmem>>, vector<1x16xf32>,
        %get3A_297 = vector.shape_cast %get3A_296 : vector<1x16xf32> to vector<16xf32>
        %mul3A_298 = arith.mulf %broadcast_in_dim3A_247, %get3A_297 : vector<16xf32>
        %add3A_299 = arith.addf %add3A_196, %mul3A_298 : vector<16xf32>
        %get3A_300 = arith.index_cast %add3A_251 : i32 to index
        %get3A_301 = arith.constant 128 : index
        %get3A_302 = tpu.vector_load %arg9[%get3A_300, %get3A_301] {strides = array<i32>} : memref<128x256xf32, #tpu.memory_space<vmem>>, vector<1x16xf32>,
        %get3A_303 = vector.shape_cast %get3A_302 : vector<1x16xf32> to vector<16xf32>
        %mul3A_304 = arith.mulf %broadcast_in_dim3A_247, %get3A_303 : vector<16xf32>
        %add3A_305 = arith.addf %add3A_202, %mul3A_304 : vector<16xf32>
        %get3A_306 = arith.index_cast %add3A_251 : i32 to index
        %get3A_307 = arith.constant 144 : index
        %get3A_308 = tpu.vector_load %arg9[%get3A_306, %get3A_307] {strides = array<i32>} : memref<128x256xf32, #tpu.memory_space<vmem>>, vector<1x16xf32>,
        %get3A_309 = vector.shape_cast %get3A_308 : vector<1x16xf32> to vector<16xf32>
        %mul3A_310 = arith.mulf %broadcast_in_dim3A_247, %get3A_309 : vector<16xf32>
        %add3A_311 = arith.addf %add3A_208, %mul3A_310 : vector<16xf32>
        %get3A_312 = arith.index_cast %add3A_251 : i32 to index
        %get3A_313 = arith.constant 160 : index
        %get3A_314 = tpu.vector_load %arg9[%get3A_312, %get3A_313] {strides = array<i32>} : memref<128x256xf32, #tpu.memory_space<vmem>>, vector<1x16xf32>,
        %get3A_315 = vector.shape_cast %get3A_314 : vector<1x16xf32> to vector<16xf32>
        %mul3A_316 = arith.mulf %broadcast_in_dim3A_247, %get3A_315 : vector<16xf32>
        %add3A_317 = arith.addf %add3A_214, %mul3A_316 : vector<16xf32>
        %get3A_318 = arith.index_cast %add3A_251 : i32 to index
        %get3A_319 = arith.constant 176 : index
        %get3A_320 = tpu.vector_load %arg9[%get3A_318, %get3A_319] {strides = array<i32>} : memref<128x256xf32, #tpu.memory_space<vmem>>, vector<1x16xf32>,
        %get3A_321 = vector.shape_cast %get3A_320 : vector<1x16xf32> to vector<16xf32>
        %mul3A_322 = arith.mulf %broadcast_in_dim3A_247, %get3A_321 : vector<16xf32>
        %add3A_323 = arith.addf %add3A_220, %mul3A_322 : vector<16xf32>
        %get3A_324 = arith.index_cast %add3A_251 : i32 to index
        %get3A_325 = arith.constant 192 : index
        %get3A_326 = tpu.vector_load %arg9[%get3A_324, %get3A_325] {strides = array<i32>} : memref<128x256xf32, #tpu.memory_space<vmem>>, vector<1x16xf32>,
        %get3A_327 = vector.shape_cast %get3A_326 : vector<1x16xf32> to vector<16xf32>
        %mul3A_328 = arith.mulf %broadcast_in_dim3A_247, %get3A_327 : vector<16xf32>
        %add3A_329 = arith.addf %add3A_226, %mul3A_328 : vector<16xf32>
        %get3A_330 = arith.index_cast %add3A_251 : i32 to index
        %get3A_331 = arith.constant 208 : index
        %get3A_332 = tpu.vector_load %arg9[%get3A_330, %get3A_331] {strides = array<i32>} : memref<128x256xf32, #tpu.memory_space<vmem>>, vector<1x16xf32>,
        %get3A_333 = vector.shape_cast %get3A_332 : vector<1x16xf32> to vector<16xf32>
        %mul3A_334 = arith.mulf %broadcast_in_dim3A_247, %get3A_333 : vector<16xf32>
        %add3A_335 = arith.addf %add3A_232, %mul3A_334 : vector<16xf32>
        %get3A_336 = arith.index_cast %add3A_251 : i32 to index
        %get3A_337 = arith.constant 224 : index
        %get3A_338 = tpu.vector_load %arg9[%get3A_336, %get3A_337] {strides = array<i32>} : memref<128x256xf32, #tpu.memory_space<vmem>>, vector<1x16xf32>,
        %get3A_339 = vector.shape_cast %get3A_338 : vector<1x16xf32> to vector<16xf32>
        %mul3A_340 = arith.mulf %broadcast_in_dim3A_247, %get3A_339 : vector<16xf32>
        %add3A_341 = arith.addf %add3A_238, %mul3A_340 : vector<16xf32>
        %get3A_342 = arith.index_cast %add3A_251 : i32 to index
        %get3A_343 = arith.constant 240 : index
        %get3A_344 = tpu.vector_load %arg9[%get3A_342, %get3A_343] {strides = array<i32>} : memref<128x256xf32, #tpu.memory_space<vmem>>, vector<1x16xf32>,
        %get3A_345 = vector.shape_cast %get3A_344 : vector<1x16xf32> to vector<16xf32>
        %mul3A_346 = arith.mulf %broadcast_in_dim3A_247, %get3A_345 : vector<16xf32>
        %add3A_347 = arith.addf %add3A_244, %mul3A_346 : vector<16xf32>
        %slice3A_348 = vector.extract_strided_slice %get3A_112 {offsets = [2], sizes = [1], strides = [1]} : vector<16xf32> to vector<1xf32>
        %squeeze3A_349 = vector.extract %slice3A_348[0] : f32 from vector<1xf32>
        %broadcast_in_dim3A_350 = vector.broadcast %squeeze3A_349 : f32 to vector<16xf32>
        %mul3A_351 = arith.constant 16 : i32
        %mul3A_352 = arith.muli %scan3A_104, %mul3A_351 : i32
        %add3A_353 = arith.constant 2 : i32
        %add3A_354 = arith.addi %mul3A_352, %add3A_353 : i32
        %get3A_355 = arith.index_cast %add3A_354 : i32 to index
        %get3A_356 = arith.constant 0 : index
        %get3A_357 = tpu.vector_load %arg9[%get3A_355, %get3A_356] {strides = array<i32>} : memref<128x256xf32, #tpu.memory_space<vmem>>, vector<1x16xf32>,
        %get3A_358 = vector.shape_cast %get3A_357 : vector<1x16xf32> to vector<16xf32>
        %mul3A_359 = arith.mulf %broadcast_in_dim3A_350, %get3A_358 : vector<16xf32>
        %add3A_360 = arith.addf %add3A_257, %mul3A_359 : vector<16xf32>
        %get3A_361 = arith.index_cast %add3A_354 : i32 to index
        %get3A_362 = arith.constant 16 : index
        %get3A_363 = tpu.vector_load %arg9[%get3A_361, %get3A_362] {strides = array<i32>} : memref<128x256xf32, #tpu.memory_space<vmem>>, vector<1x16xf32>,
        %get3A_364 = vector.shape_cast %get3A_363 : vector<1x16xf32> to vector<16xf32>
        %mul3A_365 = arith.mulf %broadcast_in_dim3A_350, %get3A_364 : vector<16xf32>
        %add3A_366 = arith.addf %add3A_263, %mul3A_365 : vector<16xf32>
        %get3A_367 = arith.index_cast %add3A_354 : i32 to index
        %get3A_368 = arith.constant 32 : index
        %get3A_369 = tpu.vector_load %arg9[%get3A_367, %get3A_368] {strides = array<i32>} : memref<128x256xf32, #tpu.memory_space<vmem>>, vector<1x16xf32>,
        %get3A_370 = vector.shape_cast %get3A_369 : vector<1x16xf32> to vector<16xf32>
        %mul3A_371 = arith.mulf %broadcast_in_dim3A_350, %get3A_370 : vector<16xf32>
        %add3A_372 = arith.addf %add3A_269, %mul3A_371 : vector<16xf32>
        %get3A_373 = arith.index_cast %add3A_354 : i32 to index
        %get3A_374 = arith.constant 48 : index
        %get3A_375 = tpu.vector_load %arg9[%get3A_373, %get3A_374] {strides = array<i32>} : memref<128x256xf32, #tpu.memory_space<vmem>>, vector<1x16xf32>,
        %get3A_376 = vector.shape_cast %get3A_375 : vector<1x16xf32> to vector<16xf32>
        %mul3A_377 = arith.mulf %broadcast_in_dim3A_350, %get3A_376 : vector<16xf32>
        %add3A_378 = arith.addf %add3A_275, %mul3A_377 : vector<16xf32>
        %get3A_379 = arith.index_cast %add3A_354 : i32 to index
        %get3A_380 = arith.constant 64 : index
        %get3A_381 = tpu.vector_load %arg9[%get3A_379, %get3A_380] {strides = array<i32>} : memref<128x256xf32, #tpu.memory_space<vmem>>, vector<1x16xf32>,
        %get3A_382 = vector.shape_cast %get3A_381 : vector<1x16xf32> to vector<16xf32>
        %mul3A_383 = arith.mulf %broadcast_in_dim3A_350, %get3A_382 : vector<16xf32>
        %add3A_384 = arith.addf %add3A_281, %mul3A_383 : vector<16xf32>
        %get3A_385 = arith.index_cast %add3A_354 : i32 to index
        %get3A_386 = arith.constant 80 : index
        %get3A_387 = tpu.vector_load %arg9[%get3A_385, %get3A_386] {strides = array<i32>} : memref<128x256xf32, #tpu.memory_space<vmem>>, vector<1x16xf32>,
        %get3A_388 = vector.shape_cast %get3A_387 : vector<1x16xf32> to vector<16xf32>
        %mul3A_389 = arith.mulf %broadcast_in_dim3A_350, %get3A_388 : vector<16xf32>
        %add3A_390 = arith.addf %add3A_287, %mul3A_389 : vector<16xf32>
        %get3A_391 = arith.index_cast %add3A_354 : i32 to index
        %get3A_392 = arith.constant 96 : index
        %get3A_393 = tpu.vector_load %arg9[%get3A_391, %get3A_392] {strides = array<i32>} : memref<128x256xf32, #tpu.memory_space<vmem>>, vector<1x16xf32>,
        %get3A_394 = vector.shape_cast %get3A_393 : vector<1x16xf32> to vector<16xf32>
        %mul3A_395 = arith.mulf %broadcast_in_dim3A_350, %get3A_394 : vector<16xf32>
        %add3A_396 = arith.addf %add3A_293, %mul3A_395 : vector<16xf32>
        %get3A_397 = arith.index_cast %add3A_354 : i32 to index
        %get3A_398 = arith.constant 112 : index
        %get3A_399 = tpu.vector_load %arg9[%get3A_397, %get3A_398] {strides = array<i32>} : memref<128x256xf32, #tpu.memory_space<vmem>>, vector<1x16xf32>,
        %get3A_400 = vector.shape_cast %get3A_399 : vector<1x16xf32> to vector<16xf32>
        %mul3A_401 = arith.mulf %broadcast_in_dim3A_350, %get3A_400 : vector<16xf32>
        %add3A_402 = arith.addf %add3A_299, %mul3A_401 : vector<16xf32>
        %get3A_403 = arith.index_cast %add3A_354 : i32 to index
        %get3A_404 = arith.constant 128 : index
        %get3A_405 = tpu.vector_load %arg9[%get3A_403, %get3A_404] {strides = array<i32>} : memref<128x256xf32, #tpu.memory_space<vmem>>, vector<1x16xf32>,
        %get3A_406 = vector.shape_cast %get3A_405 : vector<1x16xf32> to vector<16xf32>
        %mul3A_407 = arith.mulf %broadcast_in_dim3A_350, %get3A_406 : vector<16xf32>
        %add3A_408 = arith.addf %add3A_305, %mul3A_407 : vector<16xf32>
        %get3A_409 = arith.index_cast %add3A_354 : i32 to index
        %get3A_410 = arith.constant 144 : index
        %get3A_411 = tpu.vector_load %arg9[%get3A_409, %get3A_410] {strides = array<i32>} : memref<128x256xf32, #tpu.memory_space<vmem>>, vector<1x16xf32>,
        %get3A_412 = vector.shape_cast %get3A_411 : vector<1x16xf32> to vector<16xf32>
        %mul3A_413 = arith.mulf %broadcast_in_dim3A_350, %get3A_412 : vector<16xf32>
        %add3A_414 = arith.addf %add3A_311, %mul3A_413 : vector<16xf32>
        %get3A_415 = arith.index_cast %add3A_354 : i32 to index
        %get3A_416 = arith.constant 160 : index
        %get3A_417 = tpu.vector_load %arg9[%get3A_415, %get3A_416] {strides = array<i32>} : memref<128x256xf32, #tpu.memory_space<vmem>>, vector<1x16xf32>,
        %get3A_418 = vector.shape_cast %get3A_417 : vector<1x16xf32> to vector<16xf32>
        %mul3A_419 = arith.mulf %broadcast_in_dim3A_350, %get3A_418 : vector<16xf32>
        %add3A_420 = arith.addf %add3A_317, %mul3A_419 : vector<16xf32>
        %get3A_421 = arith.index_cast %add3A_354 : i32 to index
        %get3A_422 = arith.constant 176 : index
        %get3A_423 = tpu.vector_load %arg9[%get3A_421, %get3A_422] {strides = array<i32>} : memref<128x256xf32, #tpu.memory_space<vmem>>, vector<1x16xf32>,
        %get3A_424 = vector.shape_cast %get3A_423 : vector<1x16xf32> to vector<16xf32>
        %mul3A_425 = arith.mulf %broadcast_in_dim3A_350, %get3A_424 : vector<16xf32>
        %add3A_426 = arith.addf %add3A_323, %mul3A_425 : vector<16xf32>
        %get3A_427 = arith.index_cast %add3A_354 : i32 to index
        %get3A_428 = arith.constant 192 : index
        %get3A_429 = tpu.vector_load %arg9[%get3A_427, %get3A_428] {strides = array<i32>} : memref<128x256xf32, #tpu.memory_space<vmem>>, vector<1x16xf32>,
        %get3A_430 = vector.shape_cast %get3A_429 : vector<1x16xf32> to vector<16xf32>
        %mul3A_431 = arith.mulf %broadcast_in_dim3A_350, %get3A_430 : vector<16xf32>
        %add3A_432 = arith.addf %add3A_329, %mul3A_431 : vector<16xf32>
        %get3A_433 = arith.index_cast %add3A_354 : i32 to index
        %get3A_434 = arith.constant 208 : index
        %get3A_435 = tpu.vector_load %arg9[%get3A_433, %get3A_434] {strides = array<i32>} : memref<128x256xf32, #tpu.memory_space<vmem>>, vector<1x16xf32>,
        %get3A_436 = vector.shape_cast %get3A_435 : vector<1x16xf32> to vector<16xf32>
        %mul3A_437 = arith.mulf %broadcast_in_dim3A_350, %get3A_436 : vector<16xf32>
        %add3A_438 = arith.addf %add3A_335, %mul3A_437 : vector<16xf32>
        %get3A_439 = arith.index_cast %add3A_354 : i32 to index
        %get3A_440 = arith.constant 224 : index
        %get3A_441 = tpu.vector_load %arg9[%get3A_439, %get3A_440] {strides = array<i32>} : memref<128x256xf32, #tpu.memory_space<vmem>>, vector<1x16xf32>,
        %get3A_442 = vector.shape_cast %get3A_441 : vector<1x16xf32> to vector<16xf32>
        %mul3A_443 = arith.mulf %broadcast_in_dim3A_350, %get3A_442 : vector<16xf32>
        %add3A_444 = arith.addf %add3A_341, %mul3A_443 : vector<16xf32>
        %get3A_445 = arith.index_cast %add3A_354 : i32 to index
        %get3A_446 = arith.constant 240 : index
        %get3A_447 = tpu.vector_load %arg9[%get3A_445, %get3A_446] {strides = array<i32>} : memref<128x256xf32, #tpu.memory_space<vmem>>, vector<1x16xf32>,
        %get3A_448 = vector.shape_cast %get3A_447 : vector<1x16xf32> to vector<16xf32>
        %mul3A_449 = arith.mulf %broadcast_in_dim3A_350, %get3A_448 : vector<16xf32>
        %add3A_450 = arith.addf %add3A_347, %mul3A_449 : vector<16xf32>
        %slice3A_451 = vector.extract_strided_slice %get3A_112 {offsets = [3], sizes = [1], strides = [1]} : vector<16xf32> to vector<1xf32>
        %squeeze3A_452 = vector.extract %slice3A_451[0] : f32 from vector<1xf32>
        %broadcast_in_dim3A_453 = vector.broadcast %squeeze3A_452 : f32 to vector<16xf32>
        %mul3A_454 = arith.constant 16 : i32
        %mul3A_455 = arith.muli %scan3A_104, %mul3A_454 : i32
        %add3A_456 = arith.constant 3 : i32
        %add3A_457 = arith.addi %mul3A_455, %add3A_456 : i32
        %get3A_458 = arith.index_cast %add3A_457 : i32 to index
        %get3A_459 = arith.constant 0 : index
        %get3A_460 = tpu.vector_load %arg9[%get3A_458, %get3A_459] {strides = array<i32>} : memref<128x256xf32, #tpu.memory_space<vmem>>, vector<1x16xf32>,
        %get3A_461 = vector.shape_cast %get3A_460 : vector<1x16xf32> to vector<16xf32>
        %mul3A_462 = arith.mulf %broadcast_in_dim3A_453, %get3A_461 : vector<16xf32>
        %add3A_463 = arith.addf %add3A_360, %mul3A_462 : vector<16xf32>
        %get3A_464 = arith.index_cast %add3A_457 : i32 to index
        %get3A_465 = arith.constant 16 : index
        %get3A_466 = tpu.vector_load %arg9[%get3A_464, %get3A_465] {strides = array<i32>} : memref<128x256xf32, #tpu.memory_space<vmem>>, vector<1x16xf32>,
        %get3A_467 = vector.shape_cast %get3A_466 : vector<1x16xf32> to vector<16xf32>
        %mul3A_468 = arith.mulf %broadcast_in_dim3A_453, %get3A_467 : vector<16xf32>
        %add3A_469 = arith.addf %add3A_366, %mul3A_468 : vector<16xf32>
        %get3A_470 = arith.index_cast %add3A_457 : i32 to index
        %get3A_471 = arith.constant 32 : index
        %get3A_472 = tpu.vector_load %arg9[%get3A_470, %get3A_471] {strides = array<i32>} : memref<128x256xf32, #tpu.memory_space<vmem>>, vector<1x16xf32>,
        %get3A_473 = vector.shape_cast %get3A_472 : vector<1x16xf32> to vector<16xf32>
        %mul3A_474 = arith.mulf %broadcast_in_dim3A_453, %get3A_473 : vector<16xf32>
        %add3A_475 = arith.addf %add3A_372, %mul3A_474 : vector<16xf32>
        %get3A_476 = arith.index_cast %add3A_457 : i32 to index
        %get3A_477 = arith.constant 48 : index
        %get3A_478 = tpu.vector_load %arg9[%get3A_476, %get3A_477] {strides = array<i32>} : memref<128x256xf32, #tpu.memory_space<vmem>>, vector<1x16xf32>,
        %get3A_479 = vector.shape_cast %get3A_478 : vector<1x16xf32> to vector<16xf32>
        %mul3A_480 = arith.mulf %broadcast_in_dim3A_453, %get3A_479 : vector<16xf32>
        %add3A_481 = arith.addf %add3A_378, %mul3A_480 : vector<16xf32>
        %get3A_482 = arith.index_cast %add3A_457 : i32 to index
        %get3A_483 = arith.constant 64 : index
        %get3A_484 = tpu.vector_load %arg9[%get3A_482, %get3A_483] {strides = array<i32>} : memref<128x256xf32, #tpu.memory_space<vmem>>, vector<1x16xf32>,
        %get3A_485 = vector.shape_cast %get3A_484 : vector<1x16xf32> to vector<16xf32>
        %mul3A_486 = arith.mulf %broadcast_in_dim3A_453, %get3A_485 : vector<16xf32>
        %add3A_487 = arith.addf %add3A_384, %mul3A_486 : vector<16xf32>
        %get3A_488 = arith.index_cast %add3A_457 : i32 to index
        %get3A_489 = arith.constant 80 : index
        %get3A_490 = tpu.vector_load %arg9[%get3A_488, %get3A_489] {strides = array<i32>} : memref<128x256xf32, #tpu.memory_space<vmem>>, vector<1x16xf32>,
        %get3A_491 = vector.shape_cast %get3A_490 : vector<1x16xf32> to vector<16xf32>
        %mul3A_492 = arith.mulf %broadcast_in_dim3A_453, %get3A_491 : vector<16xf32>
        %add3A_493 = arith.addf %add3A_390, %mul3A_492 : vector<16xf32>
        %get3A_494 = arith.index_cast %add3A_457 : i32 to index
        %get3A_495 = arith.constant 96 : index
        %get3A_496 = tpu.vector_load %arg9[%get3A_494, %get3A_495] {strides = array<i32>} : memref<128x256xf32, #tpu.memory_space<vmem>>, vector<1x16xf32>,
        %get3A_497 = vector.shape_cast %get3A_496 : vector<1x16xf32> to vector<16xf32>
        %mul3A_498 = arith.mulf %broadcast_in_dim3A_453, %get3A_497 : vector<16xf32>
        %add3A_499 = arith.addf %add3A_396, %mul3A_498 : vector<16xf32>
        %get3A_500 = arith.index_cast %add3A_457 : i32 to index
        %get3A_501 = arith.constant 112 : index
        %get3A_502 = tpu.vector_load %arg9[%get3A_500, %get3A_501] {strides = array<i32>} : memref<128x256xf32, #tpu.memory_space<vmem>>, vector<1x16xf32>,
        %get3A_503 = vector.shape_cast %get3A_502 : vector<1x16xf32> to vector<16xf32>
        %mul3A_504 = arith.mulf %broadcast_in_dim3A_453, %get3A_503 : vector<16xf32>
        %add3A_505 = arith.addf %add3A_402, %mul3A_504 : vector<16xf32>
        %get3A_506 = arith.index_cast %add3A_457 : i32 to index
        %get3A_507 = arith.constant 128 : index
        %get3A_508 = tpu.vector_load %arg9[%get3A_506, %get3A_507] {strides = array<i32>} : memref<128x256xf32, #tpu.memory_space<vmem>>, vector<1x16xf32>,
        %get3A_509 = vector.shape_cast %get3A_508 : vector<1x16xf32> to vector<16xf32>
        %mul3A_510 = arith.mulf %broadcast_in_dim3A_453, %get3A_509 : vector<16xf32>
        %add3A_511 = arith.addf %add3A_408, %mul3A_510 : vector<16xf32>
        %get3A_512 = arith.index_cast %add3A_457 : i32 to index
        %get3A_513 = arith.constant 144 : index
        %get3A_514 = tpu.vector_load %arg9[%get3A_512, %get3A_513] {strides = array<i32>} : memref<128x256xf32, #tpu.memory_space<vmem>>, vector<1x16xf32>,
        %get3A_515 = vector.shape_cast %get3A_514 : vector<1x16xf32> to vector<16xf32>
        %mul3A_516 = arith.mulf %broadcast_in_dim3A_453, %get3A_515 : vector<16xf32>
        %add3A_517 = arith.addf %add3A_414, %mul3A_516 : vector<16xf32>
        %get3A_518 = arith.index_cast %add3A_457 : i32 to index
        %get3A_519 = arith.constant 160 : index
        %get3A_520 = tpu.vector_load %arg9[%get3A_518, %get3A_519] {strides = array<i32>} : memref<128x256xf32, #tpu.memory_space<vmem>>, vector<1x16xf32>,
        %get3A_521 = vector.shape_cast %get3A_520 : vector<1x16xf32> to vector<16xf32>
        %mul3A_522 = arith.mulf %broadcast_in_dim3A_453, %get3A_521 : vector<16xf32>
        %add3A_523 = arith.addf %add3A_420, %mul3A_522 : vector<16xf32>
        %get3A_524 = arith.index_cast %add3A_457 : i32 to index
        %get3A_525 = arith.constant 176 : index
        %get3A_526 = tpu.vector_load %arg9[%get3A_524, %get3A_525] {strides = array<i32>} : memref<128x256xf32, #tpu.memory_space<vmem>>, vector<1x16xf32>,
        %get3A_527 = vector.shape_cast %get3A_526 : vector<1x16xf32> to vector<16xf32>
        %mul3A_528 = arith.mulf %broadcast_in_dim3A_453, %get3A_527 : vector<16xf32>
        %add3A_529 = arith.addf %add3A_426, %mul3A_528 : vector<16xf32>
        %get3A_530 = arith.index_cast %add3A_457 : i32 to index
        %get3A_531 = arith.constant 192 : index
        %get3A_532 = tpu.vector_load %arg9[%get3A_530, %get3A_531] {strides = array<i32>} : memref<128x256xf32, #tpu.memory_space<vmem>>, vector<1x16xf32>,
        %get3A_533 = vector.shape_cast %get3A_532 : vector<1x16xf32> to vector<16xf32>
        %mul3A_534 = arith.mulf %broadcast_in_dim3A_453, %get3A_533 : vector<16xf32>
        %add3A_535 = arith.addf %add3A_432, %mul3A_534 : vector<16xf32>
        %get3A_536 = arith.index_cast %add3A_457 : i32 to index
        %get3A_537 = arith.constant 208 : index
        %get3A_538 = tpu.vector_load %arg9[%get3A_536, %get3A_537] {strides = array<i32>} : memref<128x256xf32, #tpu.memory_space<vmem>>, vector<1x16xf32>,
        %get3A_539 = vector.shape_cast %get3A_538 : vector<1x16xf32> to vector<16xf32>
        %mul3A_540 = arith.mulf %broadcast_in_dim3A_453, %get3A_539 : vector<16xf32>
        %add3A_541 = arith.addf %add3A_438, %mul3A_540 : vector<16xf32>
        %get3A_542 = arith.index_cast %add3A_457 : i32 to index
        %get3A_543 = arith.constant 224 : index
        %get3A_544 = tpu.vector_load %arg9[%get3A_542, %get3A_543] {strides = array<i32>} : memref<128x256xf32, #tpu.memory_space<vmem>>, vector<1x16xf32>,
        %get3A_545 = vector.shape_cast %get3A_544 : vector<1x16xf32> to vector<16xf32>
        %mul3A_546 = arith.mulf %broadcast_in_dim3A_453, %get3A_545 : vector<16xf32>
        %add3A_547 = arith.addf %add3A_444, %mul3A_546 : vector<16xf32>
        %get3A_548 = arith.index_cast %add3A_457 : i32 to index
        %get3A_549 = arith.constant 240 : index
        %get3A_550 = tpu.vector_load %arg9[%get3A_548, %get3A_549] {strides = array<i32>} : memref<128x256xf32, #tpu.memory_space<vmem>>, vector<1x16xf32>,
        %get3A_551 = vector.shape_cast %get3A_550 : vector<1x16xf32> to vector<16xf32>
        %mul3A_552 = arith.mulf %broadcast_in_dim3A_453, %get3A_551 : vector<16xf32>
        %add3A_553 = arith.addf %add3A_450, %mul3A_552 : vector<16xf32>
        %slice3A_554 = vector.extract_strided_slice %get3A_112 {offsets = [4], sizes = [1], strides = [1]} : vector<16xf32> to vector<1xf32>
        %squeeze3A_555 = vector.extract %slice3A_554[0] : f32 from vector<1xf32>
        %broadcast_in_dim3A_556 = vector.broadcast %squeeze3A_555 : f32 to vector<16xf32>
        %mul3A_557 = arith.constant 16 : i32
        %mul3A_558 = arith.muli %scan3A_104, %mul3A_557 : i32
        %add3A_559 = arith.constant 4 : i32
        %add3A_560 = arith.addi %mul3A_558, %add3A_559 : i32
        %get3A_561 = arith.index_cast %add3A_560 : i32 to index
        %get3A_562 = arith.constant 0 : index
        %get3A_563 = tpu.vector_load %arg9[%get3A_561, %get3A_562] {strides = array<i32>} : memref<128x256xf32, #tpu.memory_space<vmem>>, vector<1x16xf32>,
        %get3A_564 = vector.shape_cast %get3A_563 : vector<1x16xf32> to vector<16xf32>
        %mul3A_565 = arith.mulf %broadcast_in_dim3A_556, %get3A_564 : vector<16xf32>
        %add3A_566 = arith.addf %add3A_463, %mul3A_565 : vector<16xf32>
        %get3A_567 = arith.index_cast %add3A_560 : i32 to index
        %get3A_568 = arith.constant 16 : index
        %get3A_569 = tpu.vector_load %arg9[%get3A_567, %get3A_568] {strides = array<i32>} : memref<128x256xf32, #tpu.memory_space<vmem>>, vector<1x16xf32>,
        %get3A_570 = vector.shape_cast %get3A_569 : vector<1x16xf32> to vector<16xf32>
        %mul3A_571 = arith.mulf %broadcast_in_dim3A_556, %get3A_570 : vector<16xf32>
        %add3A_572 = arith.addf %add3A_469, %mul3A_571 : vector<16xf32>
        %get3A_573 = arith.index_cast %add3A_560 : i32 to index
        %get3A_574 = arith.constant 32 : index
        %get3A_575 = tpu.vector_load %arg9[%get3A_573, %get3A_574] {strides = array<i32>} : memref<128x256xf32, #tpu.memory_space<vmem>>, vector<1x16xf32>,
        %get3A_576 = vector.shape_cast %get3A_575 : vector<1x16xf32> to vector<16xf32>
        %mul3A_577 = arith.mulf %broadcast_in_dim3A_556, %get3A_576 : vector<16xf32>
        %add3A_578 = arith.addf %add3A_475, %mul3A_577 : vector<16xf32>
        %get3A_579 = arith.index_cast %add3A_560 : i32 to index
        %get3A_580 = arith.constant 48 : index
        %get3A_581 = tpu.vector_load %arg9[%get3A_579, %get3A_580] {strides = array<i32>} : memref<128x256xf32, #tpu.memory_space<vmem>>, vector<1x16xf32>,
        %get3A_582 = vector.shape_cast %get3A_581 : vector<1x16xf32> to vector<16xf32>
        %mul3A_583 = arith.mulf %broadcast_in_dim3A_556, %get3A_582 : vector<16xf32>
        %add3A_584 = arith.addf %add3A_481, %mul3A_583 : vector<16xf32>
        %get3A_585 = arith.index_cast %add3A_560 : i32 to index
        %get3A_586 = arith.constant 64 : index
        %get3A_587 = tpu.vector_load %arg9[%get3A_585, %get3A_586] {strides = array<i32>} : memref<128x256xf32, #tpu.memory_space<vmem>>, vector<1x16xf32>,
        %get3A_588 = vector.shape_cast %get3A_587 : vector<1x16xf32> to vector<16xf32>
        %mul3A_589 = arith.mulf %broadcast_in_dim3A_556, %get3A_588 : vector<16xf32>
        %add3A_590 = arith.addf %add3A_487, %mul3A_589 : vector<16xf32>
        %get3A_591 = arith.index_cast %add3A_560 : i32 to index
        %get3A_592 = arith.constant 80 : index
        %get3A_593 = tpu.vector_load %arg9[%get3A_591, %get3A_592] {strides = array<i32>} : memref<128x256xf32, #tpu.memory_space<vmem>>, vector<1x16xf32>,
        %get3A_594 = vector.shape_cast %get3A_593 : vector<1x16xf32> to vector<16xf32>
        %mul3A_595 = arith.mulf %broadcast_in_dim3A_556, %get3A_594 : vector<16xf32>
        %add3A_596 = arith.addf %add3A_493, %mul3A_595 : vector<16xf32>
        %get3A_597 = arith.index_cast %add3A_560 : i32 to index
        %get3A_598 = arith.constant 96 : index
        %get3A_599 = tpu.vector_load %arg9[%get3A_597, %get3A_598] {strides = array<i32>} : memref<128x256xf32, #tpu.memory_space<vmem>>, vector<1x16xf32>,
        %get3A_600 = vector.shape_cast %get3A_599 : vector<1x16xf32> to vector<16xf32>
        %mul3A_601 = arith.mulf %broadcast_in_dim3A_556, %get3A_600 : vector<16xf32>
        %add3A_602 = arith.addf %add3A_499, %mul3A_601 : vector<16xf32>
        %get3A_603 = arith.index_cast %add3A_560 : i32 to index
        %get3A_604 = arith.constant 112 : index
        %get3A_605 = tpu.vector_load %arg9[%get3A_603, %get3A_604] {strides = array<i32>} : memref<128x256xf32, #tpu.memory_space<vmem>>, vector<1x16xf32>,
        %get3A_606 = vector.shape_cast %get3A_605 : vector<1x16xf32> to vector<16xf32>
        %mul3A_607 = arith.mulf %broadcast_in_dim3A_556, %get3A_606 : vector<16xf32>
        %add3A_608 = arith.addf %add3A_505, %mul3A_607 : vector<16xf32>
        %get3A_609 = arith.index_cast %add3A_560 : i32 to index
        %get3A_610 = arith.constant 128 : index
        %get3A_611 = tpu.vector_load %arg9[%get3A_609, %get3A_610] {strides = array<i32>} : memref<128x256xf32, #tpu.memory_space<vmem>>, vector<1x16xf32>,
        %get3A_612 = vector.shape_cast %get3A_611 : vector<1x16xf32> to vector<16xf32>
        %mul3A_613 = arith.mulf %broadcast_in_dim3A_556, %get3A_612 : vector<16xf32>
        %add3A_614 = arith.addf %add3A_511, %mul3A_613 : vector<16xf32>
        %get3A_615 = arith.index_cast %add3A_560 : i32 to index
        %get3A_616 = arith.constant 144 : index
        %get3A_617 = tpu.vector_load %arg9[%get3A_615, %get3A_616] {strides = array<i32>} : memref<128x256xf32, #tpu.memory_space<vmem>>, vector<1x16xf32>,
        %get3A_618 = vector.shape_cast %get3A_617 : vector<1x16xf32> to vector<16xf32>
        %mul3A_619 = arith.mulf %broadcast_in_dim3A_556, %get3A_618 : vector<16xf32>
        %add3A_620 = arith.addf %add3A_517, %mul3A_619 : vector<16xf32>
        %get3A_621 = arith.index_cast %add3A_560 : i32 to index
        %get3A_622 = arith.constant 160 : index
        %get3A_623 = tpu.vector_load %arg9[%get3A_621, %get3A_622] {strides = array<i32>} : memref<128x256xf32, #tpu.memory_space<vmem>>, vector<1x16xf32>,
        %get3A_624 = vector.shape_cast %get3A_623 : vector<1x16xf32> to vector<16xf32>
        %mul3A_625 = arith.mulf %broadcast_in_dim3A_556, %get3A_624 : vector<16xf32>
        %add3A_626 = arith.addf %add3A_523, %mul3A_625 : vector<16xf32>
        %get3A_627 = arith.index_cast %add3A_560 : i32 to index
        %get3A_628 = arith.constant 176 : index
        %get3A_629 = tpu.vector_load %arg9[%get3A_627, %get3A_628] {strides = array<i32>} : memref<128x256xf32, #tpu.memory_space<vmem>>, vector<1x16xf32>,
        %get3A_630 = vector.shape_cast %get3A_629 : vector<1x16xf32> to vector<16xf32>
        %mul3A_631 = arith.mulf %broadcast_in_dim3A_556, %get3A_630 : vector<16xf32>
        %add3A_632 = arith.addf %add3A_529, %mul3A_631 : vector<16xf32>
        %get3A_633 = arith.index_cast %add3A_560 : i32 to index
        %get3A_634 = arith.constant 192 : index
        %get3A_635 = tpu.vector_load %arg9[%get3A_633, %get3A_634] {strides = array<i32>} : memref<128x256xf32, #tpu.memory_space<vmem>>, vector<1x16xf32>,
        %get3A_636 = vector.shape_cast %get3A_635 : vector<1x16xf32> to vector<16xf32>
        %mul3A_637 = arith.mulf %broadcast_in_dim3A_556, %get3A_636 : vector<16xf32>
        %add3A_638 = arith.addf %add3A_535, %mul3A_637 : vector<16xf32>
        %get3A_639 = arith.index_cast %add3A_560 : i32 to index
        %get3A_640 = arith.constant 208 : index
        %get3A_641 = tpu.vector_load %arg9[%get3A_639, %get3A_640] {strides = array<i32>} : memref<128x256xf32, #tpu.memory_space<vmem>>, vector<1x16xf32>,
        %get3A_642 = vector.shape_cast %get3A_641 : vector<1x16xf32> to vector<16xf32>
        %mul3A_643 = arith.mulf %broadcast_in_dim3A_556, %get3A_642 : vector<16xf32>
        %add3A_644 = arith.addf %add3A_541, %mul3A_643 : vector<16xf32>
        %get3A_645 = arith.index_cast %add3A_560 : i32 to index
        %get3A_646 = arith.constant 224 : index
        %get3A_647 = tpu.vector_load %arg9[%get3A_645, %get3A_646] {strides = array<i32>} : memref<128x256xf32, #tpu.memory_space<vmem>>, vector<1x16xf32>,
        %get3A_648 = vector.shape_cast %get3A_647 : vector<1x16xf32> to vector<16xf32>
        %mul3A_649 = arith.mulf %broadcast_in_dim3A_556, %get3A_648 : vector<16xf32>
        %add3A_650 = arith.addf %add3A_547, %mul3A_649 : vector<16xf32>
        %get3A_651 = arith.index_cast %add3A_560 : i32 to index
        %get3A_652 = arith.constant 240 : index
        %get3A_653 = tpu.vector_load %arg9[%get3A_651, %get3A_652] {strides = array<i32>} : memref<128x256xf32, #tpu.memory_space<vmem>>, vector<1x16xf32>,
        %get3A_654 = vector.shape_cast %get3A_653 : vector<1x16xf32> to vector<16xf32>
        %mul3A_655 = arith.mulf %broadcast_in_dim3A_556, %get3A_654 : vector<16xf32>
        %add3A_656 = arith.addf %add3A_553, %mul3A_655 : vector<16xf32>
        %slice3A_657 = vector.extract_strided_slice %get3A_112 {offsets = [5], sizes = [1], strides = [1]} : vector<16xf32> to vector<1xf32>
        %squeeze3A_658 = vector.extract %slice3A_657[0] : f32 from vector<1xf32>
        %broadcast_in_dim3A_659 = vector.broadcast %squeeze3A_658 : f32 to vector<16xf32>
        %mul3A_660 = arith.constant 16 : i32
        %mul3A_661 = arith.muli %scan3A_104, %mul3A_660 : i32
        %add3A_662 = arith.constant 5 : i32
        %add3A_663 = arith.addi %mul3A_661, %add3A_662 : i32
        %get3A_664 = arith.index_cast %add3A_663 : i32 to index
        %get3A_665 = arith.constant 0 : index
        %get3A_666 = tpu.vector_load %arg9[%get3A_664, %get3A_665] {strides = array<i32>} : memref<128x256xf32, #tpu.memory_space<vmem>>, vector<1x16xf32>,
        %get3A_667 = vector.shape_cast %get3A_666 : vector<1x16xf32> to vector<16xf32>
        %mul3A_668 = arith.mulf %broadcast_in_dim3A_659, %get3A_667 : vector<16xf32>
        %add3A_669 = arith.addf %add3A_566, %mul3A_668 : vector<16xf32>
        %get3A_670 = arith.index_cast %add3A_663 : i32 to index
        %get3A_671 = arith.constant 16 : index
        %get3A_672 = tpu.vector_load %arg9[%get3A_670, %get3A_671] {strides = array<i32>} : memref<128x256xf32, #tpu.memory_space<vmem>>, vector<1x16xf32>,
        %get3A_673 = vector.shape_cast %get3A_672 : vector<1x16xf32> to vector<16xf32>
        %mul3A_674 = arith.mulf %broadcast_in_dim3A_659, %get3A_673 : vector<16xf32>
        %add3A_675 = arith.addf %add3A_572, %mul3A_674 : vector<16xf32>
        %get3A_676 = arith.index_cast %add3A_663 : i32 to index
        %get3A_677 = arith.constant 32 : index
        %get3A_678 = tpu.vector_load %arg9[%get3A_676, %get3A_677] {strides = array<i32>} : memref<128x256xf32, #tpu.memory_space<vmem>>, vector<1x16xf32>,
        %get3A_679 = vector.shape_cast %get3A_678 : vector<1x16xf32> to vector<16xf32>
        %mul3A_680 = arith.mulf %broadcast_in_dim3A_659, %get3A_679 : vector<16xf32>
        %add3A_681 = arith.addf %add3A_578, %mul3A_680 : vector<16xf32>
        %get3A_682 = arith.index_cast %add3A_663 : i32 to index
        %get3A_683 = arith.constant 48 : index
        %get3A_684 = tpu.vector_load %arg9[%get3A_682, %get3A_683] {strides = array<i32>} : memref<128x256xf32, #tpu.memory_space<vmem>>, vector<1x16xf32>,
        %get3A_685 = vector.shape_cast %get3A_684 : vector<1x16xf32> to vector<16xf32>
        %mul3A_686 = arith.mulf %broadcast_in_dim3A_659, %get3A_685 : vector<16xf32>
        %add3A_687 = arith.addf %add3A_584, %mul3A_686 : vector<16xf32>
        %get3A_688 = arith.index_cast %add3A_663 : i32 to index
        %get3A_689 = arith.constant 64 : index
        %get3A_690 = tpu.vector_load %arg9[%get3A_688, %get3A_689] {strides = array<i32>} : memref<128x256xf32, #tpu.memory_space<vmem>>, vector<1x16xf32>,
        %get3A_691 = vector.shape_cast %get3A_690 : vector<1x16xf32> to vector<16xf32>
        %mul3A_692 = arith.mulf %broadcast_in_dim3A_659, %get3A_691 : vector<16xf32>
        %add3A_693 = arith.addf %add3A_590, %mul3A_692 : vector<16xf32>
        %get3A_694 = arith.index_cast %add3A_663 : i32 to index
        %get3A_695 = arith.constant 80 : index
        %get3A_696 = tpu.vector_load %arg9[%get3A_694, %get3A_695] {strides = array<i32>} : memref<128x256xf32, #tpu.memory_space<vmem>>, vector<1x16xf32>,
        %get3A_697 = vector.shape_cast %get3A_696 : vector<1x16xf32> to vector<16xf32>
        %mul3A_698 = arith.mulf %broadcast_in_dim3A_659, %get3A_697 : vector<16xf32>
        %add3A_699 = arith.addf %add3A_596, %mul3A_698 : vector<16xf32>
        %get3A_700 = arith.index_cast %add3A_663 : i32 to index
        %get3A_701 = arith.constant 96 : index
        %get3A_702 = tpu.vector_load %arg9[%get3A_700, %get3A_701] {strides = array<i32>} : memref<128x256xf32, #tpu.memory_space<vmem>>, vector<1x16xf32>,
        %get3A_703 = vector.shape_cast %get3A_702 : vector<1x16xf32> to vector<16xf32>
        %mul3A_704 = arith.mulf %broadcast_in_dim3A_659, %get3A_703 : vector<16xf32>
        %add3A_705 = arith.addf %add3A_602, %mul3A_704 : vector<16xf32>
        %get3A_706 = arith.index_cast %add3A_663 : i32 to index
        %get3A_707 = arith.constant 112 : index
        %get3A_708 = tpu.vector_load %arg9[%get3A_706, %get3A_707] {strides = array<i32>} : memref<128x256xf32, #tpu.memory_space<vmem>>, vector<1x16xf32>,
        %get3A_709 = vector.shape_cast %get3A_708 : vector<1x16xf32> to vector<16xf32>
        %mul3A_710 = arith.mulf %broadcast_in_dim3A_659, %get3A_709 : vector<16xf32>
        %add3A_711 = arith.addf %add3A_608, %mul3A_710 : vector<16xf32>
        %get3A_712 = arith.index_cast %add3A_663 : i32 to index
        %get3A_713 = arith.constant 128 : index
        %get3A_714 = tpu.vector_load %arg9[%get3A_712, %get3A_713] {strides = array<i32>} : memref<128x256xf32, #tpu.memory_space<vmem>>, vector<1x16xf32>,
        %get3A_715 = vector.shape_cast %get3A_714 : vector<1x16xf32> to vector<16xf32>
        %mul3A_716 = arith.mulf %broadcast_in_dim3A_659, %get3A_715 : vector<16xf32>
        %add3A_717 = arith.addf %add3A_614, %mul3A_716 : vector<16xf32>
        %get3A_718 = arith.index_cast %add3A_663 : i32 to index
        %get3A_719 = arith.constant 144 : index
        %get3A_720 = tpu.vector_load %arg9[%get3A_718, %get3A_719] {strides = array<i32>} : memref<128x256xf32, #tpu.memory_space<vmem>>, vector<1x16xf32>,
        %get3A_721 = vector.shape_cast %get3A_720 : vector<1x16xf32> to vector<16xf32>
        %mul3A_722 = arith.mulf %broadcast_in_dim3A_659, %get3A_721 : vector<16xf32>
        %add3A_723 = arith.addf %add3A_620, %mul3A_722 : vector<16xf32>
        %get3A_724 = arith.index_cast %add3A_663 : i32 to index
        %get3A_725 = arith.constant 160 : index
        %get3A_726 = tpu.vector_load %arg9[%get3A_724, %get3A_725] {strides = array<i32>} : memref<128x256xf32, #tpu.memory_space<vmem>>, vector<1x16xf32>,
        %get3A_727 = vector.shape_cast %get3A_726 : vector<1x16xf32> to vector<16xf32>
        %mul3A_728 = arith.mulf %broadcast_in_dim3A_659, %get3A_727 : vector<16xf32>
        %add3A_729 = arith.addf %add3A_626, %mul3A_728 : vector<16xf32>
        %get3A_730 = arith.index_cast %add3A_663 : i32 to index
        %get3A_731 = arith.constant 176 : index
        %get3A_732 = tpu.vector_load %arg9[%get3A_730, %get3A_731] {strides = array<i32>} : memref<128x256xf32, #tpu.memory_space<vmem>>, vector<1x16xf32>,
        %get3A_733 = vector.shape_cast %get3A_732 : vector<1x16xf32> to vector<16xf32>
        %mul3A_734 = arith.mulf %broadcast_in_dim3A_659, %get3A_733 : vector<16xf32>
        %add3A_735 = arith.addf %add3A_632, %mul3A_734 : vector<16xf32>
        %get3A_736 = arith.index_cast %add3A_663 : i32 to index
        %get3A_737 = arith.constant 192 : index
        %get3A_738 = tpu.vector_load %arg9[%get3A_736, %get3A_737] {strides = array<i32>} : memref<128x256xf32, #tpu.memory_space<vmem>>, vector<1x16xf32>,
        %get3A_739 = vector.shape_cast %get3A_738 : vector<1x16xf32> to vector<16xf32>
        %mul3A_740 = arith.mulf %broadcast_in_dim3A_659, %get3A_739 : vector<16xf32>
        %add3A_741 = arith.addf %add3A_638, %mul3A_740 : vector<16xf32>
        %get3A_742 = arith.index_cast %add3A_663 : i32 to index
        %get3A_743 = arith.constant 208 : index
        %get3A_744 = tpu.vector_load %arg9[%get3A_742, %get3A_743] {strides = array<i32>} : memref<128x256xf32, #tpu.memory_space<vmem>>, vector<1x16xf32>,
        %get3A_745 = vector.shape_cast %get3A_744 : vector<1x16xf32> to vector<16xf32>
        %mul3A_746 = arith.mulf %broadcast_in_dim3A_659, %get3A_745 : vector<16xf32>
        %add3A_747 = arith.addf %add3A_644, %mul3A_746 : vector<16xf32>
        %get3A_748 = arith.index_cast %add3A_663 : i32 to index
        %get3A_749 = arith.constant 224 : index
        %get3A_750 = tpu.vector_load %arg9[%get3A_748, %get3A_749] {strides = array<i32>} : memref<128x256xf32, #tpu.memory_space<vmem>>, vector<1x16xf32>,
        %get3A_751 = vector.shape_cast %get3A_750 : vector<1x16xf32> to vector<16xf32>
        %mul3A_752 = arith.mulf %broadcast_in_dim3A_659, %get3A_751 : vector<16xf32>
        %add3A_753 = arith.addf %add3A_650, %mul3A_752 : vector<16xf32>
        %get3A_754 = arith.index_cast %add3A_663 : i32 to index
        %get3A_755 = arith.constant 240 : index
        %get3A_756 = tpu.vector_load %arg9[%get3A_754, %get3A_755] {strides = array<i32>} : memref<128x256xf32, #tpu.memory_space<vmem>>, vector<1x16xf32>,
        %get3A_757 = vector.shape_cast %get3A_756 : vector<1x16xf32> to vector<16xf32>
        %mul3A_758 = arith.mulf %broadcast_in_dim3A_659, %get3A_757 : vector<16xf32>
        %add3A_759 = arith.addf %add3A_656, %mul3A_758 : vector<16xf32>
        %slice3A_760 = vector.extract_strided_slice %get3A_112 {offsets = [6], sizes = [1], strides = [1]} : vector<16xf32> to vector<1xf32>
        %squeeze3A_761 = vector.extract %slice3A_760[0] : f32 from vector<1xf32>
        %broadcast_in_dim3A_762 = vector.broadcast %squeeze3A_761 : f32 to vector<16xf32>
        %mul3A_763 = arith.constant 16 : i32
        %mul3A_764 = arith.muli %scan3A_104, %mul3A_763 : i32
        %add3A_765 = arith.constant 6 : i32
        %add3A_766 = arith.addi %mul3A_764, %add3A_765 : i32
        %get3A_767 = arith.index_cast %add3A_766 : i32 to index
        %get3A_768 = arith.constant 0 : index
        %get3A_769 = tpu.vector_load %arg9[%get3A_767, %get3A_768] {strides = array<i32>} : memref<128x256xf32, #tpu.memory_space<vmem>>, vector<1x16xf32>,
        %get3A_770 = vector.shape_cast %get3A_769 : vector<1x16xf32> to vector<16xf32>
        %mul3A_771 = arith.mulf %broadcast_in_dim3A_762, %get3A_770 : vector<16xf32>
        %add3A_772 = arith.addf %add3A_669, %mul3A_771 : vector<16xf32>
        %get3A_773 = arith.index_cast %add3A_766 : i32 to index
        %get3A_774 = arith.constant 16 : index
        %get3A_775 = tpu.vector_load %arg9[%get3A_773, %get3A_774] {strides = array<i32>} : memref<128x256xf32, #tpu.memory_space<vmem>>, vector<1x16xf32>,
        %get3A_776 = vector.shape_cast %get3A_775 : vector<1x16xf32> to vector<16xf32>
        %mul3A_777 = arith.mulf %broadcast_in_dim3A_762, %get3A_776 : vector<16xf32>
        %add3A_778 = arith.addf %add3A_675, %mul3A_777 : vector<16xf32>
        %get3A_779 = arith.index_cast %add3A_766 : i32 to index
        %get3A_780 = arith.constant 32 : index
        %get3A_781 = tpu.vector_load %arg9[%get3A_779, %get3A_780] {strides = array<i32>} : memref<128x256xf32, #tpu.memory_space<vmem>>, vector<1x16xf32>,
        %get3A_782 = vector.shape_cast %get3A_781 : vector<1x16xf32> to vector<16xf32>
        %mul3A_783 = arith.mulf %broadcast_in_dim3A_762, %get3A_782 : vector<16xf32>
        %add3A_784 = arith.addf %add3A_681, %mul3A_783 : vector<16xf32>
        %get3A_785 = arith.index_cast %add3A_766 : i32 to index
        %get3A_786 = arith.constant 48 : index
        %get3A_787 = tpu.vector_load %arg9[%get3A_785, %get3A_786] {strides = array<i32>} : memref<128x256xf32, #tpu.memory_space<vmem>>, vector<1x16xf32>,
        %get3A_788 = vector.shape_cast %get3A_787 : vector<1x16xf32> to vector<16xf32>
        %mul3A_789 = arith.mulf %broadcast_in_dim3A_762, %get3A_788 : vector<16xf32>
        %add3A_790 = arith.addf %add3A_687, %mul3A_789 : vector<16xf32>
        %get3A_791 = arith.index_cast %add3A_766 : i32 to index
        %get3A_792 = arith.constant 64 : index
        %get3A_793 = tpu.vector_load %arg9[%get3A_791, %get3A_792] {strides = array<i32>} : memref<128x256xf32, #tpu.memory_space<vmem>>, vector<1x16xf32>,
        %get3A_794 = vector.shape_cast %get3A_793 : vector<1x16xf32> to vector<16xf32>
        %mul3A_795 = arith.mulf %broadcast_in_dim3A_762, %get3A_794 : vector<16xf32>
        %add3A_796 = arith.addf %add3A_693, %mul3A_795 : vector<16xf32>
        %get3A_797 = arith.index_cast %add3A_766 : i32 to index
        %get3A_798 = arith.constant 80 : index
        %get3A_799 = tpu.vector_load %arg9[%get3A_797, %get3A_798] {strides = array<i32>} : memref<128x256xf32, #tpu.memory_space<vmem>>, vector<1x16xf32>,
        %get3A_800 = vector.shape_cast %get3A_799 : vector<1x16xf32> to vector<16xf32>
        %mul3A_801 = arith.mulf %broadcast_in_dim3A_762, %get3A_800 : vector<16xf32>
        %add3A_802 = arith.addf %add3A_699, %mul3A_801 : vector<16xf32>
        %get3A_803 = arith.index_cast %add3A_766 : i32 to index
        %get3A_804 = arith.constant 96 : index
        %get3A_805 = tpu.vector_load %arg9[%get3A_803, %get3A_804] {strides = array<i32>} : memref<128x256xf32, #tpu.memory_space<vmem>>, vector<1x16xf32>,
        %get3A_806 = vector.shape_cast %get3A_805 : vector<1x16xf32> to vector<16xf32>
        %mul3A_807 = arith.mulf %broadcast_in_dim3A_762, %get3A_806 : vector<16xf32>
        %add3A_808 = arith.addf %add3A_705, %mul3A_807 : vector<16xf32>
        %get3A_809 = arith.index_cast %add3A_766 : i32 to index
        %get3A_810 = arith.constant 112 : index
        %get3A_811 = tpu.vector_load %arg9[%get3A_809, %get3A_810] {strides = array<i32>} : memref<128x256xf32, #tpu.memory_space<vmem>>, vector<1x16xf32>,
        %get3A_812 = vector.shape_cast %get3A_811 : vector<1x16xf32> to vector<16xf32>
        %mul3A_813 = arith.mulf %broadcast_in_dim3A_762, %get3A_812 : vector<16xf32>
        %add3A_814 = arith.addf %add3A_711, %mul3A_813 : vector<16xf32>
        %get3A_815 = arith.index_cast %add3A_766 : i32 to index
        %get3A_816 = arith.constant 128 : index
        %get3A_817 = tpu.vector_load %arg9[%get3A_815, %get3A_816] {strides = array<i32>} : memref<128x256xf32, #tpu.memory_space<vmem>>, vector<1x16xf32>,
        %get3A_818 = vector.shape_cast %get3A_817 : vector<1x16xf32> to vector<16xf32>
        %mul3A_819 = arith.mulf %broadcast_in_dim3A_762, %get3A_818 : vector<16xf32>
        %add3A_820 = arith.addf %add3A_717, %mul3A_819 : vector<16xf32>
        %get3A_821 = arith.index_cast %add3A_766 : i32 to index
        %get3A_822 = arith.constant 144 : index
        %get3A_823 = tpu.vector_load %arg9[%get3A_821, %get3A_822] {strides = array<i32>} : memref<128x256xf32, #tpu.memory_space<vmem>>, vector<1x16xf32>,
        %get3A_824 = vector.shape_cast %get3A_823 : vector<1x16xf32> to vector<16xf32>
        %mul3A_825 = arith.mulf %broadcast_in_dim3A_762, %get3A_824 : vector<16xf32>
        %add3A_826 = arith.addf %add3A_723, %mul3A_825 : vector<16xf32>
        %get3A_827 = arith.index_cast %add3A_766 : i32 to index
        %get3A_828 = arith.constant 160 : index
        %get3A_829 = tpu.vector_load %arg9[%get3A_827, %get3A_828] {strides = array<i32>} : memref<128x256xf32, #tpu.memory_space<vmem>>, vector<1x16xf32>,
        %get3A_830 = vector.shape_cast %get3A_829 : vector<1x16xf32> to vector<16xf32>
        %mul3A_831 = arith.mulf %broadcast_in_dim3A_762, %get3A_830 : vector<16xf32>
        %add3A_832 = arith.addf %add3A_729, %mul3A_831 : vector<16xf32>
        %get3A_833 = arith.index_cast %add3A_766 : i32 to index
        %get3A_834 = arith.constant 176 : index
        %get3A_835 = tpu.vector_load %arg9[%get3A_833, %get3A_834] {strides = array<i32>} : memref<128x256xf32, #tpu.memory_space<vmem>>, vector<1x16xf32>,
        %get3A_836 = vector.shape_cast %get3A_835 : vector<1x16xf32> to vector<16xf32>
        %mul3A_837 = arith.mulf %broadcast_in_dim3A_762, %get3A_836 : vector<16xf32>
        %add3A_838 = arith.addf %add3A_735, %mul3A_837 : vector<16xf32>
        %get3A_839 = arith.index_cast %add3A_766 : i32 to index
        %get3A_840 = arith.constant 192 : index
        %get3A_841 = tpu.vector_load %arg9[%get3A_839, %get3A_840] {strides = array<i32>} : memref<128x256xf32, #tpu.memory_space<vmem>>, vector<1x16xf32>,
        %get3A_842 = vector.shape_cast %get3A_841 : vector<1x16xf32> to vector<16xf32>
        %mul3A_843 = arith.mulf %broadcast_in_dim3A_762, %get3A_842 : vector<16xf32>
        %add3A_844 = arith.addf %add3A_741, %mul3A_843 : vector<16xf32>
        %get3A_845 = arith.index_cast %add3A_766 : i32 to index
        %get3A_846 = arith.constant 208 : index
        %get3A_847 = tpu.vector_load %arg9[%get3A_845, %get3A_846] {strides = array<i32>} : memref<128x256xf32, #tpu.memory_space<vmem>>, vector<1x16xf32>,
        %get3A_848 = vector.shape_cast %get3A_847 : vector<1x16xf32> to vector<16xf32>
        %mul3A_849 = arith.mulf %broadcast_in_dim3A_762, %get3A_848 : vector<16xf32>
        %add3A_850 = arith.addf %add3A_747, %mul3A_849 : vector<16xf32>
        %get3A_851 = arith.index_cast %add3A_766 : i32 to index
        %get3A_852 = arith.constant 224 : index
        %get3A_853 = tpu.vector_load %arg9[%get3A_851, %get3A_852] {strides = array<i32>} : memref<128x256xf32, #tpu.memory_space<vmem>>, vector<1x16xf32>,
        %get3A_854 = vector.shape_cast %get3A_853 : vector<1x16xf32> to vector<16xf32>
        %mul3A_855 = arith.mulf %broadcast_in_dim3A_762, %get3A_854 : vector<16xf32>
        %add3A_856 = arith.addf %add3A_753, %mul3A_855 : vector<16xf32>
        %get3A_857 = arith.index_cast %add3A_766 : i32 to index
        %get3A_858 = arith.constant 240 : index
        %get3A_859 = tpu.vector_load %arg9[%get3A_857, %get3A_858] {strides = array<i32>} : memref<128x256xf32, #tpu.memory_space<vmem>>, vector<1x16xf32>,
        %get3A_860 = vector.shape_cast %get3A_859 : vector<1x16xf32> to vector<16xf32>
        %mul3A_861 = arith.mulf %broadcast_in_dim3A_762, %get3A_860 : vector<16xf32>
        %add3A_862 = arith.addf %add3A_759, %mul3A_861 : vector<16xf32>
        %slice3A_863 = vector.extract_strided_slice %get3A_112 {offsets = [7], sizes = [1], strides = [1]} : vector<16xf32> to vector<1xf32>
        %squeeze3A_864 = vector.extract %slice3A_863[0] : f32 from vector<1xf32>
        %broadcast_in_dim3A_865 = vector.broadcast %squeeze3A_864 : f32 to vector<16xf32>
        %mul3A_866 = arith.constant 16 : i32
        %mul3A_867 = arith.muli %scan3A_104, %mul3A_866 : i32
        %add3A_868 = arith.constant 7 : i32
        %add3A_869 = arith.addi %mul3A_867, %add3A_868 : i32
        %get3A_870 = arith.index_cast %add3A_869 : i32 to index
        %get3A_871 = arith.constant 0 : index
        %get3A_872 = tpu.vector_load %arg9[%get3A_870, %get3A_871] {strides = array<i32>} : memref<128x256xf32, #tpu.memory_space<vmem>>, vector<1x16xf32>,
        %get3A_873 = vector.shape_cast %get3A_872 : vector<1x16xf32> to vector<16xf32>
        %mul3A_874 = arith.mulf %broadcast_in_dim3A_865, %get3A_873 : vector<16xf32>
        %add3A_875 = arith.addf %add3A_772, %mul3A_874 : vector<16xf32>
        %get3A_876 = arith.index_cast %add3A_869 : i32 to index
        %get3A_877 = arith.constant 16 : index
        %get3A_878 = tpu.vector_load %arg9[%get3A_876, %get3A_877] {strides = array<i32>} : memref<128x256xf32, #tpu.memory_space<vmem>>, vector<1x16xf32>,
        %get3A_879 = vector.shape_cast %get3A_878 : vector<1x16xf32> to vector<16xf32>
        %mul3A_880 = arith.mulf %broadcast_in_dim3A_865, %get3A_879 : vector<16xf32>
        %add3A_881 = arith.addf %add3A_778, %mul3A_880 : vector<16xf32>
        %get3A_882 = arith.index_cast %add3A_869 : i32 to index
        %get3A_883 = arith.constant 32 : index
        %get3A_884 = tpu.vector_load %arg9[%get3A_882, %get3A_883] {strides = array<i32>} : memref<128x256xf32, #tpu.memory_space<vmem>>, vector<1x16xf32>,
        %get3A_885 = vector.shape_cast %get3A_884 : vector<1x16xf32> to vector<16xf32>
        %mul3A_886 = arith.mulf %broadcast_in_dim3A_865, %get3A_885 : vector<16xf32>
        %add3A_887 = arith.addf %add3A_784, %mul3A_886 : vector<16xf32>
        %get3A_888 = arith.index_cast %add3A_869 : i32 to index
        %get3A_889 = arith.constant 48 : index
        %get3A_890 = tpu.vector_load %arg9[%get3A_888, %get3A_889] {strides = array<i32>} : memref<128x256xf32, #tpu.memory_space<vmem>>, vector<1x16xf32>,
        %get3A_891 = vector.shape_cast %get3A_890 : vector<1x16xf32> to vector<16xf32>
        %mul3A_892 = arith.mulf %broadcast_in_dim3A_865, %get3A_891 : vector<16xf32>
        %add3A_893 = arith.addf %add3A_790, %mul3A_892 : vector<16xf32>
        %get3A_894 = arith.index_cast %add3A_869 : i32 to index
        %get3A_895 = arith.constant 64 : index
        %get3A_896 = tpu.vector_load %arg9[%get3A_894, %get3A_895] {strides = array<i32>} : memref<128x256xf32, #tpu.memory_space<vmem>>, vector<1x16xf32>,
        %get3A_897 = vector.shape_cast %get3A_896 : vector<1x16xf32> to vector<16xf32>
        %mul3A_898 = arith.mulf %broadcast_in_dim3A_865, %get3A_897 : vector<16xf32>
        %add3A_899 = arith.addf %add3A_796, %mul3A_898 : vector<16xf32>
        %get3A_900 = arith.index_cast %add3A_869 : i32 to index
        %get3A_901 = arith.constant 80 : index
        %get3A_902 = tpu.vector_load %arg9[%get3A_900, %get3A_901] {strides = array<i32>} : memref<128x256xf32, #tpu.memory_space<vmem>>, vector<1x16xf32>,
        %get3A_903 = vector.shape_cast %get3A_902 : vector<1x16xf32> to vector<16xf32>
        %mul3A_904 = arith.mulf %broadcast_in_dim3A_865, %get3A_903 : vector<16xf32>
        %add3A_905 = arith.addf %add3A_802, %mul3A_904 : vector<16xf32>
        %get3A_906 = arith.index_cast %add3A_869 : i32 to index
        %get3A_907 = arith.constant 96 : index
        %get3A_908 = tpu.vector_load %arg9[%get3A_906, %get3A_907] {strides = array<i32>} : memref<128x256xf32, #tpu.memory_space<vmem>>, vector<1x16xf32>,
        %get3A_909 = vector.shape_cast %get3A_908 : vector<1x16xf32> to vector<16xf32>
        %mul3A_910 = arith.mulf %broadcast_in_dim3A_865, %get3A_909 : vector<16xf32>
        %add3A_911 = arith.addf %add3A_808, %mul3A_910 : vector<16xf32>
        %get3A_912 = arith.index_cast %add3A_869 : i32 to index
        %get3A_913 = arith.constant 112 : index
        %get3A_914 = tpu.vector_load %arg9[%get3A_912, %get3A_913] {strides = array<i32>} : memref<128x256xf32, #tpu.memory_space<vmem>>, vector<1x16xf32>,
        %get3A_915 = vector.shape_cast %get3A_914 : vector<1x16xf32> to vector<16xf32>
        %mul3A_916 = arith.mulf %broadcast_in_dim3A_865, %get3A_915 : vector<16xf32>
        %add3A_917 = arith.addf %add3A_814, %mul3A_916 : vector<16xf32>
        %get3A_918 = arith.index_cast %add3A_869 : i32 to index
        %get3A_919 = arith.constant 128 : index
        %get3A_920 = tpu.vector_load %arg9[%get3A_918, %get3A_919] {strides = array<i32>} : memref<128x256xf32, #tpu.memory_space<vmem>>, vector<1x16xf32>,
        %get3A_921 = vector.shape_cast %get3A_920 : vector<1x16xf32> to vector<16xf32>
        %mul3A_922 = arith.mulf %broadcast_in_dim3A_865, %get3A_921 : vector<16xf32>
        %add3A_923 = arith.addf %add3A_820, %mul3A_922 : vector<16xf32>
        %get3A_924 = arith.index_cast %add3A_869 : i32 to index
        %get3A_925 = arith.constant 144 : index
        %get3A_926 = tpu.vector_load %arg9[%get3A_924, %get3A_925] {strides = array<i32>} : memref<128x256xf32, #tpu.memory_space<vmem>>, vector<1x16xf32>,
        %get3A_927 = vector.shape_cast %get3A_926 : vector<1x16xf32> to vector<16xf32>
        %mul3A_928 = arith.mulf %broadcast_in_dim3A_865, %get3A_927 : vector<16xf32>
        %add3A_929 = arith.addf %add3A_826, %mul3A_928 : vector<16xf32>
        %get3A_930 = arith.index_cast %add3A_869 : i32 to index
        %get3A_931 = arith.constant 160 : index
        %get3A_932 = tpu.vector_load %arg9[%get3A_930, %get3A_931] {strides = array<i32>} : memref<128x256xf32, #tpu.memory_space<vmem>>, vector<1x16xf32>,
        %get3A_933 = vector.shape_cast %get3A_932 : vector<1x16xf32> to vector<16xf32>
        %mul3A_934 = arith.mulf %broadcast_in_dim3A_865, %get3A_933 : vector<16xf32>
        %add3A_935 = arith.addf %add3A_832, %mul3A_934 : vector<16xf32>
        %get3A_936 = arith.index_cast %add3A_869 : i32 to index
        %get3A_937 = arith.constant 176 : index
        %get3A_938 = tpu.vector_load %arg9[%get3A_936, %get3A_937] {strides = array<i32>} : memref<128x256xf32, #tpu.memory_space<vmem>>, vector<1x16xf32>,
        %get3A_939 = vector.shape_cast %get3A_938 : vector<1x16xf32> to vector<16xf32>
        %mul3A_940 = arith.mulf %broadcast_in_dim3A_865, %get3A_939 : vector<16xf32>
        %add3A_941 = arith.addf %add3A_838, %mul3A_940 : vector<16xf32>
        %get3A_942 = arith.index_cast %add3A_869 : i32 to index
        %get3A_943 = arith.constant 192 : index
        %get3A_944 = tpu.vector_load %arg9[%get3A_942, %get3A_943] {strides = array<i32>} : memref<128x256xf32, #tpu.memory_space<vmem>>, vector<1x16xf32>,
        %get3A_945 = vector.shape_cast %get3A_944 : vector<1x16xf32> to vector<16xf32>
        %mul3A_946 = arith.mulf %broadcast_in_dim3A_865, %get3A_945 : vector<16xf32>
        %add3A_947 = arith.addf %add3A_844, %mul3A_946 : vector<16xf32>
        %get3A_948 = arith.index_cast %add3A_869 : i32 to index
        %get3A_949 = arith.constant 208 : index
        %get3A_950 = tpu.vector_load %arg9[%get3A_948, %get3A_949] {strides = array<i32>} : memref<128x256xf32, #tpu.memory_space<vmem>>, vector<1x16xf32>,
        %get3A_951 = vector.shape_cast %get3A_950 : vector<1x16xf32> to vector<16xf32>
        %mul3A_952 = arith.mulf %broadcast_in_dim3A_865, %get3A_951 : vector<16xf32>
        %add3A_953 = arith.addf %add3A_850, %mul3A_952 : vector<16xf32>
        %get3A_954 = arith.index_cast %add3A_869 : i32 to index
        %get3A_955 = arith.constant 224 : index
        %get3A_956 = tpu.vector_load %arg9[%get3A_954, %get3A_955] {strides = array<i32>} : memref<128x256xf32, #tpu.memory_space<vmem>>, vector<1x16xf32>,
        %get3A_957 = vector.shape_cast %get3A_956 : vector<1x16xf32> to vector<16xf32>
        %mul3A_958 = arith.mulf %broadcast_in_dim3A_865, %get3A_957 : vector<16xf32>
        %add3A_959 = arith.addf %add3A_856, %mul3A_958 : vector<16xf32>
        %get3A_960 = arith.index_cast %add3A_869 : i32 to index
        %get3A_961 = arith.constant 240 : index
        %get3A_962 = tpu.vector_load %arg9[%get3A_960, %get3A_961] {strides = array<i32>} : memref<128x256xf32, #tpu.memory_space<vmem>>, vector<1x16xf32>,
        %get3A_963 = vector.shape_cast %get3A_962 : vector<1x16xf32> to vector<16xf32>
        %mul3A_964 = arith.mulf %broadcast_in_dim3A_865, %get3A_963 : vector<16xf32>
        %add3A_965 = arith.addf %add3A_862, %mul3A_964 : vector<16xf32>
        %slice3A_966 = vector.extract_strided_slice %get3A_112 {offsets = [8], sizes = [1], strides = [1]} : vector<16xf32> to vector<1xf32>
        %squeeze3A_967 = vector.extract %slice3A_966[0] : f32 from vector<1xf32>
        %broadcast_in_dim3A_968 = vector.broadcast %squeeze3A_967 : f32 to vector<16xf32>
        %mul3A_969 = arith.constant 16 : i32
        %mul3A_970 = arith.muli %scan3A_104, %mul3A_969 : i32
        %add3A_971 = arith.constant 8 : i32
        %add3A_972 = arith.addi %mul3A_970, %add3A_971 : i32
        %get3A_973 = arith.index_cast %add3A_972 : i32 to index
        %get3A_974 = arith.constant 0 : index
        %get3A_975 = tpu.vector_load %arg9[%get3A_973, %get3A_974] {strides = array<i32>} : memref<128x256xf32, #tpu.memory_space<vmem>>, vector<1x16xf32>,
        %get3A_976 = vector.shape_cast %get3A_975 : vector<1x16xf32> to vector<16xf32>
        %mul3A_977 = arith.mulf %broadcast_in_dim3A_968, %get3A_976 : vector<16xf32>
        %add3A_978 = arith.addf %add3A_875, %mul3A_977 : vector<16xf32>
        %get3A_979 = arith.index_cast %add3A_972 : i32 to index
        %get3A_980 = arith.constant 16 : index
        %get3A_981 = tpu.vector_load %arg9[%get3A_979, %get3A_980] {strides = array<i32>} : memref<128x256xf32, #tpu.memory_space<vmem>>, vector<1x16xf32>,
        %get3A_982 = vector.shape_cast %get3A_981 : vector<1x16xf32> to vector<16xf32>
        %mul3A_983 = arith.mulf %broadcast_in_dim3A_968, %get3A_982 : vector<16xf32>
        %add3A_984 = arith.addf %add3A_881, %mul3A_983 : vector<16xf32>
        %get3A_985 = arith.index_cast %add3A_972 : i32 to index
        %get3A_986 = arith.constant 32 : index
        %get3A_987 = tpu.vector_load %arg9[%get3A_985, %get3A_986] {strides = array<i32>} : memref<128x256xf32, #tpu.memory_space<vmem>>, vector<1x16xf32>,
        %get3A_988 = vector.shape_cast %get3A_987 : vector<1x16xf32> to vector<16xf32>
        %mul3A_989 = arith.mulf %broadcast_in_dim3A_968, %get3A_988 : vector<16xf32>
        %add3A_990 = arith.addf %add3A_887, %mul3A_989 : vector<16xf32>
        %get3A_991 = arith.index_cast %add3A_972 : i32 to index
        %get3A_992 = arith.constant 48 : index
        %get3A_993 = tpu.vector_load %arg9[%get3A_991, %get3A_992] {strides = array<i32>} : memref<128x256xf32, #tpu.memory_space<vmem>>, vector<1x16xf32>,
        %get3A_994 = vector.shape_cast %get3A_993 : vector<1x16xf32> to vector<16xf32>
        %mul3A_995 = arith.mulf %broadcast_in_dim3A_968, %get3A_994 : vector<16xf32>
        %add3A_996 = arith.addf %add3A_893, %mul3A_995 : vector<16xf32>
        %get3A_997 = arith.index_cast %add3A_972 : i32 to index
        %get3A_998 = arith.constant 64 : index
        %get3A_999 = tpu.vector_load %arg9[%get3A_997, %get3A_998] {strides = array<i32>} : memref<128x256xf32, #tpu.memory_space<vmem>>, vector<1x16xf32>,
        %get3A_1000 = vector.shape_cast %get3A_999 : vector<1x16xf32> to vector<16xf32>
        %mul3A_1001 = arith.mulf %broadcast_in_dim3A_968, %get3A_1000 : vector<16xf32>
        %add3A_1002 = arith.addf %add3A_899, %mul3A_1001 : vector<16xf32>
        %get3A_1003 = arith.index_cast %add3A_972 : i32 to index
        %get3A_1004 = arith.constant 80 : index
        %get3A_1005 = tpu.vector_load %arg9[%get3A_1003, %get3A_1004] {strides = array<i32>} : memref<128x256xf32, #tpu.memory_space<vmem>>, vector<1x16xf32>,
        %get3A_1006 = vector.shape_cast %get3A_1005 : vector<1x16xf32> to vector<16xf32>
        %mul3A_1007 = arith.mulf %broadcast_in_dim3A_968, %get3A_1006 : vector<16xf32>
        %add3A_1008 = arith.addf %add3A_905, %mul3A_1007 : vector<16xf32>
        %get3A_1009 = arith.index_cast %add3A_972 : i32 to index
        %get3A_1010 = arith.constant 96 : index
        %get3A_1011 = tpu.vector_load %arg9[%get3A_1009, %get3A_1010] {strides = array<i32>} : memref<128x256xf32, #tpu.memory_space<vmem>>, vector<1x16xf32>,
        %get3A_1012 = vector.shape_cast %get3A_1011 : vector<1x16xf32> to vector<16xf32>
        %mul3A_1013 = arith.mulf %broadcast_in_dim3A_968, %get3A_1012 : vector<16xf32>
        %add3A_1014 = arith.addf %add3A_911, %mul3A_1013 : vector<16xf32>
        %get3A_1015 = arith.index_cast %add3A_972 : i32 to index
        %get3A_1016 = arith.constant 112 : index
        %get3A_1017 = tpu.vector_load %arg9[%get3A_1015, %get3A_1016] {strides = array<i32>} : memref<128x256xf32, #tpu.memory_space<vmem>>, vector<1x16xf32>,
        %get3A_1018 = vector.shape_cast %get3A_1017 : vector<1x16xf32> to vector<16xf32>
        %mul3A_1019 = arith.mulf %broadcast_in_dim3A_968, %get3A_1018 : vector<16xf32>
        %add3A_1020 = arith.addf %add3A_917, %mul3A_1019 : vector<16xf32>
        %get3A_1021 = arith.index_cast %add3A_972 : i32 to index
        %get3A_1022 = arith.constant 128 : index
        %get3A_1023 = tpu.vector_load %arg9[%get3A_1021, %get3A_1022] {strides = array<i32>} : memref<128x256xf32, #tpu.memory_space<vmem>>, vector<1x16xf32>,
        %get3A_1024 = vector.shape_cast %get3A_1023 : vector<1x16xf32> to vector<16xf32>
        %mul3A_1025 = arith.mulf %broadcast_in_dim3A_968, %get3A_1024 : vector<16xf32>
        %add3A_1026 = arith.addf %add3A_923, %mul3A_1025 : vector<16xf32>
        %get3A_1027 = arith.index_cast %add3A_972 : i32 to index
        %get3A_1028 = arith.constant 144 : index
        %get3A_1029 = tpu.vector_load %arg9[%get3A_1027, %get3A_1028] {strides = array<i32>} : memref<128x256xf32, #tpu.memory_space<vmem>>, vector<1x16xf32>,
        %get3A_1030 = vector.shape_cast %get3A_1029 : vector<1x16xf32> to vector<16xf32>
        %mul3A_1031 = arith.mulf %broadcast_in_dim3A_968, %get3A_1030 : vector<16xf32>
        %add3A_1032 = arith.addf %add3A_929, %mul3A_1031 : vector<16xf32>
        %get3A_1033 = arith.index_cast %add3A_972 : i32 to index
        %get3A_1034 = arith.constant 160 : index
        %get3A_1035 = tpu.vector_load %arg9[%get3A_1033, %get3A_1034] {strides = array<i32>} : memref<128x256xf32, #tpu.memory_space<vmem>>, vector<1x16xf32>,
        %get3A_1036 = vector.shape_cast %get3A_1035 : vector<1x16xf32> to vector<16xf32>
        %mul3A_1037 = arith.mulf %broadcast_in_dim3A_968, %get3A_1036 : vector<16xf32>
        %add3A_1038 = arith.addf %add3A_935, %mul3A_1037 : vector<16xf32>
        %get3A_1039 = arith.index_cast %add3A_972 : i32 to index
        %get3A_1040 = arith.constant 176 : index
        %get3A_1041 = tpu.vector_load %arg9[%get3A_1039, %get3A_1040] {strides = array<i32>} : memref<128x256xf32, #tpu.memory_space<vmem>>, vector<1x16xf32>,
        %get3A_1042 = vector.shape_cast %get3A_1041 : vector<1x16xf32> to vector<16xf32>
        %mul3A_1043 = arith.mulf %broadcast_in_dim3A_968, %get3A_1042 : vector<16xf32>
        %add3A_1044 = arith.addf %add3A_941, %mul3A_1043 : vector<16xf32>
        %get3A_1045 = arith.index_cast %add3A_972 : i32 to index
        %get3A_1046 = arith.constant 192 : index
        %get3A_1047 = tpu.vector_load %arg9[%get3A_1045, %get3A_1046] {strides = array<i32>} : memref<128x256xf32, #tpu.memory_space<vmem>>, vector<1x16xf32>,
        %get3A_1048 = vector.shape_cast %get3A_1047 : vector<1x16xf32> to vector<16xf32>
        %mul3A_1049 = arith.mulf %broadcast_in_dim3A_968, %get3A_1048 : vector<16xf32>
        %add3A_1050 = arith.addf %add3A_947, %mul3A_1049 : vector<16xf32>
        %get3A_1051 = arith.index_cast %add3A_972 : i32 to index
        %get3A_1052 = arith.constant 208 : index
        %get3A_1053 = tpu.vector_load %arg9[%get3A_1051, %get3A_1052] {strides = array<i32>} : memref<128x256xf32, #tpu.memory_space<vmem>>, vector<1x16xf32>,
        %get3A_1054 = vector.shape_cast %get3A_1053 : vector<1x16xf32> to vector<16xf32>
        %mul3A_1055 = arith.mulf %broadcast_in_dim3A_968, %get3A_1054 : vector<16xf32>
        %add3A_1056 = arith.addf %add3A_953, %mul3A_1055 : vector<16xf32>
        %get3A_1057 = arith.index_cast %add3A_972 : i32 to index
        %get3A_1058 = arith.constant 224 : index
        %get3A_1059 = tpu.vector_load %arg9[%get3A_1057, %get3A_1058] {strides = array<i32>} : memref<128x256xf32, #tpu.memory_space<vmem>>, vector<1x16xf32>,
        %get3A_1060 = vector.shape_cast %get3A_1059 : vector<1x16xf32> to vector<16xf32>
        %mul3A_1061 = arith.mulf %broadcast_in_dim3A_968, %get3A_1060 : vector<16xf32>
        %add3A_1062 = arith.addf %add3A_959, %mul3A_1061 : vector<16xf32>
        %get3A_1063 = arith.index_cast %add3A_972 : i32 to index
        %get3A_1064 = arith.constant 240 : index
        %get3A_1065 = tpu.vector_load %arg9[%get3A_1063, %get3A_1064] {strides = array<i32>} : memref<128x256xf32, #tpu.memory_space<vmem>>, vector<1x16xf32>,
        %get3A_1066 = vector.shape_cast %get3A_1065 : vector<1x16xf32> to vector<16xf32>
        %mul3A_1067 = arith.mulf %broadcast_in_dim3A_968, %get3A_1066 : vector<16xf32>
        %add3A_1068 = arith.addf %add3A_965, %mul3A_1067 : vector<16xf32>
        %slice3A_1069 = vector.extract_strided_slice %get3A_112 {offsets = [9], sizes = [1], strides = [1]} : vector<16xf32> to vector<1xf32>
        %squeeze3A_1070 = vector.extract %slice3A_1069[0] : f32 from vector<1xf32>
        %broadcast_in_dim3A_1071 = vector.broadcast %squeeze3A_1070 : f32 to vector<16xf32>
        %mul3A_1072 = arith.constant 16 : i32
        %mul3A_1073 = arith.muli %scan3A_104, %mul3A_1072 : i32
        %add3A_1074 = arith.constant 9 : i32
        %add3A_1075 = arith.addi %mul3A_1073, %add3A_1074 : i32
        %get3A_1076 = arith.index_cast %add3A_1075 : i32 to index
        %get3A_1077 = arith.constant 0 : index
        %get3A_1078 = tpu.vector_load %arg9[%get3A_1076, %get3A_1077] {strides = array<i32>} : memref<128x256xf32, #tpu.memory_space<vmem>>, vector<1x16xf32>,
        %get3A_1079 = vector.shape_cast %get3A_1078 : vector<1x16xf32> to vector<16xf32>
        %mul3A_1080 = arith.mulf %broadcast_in_dim3A_1071, %get3A_1079 : vector<16xf32>
        %add3A_1081 = arith.addf %add3A_978, %mul3A_1080 : vector<16xf32>
        %get3A_1082 = arith.index_cast %add3A_1075 : i32 to index
        %get3A_1083 = arith.constant 16 : index
        %get3A_1084 = tpu.vector_load %arg9[%get3A_1082, %get3A_1083] {strides = array<i32>} : memref<128x256xf32, #tpu.memory_space<vmem>>, vector<1x16xf32>,
        %get3A_1085 = vector.shape_cast %get3A_1084 : vector<1x16xf32> to vector<16xf32>
        %mul3A_1086 = arith.mulf %broadcast_in_dim3A_1071, %get3A_1085 : vector<16xf32>
        %add3A_1087 = arith.addf %add3A_984, %mul3A_1086 : vector<16xf32>
        %get3A_1088 = arith.index_cast %add3A_1075 : i32 to index
        %get3A_1089 = arith.constant 32 : index
        %get3A_1090 = tpu.vector_load %arg9[%get3A_1088, %get3A_1089] {strides = array<i32>} : memref<128x256xf32, #tpu.memory_space<vmem>>, vector<1x16xf32>,
        %get3A_1091 = vector.shape_cast %get3A_1090 : vector<1x16xf32> to vector<16xf32>
        %mul3A_1092 = arith.mulf %broadcast_in_dim3A_1071, %get3A_1091 : vector<16xf32>
        %add3A_1093 = arith.addf %add3A_990, %mul3A_1092 : vector<16xf32>
        %get3A_1094 = arith.index_cast %add3A_1075 : i32 to index
        %get3A_1095 = arith.constant 48 : index
        %get3A_1096 = tpu.vector_load %arg9[%get3A_1094, %get3A_1095] {strides = array<i32>} : memref<128x256xf32, #tpu.memory_space<vmem>>, vector<1x16xf32>,
        %get3A_1097 = vector.shape_cast %get3A_1096 : vector<1x16xf32> to vector<16xf32>
        %mul3A_1098 = arith.mulf %broadcast_in_dim3A_1071, %get3A_1097 : vector<16xf32>
        %add3A_1099 = arith.addf %add3A_996, %mul3A_1098 : vector<16xf32>
        %get3A_1100 = arith.index_cast %add3A_1075 : i32 to index
        %get3A_1101 = arith.constant 64 : index
        %get3A_1102 = tpu.vector_load %arg9[%get3A_1100, %get3A_1101] {strides = array<i32>} : memref<128x256xf32, #tpu.memory_space<vmem>>, vector<1x16xf32>,
        %get3A_1103 = vector.shape_cast %get3A_1102 : vector<1x16xf32> to vector<16xf32>
        %mul3A_1104 = arith.mulf %broadcast_in_dim3A_1071, %get3A_1103 : vector<16xf32>
        %add3A_1105 = arith.addf %add3A_1002, %mul3A_1104 : vector<16xf32>
        %get3A_1106 = arith.index_cast %add3A_1075 : i32 to index
        %get3A_1107 = arith.constant 80 : index
        %get3A_1108 = tpu.vector_load %arg9[%get3A_1106, %get3A_1107] {strides = array<i32>} : memref<128x256xf32, #tpu.memory_space<vmem>>, vector<1x16xf32>,
        %get3A_1109 = vector.shape_cast %get3A_1108 : vector<1x16xf32> to vector<16xf32>
        %mul3A_1110 = arith.mulf %broadcast_in_dim3A_1071, %get3A_1109 : vector<16xf32>
        %add3A_1111 = arith.addf %add3A_1008, %mul3A_1110 : vector<16xf32>
        %get3A_1112 = arith.index_cast %add3A_1075 : i32 to index
        %get3A_1113 = arith.constant 96 : index
        %get3A_1114 = tpu.vector_load %arg9[%get3A_1112, %get3A_1113] {strides = array<i32>} : memref<128x256xf32, #tpu.memory_space<vmem>>, vector<1x16xf32>,
        %get3A_1115 = vector.shape_cast %get3A_1114 : vector<1x16xf32> to vector<16xf32>
        %mul3A_1116 = arith.mulf %broadcast_in_dim3A_1071, %get3A_1115 : vector<16xf32>
        %add3A_1117 = arith.addf %add3A_1014, %mul3A_1116 : vector<16xf32>
        %get3A_1118 = arith.index_cast %add3A_1075 : i32 to index
        %get3A_1119 = arith.constant 112 : index
        %get3A_1120 = tpu.vector_load %arg9[%get3A_1118, %get3A_1119] {strides = array<i32>} : memref<128x256xf32, #tpu.memory_space<vmem>>, vector<1x16xf32>,
        %get3A_1121 = vector.shape_cast %get3A_1120 : vector<1x16xf32> to vector<16xf32>
        %mul3A_1122 = arith.mulf %broadcast_in_dim3A_1071, %get3A_1121 : vector<16xf32>
        %add3A_1123 = arith.addf %add3A_1020, %mul3A_1122 : vector<16xf32>
        %get3A_1124 = arith.index_cast %add3A_1075 : i32 to index
        %get3A_1125 = arith.constant 128 : index
        %get3A_1126 = tpu.vector_load %arg9[%get3A_1124, %get3A_1125] {strides = array<i32>} : memref<128x256xf32, #tpu.memory_space<vmem>>, vector<1x16xf32>,
        %get3A_1127 = vector.shape_cast %get3A_1126 : vector<1x16xf32> to vector<16xf32>
        %mul3A_1128 = arith.mulf %broadcast_in_dim3A_1071, %get3A_1127 : vector<16xf32>
        %add3A_1129 = arith.addf %add3A_1026, %mul3A_1128 : vector<16xf32>
        %get3A_1130 = arith.index_cast %add3A_1075 : i32 to index
        %get3A_1131 = arith.constant 144 : index
        %get3A_1132 = tpu.vector_load %arg9[%get3A_1130, %get3A_1131] {strides = array<i32>} : memref<128x256xf32, #tpu.memory_space<vmem>>, vector<1x16xf32>,
        %get3A_1133 = vector.shape_cast %get3A_1132 : vector<1x16xf32> to vector<16xf32>
        %mul3A_1134 = arith.mulf %broadcast_in_dim3A_1071, %get3A_1133 : vector<16xf32>
        %add3A_1135 = arith.addf %add3A_1032, %mul3A_1134 : vector<16xf32>
        %get3A_1136 = arith.index_cast %add3A_1075 : i32 to index
        %get3A_1137 = arith.constant 160 : index
        %get3A_1138 = tpu.vector_load %arg9[%get3A_1136, %get3A_1137] {strides = array<i32>} : memref<128x256xf32, #tpu.memory_space<vmem>>, vector<1x16xf32>,
        %get3A_1139 = vector.shape_cast %get3A_1138 : vector<1x16xf32> to vector<16xf32>
        %mul3A_1140 = arith.mulf %broadcast_in_dim3A_1071, %get3A_1139 : vector<16xf32>
        %add3A_1141 = arith.addf %add3A_1038, %mul3A_1140 : vector<16xf32>
        %get3A_1142 = arith.index_cast %add3A_1075 : i32 to index
        %get3A_1143 = arith.constant 176 : index
        %get3A_1144 = tpu.vector_load %arg9[%get3A_1142, %get3A_1143] {strides = array<i32>} : memref<128x256xf32, #tpu.memory_space<vmem>>, vector<1x16xf32>,
        %get3A_1145 = vector.shape_cast %get3A_1144 : vector<1x16xf32> to vector<16xf32>
        %mul3A_1146 = arith.mulf %broadcast_in_dim3A_1071, %get3A_1145 : vector<16xf32>
        %add3A_1147 = arith.addf %add3A_1044, %mul3A_1146 : vector<16xf32>
        %get3A_1148 = arith.index_cast %add3A_1075 : i32 to index
        %get3A_1149 = arith.constant 192 : index
        %get3A_1150 = tpu.vector_load %arg9[%get3A_1148, %get3A_1149] {strides = array<i32>} : memref<128x256xf32, #tpu.memory_space<vmem>>, vector<1x16xf32>,
        %get3A_1151 = vector.shape_cast %get3A_1150 : vector<1x16xf32> to vector<16xf32>
        %mul3A_1152 = arith.mulf %broadcast_in_dim3A_1071, %get3A_1151 : vector<16xf32>
        %add3A_1153 = arith.addf %add3A_1050, %mul3A_1152 : vector<16xf32>
        %get3A_1154 = arith.index_cast %add3A_1075 : i32 to index
        %get3A_1155 = arith.constant 208 : index
        %get3A_1156 = tpu.vector_load %arg9[%get3A_1154, %get3A_1155] {strides = array<i32>} : memref<128x256xf32, #tpu.memory_space<vmem>>, vector<1x16xf32>,
        %get3A_1157 = vector.shape_cast %get3A_1156 : vector<1x16xf32> to vector<16xf32>
        %mul3A_1158 = arith.mulf %broadcast_in_dim3A_1071, %get3A_1157 : vector<16xf32>
        %add3A_1159 = arith.addf %add3A_1056, %mul3A_1158 : vector<16xf32>
        %get3A_1160 = arith.index_cast %add3A_1075 : i32 to index
        %get3A_1161 = arith.constant 224 : index
        %get3A_1162 = tpu.vector_load %arg9[%get3A_1160, %get3A_1161] {strides = array<i32>} : memref<128x256xf32, #tpu.memory_space<vmem>>, vector<1x16xf32>,
        %get3A_1163 = vector.shape_cast %get3A_1162 : vector<1x16xf32> to vector<16xf32>
        %mul3A_1164 = arith.mulf %broadcast_in_dim3A_1071, %get3A_1163 : vector<16xf32>
        %add3A_1165 = arith.addf %add3A_1062, %mul3A_1164 : vector<16xf32>
        %get3A_1166 = arith.index_cast %add3A_1075 : i32 to index
        %get3A_1167 = arith.constant 240 : index
        %get3A_1168 = tpu.vector_load %arg9[%get3A_1166, %get3A_1167] {strides = array<i32>} : memref<128x256xf32, #tpu.memory_space<vmem>>, vector<1x16xf32>,
        %get3A_1169 = vector.shape_cast %get3A_1168 : vector<1x16xf32> to vector<16xf32>
        %mul3A_1170 = arith.mulf %broadcast_in_dim3A_1071, %get3A_1169 : vector<16xf32>
        %add3A_1171 = arith.addf %add3A_1068, %mul3A_1170 : vector<16xf32>
        %slice3A_1172 = vector.extract_strided_slice %get3A_112 {offsets = [10], sizes = [1], strides = [1]} : vector<16xf32> to vector<1xf32>
        %squeeze3A_1173 = vector.extract %slice3A_1172[0] : f32 from vector<1xf32>
        %broadcast_in_dim3A_1174 = vector.broadcast %squeeze3A_1173 : f32 to vector<16xf32>
        %mul3A_1175 = arith.constant 16 : i32
        %mul3A_1176 = arith.muli %scan3A_104, %mul3A_1175 : i32
        %add3A_1177 = arith.constant 10 : i32
        %add3A_1178 = arith.addi %mul3A_1176, %add3A_1177 : i32
        %get3A_1179 = arith.index_cast %add3A_1178 : i32 to index
        %get3A_1180 = arith.constant 0 : index
        %get3A_1181 = tpu.vector_load %arg9[%get3A_1179, %get3A_1180] {strides = array<i32>} : memref<128x256xf32, #tpu.memory_space<vmem>>, vector<1x16xf32>,
        %get3A_1182 = vector.shape_cast %get3A_1181 : vector<1x16xf32> to vector<16xf32>
        %mul3A_1183 = arith.mulf %broadcast_in_dim3A_1174, %get3A_1182 : vector<16xf32>
        %add3A_1184 = arith.addf %add3A_1081, %mul3A_1183 : vector<16xf32>
        %get3A_1185 = arith.index_cast %add3A_1178 : i32 to index
        %get3A_1186 = arith.constant 16 : index
        %get3A_1187 = tpu.vector_load %arg9[%get3A_1185, %get3A_1186] {strides = array<i32>} : memref<128x256xf32, #tpu.memory_space<vmem>>, vector<1x16xf32>,
        %get3A_1188 = vector.shape_cast %get3A_1187 : vector<1x16xf32> to vector<16xf32>
        %mul3A_1189 = arith.mulf %broadcast_in_dim3A_1174, %get3A_1188 : vector<16xf32>
        %add3A_1190 = arith.addf %add3A_1087, %mul3A_1189 : vector<16xf32>
        %get3A_1191 = arith.index_cast %add3A_1178 : i32 to index
        %get3A_1192 = arith.constant 32 : index
        %get3A_1193 = tpu.vector_load %arg9[%get3A_1191, %get3A_1192] {strides = array<i32>} : memref<128x256xf32, #tpu.memory_space<vmem>>, vector<1x16xf32>,
        %get3A_1194 = vector.shape_cast %get3A_1193 : vector<1x16xf32> to vector<16xf32>
        %mul3A_1195 = arith.mulf %broadcast_in_dim3A_1174, %get3A_1194 : vector<16xf32>
        %add3A_1196 = arith.addf %add3A_1093, %mul3A_1195 : vector<16xf32>
        %get3A_1197 = arith.index_cast %add3A_1178 : i32 to index
        %get3A_1198 = arith.constant 48 : index
        %get3A_1199 = tpu.vector_load %arg9[%get3A_1197, %get3A_1198] {strides = array<i32>} : memref<128x256xf32, #tpu.memory_space<vmem>>, vector<1x16xf32>,
        %get3A_1200 = vector.shape_cast %get3A_1199 : vector<1x16xf32> to vector<16xf32>
        %mul3A_1201 = arith.mulf %broadcast_in_dim3A_1174, %get3A_1200 : vector<16xf32>
        %add3A_1202 = arith.addf %add3A_1099, %mul3A_1201 : vector<16xf32>
        %get3A_1203 = arith.index_cast %add3A_1178 : i32 to index
        %get3A_1204 = arith.constant 64 : index
        %get3A_1205 = tpu.vector_load %arg9[%get3A_1203, %get3A_1204] {strides = array<i32>} : memref<128x256xf32, #tpu.memory_space<vmem>>, vector<1x16xf32>,
        %get3A_1206 = vector.shape_cast %get3A_1205 : vector<1x16xf32> to vector<16xf32>
        %mul3A_1207 = arith.mulf %broadcast_in_dim3A_1174, %get3A_1206 : vector<16xf32>
        %add3A_1208 = arith.addf %add3A_1105, %mul3A_1207 : vector<16xf32>
        %get3A_1209 = arith.index_cast %add3A_1178 : i32 to index
        %get3A_1210 = arith.constant 80 : index
        %get3A_1211 = tpu.vector_load %arg9[%get3A_1209, %get3A_1210] {strides = array<i32>} : memref<128x256xf32, #tpu.memory_space<vmem>>, vector<1x16xf32>,
        %get3A_1212 = vector.shape_cast %get3A_1211 : vector<1x16xf32> to vector<16xf32>
        %mul3A_1213 = arith.mulf %broadcast_in_dim3A_1174, %get3A_1212 : vector<16xf32>
        %add3A_1214 = arith.addf %add3A_1111, %mul3A_1213 : vector<16xf32>
        %get3A_1215 = arith.index_cast %add3A_1178 : i32 to index
        %get3A_1216 = arith.constant 96 : index
        %get3A_1217 = tpu.vector_load %arg9[%get3A_1215, %get3A_1216] {strides = array<i32>} : memref<128x256xf32, #tpu.memory_space<vmem>>, vector<1x16xf32>,
        %get3A_1218 = vector.shape_cast %get3A_1217 : vector<1x16xf32> to vector<16xf32>
        %mul3A_1219 = arith.mulf %broadcast_in_dim3A_1174, %get3A_1218 : vector<16xf32>
        %add3A_1220 = arith.addf %add3A_1117, %mul3A_1219 : vector<16xf32>
        %get3A_1221 = arith.index_cast %add3A_1178 : i32 to index
        %get3A_1222 = arith.constant 112 : index
        %get3A_1223 = tpu.vector_load %arg9[%get3A_1221, %get3A_1222] {strides = array<i32>} : memref<128x256xf32, #tpu.memory_space<vmem>>, vector<1x16xf32>,
        %get3A_1224 = vector.shape_cast %get3A_1223 : vector<1x16xf32> to vector<16xf32>
        %mul3A_1225 = arith.mulf %broadcast_in_dim3A_1174, %get3A_1224 : vector<16xf32>
        %add3A_1226 = arith.addf %add3A_1123, %mul3A_1225 : vector<16xf32>
        %get3A_1227 = arith.index_cast %add3A_1178 : i32 to index
        %get3A_1228 = arith.constant 128 : index
        %get3A_1229 = tpu.vector_load %arg9[%get3A_1227, %get3A_1228] {strides = array<i32>} : memref<128x256xf32, #tpu.memory_space<vmem>>, vector<1x16xf32>,
        %get3A_1230 = vector.shape_cast %get3A_1229 : vector<1x16xf32> to vector<16xf32>
        %mul3A_1231 = arith.mulf %broadcast_in_dim3A_1174, %get3A_1230 : vector<16xf32>
        %add3A_1232 = arith.addf %add3A_1129, %mul3A_1231 : vector<16xf32>
        %get3A_1233 = arith.index_cast %add3A_1178 : i32 to index
        %get3A_1234 = arith.constant 144 : index
        %get3A_1235 = tpu.vector_load %arg9[%get3A_1233, %get3A_1234] {strides = array<i32>} : memref<128x256xf32, #tpu.memory_space<vmem>>, vector<1x16xf32>,
        %get3A_1236 = vector.shape_cast %get3A_1235 : vector<1x16xf32> to vector<16xf32>
        %mul3A_1237 = arith.mulf %broadcast_in_dim3A_1174, %get3A_1236 : vector<16xf32>
        %add3A_1238 = arith.addf %add3A_1135, %mul3A_1237 : vector<16xf32>
        %get3A_1239 = arith.index_cast %add3A_1178 : i32 to index
        %get3A_1240 = arith.constant 160 : index
        %get3A_1241 = tpu.vector_load %arg9[%get3A_1239, %get3A_1240] {strides = array<i32>} : memref<128x256xf32, #tpu.memory_space<vmem>>, vector<1x16xf32>,
        %get3A_1242 = vector.shape_cast %get3A_1241 : vector<1x16xf32> to vector<16xf32>
        %mul3A_1243 = arith.mulf %broadcast_in_dim3A_1174, %get3A_1242 : vector<16xf32>
        %add3A_1244 = arith.addf %add3A_1141, %mul3A_1243 : vector<16xf32>
        %get3A_1245 = arith.index_cast %add3A_1178 : i32 to index
        %get3A_1246 = arith.constant 176 : index
        %get3A_1247 = tpu.vector_load %arg9[%get3A_1245, %get3A_1246] {strides = array<i32>} : memref<128x256xf32, #tpu.memory_space<vmem>>, vector<1x16xf32>,
        %get3A_1248 = vector.shape_cast %get3A_1247 : vector<1x16xf32> to vector<16xf32>
        %mul3A_1249 = arith.mulf %broadcast_in_dim3A_1174, %get3A_1248 : vector<16xf32>
        %add3A_1250 = arith.addf %add3A_1147, %mul3A_1249 : vector<16xf32>
        %get3A_1251 = arith.index_cast %add3A_1178 : i32 to index
        %get3A_1252 = arith.constant 192 : index
        %get3A_1253 = tpu.vector_load %arg9[%get3A_1251, %get3A_1252] {strides = array<i32>} : memref<128x256xf32, #tpu.memory_space<vmem>>, vector<1x16xf32>,
        %get3A_1254 = vector.shape_cast %get3A_1253 : vector<1x16xf32> to vector<16xf32>
        %mul3A_1255 = arith.mulf %broadcast_in_dim3A_1174, %get3A_1254 : vector<16xf32>
        %add3A_1256 = arith.addf %add3A_1153, %mul3A_1255 : vector<16xf32>
        %get3A_1257 = arith.index_cast %add3A_1178 : i32 to index
        %get3A_1258 = arith.constant 208 : index
        %get3A_1259 = tpu.vector_load %arg9[%get3A_1257, %get3A_1258] {strides = array<i32>} : memref<128x256xf32, #tpu.memory_space<vmem>>, vector<1x16xf32>,
        %get3A_1260 = vector.shape_cast %get3A_1259 : vector<1x16xf32> to vector<16xf32>
        %mul3A_1261 = arith.mulf %broadcast_in_dim3A_1174, %get3A_1260 : vector<16xf32>
        %add3A_1262 = arith.addf %add3A_1159, %mul3A_1261 : vector<16xf32>
        %get3A_1263 = arith.index_cast %add3A_1178 : i32 to index
        %get3A_1264 = arith.constant 224 : index
        %get3A_1265 = tpu.vector_load %arg9[%get3A_1263, %get3A_1264] {strides = array<i32>} : memref<128x256xf32, #tpu.memory_space<vmem>>, vector<1x16xf32>,
        %get3A_1266 = vector.shape_cast %get3A_1265 : vector<1x16xf32> to vector<16xf32>
        %mul3A_1267 = arith.mulf %broadcast_in_dim3A_1174, %get3A_1266 : vector<16xf32>
        %add3A_1268 = arith.addf %add3A_1165, %mul3A_1267 : vector<16xf32>
        %get3A_1269 = arith.index_cast %add3A_1178 : i32 to index
        %get3A_1270 = arith.constant 240 : index
        %get3A_1271 = tpu.vector_load %arg9[%get3A_1269, %get3A_1270] {strides = array<i32>} : memref<128x256xf32, #tpu.memory_space<vmem>>, vector<1x16xf32>,
        %get3A_1272 = vector.shape_cast %get3A_1271 : vector<1x16xf32> to vector<16xf32>
        %mul3A_1273 = arith.mulf %broadcast_in_dim3A_1174, %get3A_1272 : vector<16xf32>
        %add3A_1274 = arith.addf %add3A_1171, %mul3A_1273 : vector<16xf32>
        %slice3A_1275 = vector.extract_strided_slice %get3A_112 {offsets = [11], sizes = [1], strides = [1]} : vector<16xf32> to vector<1xf32>
        %squeeze3A_1276 = vector.extract %slice3A_1275[0] : f32 from vector<1xf32>
        %broadcast_in_dim3A_1277 = vector.broadcast %squeeze3A_1276 : f32 to vector<16xf32>
        %mul3A_1278 = arith.constant 16 : i32
        %mul3A_1279 = arith.muli %scan3A_104, %mul3A_1278 : i32
        %add3A_1280 = arith.constant 11 : i32
        %add3A_1281 = arith.addi %mul3A_1279, %add3A_1280 : i32
        %get3A_1282 = arith.index_cast %add3A_1281 : i32 to index
        %get3A_1283 = arith.constant 0 : index
        %get3A_1284 = tpu.vector_load %arg9[%get3A_1282, %get3A_1283] {strides = array<i32>} : memref<128x256xf32, #tpu.memory_space<vmem>>, vector<1x16xf32>,
        %get3A_1285 = vector.shape_cast %get3A_1284 : vector<1x16xf32> to vector<16xf32>
        %mul3A_1286 = arith.mulf %broadcast_in_dim3A_1277, %get3A_1285 : vector<16xf32>
        %add3A_1287 = arith.addf %add3A_1184, %mul3A_1286 : vector<16xf32>
        %get3A_1288 = arith.index_cast %add3A_1281 : i32 to index
        %get3A_1289 = arith.constant 16 : index
        %get3A_1290 = tpu.vector_load %arg9[%get3A_1288, %get3A_1289] {strides = array<i32>} : memref<128x256xf32, #tpu.memory_space<vmem>>, vector<1x16xf32>,
        %get3A_1291 = vector.shape_cast %get3A_1290 : vector<1x16xf32> to vector<16xf32>
        %mul3A_1292 = arith.mulf %broadcast_in_dim3A_1277, %get3A_1291 : vector<16xf32>
        %add3A_1293 = arith.addf %add3A_1190, %mul3A_1292 : vector<16xf32>
        %get3A_1294 = arith.index_cast %add3A_1281 : i32 to index
        %get3A_1295 = arith.constant 32 : index
        %get3A_1296 = tpu.vector_load %arg9[%get3A_1294, %get3A_1295] {strides = array<i32>} : memref<128x256xf32, #tpu.memory_space<vmem>>, vector<1x16xf32>,
        %get3A_1297 = vector.shape_cast %get3A_1296 : vector<1x16xf32> to vector<16xf32>
        %mul3A_1298 = arith.mulf %broadcast_in_dim3A_1277, %get3A_1297 : vector<16xf32>
        %add3A_1299 = arith.addf %add3A_1196, %mul3A_1298 : vector<16xf32>
        %get3A_1300 = arith.index_cast %add3A_1281 : i32 to index
        %get3A_1301 = arith.constant 48 : index
        %get3A_1302 = tpu.vector_load %arg9[%get3A_1300, %get3A_1301] {strides = array<i32>} : memref<128x256xf32, #tpu.memory_space<vmem>>, vector<1x16xf32>,
        %get3A_1303 = vector.shape_cast %get3A_1302 : vector<1x16xf32> to vector<16xf32>
        %mul3A_1304 = arith.mulf %broadcast_in_dim3A_1277, %get3A_1303 : vector<16xf32>
        %add3A_1305 = arith.addf %add3A_1202, %mul3A_1304 : vector<16xf32>
        %get3A_1306 = arith.index_cast %add3A_1281 : i32 to index
        %get3A_1307 = arith.constant 64 : index
        %get3A_1308 = tpu.vector_load %arg9[%get3A_1306, %get3A_1307] {strides = array<i32>} : memref<128x256xf32, #tpu.memory_space<vmem>>, vector<1x16xf32>,
        %get3A_1309 = vector.shape_cast %get3A_1308 : vector<1x16xf32> to vector<16xf32>
        %mul3A_1310 = arith.mulf %broadcast_in_dim3A_1277, %get3A_1309 : vector<16xf32>
        %add3A_1311 = arith.addf %add3A_1208, %mul3A_1310 : vector<16xf32>
        %get3A_1312 = arith.index_cast %add3A_1281 : i32 to index
        %get3A_1313 = arith.constant 80 : index
        %get3A_1314 = tpu.vector_load %arg9[%get3A_1312, %get3A_1313] {strides = array<i32>} : memref<128x256xf32, #tpu.memory_space<vmem>>, vector<1x16xf32>,
        %get3A_1315 = vector.shape_cast %get3A_1314 : vector<1x16xf32> to vector<16xf32>
        %mul3A_1316 = arith.mulf %broadcast_in_dim3A_1277, %get3A_1315 : vector<16xf32>
        %add3A_1317 = arith.addf %add3A_1214, %mul3A_1316 : vector<16xf32>
        %get3A_1318 = arith.index_cast %add3A_1281 : i32 to index
        %get3A_1319 = arith.constant 96 : index
        %get3A_1320 = tpu.vector_load %arg9[%get3A_1318, %get3A_1319] {strides = array<i32>} : memref<128x256xf32, #tpu.memory_space<vmem>>, vector<1x16xf32>,
        %get3A_1321 = vector.shape_cast %get3A_1320 : vector<1x16xf32> to vector<16xf32>
        %mul3A_1322 = arith.mulf %broadcast_in_dim3A_1277, %get3A_1321 : vector<16xf32>
        %add3A_1323 = arith.addf %add3A_1220, %mul3A_1322 : vector<16xf32>
        %get3A_1324 = arith.index_cast %add3A_1281 : i32 to index
        %get3A_1325 = arith.constant 112 : index
        %get3A_1326 = tpu.vector_load %arg9[%get3A_1324, %get3A_1325] {strides = array<i32>} : memref<128x256xf32, #tpu.memory_space<vmem>>, vector<1x16xf32>,
        %get3A_1327 = vector.shape_cast %get3A_1326 : vector<1x16xf32> to vector<16xf32>
        %mul3A_1328 = arith.mulf %broadcast_in_dim3A_1277, %get3A_1327 : vector<16xf32>
        %add3A_1329 = arith.addf %add3A_1226, %mul3A_1328 : vector<16xf32>
        %get3A_1330 = arith.index_cast %add3A_1281 : i32 to index
        %get3A_1331 = arith.constant 128 : index
        %get3A_1332 = tpu.vector_load %arg9[%get3A_1330, %get3A_1331] {strides = array<i32>} : memref<128x256xf32, #tpu.memory_space<vmem>>, vector<1x16xf32>,
        %get3A_1333 = vector.shape_cast %get3A_1332 : vector<1x16xf32> to vector<16xf32>
        %mul3A_1334 = arith.mulf %broadcast_in_dim3A_1277, %get3A_1333 : vector<16xf32>
        %add3A_1335 = arith.addf %add3A_1232, %mul3A_1334 : vector<16xf32>
        %get3A_1336 = arith.index_cast %add3A_1281 : i32 to index
        %get3A_1337 = arith.constant 144 : index
        %get3A_1338 = tpu.vector_load %arg9[%get3A_1336, %get3A_1337] {strides = array<i32>} : memref<128x256xf32, #tpu.memory_space<vmem>>, vector<1x16xf32>,
        %get3A_1339 = vector.shape_cast %get3A_1338 : vector<1x16xf32> to vector<16xf32>
        %mul3A_1340 = arith.mulf %broadcast_in_dim3A_1277, %get3A_1339 : vector<16xf32>
        %add3A_1341 = arith.addf %add3A_1238, %mul3A_1340 : vector<16xf32>
        %get3A_1342 = arith.index_cast %add3A_1281 : i32 to index
        %get3A_1343 = arith.constant 160 : index
        %get3A_1344 = tpu.vector_load %arg9[%get3A_1342, %get3A_1343] {strides = array<i32>} : memref<128x256xf32, #tpu.memory_space<vmem>>, vector<1x16xf32>,
        %get3A_1345 = vector.shape_cast %get3A_1344 : vector<1x16xf32> to vector<16xf32>
        %mul3A_1346 = arith.mulf %broadcast_in_dim3A_1277, %get3A_1345 : vector<16xf32>
        %add3A_1347 = arith.addf %add3A_1244, %mul3A_1346 : vector<16xf32>
        %get3A_1348 = arith.index_cast %add3A_1281 : i32 to index
        %get3A_1349 = arith.constant 176 : index
        %get3A_1350 = tpu.vector_load %arg9[%get3A_1348, %get3A_1349] {strides = array<i32>} : memref<128x256xf32, #tpu.memory_space<vmem>>, vector<1x16xf32>,
        %get3A_1351 = vector.shape_cast %get3A_1350 : vector<1x16xf32> to vector<16xf32>
        %mul3A_1352 = arith.mulf %broadcast_in_dim3A_1277, %get3A_1351 : vector<16xf32>
        %add3A_1353 = arith.addf %add3A_1250, %mul3A_1352 : vector<16xf32>
        %get3A_1354 = arith.index_cast %add3A_1281 : i32 to index
        %get3A_1355 = arith.constant 192 : index
        %get3A_1356 = tpu.vector_load %arg9[%get3A_1354, %get3A_1355] {strides = array<i32>} : memref<128x256xf32, #tpu.memory_space<vmem>>, vector<1x16xf32>,
        %get3A_1357 = vector.shape_cast %get3A_1356 : vector<1x16xf32> to vector<16xf32>
        %mul3A_1358 = arith.mulf %broadcast_in_dim3A_1277, %get3A_1357 : vector<16xf32>
        %add3A_1359 = arith.addf %add3A_1256, %mul3A_1358 : vector<16xf32>
        %get3A_1360 = arith.index_cast %add3A_1281 : i32 to index
        %get3A_1361 = arith.constant 208 : index
        %get3A_1362 = tpu.vector_load %arg9[%get3A_1360, %get3A_1361] {strides = array<i32>} : memref<128x256xf32, #tpu.memory_space<vmem>>, vector<1x16xf32>,
        %get3A_1363 = vector.shape_cast %get3A_1362 : vector<1x16xf32> to vector<16xf32>
        %mul3A_1364 = arith.mulf %broadcast_in_dim3A_1277, %get3A_1363 : vector<16xf32>
        %add3A_1365 = arith.addf %add3A_1262, %mul3A_1364 : vector<16xf32>
        %get3A_1366 = arith.index_cast %add3A_1281 : i32 to index
        %get3A_1367 = arith.constant 224 : index
        %get3A_1368 = tpu.vector_load %arg9[%get3A_1366, %get3A_1367] {strides = array<i32>} : memref<128x256xf32, #tpu.memory_space<vmem>>, vector<1x16xf32>,
        %get3A_1369 = vector.shape_cast %get3A_1368 : vector<1x16xf32> to vector<16xf32>
        %mul3A_1370 = arith.mulf %broadcast_in_dim3A_1277, %get3A_1369 : vector<16xf32>
        %add3A_1371 = arith.addf %add3A_1268, %mul3A_1370 : vector<16xf32>
        %get3A_1372 = arith.index_cast %add3A_1281 : i32 to index
        %get3A_1373 = arith.constant 240 : index
        %get3A_1374 = tpu.vector_load %arg9[%get3A_1372, %get3A_1373] {strides = array<i32>} : memref<128x256xf32, #tpu.memory_space<vmem>>, vector<1x16xf32>,
        %get3A_1375 = vector.shape_cast %get3A_1374 : vector<1x16xf32> to vector<16xf32>
        %mul3A_1376 = arith.mulf %broadcast_in_dim3A_1277, %get3A_1375 : vector<16xf32>
        %add3A_1377 = arith.addf %add3A_1274, %mul3A_1376 : vector<16xf32>
        %slice3A_1378 = vector.extract_strided_slice %get3A_112 {offsets = [12], sizes = [1], strides = [1]} : vector<16xf32> to vector<1xf32>
        %squeeze3A_1379 = vector.extract %slice3A_1378[0] : f32 from vector<1xf32>
        %broadcast_in_dim3A_1380 = vector.broadcast %squeeze3A_1379 : f32 to vector<16xf32>
        %mul3A_1381 = arith.constant 16 : i32
        %mul3A_1382 = arith.muli %scan3A_104, %mul3A_1381 : i32
        %add3A_1383 = arith.constant 12 : i32
        %add3A_1384 = arith.addi %mul3A_1382, %add3A_1383 : i32
        %get3A_1385 = arith.index_cast %add3A_1384 : i32 to index
        %get3A_1386 = arith.constant 0 : index
        %get3A_1387 = tpu.vector_load %arg9[%get3A_1385, %get3A_1386] {strides = array<i32>} : memref<128x256xf32, #tpu.memory_space<vmem>>, vector<1x16xf32>,
        %get3A_1388 = vector.shape_cast %get3A_1387 : vector<1x16xf32> to vector<16xf32>
        %mul3A_1389 = arith.mulf %broadcast_in_dim3A_1380, %get3A_1388 : vector<16xf32>
        %add3A_1390 = arith.addf %add3A_1287, %mul3A_1389 : vector<16xf32>
        %get3A_1391 = arith.index_cast %add3A_1384 : i32 to index
        %get3A_1392 = arith.constant 16 : index
        %get3A_1393 = tpu.vector_load %arg9[%get3A_1391, %get3A_1392] {strides = array<i32>} : memref<128x256xf32, #tpu.memory_space<vmem>>, vector<1x16xf32>,
        %get3A_1394 = vector.shape_cast %get3A_1393 : vector<1x16xf32> to vector<16xf32>
        %mul3A_1395 = arith.mulf %broadcast_in_dim3A_1380, %get3A_1394 : vector<16xf32>
        %add3A_1396 = arith.addf %add3A_1293, %mul3A_1395 : vector<16xf32>
        %get3A_1397 = arith.index_cast %add3A_1384 : i32 to index
        %get3A_1398 = arith.constant 32 : index
        %get3A_1399 = tpu.vector_load %arg9[%get3A_1397, %get3A_1398] {strides = array<i32>} : memref<128x256xf32, #tpu.memory_space<vmem>>, vector<1x16xf32>,
        %get3A_1400 = vector.shape_cast %get3A_1399 : vector<1x16xf32> to vector<16xf32>
        %mul3A_1401 = arith.mulf %broadcast_in_dim3A_1380, %get3A_1400 : vector<16xf32>
        %add3A_1402 = arith.addf %add3A_1299, %mul3A_1401 : vector<16xf32>
        %get3A_1403 = arith.index_cast %add3A_1384 : i32 to index
        %get3A_1404 = arith.constant 48 : index
        %get3A_1405 = tpu.vector_load %arg9[%get3A_1403, %get3A_1404] {strides = array<i32>} : memref<128x256xf32, #tpu.memory_space<vmem>>, vector<1x16xf32>,
        %get3A_1406 = vector.shape_cast %get3A_1405 : vector<1x16xf32> to vector<16xf32>
        %mul3A_1407 = arith.mulf %broadcast_in_dim3A_1380, %get3A_1406 : vector<16xf32>
        %add3A_1408 = arith.addf %add3A_1305, %mul3A_1407 : vector<16xf32>
        %get3A_1409 = arith.index_cast %add3A_1384 : i32 to index
        %get3A_1410 = arith.constant 64 : index
        %get3A_1411 = tpu.vector_load %arg9[%get3A_1409, %get3A_1410] {strides = array<i32>} : memref<128x256xf32, #tpu.memory_space<vmem>>, vector<1x16xf32>,
        %get3A_1412 = vector.shape_cast %get3A_1411 : vector<1x16xf32> to vector<16xf32>
        %mul3A_1413 = arith.mulf %broadcast_in_dim3A_1380, %get3A_1412 : vector<16xf32>
        %add3A_1414 = arith.addf %add3A_1311, %mul3A_1413 : vector<16xf32>
        %get3A_1415 = arith.index_cast %add3A_1384 : i32 to index
        %get3A_1416 = arith.constant 80 : index
        %get3A_1417 = tpu.vector_load %arg9[%get3A_1415, %get3A_1416] {strides = array<i32>} : memref<128x256xf32, #tpu.memory_space<vmem>>, vector<1x16xf32>,
        %get3A_1418 = vector.shape_cast %get3A_1417 : vector<1x16xf32> to vector<16xf32>
        %mul3A_1419 = arith.mulf %broadcast_in_dim3A_1380, %get3A_1418 : vector<16xf32>
        %add3A_1420 = arith.addf %add3A_1317, %mul3A_1419 : vector<16xf32>
        %get3A_1421 = arith.index_cast %add3A_1384 : i32 to index
        %get3A_1422 = arith.constant 96 : index
        %get3A_1423 = tpu.vector_load %arg9[%get3A_1421, %get3A_1422] {strides = array<i32>} : memref<128x256xf32, #tpu.memory_space<vmem>>, vector<1x16xf32>,
        %get3A_1424 = vector.shape_cast %get3A_1423 : vector<1x16xf32> to vector<16xf32>
        %mul3A_1425 = arith.mulf %broadcast_in_dim3A_1380, %get3A_1424 : vector<16xf32>
        %add3A_1426 = arith.addf %add3A_1323, %mul3A_1425 : vector<16xf32>
        %get3A_1427 = arith.index_cast %add3A_1384 : i32 to index
        %get3A_1428 = arith.constant 112 : index
        %get3A_1429 = tpu.vector_load %arg9[%get3A_1427, %get3A_1428] {strides = array<i32>} : memref<128x256xf32, #tpu.memory_space<vmem>>, vector<1x16xf32>,
        %get3A_1430 = vector.shape_cast %get3A_1429 : vector<1x16xf32> to vector<16xf32>
        %mul3A_1431 = arith.mulf %broadcast_in_dim3A_1380, %get3A_1430 : vector<16xf32>
        %add3A_1432 = arith.addf %add3A_1329, %mul3A_1431 : vector<16xf32>
        %get3A_1433 = arith.index_cast %add3A_1384 : i32 to index
        %get3A_1434 = arith.constant 128 : index
        %get3A_1435 = tpu.vector_load %arg9[%get3A_1433, %get3A_1434] {strides = array<i32>} : memref<128x256xf32, #tpu.memory_space<vmem>>, vector<1x16xf32>,
        %get3A_1436 = vector.shape_cast %get3A_1435 : vector<1x16xf32> to vector<16xf32>
        %mul3A_1437 = arith.mulf %broadcast_in_dim3A_1380, %get3A_1436 : vector<16xf32>
        %add3A_1438 = arith.addf %add3A_1335, %mul3A_1437 : vector<16xf32>
        %get3A_1439 = arith.index_cast %add3A_1384 : i32 to index
        %get3A_1440 = arith.constant 144 : index
        %get3A_1441 = tpu.vector_load %arg9[%get3A_1439, %get3A_1440] {strides = array<i32>} : memref<128x256xf32, #tpu.memory_space<vmem>>, vector<1x16xf32>,
        %get3A_1442 = vector.shape_cast %get3A_1441 : vector<1x16xf32> to vector<16xf32>
        %mul3A_1443 = arith.mulf %broadcast_in_dim3A_1380, %get3A_1442 : vector<16xf32>
        %add3A_1444 = arith.addf %add3A_1341, %mul3A_1443 : vector<16xf32>
        %get3A_1445 = arith.index_cast %add3A_1384 : i32 to index
        %get3A_1446 = arith.constant 160 : index
        %get3A_1447 = tpu.vector_load %arg9[%get3A_1445, %get3A_1446] {strides = array<i32>} : memref<128x256xf32, #tpu.memory_space<vmem>>, vector<1x16xf32>,
        %get3A_1448 = vector.shape_cast %get3A_1447 : vector<1x16xf32> to vector<16xf32>
        %mul3A_1449 = arith.mulf %broadcast_in_dim3A_1380, %get3A_1448 : vector<16xf32>
        %add3A_1450 = arith.addf %add3A_1347, %mul3A_1449 : vector<16xf32>
        %get3A_1451 = arith.index_cast %add3A_1384 : i32 to index
        %get3A_1452 = arith.constant 176 : index
        %get3A_1453 = tpu.vector_load %arg9[%get3A_1451, %get3A_1452] {strides = array<i32>} : memref<128x256xf32, #tpu.memory_space<vmem>>, vector<1x16xf32>,
        %get3A_1454 = vector.shape_cast %get3A_1453 : vector<1x16xf32> to vector<16xf32>
        %mul3A_1455 = arith.mulf %broadcast_in_dim3A_1380, %get3A_1454 : vector<16xf32>
        %add3A_1456 = arith.addf %add3A_1353, %mul3A_1455 : vector<16xf32>
        %get3A_1457 = arith.index_cast %add3A_1384 : i32 to index
        %get3A_1458 = arith.constant 192 : index
        %get3A_1459 = tpu.vector_load %arg9[%get3A_1457, %get3A_1458] {strides = array<i32>} : memref<128x256xf32, #tpu.memory_space<vmem>>, vector<1x16xf32>,
        %get3A_1460 = vector.shape_cast %get3A_1459 : vector<1x16xf32> to vector<16xf32>
        %mul3A_1461 = arith.mulf %broadcast_in_dim3A_1380, %get3A_1460 : vector<16xf32>
        %add3A_1462 = arith.addf %add3A_1359, %mul3A_1461 : vector<16xf32>
        %get3A_1463 = arith.index_cast %add3A_1384 : i32 to index
        %get3A_1464 = arith.constant 208 : index
        %get3A_1465 = tpu.vector_load %arg9[%get3A_1463, %get3A_1464] {strides = array<i32>} : memref<128x256xf32, #tpu.memory_space<vmem>>, vector<1x16xf32>,
        %get3A_1466 = vector.shape_cast %get3A_1465 : vector<1x16xf32> to vector<16xf32>
        %mul3A_1467 = arith.mulf %broadcast_in_dim3A_1380, %get3A_1466 : vector<16xf32>
        %add3A_1468 = arith.addf %add3A_1365, %mul3A_1467 : vector<16xf32>
        %get3A_1469 = arith.index_cast %add3A_1384 : i32 to index
        %get3A_1470 = arith.constant 224 : index
        %get3A_1471 = tpu.vector_load %arg9[%get3A_1469, %get3A_1470] {strides = array<i32>} : memref<128x256xf32, #tpu.memory_space<vmem>>, vector<1x16xf32>,
        %get3A_1472 = vector.shape_cast %get3A_1471 : vector<1x16xf32> to vector<16xf32>
        %mul3A_1473 = arith.mulf %broadcast_in_dim3A_1380, %get3A_1472 : vector<16xf32>
        %add3A_1474 = arith.addf %add3A_1371, %mul3A_1473 : vector<16xf32>
        %get3A_1475 = arith.index_cast %add3A_1384 : i32 to index
        %get3A_1476 = arith.constant 240 : index
        %get3A_1477 = tpu.vector_load %arg9[%get3A_1475, %get3A_1476] {strides = array<i32>} : memref<128x256xf32, #tpu.memory_space<vmem>>, vector<1x16xf32>,
        %get3A_1478 = vector.shape_cast %get3A_1477 : vector<1x16xf32> to vector<16xf32>
        %mul3A_1479 = arith.mulf %broadcast_in_dim3A_1380, %get3A_1478 : vector<16xf32>
        %add3A_1480 = arith.addf %add3A_1377, %mul3A_1479 : vector<16xf32>
        %slice3A_1481 = vector.extract_strided_slice %get3A_112 {offsets = [13], sizes = [1], strides = [1]} : vector<16xf32> to vector<1xf32>
        %squeeze3A_1482 = vector.extract %slice3A_1481[0] : f32 from vector<1xf32>
        %broadcast_in_dim3A_1483 = vector.broadcast %squeeze3A_1482 : f32 to vector<16xf32>
        %mul3A_1484 = arith.constant 16 : i32
        %mul3A_1485 = arith.muli %scan3A_104, %mul3A_1484 : i32
        %add3A_1486 = arith.constant 13 : i32
        %add3A_1487 = arith.addi %mul3A_1485, %add3A_1486 : i32
        %get3A_1488 = arith.index_cast %add3A_1487 : i32 to index
        %get3A_1489 = arith.constant 0 : index
        %get3A_1490 = tpu.vector_load %arg9[%get3A_1488, %get3A_1489] {strides = array<i32>} : memref<128x256xf32, #tpu.memory_space<vmem>>, vector<1x16xf32>,
        %get3A_1491 = vector.shape_cast %get3A_1490 : vector<1x16xf32> to vector<16xf32>
        %mul3A_1492 = arith.mulf %broadcast_in_dim3A_1483, %get3A_1491 : vector<16xf32>
        %add3A_1493 = arith.addf %add3A_1390, %mul3A_1492 : vector<16xf32>
        %get3A_1494 = arith.index_cast %add3A_1487 : i32 to index
        %get3A_1495 = arith.constant 16 : index
        %get3A_1496 = tpu.vector_load %arg9[%get3A_1494, %get3A_1495] {strides = array<i32>} : memref<128x256xf32, #tpu.memory_space<vmem>>, vector<1x16xf32>,
        %get3A_1497 = vector.shape_cast %get3A_1496 : vector<1x16xf32> to vector<16xf32>
        %mul3A_1498 = arith.mulf %broadcast_in_dim3A_1483, %get3A_1497 : vector<16xf32>
        %add3A_1499 = arith.addf %add3A_1396, %mul3A_1498 : vector<16xf32>
        %get3A_1500 = arith.index_cast %add3A_1487 : i32 to index
        %get3A_1501 = arith.constant 32 : index
        %get3A_1502 = tpu.vector_load %arg9[%get3A_1500, %get3A_1501] {strides = array<i32>} : memref<128x256xf32, #tpu.memory_space<vmem>>, vector<1x16xf32>,
        %get3A_1503 = vector.shape_cast %get3A_1502 : vector<1x16xf32> to vector<16xf32>
        %mul3A_1504 = arith.mulf %broadcast_in_dim3A_1483, %get3A_1503 : vector<16xf32>
        %add3A_1505 = arith.addf %add3A_1402, %mul3A_1504 : vector<16xf32>
        %get3A_1506 = arith.index_cast %add3A_1487 : i32 to index
        %get3A_1507 = arith.constant 48 : index
        %get3A_1508 = tpu.vector_load %arg9[%get3A_1506, %get3A_1507] {strides = array<i32>} : memref<128x256xf32, #tpu.memory_space<vmem>>, vector<1x16xf32>,
        %get3A_1509 = vector.shape_cast %get3A_1508 : vector<1x16xf32> to vector<16xf32>
        %mul3A_1510 = arith.mulf %broadcast_in_dim3A_1483, %get3A_1509 : vector<16xf32>
        %add3A_1511 = arith.addf %add3A_1408, %mul3A_1510 : vector<16xf32>
        %get3A_1512 = arith.index_cast %add3A_1487 : i32 to index
        %get3A_1513 = arith.constant 64 : index
        %get3A_1514 = tpu.vector_load %arg9[%get3A_1512, %get3A_1513] {strides = array<i32>} : memref<128x256xf32, #tpu.memory_space<vmem>>, vector<1x16xf32>,
        %get3A_1515 = vector.shape_cast %get3A_1514 : vector<1x16xf32> to vector<16xf32>
        %mul3A_1516 = arith.mulf %broadcast_in_dim3A_1483, %get3A_1515 : vector<16xf32>
        %add3A_1517 = arith.addf %add3A_1414, %mul3A_1516 : vector<16xf32>
        %get3A_1518 = arith.index_cast %add3A_1487 : i32 to index
        %get3A_1519 = arith.constant 80 : index
        %get3A_1520 = tpu.vector_load %arg9[%get3A_1518, %get3A_1519] {strides = array<i32>} : memref<128x256xf32, #tpu.memory_space<vmem>>, vector<1x16xf32>,
        %get3A_1521 = vector.shape_cast %get3A_1520 : vector<1x16xf32> to vector<16xf32>
        %mul3A_1522 = arith.mulf %broadcast_in_dim3A_1483, %get3A_1521 : vector<16xf32>
        %add3A_1523 = arith.addf %add3A_1420, %mul3A_1522 : vector<16xf32>
        %get3A_1524 = arith.index_cast %add3A_1487 : i32 to index
        %get3A_1525 = arith.constant 96 : index
        %get3A_1526 = tpu.vector_load %arg9[%get3A_1524, %get3A_1525] {strides = array<i32>} : memref<128x256xf32, #tpu.memory_space<vmem>>, vector<1x16xf32>,
        %get3A_1527 = vector.shape_cast %get3A_1526 : vector<1x16xf32> to vector<16xf32>
        %mul3A_1528 = arith.mulf %broadcast_in_dim3A_1483, %get3A_1527 : vector<16xf32>
        %add3A_1529 = arith.addf %add3A_1426, %mul3A_1528 : vector<16xf32>
        %get3A_1530 = arith.index_cast %add3A_1487 : i32 to index
        %get3A_1531 = arith.constant 112 : index
        %get3A_1532 = tpu.vector_load %arg9[%get3A_1530, %get3A_1531] {strides = array<i32>} : memref<128x256xf32, #tpu.memory_space<vmem>>, vector<1x16xf32>,
        %get3A_1533 = vector.shape_cast %get3A_1532 : vector<1x16xf32> to vector<16xf32>
        %mul3A_1534 = arith.mulf %broadcast_in_dim3A_1483, %get3A_1533 : vector<16xf32>
        %add3A_1535 = arith.addf %add3A_1432, %mul3A_1534 : vector<16xf32>
        %get3A_1536 = arith.index_cast %add3A_1487 : i32 to index
        %get3A_1537 = arith.constant 128 : index
        %get3A_1538 = tpu.vector_load %arg9[%get3A_1536, %get3A_1537] {strides = array<i32>} : memref<128x256xf32, #tpu.memory_space<vmem>>, vector<1x16xf32>,
        %get3A_1539 = vector.shape_cast %get3A_1538 : vector<1x16xf32> to vector<16xf32>
        %mul3A_1540 = arith.mulf %broadcast_in_dim3A_1483, %get3A_1539 : vector<16xf32>
        %add3A_1541 = arith.addf %add3A_1438, %mul3A_1540 : vector<16xf32>
        %get3A_1542 = arith.index_cast %add3A_1487 : i32 to index
        %get3A_1543 = arith.constant 144 : index
        %get3A_1544 = tpu.vector_load %arg9[%get3A_1542, %get3A_1543] {strides = array<i32>} : memref<128x256xf32, #tpu.memory_space<vmem>>, vector<1x16xf32>,
        %get3A_1545 = vector.shape_cast %get3A_1544 : vector<1x16xf32> to vector<16xf32>
        %mul3A_1546 = arith.mulf %broadcast_in_dim3A_1483, %get3A_1545 : vector<16xf32>
        %add3A_1547 = arith.addf %add3A_1444, %mul3A_1546 : vector<16xf32>
        %get3A_1548 = arith.index_cast %add3A_1487 : i32 to index
        %get3A_1549 = arith.constant 160 : index
        %get3A_1550 = tpu.vector_load %arg9[%get3A_1548, %get3A_1549] {strides = array<i32>} : memref<128x256xf32, #tpu.memory_space<vmem>>, vector<1x16xf32>,
        %get3A_1551 = vector.shape_cast %get3A_1550 : vector<1x16xf32> to vector<16xf32>
        %mul3A_1552 = arith.mulf %broadcast_in_dim3A_1483, %get3A_1551 : vector<16xf32>
        %add3A_1553 = arith.addf %add3A_1450, %mul3A_1552 : vector<16xf32>
        %get3A_1554 = arith.index_cast %add3A_1487 : i32 to index
        %get3A_1555 = arith.constant 176 : index
        %get3A_1556 = tpu.vector_load %arg9[%get3A_1554, %get3A_1555] {strides = array<i32>} : memref<128x256xf32, #tpu.memory_space<vmem>>, vector<1x16xf32>,
        %get3A_1557 = vector.shape_cast %get3A_1556 : vector<1x16xf32> to vector<16xf32>
        %mul3A_1558 = arith.mulf %broadcast_in_dim3A_1483, %get3A_1557 : vector<16xf32>
        %add3A_1559 = arith.addf %add3A_1456, %mul3A_1558 : vector<16xf32>
        %get3A_1560 = arith.index_cast %add3A_1487 : i32 to index
        %get3A_1561 = arith.constant 192 : index
        %get3A_1562 = tpu.vector_load %arg9[%get3A_1560, %get3A_1561] {strides = array<i32>} : memref<128x256xf32, #tpu.memory_space<vmem>>, vector<1x16xf32>,
        %get3A_1563 = vector.shape_cast %get3A_1562 : vector<1x16xf32> to vector<16xf32>
        %mul3A_1564 = arith.mulf %broadcast_in_dim3A_1483, %get3A_1563 : vector<16xf32>
        %add3A_1565 = arith.addf %add3A_1462, %mul3A_1564 : vector<16xf32>
        %get3A_1566 = arith.index_cast %add3A_1487 : i32 to index
        %get3A_1567 = arith.constant 208 : index
        %get3A_1568 = tpu.vector_load %arg9[%get3A_1566, %get3A_1567] {strides = array<i32>} : memref<128x256xf32, #tpu.memory_space<vmem>>, vector<1x16xf32>,
        %get3A_1569 = vector.shape_cast %get3A_1568 : vector<1x16xf32> to vector<16xf32>
        %mul3A_1570 = arith.mulf %broadcast_in_dim3A_1483, %get3A_1569 : vector<16xf32>
        %add3A_1571 = arith.addf %add3A_1468, %mul3A_1570 : vector<16xf32>
        %get3A_1572 = arith.index_cast %add3A_1487 : i32 to index
        %get3A_1573 = arith.constant 224 : index
        %get3A_1574 = tpu.vector_load %arg9[%get3A_1572, %get3A_1573] {strides = array<i32>} : memref<128x256xf32, #tpu.memory_space<vmem>>, vector<1x16xf32>,
        %get3A_1575 = vector.shape_cast %get3A_1574 : vector<1x16xf32> to vector<16xf32>
        %mul3A_1576 = arith.mulf %broadcast_in_dim3A_1483, %get3A_1575 : vector<16xf32>
        %add3A_1577 = arith.addf %add3A_1474, %mul3A_1576 : vector<16xf32>
        %get3A_1578 = arith.index_cast %add3A_1487 : i32 to index
        %get3A_1579 = arith.constant 240 : index
        %get3A_1580 = tpu.vector_load %arg9[%get3A_1578, %get3A_1579] {strides = array<i32>} : memref<128x256xf32, #tpu.memory_space<vmem>>, vector<1x16xf32>,
        %get3A_1581 = vector.shape_cast %get3A_1580 : vector<1x16xf32> to vector<16xf32>
        %mul3A_1582 = arith.mulf %broadcast_in_dim3A_1483, %get3A_1581 : vector<16xf32>
        %add3A_1583 = arith.addf %add3A_1480, %mul3A_1582 : vector<16xf32>
        %slice3A_1584 = vector.extract_strided_slice %get3A_112 {offsets = [14], sizes = [1], strides = [1]} : vector<16xf32> to vector<1xf32>
        %squeeze3A_1585 = vector.extract %slice3A_1584[0] : f32 from vector<1xf32>
        %broadcast_in_dim3A_1586 = vector.broadcast %squeeze3A_1585 : f32 to vector<16xf32>
        %mul3A_1587 = arith.constant 16 : i32
        %mul3A_1588 = arith.muli %scan3A_104, %mul3A_1587 : i32
        %add3A_1589 = arith.constant 14 : i32
        %add3A_1590 = arith.addi %mul3A_1588, %add3A_1589 : i32
        %get3A_1591 = arith.index_cast %add3A_1590 : i32 to index
        %get3A_1592 = arith.constant 0 : index
        %get3A_1593 = tpu.vector_load %arg9[%get3A_1591, %get3A_1592] {strides = array<i32>} : memref<128x256xf32, #tpu.memory_space<vmem>>, vector<1x16xf32>,
        %get3A_1594 = vector.shape_cast %get3A_1593 : vector<1x16xf32> to vector<16xf32>
        %mul3A_1595 = arith.mulf %broadcast_in_dim3A_1586, %get3A_1594 : vector<16xf32>
        %add3A_1596 = arith.addf %add3A_1493, %mul3A_1595 : vector<16xf32>
        %get3A_1597 = arith.index_cast %add3A_1590 : i32 to index
        %get3A_1598 = arith.constant 16 : index
        %get3A_1599 = tpu.vector_load %arg9[%get3A_1597, %get3A_1598] {strides = array<i32>} : memref<128x256xf32, #tpu.memory_space<vmem>>, vector<1x16xf32>,
        %get3A_1600 = vector.shape_cast %get3A_1599 : vector<1x16xf32> to vector<16xf32>
        %mul3A_1601 = arith.mulf %broadcast_in_dim3A_1586, %get3A_1600 : vector<16xf32>
        %add3A_1602 = arith.addf %add3A_1499, %mul3A_1601 : vector<16xf32>
        %get3A_1603 = arith.index_cast %add3A_1590 : i32 to index
        %get3A_1604 = arith.constant 32 : index
        %get3A_1605 = tpu.vector_load %arg9[%get3A_1603, %get3A_1604] {strides = array<i32>} : memref<128x256xf32, #tpu.memory_space<vmem>>, vector<1x16xf32>,
        %get3A_1606 = vector.shape_cast %get3A_1605 : vector<1x16xf32> to vector<16xf32>
        %mul3A_1607 = arith.mulf %broadcast_in_dim3A_1586, %get3A_1606 : vector<16xf32>
        %add3A_1608 = arith.addf %add3A_1505, %mul3A_1607 : vector<16xf32>
        %get3A_1609 = arith.index_cast %add3A_1590 : i32 to index
        %get3A_1610 = arith.constant 48 : index
        %get3A_1611 = tpu.vector_load %arg9[%get3A_1609, %get3A_1610] {strides = array<i32>} : memref<128x256xf32, #tpu.memory_space<vmem>>, vector<1x16xf32>,
        %get3A_1612 = vector.shape_cast %get3A_1611 : vector<1x16xf32> to vector<16xf32>
        %mul3A_1613 = arith.mulf %broadcast_in_dim3A_1586, %get3A_1612 : vector<16xf32>
        %add3A_1614 = arith.addf %add3A_1511, %mul3A_1613 : vector<16xf32>
        %get3A_1615 = arith.index_cast %add3A_1590 : i32 to index
        %get3A_1616 = arith.constant 64 : index
        %get3A_1617 = tpu.vector_load %arg9[%get3A_1615, %get3A_1616] {strides = array<i32>} : memref<128x256xf32, #tpu.memory_space<vmem>>, vector<1x16xf32>,
        %get3A_1618 = vector.shape_cast %get3A_1617 : vector<1x16xf32> to vector<16xf32>
        %mul3A_1619 = arith.mulf %broadcast_in_dim3A_1586, %get3A_1618 : vector<16xf32>
        %add3A_1620 = arith.addf %add3A_1517, %mul3A_1619 : vector<16xf32>
        %get3A_1621 = arith.index_cast %add3A_1590 : i32 to index
        %get3A_1622 = arith.constant 80 : index
        %get3A_1623 = tpu.vector_load %arg9[%get3A_1621, %get3A_1622] {strides = array<i32>} : memref<128x256xf32, #tpu.memory_space<vmem>>, vector<1x16xf32>,
        %get3A_1624 = vector.shape_cast %get3A_1623 : vector<1x16xf32> to vector<16xf32>
        %mul3A_1625 = arith.mulf %broadcast_in_dim3A_1586, %get3A_1624 : vector<16xf32>
        %add3A_1626 = arith.addf %add3A_1523, %mul3A_1625 : vector<16xf32>
        %get3A_1627 = arith.index_cast %add3A_1590 : i32 to index
        %get3A_1628 = arith.constant 96 : index
        %get3A_1629 = tpu.vector_load %arg9[%get3A_1627, %get3A_1628] {strides = array<i32>} : memref<128x256xf32, #tpu.memory_space<vmem>>, vector<1x16xf32>,
        %get3A_1630 = vector.shape_cast %get3A_1629 : vector<1x16xf32> to vector<16xf32>
        %mul3A_1631 = arith.mulf %broadcast_in_dim3A_1586, %get3A_1630 : vector<16xf32>
        %add3A_1632 = arith.addf %add3A_1529, %mul3A_1631 : vector<16xf32>
        %get3A_1633 = arith.index_cast %add3A_1590 : i32 to index
        %get3A_1634 = arith.constant 112 : index
        %get3A_1635 = tpu.vector_load %arg9[%get3A_1633, %get3A_1634] {strides = array<i32>} : memref<128x256xf32, #tpu.memory_space<vmem>>, vector<1x16xf32>,
        %get3A_1636 = vector.shape_cast %get3A_1635 : vector<1x16xf32> to vector<16xf32>
        %mul3A_1637 = arith.mulf %broadcast_in_dim3A_1586, %get3A_1636 : vector<16xf32>
        %add3A_1638 = arith.addf %add3A_1535, %mul3A_1637 : vector<16xf32>
        %get3A_1639 = arith.index_cast %add3A_1590 : i32 to index
        %get3A_1640 = arith.constant 128 : index
        %get3A_1641 = tpu.vector_load %arg9[%get3A_1639, %get3A_1640] {strides = array<i32>} : memref<128x256xf32, #tpu.memory_space<vmem>>, vector<1x16xf32>,
        %get3A_1642 = vector.shape_cast %get3A_1641 : vector<1x16xf32> to vector<16xf32>
        %mul3A_1643 = arith.mulf %broadcast_in_dim3A_1586, %get3A_1642 : vector<16xf32>
        %add3A_1644 = arith.addf %add3A_1541, %mul3A_1643 : vector<16xf32>
        %get3A_1645 = arith.index_cast %add3A_1590 : i32 to index
        %get3A_1646 = arith.constant 144 : index
        %get3A_1647 = tpu.vector_load %arg9[%get3A_1645, %get3A_1646] {strides = array<i32>} : memref<128x256xf32, #tpu.memory_space<vmem>>, vector<1x16xf32>,
        %get3A_1648 = vector.shape_cast %get3A_1647 : vector<1x16xf32> to vector<16xf32>
        %mul3A_1649 = arith.mulf %broadcast_in_dim3A_1586, %get3A_1648 : vector<16xf32>
        %add3A_1650 = arith.addf %add3A_1547, %mul3A_1649 : vector<16xf32>
        %get3A_1651 = arith.index_cast %add3A_1590 : i32 to index
        %get3A_1652 = arith.constant 160 : index
        %get3A_1653 = tpu.vector_load %arg9[%get3A_1651, %get3A_1652] {strides = array<i32>} : memref<128x256xf32, #tpu.memory_space<vmem>>, vector<1x16xf32>,
        %get3A_1654 = vector.shape_cast %get3A_1653 : vector<1x16xf32> to vector<16xf32>
        %mul3A_1655 = arith.mulf %broadcast_in_dim3A_1586, %get3A_1654 : vector<16xf32>
        %add3A_1656 = arith.addf %add3A_1553, %mul3A_1655 : vector<16xf32>
        %get3A_1657 = arith.index_cast %add3A_1590 : i32 to index
        %get3A_1658 = arith.constant 176 : index
        %get3A_1659 = tpu.vector_load %arg9[%get3A_1657, %get3A_1658] {strides = array<i32>} : memref<128x256xf32, #tpu.memory_space<vmem>>, vector<1x16xf32>,
        %get3A_1660 = vector.shape_cast %get3A_1659 : vector<1x16xf32> to vector<16xf32>
        %mul3A_1661 = arith.mulf %broadcast_in_dim3A_1586, %get3A_1660 : vector<16xf32>
        %add3A_1662 = arith.addf %add3A_1559, %mul3A_1661 : vector<16xf32>
        %get3A_1663 = arith.index_cast %add3A_1590 : i32 to index
        %get3A_1664 = arith.constant 192 : index
        %get3A_1665 = tpu.vector_load %arg9[%get3A_1663, %get3A_1664] {strides = array<i32>} : memref<128x256xf32, #tpu.memory_space<vmem>>, vector<1x16xf32>,
        %get3A_1666 = vector.shape_cast %get3A_1665 : vector<1x16xf32> to vector<16xf32>
        %mul3A_1667 = arith.mulf %broadcast_in_dim3A_1586, %get3A_1666 : vector<16xf32>
        %add3A_1668 = arith.addf %add3A_1565, %mul3A_1667 : vector<16xf32>
        %get3A_1669 = arith.index_cast %add3A_1590 : i32 to index
        %get3A_1670 = arith.constant 208 : index
        %get3A_1671 = tpu.vector_load %arg9[%get3A_1669, %get3A_1670] {strides = array<i32>} : memref<128x256xf32, #tpu.memory_space<vmem>>, vector<1x16xf32>,
        %get3A_1672 = vector.shape_cast %get3A_1671 : vector<1x16xf32> to vector<16xf32>
        %mul3A_1673 = arith.mulf %broadcast_in_dim3A_1586, %get3A_1672 : vector<16xf32>
        %add3A_1674 = arith.addf %add3A_1571, %mul3A_1673 : vector<16xf32>
        %get3A_1675 = arith.index_cast %add3A_1590 : i32 to index
        %get3A_1676 = arith.constant 224 : index
        %get3A_1677 = tpu.vector_load %arg9[%get3A_1675, %get3A_1676] {strides = array<i32>} : memref<128x256xf32, #tpu.memory_space<vmem>>, vector<1x16xf32>,
        %get3A_1678 = vector.shape_cast %get3A_1677 : vector<1x16xf32> to vector<16xf32>
        %mul3A_1679 = arith.mulf %broadcast_in_dim3A_1586, %get3A_1678 : vector<16xf32>
        %add3A_1680 = arith.addf %add3A_1577, %mul3A_1679 : vector<16xf32>
        %get3A_1681 = arith.index_cast %add3A_1590 : i32 to index
        %get3A_1682 = arith.constant 240 : index
        %get3A_1683 = tpu.vector_load %arg9[%get3A_1681, %get3A_1682] {strides = array<i32>} : memref<128x256xf32, #tpu.memory_space<vmem>>, vector<1x16xf32>,
        %get3A_1684 = vector.shape_cast %get3A_1683 : vector<1x16xf32> to vector<16xf32>
        %mul3A_1685 = arith.mulf %broadcast_in_dim3A_1586, %get3A_1684 : vector<16xf32>
        %add3A_1686 = arith.addf %add3A_1583, %mul3A_1685 : vector<16xf32>
        %slice3A_1687 = vector.extract_strided_slice %get3A_112 {offsets = [15], sizes = [1], strides = [1]} : vector<16xf32> to vector<1xf32>
        %squeeze3A_1688 = vector.extract %slice3A_1687[0] : f32 from vector<1xf32>
        %broadcast_in_dim3A_1689 = vector.broadcast %squeeze3A_1688 : f32 to vector<16xf32>
        %mul3A_1690 = arith.constant 16 : i32
        %mul3A_1691 = arith.muli %scan3A_104, %mul3A_1690 : i32
        %add3A_1692 = arith.constant 15 : i32
        %add3A_1693 = arith.addi %mul3A_1691, %add3A_1692 : i32
        %get3A_1694 = arith.index_cast %add3A_1693 : i32 to index
        %get3A_1695 = arith.constant 0 : index
        %get3A_1696 = tpu.vector_load %arg9[%get3A_1694, %get3A_1695] {strides = array<i32>} : memref<128x256xf32, #tpu.memory_space<vmem>>, vector<1x16xf32>,
        %get3A_1697 = vector.shape_cast %get3A_1696 : vector<1x16xf32> to vector<16xf32>
        %mul3A_1698 = arith.mulf %broadcast_in_dim3A_1689, %get3A_1697 : vector<16xf32>
        %add3A_1699 = arith.addf %add3A_1596, %mul3A_1698 : vector<16xf32>
        %get3A_1700 = arith.index_cast %add3A_1693 : i32 to index
        %get3A_1701 = arith.constant 16 : index
        %get3A_1702 = tpu.vector_load %arg9[%get3A_1700, %get3A_1701] {strides = array<i32>} : memref<128x256xf32, #tpu.memory_space<vmem>>, vector<1x16xf32>,
        %get3A_1703 = vector.shape_cast %get3A_1702 : vector<1x16xf32> to vector<16xf32>
        %mul3A_1704 = arith.mulf %broadcast_in_dim3A_1689, %get3A_1703 : vector<16xf32>
        %add3A_1705 = arith.addf %add3A_1602, %mul3A_1704 : vector<16xf32>
        %get3A_1706 = arith.index_cast %add3A_1693 : i32 to index
        %get3A_1707 = arith.constant 32 : index
        %get3A_1708 = tpu.vector_load %arg9[%get3A_1706, %get3A_1707] {strides = array<i32>} : memref<128x256xf32, #tpu.memory_space<vmem>>, vector<1x16xf32>,
        %get3A_1709 = vector.shape_cast %get3A_1708 : vector<1x16xf32> to vector<16xf32>
        %mul3A_1710 = arith.mulf %broadcast_in_dim3A_1689, %get3A_1709 : vector<16xf32>
        %add3A_1711 = arith.addf %add3A_1608, %mul3A_1710 : vector<16xf32>
        %get3A_1712 = arith.index_cast %add3A_1693 : i32 to index
        %get3A_1713 = arith.constant 48 : index
        %get3A_1714 = tpu.vector_load %arg9[%get3A_1712, %get3A_1713] {strides = array<i32>} : memref<128x256xf32, #tpu.memory_space<vmem>>, vector<1x16xf32>,
        %get3A_1715 = vector.shape_cast %get3A_1714 : vector<1x16xf32> to vector<16xf32>
        %mul3A_1716 = arith.mulf %broadcast_in_dim3A_1689, %get3A_1715 : vector<16xf32>
        %add3A_1717 = arith.addf %add3A_1614, %mul3A_1716 : vector<16xf32>
        %get3A_1718 = arith.index_cast %add3A_1693 : i32 to index
        %get3A_1719 = arith.constant 64 : index
        %get3A_1720 = tpu.vector_load %arg9[%get3A_1718, %get3A_1719] {strides = array<i32>} : memref<128x256xf32, #tpu.memory_space<vmem>>, vector<1x16xf32>,
        %get3A_1721 = vector.shape_cast %get3A_1720 : vector<1x16xf32> to vector<16xf32>
        %mul3A_1722 = arith.mulf %broadcast_in_dim3A_1689, %get3A_1721 : vector<16xf32>
        %add3A_1723 = arith.addf %add3A_1620, %mul3A_1722 : vector<16xf32>
        %get3A_1724 = arith.index_cast %add3A_1693 : i32 to index
        %get3A_1725 = arith.constant 80 : index
        %get3A_1726 = tpu.vector_load %arg9[%get3A_1724, %get3A_1725] {strides = array<i32>} : memref<128x256xf32, #tpu.memory_space<vmem>>, vector<1x16xf32>,
        %get3A_1727 = vector.shape_cast %get3A_1726 : vector<1x16xf32> to vector<16xf32>
        %mul3A_1728 = arith.mulf %broadcast_in_dim3A_1689, %get3A_1727 : vector<16xf32>
        %add3A_1729 = arith.addf %add3A_1626, %mul3A_1728 : vector<16xf32>
        %get3A_1730 = arith.index_cast %add3A_1693 : i32 to index
        %get3A_1731 = arith.constant 96 : index
        %get3A_1732 = tpu.vector_load %arg9[%get3A_1730, %get3A_1731] {strides = array<i32>} : memref<128x256xf32, #tpu.memory_space<vmem>>, vector<1x16xf32>,
        %get3A_1733 = vector.shape_cast %get3A_1732 : vector<1x16xf32> to vector<16xf32>
        %mul3A_1734 = arith.mulf %broadcast_in_dim3A_1689, %get3A_1733 : vector<16xf32>
        %add3A_1735 = arith.addf %add3A_1632, %mul3A_1734 : vector<16xf32>
        %get3A_1736 = arith.index_cast %add3A_1693 : i32 to index
        %get3A_1737 = arith.constant 112 : index
        %get3A_1738 = tpu.vector_load %arg9[%get3A_1736, %get3A_1737] {strides = array<i32>} : memref<128x256xf32, #tpu.memory_space<vmem>>, vector<1x16xf32>,
        %get3A_1739 = vector.shape_cast %get3A_1738 : vector<1x16xf32> to vector<16xf32>
        %mul3A_1740 = arith.mulf %broadcast_in_dim3A_1689, %get3A_1739 : vector<16xf32>
        %add3A_1741 = arith.addf %add3A_1638, %mul3A_1740 : vector<16xf32>
        %get3A_1742 = arith.index_cast %add3A_1693 : i32 to index
        %get3A_1743 = arith.constant 128 : index
        %get3A_1744 = tpu.vector_load %arg9[%get3A_1742, %get3A_1743] {strides = array<i32>} : memref<128x256xf32, #tpu.memory_space<vmem>>, vector<1x16xf32>,
        %get3A_1745 = vector.shape_cast %get3A_1744 : vector<1x16xf32> to vector<16xf32>
        %mul3A_1746 = arith.mulf %broadcast_in_dim3A_1689, %get3A_1745 : vector<16xf32>
        %add3A_1747 = arith.addf %add3A_1644, %mul3A_1746 : vector<16xf32>
        %get3A_1748 = arith.index_cast %add3A_1693 : i32 to index
        %get3A_1749 = arith.constant 144 : index
        %get3A_1750 = tpu.vector_load %arg9[%get3A_1748, %get3A_1749] {strides = array<i32>} : memref<128x256xf32, #tpu.memory_space<vmem>>, vector<1x16xf32>,
        %get3A_1751 = vector.shape_cast %get3A_1750 : vector<1x16xf32> to vector<16xf32>
        %mul3A_1752 = arith.mulf %broadcast_in_dim3A_1689, %get3A_1751 : vector<16xf32>
        %add3A_1753 = arith.addf %add3A_1650, %mul3A_1752 : vector<16xf32>
        %get3A_1754 = arith.index_cast %add3A_1693 : i32 to index
        %get3A_1755 = arith.constant 160 : index
        %get3A_1756 = tpu.vector_load %arg9[%get3A_1754, %get3A_1755] {strides = array<i32>} : memref<128x256xf32, #tpu.memory_space<vmem>>, vector<1x16xf32>,
        %get3A_1757 = vector.shape_cast %get3A_1756 : vector<1x16xf32> to vector<16xf32>
        %mul3A_1758 = arith.mulf %broadcast_in_dim3A_1689, %get3A_1757 : vector<16xf32>
        %add3A_1759 = arith.addf %add3A_1656, %mul3A_1758 : vector<16xf32>
        %get3A_1760 = arith.index_cast %add3A_1693 : i32 to index
        %get3A_1761 = arith.constant 176 : index
        %get3A_1762 = tpu.vector_load %arg9[%get3A_1760, %get3A_1761] {strides = array<i32>} : memref<128x256xf32, #tpu.memory_space<vmem>>, vector<1x16xf32>,
        %get3A_1763 = vector.shape_cast %get3A_1762 : vector<1x16xf32> to vector<16xf32>
        %mul3A_1764 = arith.mulf %broadcast_in_dim3A_1689, %get3A_1763 : vector<16xf32>
        %add3A_1765 = arith.addf %add3A_1662, %mul3A_1764 : vector<16xf32>
        %get3A_1766 = arith.index_cast %add3A_1693 : i32 to index
        %get3A_1767 = arith.constant 192 : index
        %get3A_1768 = tpu.vector_load %arg9[%get3A_1766, %get3A_1767] {strides = array<i32>} : memref<128x256xf32, #tpu.memory_space<vmem>>, vector<1x16xf32>,
        %get3A_1769 = vector.shape_cast %get3A_1768 : vector<1x16xf32> to vector<16xf32>
        %mul3A_1770 = arith.mulf %broadcast_in_dim3A_1689, %get3A_1769 : vector<16xf32>
        %add3A_1771 = arith.addf %add3A_1668, %mul3A_1770 : vector<16xf32>
        %get3A_1772 = arith.index_cast %add3A_1693 : i32 to index
        %get3A_1773 = arith.constant 208 : index
        %get3A_1774 = tpu.vector_load %arg9[%get3A_1772, %get3A_1773] {strides = array<i32>} : memref<128x256xf32, #tpu.memory_space<vmem>>, vector<1x16xf32>,
        %get3A_1775 = vector.shape_cast %get3A_1774 : vector<1x16xf32> to vector<16xf32>
        %mul3A_1776 = arith.mulf %broadcast_in_dim3A_1689, %get3A_1775 : vector<16xf32>
        %add3A_1777 = arith.addf %add3A_1674, %mul3A_1776 : vector<16xf32>
        %get3A_1778 = arith.index_cast %add3A_1693 : i32 to index
        %get3A_1779 = arith.constant 224 : index
        %get3A_1780 = tpu.vector_load %arg9[%get3A_1778, %get3A_1779] {strides = array<i32>} : memref<128x256xf32, #tpu.memory_space<vmem>>, vector<1x16xf32>,
        %get3A_1781 = vector.shape_cast %get3A_1780 : vector<1x16xf32> to vector<16xf32>
        %mul3A_1782 = arith.mulf %broadcast_in_dim3A_1689, %get3A_1781 : vector<16xf32>
        %add3A_1783 = arith.addf %add3A_1680, %mul3A_1782 : vector<16xf32>
        %get3A_1784 = arith.index_cast %add3A_1693 : i32 to index
        %get3A_1785 = arith.constant 240 : index
        %get3A_1786 = tpu.vector_load %arg9[%get3A_1784, %get3A_1785] {strides = array<i32>} : memref<128x256xf32, #tpu.memory_space<vmem>>, vector<1x16xf32>,
        %get3A_1787 = vector.shape_cast %get3A_1786 : vector<1x16xf32> to vector<16xf32>
        %mul3A_1788 = arith.mulf %broadcast_in_dim3A_1689, %get3A_1787 : vector<16xf32>
        %add3A_1789 = arith.addf %add3A_1686, %mul3A_1788 : vector<16xf32>
        %swap3A = arith.index_cast %scan3A_104 : i32 to index
        %swap3A_1790 = arith.constant 0 : index
        %swap3A_1791 = tpu.vector_load %arg11[%swap3A, %swap3A_1790] {strides = array<i32>} : memref<8x256xf32, #tpu.memory_space<vmem>>, vector<1x16xf32>,
        %swap3A_1792 = vector.shape_cast %swap3A_1791 : vector<1x16xf32> to vector<16xf32>
        %swap3A_1793 = vector.shape_cast %add3A_1699 : vector<16xf32> to vector<1x16xf32>
        tpu.vector_store %arg11[%swap3A, %swap3A_1790], %swap3A_1793 {strides = array<i32>} : memref<8x256xf32, #tpu.memory_space<vmem>>, vector<1x16xf32>,
        %swap3A_1794 = arith.index_cast %scan3A_104 : i32 to index
        %swap3A_1795 = arith.constant 16 : index
        %swap3A_1796 = tpu.vector_load %arg11[%swap3A_1794, %swap3A_1795] {strides = array<i32>} : memref<8x256xf32, #tpu.memory_space<vmem>>, vector<1x16xf32>,
        %swap3A_1797 = vector.shape_cast %swap3A_1796 : vector<1x16xf32> to vector<16xf32>
        %swap3A_1798 = vector.shape_cast %add3A_1705 : vector<16xf32> to vector<1x16xf32>
        tpu.vector_store %arg11[%swap3A_1794, %swap3A_1795], %swap3A_1798 {strides = array<i32>} : memref<8x256xf32, #tpu.memory_space<vmem>>, vector<1x16xf32>,
        %swap3A_1799 = arith.index_cast %scan3A_104 : i32 to index
        %swap3A_1800 = arith.constant 32 : index
        %swap3A_1801 = tpu.vector_load %arg11[%swap3A_1799, %swap3A_1800] {strides = array<i32>} : memref<8x256xf32, #tpu.memory_space<vmem>>, vector<1x16xf32>,
        %swap3A_1802 = vector.shape_cast %swap3A_1801 : vector<1x16xf32> to vector<16xf32>
        %swap3A_1803 = vector.shape_cast %add3A_1711 : vector<16xf32> to vector<1x16xf32>
        tpu.vector_store %arg11[%swap3A_1799, %swap3A_1800], %swap3A_1803 {strides = array<i32>} : memref<8x256xf32, #tpu.memory_space<vmem>>, vector<1x16xf32>,
        %swap3A_1804 = arith.index_cast %scan3A_104 : i32 to index
        %swap3A_1805 = arith.constant 48 : index
        %swap3A_1806 = tpu.vector_load %arg11[%swap3A_1804, %swap3A_1805] {strides = array<i32>} : memref<8x256xf32, #tpu.memory_space<vmem>>, vector<1x16xf32>,
        %swap3A_1807 = vector.shape_cast %swap3A_1806 : vector<1x16xf32> to vector<16xf32>
        %swap3A_1808 = vector.shape_cast %add3A_1717 : vector<16xf32> to vector<1x16xf32>
        tpu.vector_store %arg11[%swap3A_1804, %swap3A_1805], %swap3A_1808 {strides = array<i32>} : memref<8x256xf32, #tpu.memory_space<vmem>>, vector<1x16xf32>,
        %swap3A_1809 = arith.index_cast %scan3A_104 : i32 to index
        %swap3A_1810 = arith.constant 64 : index
        %swap3A_1811 = tpu.vector_load %arg11[%swap3A_1809, %swap3A_1810] {strides = array<i32>} : memref<8x256xf32, #tpu.memory_space<vmem>>, vector<1x16xf32>,
        %swap3A_1812 = vector.shape_cast %swap3A_1811 : vector<1x16xf32> to vector<16xf32>
        %swap3A_1813 = vector.shape_cast %add3A_1723 : vector<16xf32> to vector<1x16xf32>
        tpu.vector_store %arg11[%swap3A_1809, %swap3A_1810], %swap3A_1813 {strides = array<i32>} : memref<8x256xf32, #tpu.memory_space<vmem>>, vector<1x16xf32>,
        %swap3A_1814 = arith.index_cast %scan3A_104 : i32 to index
        %swap3A_1815 = arith.constant 80 : index
        %swap3A_1816 = tpu.vector_load %arg11[%swap3A_1814, %swap3A_1815] {strides = array<i32>} : memref<8x256xf32, #tpu.memory_space<vmem>>, vector<1x16xf32>,
        %swap3A_1817 = vector.shape_cast %swap3A_1816 : vector<1x16xf32> to vector<16xf32>
        %swap3A_1818 = vector.shape_cast %add3A_1729 : vector<16xf32> to vector<1x16xf32>
        tpu.vector_store %arg11[%swap3A_1814, %swap3A_1815], %swap3A_1818 {strides = array<i32>} : memref<8x256xf32, #tpu.memory_space<vmem>>, vector<1x16xf32>,
        %swap3A_1819 = arith.index_cast %scan3A_104 : i32 to index
        %swap3A_1820 = arith.constant 96 : index
        %swap3A_1821 = tpu.vector_load %arg11[%swap3A_1819, %swap3A_1820] {strides = array<i32>} : memref<8x256xf32, #tpu.memory_space<vmem>>, vector<1x16xf32>,
        %swap3A_1822 = vector.shape_cast %swap3A_1821 : vector<1x16xf32> to vector<16xf32>
        %swap3A_1823 = vector.shape_cast %add3A_1735 : vector<16xf32> to vector<1x16xf32>
        tpu.vector_store %arg11[%swap3A_1819, %swap3A_1820], %swap3A_1823 {strides = array<i32>} : memref<8x256xf32, #tpu.memory_space<vmem>>, vector<1x16xf32>,
        %swap3A_1824 = arith.index_cast %scan3A_104 : i32 to index
        %swap3A_1825 = arith.constant 112 : index
        %swap3A_1826 = tpu.vector_load %arg11[%swap3A_1824, %swap3A_1825] {strides = array<i32>} : memref<8x256xf32, #tpu.memory_space<vmem>>, vector<1x16xf32>,
        %swap3A_1827 = vector.shape_cast %swap3A_1826 : vector<1x16xf32> to vector<16xf32>
        %swap3A_1828 = vector.shape_cast %add3A_1741 : vector<16xf32> to vector<1x16xf32>
        tpu.vector_store %arg11[%swap3A_1824, %swap3A_1825], %swap3A_1828 {strides = array<i32>} : memref<8x256xf32, #tpu.memory_space<vmem>>, vector<1x16xf32>,
        %swap3A_1829 = arith.index_cast %scan3A_104 : i32 to index
        %swap3A_1830 = arith.constant 128 : index
        %swap3A_1831 = tpu.vector_load %arg11[%swap3A_1829, %swap3A_1830] {strides = array<i32>} : memref<8x256xf32, #tpu.memory_space<vmem>>, vector<1x16xf32>,
        %swap3A_1832 = vector.shape_cast %swap3A_1831 : vector<1x16xf32> to vector<16xf32>
        %swap3A_1833 = vector.shape_cast %add3A_1747 : vector<16xf32> to vector<1x16xf32>
        tpu.vector_store %arg11[%swap3A_1829, %swap3A_1830], %swap3A_1833 {strides = array<i32>} : memref<8x256xf32, #tpu.memory_space<vmem>>, vector<1x16xf32>,
        %swap3A_1834 = arith.index_cast %scan3A_104 : i32 to index
        %swap3A_1835 = arith.constant 144 : index
        %swap3A_1836 = tpu.vector_load %arg11[%swap3A_1834, %swap3A_1835] {strides = array<i32>} : memref<8x256xf32, #tpu.memory_space<vmem>>, vector<1x16xf32>,
        %swap3A_1837 = vector.shape_cast %swap3A_1836 : vector<1x16xf32> to vector<16xf32>
        %swap3A_1838 = vector.shape_cast %add3A_1753 : vector<16xf32> to vector<1x16xf32>
        tpu.vector_store %arg11[%swap3A_1834, %swap3A_1835], %swap3A_1838 {strides = array<i32>} : memref<8x256xf32, #tpu.memory_space<vmem>>, vector<1x16xf32>,
        %swap3A_1839 = arith.index_cast %scan3A_104 : i32 to index
        %swap3A_1840 = arith.constant 160 : index
        %swap3A_1841 = tpu.vector_load %arg11[%swap3A_1839, %swap3A_1840] {strides = array<i32>} : memref<8x256xf32, #tpu.memory_space<vmem>>, vector<1x16xf32>,
        %swap3A_1842 = vector.shape_cast %swap3A_1841 : vector<1x16xf32> to vector<16xf32>
        %swap3A_1843 = vector.shape_cast %add3A_1759 : vector<16xf32> to vector<1x16xf32>
        tpu.vector_store %arg11[%swap3A_1839, %swap3A_1840], %swap3A_1843 {strides = array<i32>} : memref<8x256xf32, #tpu.memory_space<vmem>>, vector<1x16xf32>,
        %swap3A_1844 = arith.index_cast %scan3A_104 : i32 to index
        %swap3A_1845 = arith.constant 176 : index
        %swap3A_1846 = tpu.vector_load %arg11[%swap3A_1844, %swap3A_1845] {strides = array<i32>} : memref<8x256xf32, #tpu.memory_space<vmem>>, vector<1x16xf32>,
        %swap3A_1847 = vector.shape_cast %swap3A_1846 : vector<1x16xf32> to vector<16xf32>
        %swap3A_1848 = vector.shape_cast %add3A_1765 : vector<16xf32> to vector<1x16xf32>
        tpu.vector_store %arg11[%swap3A_1844, %swap3A_1845], %swap3A_1848 {strides = array<i32>} : memref<8x256xf32, #tpu.memory_space<vmem>>, vector<1x16xf32>,
        %swap3A_1849 = arith.index_cast %scan3A_104 : i32 to index
        %swap3A_1850 = arith.constant 192 : index
        %swap3A_1851 = tpu.vector_load %arg11[%swap3A_1849, %swap3A_1850] {strides = array<i32>} : memref<8x256xf32, #tpu.memory_space<vmem>>, vector<1x16xf32>,
        %swap3A_1852 = vector.shape_cast %swap3A_1851 : vector<1x16xf32> to vector<16xf32>
        %swap3A_1853 = vector.shape_cast %add3A_1771 : vector<16xf32> to vector<1x16xf32>
        tpu.vector_store %arg11[%swap3A_1849, %swap3A_1850], %swap3A_1853 {strides = array<i32>} : memref<8x256xf32, #tpu.memory_space<vmem>>, vector<1x16xf32>,
        %swap3A_1854 = arith.index_cast %scan3A_104 : i32 to index
        %swap3A_1855 = arith.constant 208 : index
        %swap3A_1856 = tpu.vector_load %arg11[%swap3A_1854, %swap3A_1855] {strides = array<i32>} : memref<8x256xf32, #tpu.memory_space<vmem>>, vector<1x16xf32>,
        %swap3A_1857 = vector.shape_cast %swap3A_1856 : vector<1x16xf32> to vector<16xf32>
        %swap3A_1858 = vector.shape_cast %add3A_1777 : vector<16xf32> to vector<1x16xf32>
        tpu.vector_store %arg11[%swap3A_1854, %swap3A_1855], %swap3A_1858 {strides = array<i32>} : memref<8x256xf32, #tpu.memory_space<vmem>>, vector<1x16xf32>,
        %swap3A_1859 = arith.index_cast %scan3A_104 : i32 to index
        %swap3A_1860 = arith.constant 224 : index
        %swap3A_1861 = tpu.vector_load %arg11[%swap3A_1859, %swap3A_1860] {strides = array<i32>} : memref<8x256xf32, #tpu.memory_space<vmem>>, vector<1x16xf32>,
        %swap3A_1862 = vector.shape_cast %swap3A_1861 : vector<1x16xf32> to vector<16xf32>
        %swap3A_1863 = vector.shape_cast %add3A_1783 : vector<16xf32> to vector<1x16xf32>
        tpu.vector_store %arg11[%swap3A_1859, %swap3A_1860], %swap3A_1863 {strides = array<i32>} : memref<8x256xf32, #tpu.memory_space<vmem>>, vector<1x16xf32>,
        %swap3A_1864 = arith.index_cast %scan3A_104 : i32 to index
        %swap3A_1865 = arith.constant 240 : index
        %swap3A_1866 = tpu.vector_load %arg11[%swap3A_1864, %swap3A_1865] {strides = array<i32>} : memref<8x256xf32, #tpu.memory_space<vmem>>, vector<1x16xf32>,
        %swap3A_1867 = vector.shape_cast %swap3A_1866 : vector<1x16xf32> to vector<16xf32>
        %swap3A_1868 = vector.shape_cast %add3A_1789 : vector<16xf32> to vector<1x16xf32>
        tpu.vector_store %arg11[%swap3A_1864, %swap3A_1865], %swap3A_1868 {strides = array<i32>} : memref<8x256xf32, #tpu.memory_space<vmem>>, vector<1x16xf32>,
        %scan3A_1869 = arith.constant 0 : i32
        scf.yield %scan3A_1869 : i32
      }
      %scan3A_91 = arith.constant 8 : i32
      %dma_start3A_92 = arith.constant 0 : i32
      %dma_start3A_93 = tpu.memref_slice %arg5[%add3A_73, %dma_start3A_92] : memref<50176x256xf32, #tpu.memory_space<hbm>> -> memref<8x256xf32, #tpu.memory_space<hbm>>
      %dma_start3A_94 = arith.constant 0 : i32
      %dma_start3A_95 = tpu.memref_slice %arg5[%add3A_73, %dma_start3A_94] : memref<50176x256xf32, #tpu.memory_space<hbm>> -> memref<8x256xf32, #tpu.memory_space<hbm>>
      tpu.enqueue_dma source(%arg11 : memref<8x256xf32, #tpu.memory_space<vmem>>) target(%dma_start3A_95 : memref<8x256xf32, #tpu.memory_space<hbm>>) target_semaphore(%arg15 : memref<!tpu.dma_semaphore, #tpu.memory_space<semaphore_mem>>)
      %add3A_96 = arith.constant 2 : i32
      %add3A_97 = arith.addi %add3A_70, %add3A_96 : i32
      %lt3A_98 = arith.constant 196 : i32
      %lt3A_99 = arith.cmpi slt, %add3A_97, %lt3A_98 : i32
      %convert_element_type3A_100 = arith.extui %lt3A_99 : i1 to i32
      %cond3A_101 = arith.constant 0 : i32
      %cond3A_102 = arith.cmpi ne, %convert_element_type3A_100, %cond3A_101 : i32
      scf.if %cond3A_102 {
        %add3A_104 = arith.constant 2 : i32
        %add3A_105 = arith.addi %add3A_70, %add3A_104 : i32
        %mul3A_106 = arith.constant 128 : i32
        %mul3A_107 = arith.muli %add3A_105, %mul3A_106 : i32
        %dma_start3A_108 = tpu.memref_slice %arg6[%mul3A_107] : memref<25088xi32, #tpu.memory_space<vmem>> -> memref<128xi32, #tpu.memory_space<vmem>>
        %dma_start3A_109 = arith.constant 0 : i32
        %dma_start3A_110 = arith.constant 0 : i32
        %dma_start3A_111 = tpu.memref_slice %arg4[%dma_start3A_109, %dma_start3A_110] : memref<80000x256xf32, #tpu.memory_space<hbm>> -> memref<80000x256xf32, #tpu.memory_space<hbm>>
        tpu.enqueue_indirect_dma source(%dma_start3A_111 : memref<80000x256xf32, #tpu.memory_space<hbm>>) target(%arg9 : memref<128x256xf32, #tpu.memory_space<vmem>>) offsets(%dma_start3A_108 : memref<128xi32, #tpu.memory_space<vmem>>) semaphore(%arg13 : memref<!tpu.dma_semaphore, #tpu.memory_space<semaphore_mem>>)
      } else {
      }
      %scan3A_103 = arith.constant 0 : i32
      scf.yield %scan3A_103 : i32
    }
    %scan3A_21 = arith.constant 98 : i32
    %add3A_22 = arith.constant 1552 : i32
    %add3A_23 = arith.addi %mul3A_2, %add3A_22 : i32
    %add3A_24 = arith.constant 1560 : i32
    %add3A_25 = arith.addi %mul3A_2, %add3A_24 : i32
    %dma_wait3A = arith.constant 0 : i32
    %dma_wait3A_26 = tpu.memref_slice %arg5[%add3A_23, %dma_wait3A] : memref<50176x256xf32, #tpu.memory_space<hbm>> -> memref<8x256xf32, #tpu.memory_space<hbm>>
    %dma_wait3A_27 = arith.constant 0 : i32
    %dma_wait3A_28 = tpu.memref_slice %arg5[%add3A_23, %dma_wait3A_27] : memref<50176x256xf32, #tpu.memory_space<hbm>> -> memref<8x256xf32, #tpu.memory_space<hbm>>
    tpu.wait_dma2 semaphore(%arg14 : memref<!tpu.dma_semaphore, #tpu.memory_space<semaphore_mem>>) src(%arg10 : memref<8x256xf32, #tpu.memory_space<vmem>>) dst(%dma_wait3A_28 : memref<8x256xf32, #tpu.memory_space<hbm>>)
    %dma_wait3A_29 = arith.constant 0 : i32
    %dma_wait3A_30 = tpu.memref_slice %arg5[%add3A_25, %dma_wait3A_29] : memref<50176x256xf32, #tpu.memory_space<hbm>> -> memref<8x256xf32, #tpu.memory_space<hbm>>
    %dma_wait3A_31 = arith.constant 0 : i32
    %dma_wait3A_32 = tpu.memref_slice %arg5[%add3A_25, %dma_wait3A_31] : memref<50176x256xf32, #tpu.memory_space<hbm>> -> memref<8x256xf32, #tpu.memory_space<hbm>>
    tpu.wait_dma2 semaphore(%arg15 : memref<!tpu.dma_semaphore, #tpu.memory_space<semaphore_mem>>) src(%arg11 : memref<8x256xf32, #tpu.memory_space<vmem>>) dst(%dma_wait3A_32 : memref<8x256xf32, #tpu.memory_space<hbm>>)
    return
  }
}

module attributes {stable_mosaic.version = 14 : i64} {
  func.func @_idxw_body(%arg0: i32, %arg1: memref<128x5xf32, #tpu.memory_space<vmem>>, %arg2: memref<128x784xi32, #tpu.memory_space<vmem>>, %arg3: memref<128x784xf32, #tpu.memory_space<vmem>>) attributes {dimension_semantics = [#tpu.dimension_semantics<arbitrary>], iteration_bounds = array<i64: 8>, scalar_prefetch = 0 : i64, scratch_operands = 0 : i64, tpu.core_type = #tpu.core_type<tc>, window_params = [{transform_indices = @transform_0, window_bounds = array<i64: 128, 5>}, {transform_indices = @transform_1, window_bounds = array<i64: 128, 784>}, {transform_indices = @transform_2, window_bounds = array<i64: 128, 784>}]} {
    %iota3A = tpu.iota {dimensions = array<i32: 1>} : vector<128x784xi32>
    %jit3A = arith.constant 2 : i32
    %eq3A = arith.constant 0 : i32
    %eq3A_0 = arith.cmpi eq, %jit3A, %eq3A : i32
    %jit3A_1 = arith.constant 1 : i32
    %select_n3A = arith.select %eq3A_0, %jit3A_1, %jit3A : i32
    %rem3A = vector.broadcast %select_n3A : i32 to vector<128x784xi32>
    %rem3A_2 = arith.remsi %iota3A, %rem3A : vector<128x784xi32>
    %ne3A = arith.constant 0 : i32
    %ne3A_3 = vector.broadcast %ne3A : i32 to vector<128x784xi32>
    %ne3A_4 = arith.cmpi ne, %rem3A_2, %ne3A_3 : vector<128x784xi32>
    %lt3A = arith.constant 0 : i32
    %lt3A_5 = vector.broadcast %lt3A : i32 to vector<128x784xi32>
    %lt3A_6 = arith.cmpi slt, %rem3A_2, %lt3A_5 : vector<128x784xi32>
    %lt3A_7 = arith.constant 0 : i32
    %lt3A_8 = arith.cmpi slt, %select_n3A, %lt3A_7 : i32
    %ne3A_9 = vector.broadcast %lt3A_8 : i1 to vector<128x784xi1>
    %ne3A_10 = vector.broadcast %ne3A_9 : vector<128x784xi1> to vector<128x784xi1>
    %ne3A_11 = arith.xori %lt3A_6, %ne3A_10 : vector<128x784xi1>
    %and3A = arith.andi %ne3A_11, %ne3A_4 : vector<128x784xi1>
    %add3A = vector.broadcast %select_n3A : i32 to vector<128x784xi32>
    %add3A_12 = arith.addi %rem3A_2, %add3A : vector<128x784xi32>
    %select_n3A_13 = arith.select %and3A, %add3A_12, %rem3A_2 : vector<128x784xi1>, vector<128x784xi32>
    %jit3A_14 = arith.constant 2 : i32
    %div3A = vector.broadcast %jit3A_14 : i32 to vector<128x784xi32>
    %div3A_15 = arith.divsi %iota3A, %div3A : vector<128x784xi32>
    %sign3A = arith.constant 0 : i32
    %sign3A_16 = vector.broadcast %sign3A : i32 to vector<128x784xi32>
    %sign3A_17 = arith.cmpi sgt, %iota3A, %sign3A_16 : vector<128x784xi32>
    %sign3A_18 = arith.extui %sign3A_17 : vector<128x784xi1> to vector<128x784xi32>
    %sign3A_19 = arith.constant 0 : i32
    %sign3A_20 = vector.broadcast %sign3A_19 : i32 to vector<128x784xi32>
    %sign3A_21 = arith.cmpi slt, %iota3A, %sign3A_20 : vector<128x784xi32>
    %sign3A_22 = arith.extui %sign3A_21 : vector<128x784xi1> to vector<128x784xi32>
    %sign3A_23 = arith.subi %sign3A_18, %sign3A_22 : vector<128x784xi32>
    %sign3A_24 = arith.constant 0 : i32
    %sign3A_25 = arith.cmpi sgt, %jit3A_14, %sign3A_24 : i32
    %sign3A_26 = arith.extui %sign3A_25 : i1 to i32
    %sign3A_27 = arith.constant 0 : i32
    %sign3A_28 = arith.cmpi slt, %jit3A_14, %sign3A_27 : i32
    %sign3A_29 = arith.extui %sign3A_28 : i1 to i32
    %sign3A_30 = arith.subi %sign3A_26, %sign3A_29 : i32
    %ne3A_31 = vector.broadcast %sign3A_30 : i32 to vector<128x784xi32>
    %ne3A_32 = arith.cmpi ne, %sign3A_23, %ne3A_31 : vector<128x784xi32>
    %rem3A_33 = vector.broadcast %jit3A_14 : i32 to vector<128x784xi32>
    %rem3A_34 = arith.remsi %iota3A, %rem3A_33 : vector<128x784xi32>
    %ne3A_35 = arith.constant 0 : i32
    %ne3A_36 = vector.broadcast %ne3A_35 : i32 to vector<128x784xi32>
    %ne3A_37 = arith.cmpi ne, %rem3A_34, %ne3A_36 : vector<128x784xi32>
    %and3A_38 = arith.andi %ne3A_32, %ne3A_37 : vector<128x784xi1>
    %sub3A = arith.constant 1 : i32
    %sub3A_39 = vector.broadcast %sub3A : i32 to vector<128x784xi32>
    %sub3A_40 = arith.subi %div3A_15, %sub3A_39 : vector<128x784xi32>
    %select_n3A_41 = arith.select %and3A_38, %sub3A_40, %div3A_15 : vector<128x784xi1>, vector<128x784xi32>
    %jit3A_42 = arith.constant 2 : i32
    %eq3A_43 = arith.constant 0 : i32
    %eq3A_44 = arith.cmpi eq, %jit3A_42, %eq3A_43 : i32
    %jit3A_45 = arith.constant 1 : i32
    %select_n3A_46 = arith.select %eq3A_44, %jit3A_45, %jit3A_42 : i32
    %rem3A_47 = vector.broadcast %select_n3A_46 : i32 to vector<128x784xi32>
    %rem3A_48 = arith.remsi %select_n3A_41, %rem3A_47 : vector<128x784xi32>
    %ne3A_49 = arith.constant 0 : i32
    %ne3A_50 = vector.broadcast %ne3A_49 : i32 to vector<128x784xi32>
    %ne3A_51 = arith.cmpi ne, %rem3A_48, %ne3A_50 : vector<128x784xi32>
    %lt3A_52 = arith.constant 0 : i32
    %lt3A_53 = vector.broadcast %lt3A_52 : i32 to vector<128x784xi32>
    %lt3A_54 = arith.cmpi slt, %rem3A_48, %lt3A_53 : vector<128x784xi32>
    %lt3A_55 = arith.constant 0 : i32
    %lt3A_56 = arith.cmpi slt, %select_n3A_46, %lt3A_55 : i32
    %ne3A_57 = vector.broadcast %lt3A_56 : i1 to vector<128x784xi1>
    %ne3A_58 = vector.broadcast %ne3A_57 : vector<128x784xi1> to vector<128x784xi1>
    %ne3A_59 = arith.xori %lt3A_54, %ne3A_58 : vector<128x784xi1>
    %and3A_60 = arith.andi %ne3A_59, %ne3A_51 : vector<128x784xi1>
    %add3A_61 = vector.broadcast %select_n3A_46 : i32 to vector<128x784xi32>
    %add3A_62 = arith.addi %rem3A_48, %add3A_61 : vector<128x784xi32>
    %select_n3A_63 = arith.select %and3A_60, %add3A_62, %rem3A_48 : vector<128x784xi1>, vector<128x784xi32>
    %jit3A_64 = arith.constant 4 : i32
    %div3A_65 = vector.broadcast %jit3A_64 : i32 to vector<128x784xi32>
    %div3A_66 = arith.divsi %iota3A, %div3A_65 : vector<128x784xi32>
    %sign3A_67 = arith.constant 0 : i32
    %sign3A_68 = vector.broadcast %sign3A_67 : i32 to vector<128x784xi32>
    %sign3A_69 = arith.cmpi sgt, %iota3A, %sign3A_68 : vector<128x784xi32>
    %sign3A_70 = arith.extui %sign3A_69 : vector<128x784xi1> to vector<128x784xi32>
    %sign3A_71 = arith.constant 0 : i32
    %sign3A_72 = vector.broadcast %sign3A_71 : i32 to vector<128x784xi32>
    %sign3A_73 = arith.cmpi slt, %iota3A, %sign3A_72 : vector<128x784xi32>
    %sign3A_74 = arith.extui %sign3A_73 : vector<128x784xi1> to vector<128x784xi32>
    %sign3A_75 = arith.subi %sign3A_70, %sign3A_74 : vector<128x784xi32>
    %sign3A_76 = arith.constant 0 : i32
    %sign3A_77 = arith.cmpi sgt, %jit3A_64, %sign3A_76 : i32
    %sign3A_78 = arith.extui %sign3A_77 : i1 to i32
    %sign3A_79 = arith.constant 0 : i32
    %sign3A_80 = arith.cmpi slt, %jit3A_64, %sign3A_79 : i32
    %sign3A_81 = arith.extui %sign3A_80 : i1 to i32
    %sign3A_82 = arith.subi %sign3A_78, %sign3A_81 : i32
    %ne3A_83 = vector.broadcast %sign3A_82 : i32 to vector<128x784xi32>
    %ne3A_84 = arith.cmpi ne, %sign3A_75, %ne3A_83 : vector<128x784xi32>
    %rem3A_85 = vector.broadcast %jit3A_64 : i32 to vector<128x784xi32>
    %rem3A_86 = arith.remsi %iota3A, %rem3A_85 : vector<128x784xi32>
    %ne3A_87 = arith.constant 0 : i32
    %ne3A_88 = vector.broadcast %ne3A_87 : i32 to vector<128x784xi32>
    %ne3A_89 = arith.cmpi ne, %rem3A_86, %ne3A_88 : vector<128x784xi32>
    %and3A_90 = arith.andi %ne3A_84, %ne3A_89 : vector<128x784xi1>
    %sub3A_91 = arith.constant 1 : i32
    %sub3A_92 = vector.broadcast %sub3A_91 : i32 to vector<128x784xi32>
    %sub3A_93 = arith.subi %div3A_66, %sub3A_92 : vector<128x784xi32>
    %select_n3A_94 = arith.select %and3A_90, %sub3A_93, %div3A_66 : vector<128x784xi1>, vector<128x784xi32>
    %jit3A_95 = arith.constant 2 : i32
    %eq3A_96 = arith.constant 0 : i32
    %eq3A_97 = arith.cmpi eq, %jit3A_95, %eq3A_96 : i32
    %jit3A_98 = arith.constant 1 : i32
    %select_n3A_99 = arith.select %eq3A_97, %jit3A_98, %jit3A_95 : i32
    %rem3A_100 = vector.broadcast %select_n3A_99 : i32 to vector<128x784xi32>
    %rem3A_101 = arith.remsi %select_n3A_94, %rem3A_100 : vector<128x784xi32>
    %ne3A_102 = arith.constant 0 : i32
    %ne3A_103 = vector.broadcast %ne3A_102 : i32 to vector<128x784xi32>
    %ne3A_104 = arith.cmpi ne, %rem3A_101, %ne3A_103 : vector<128x784xi32>
    %lt3A_105 = arith.constant 0 : i32
    %lt3A_106 = vector.broadcast %lt3A_105 : i32 to vector<128x784xi32>
    %lt3A_107 = arith.cmpi slt, %rem3A_101, %lt3A_106 : vector<128x784xi32>
    %lt3A_108 = arith.constant 0 : i32
    %lt3A_109 = arith.cmpi slt, %select_n3A_99, %lt3A_108 : i32
    %ne3A_110 = vector.broadcast %lt3A_109 : i1 to vector<128x784xi1>
    %ne3A_111 = vector.broadcast %ne3A_110 : vector<128x784xi1> to vector<128x784xi1>
    %ne3A_112 = arith.xori %lt3A_107, %ne3A_111 : vector<128x784xi1>
    %and3A_113 = arith.andi %ne3A_112, %ne3A_104 : vector<128x784xi1>
    %add3A_114 = vector.broadcast %select_n3A_99 : i32 to vector<128x784xi32>
    %add3A_115 = arith.addi %rem3A_101, %add3A_114 : vector<128x784xi32>
    %select_n3A_116 = arith.select %and3A_113, %add3A_115, %rem3A_101 : vector<128x784xi1>, vector<128x784xi32>
    %jit3A_117 = arith.constant 8 : i32
    %div3A_118 = vector.broadcast %jit3A_117 : i32 to vector<128x784xi32>
    %div3A_119 = arith.divsi %iota3A, %div3A_118 : vector<128x784xi32>
    %sign3A_120 = arith.constant 0 : i32
    %sign3A_121 = vector.broadcast %sign3A_120 : i32 to vector<128x784xi32>
    %sign3A_122 = arith.cmpi sgt, %iota3A, %sign3A_121 : vector<128x784xi32>
    %sign3A_123 = arith.extui %sign3A_122 : vector<128x784xi1> to vector<128x784xi32>
    %sign3A_124 = arith.constant 0 : i32
    %sign3A_125 = vector.broadcast %sign3A_124 : i32 to vector<128x784xi32>
    %sign3A_126 = arith.cmpi slt, %iota3A, %sign3A_125 : vector<128x784xi32>
    %sign3A_127 = arith.extui %sign3A_126 : vector<128x784xi1> to vector<128x784xi32>
    %sign3A_128 = arith.subi %sign3A_123, %sign3A_127 : vector<128x784xi32>
    %sign3A_129 = arith.constant 0 : i32
    %sign3A_130 = arith.cmpi sgt, %jit3A_117, %sign3A_129 : i32
    %sign3A_131 = arith.extui %sign3A_130 : i1 to i32
    %sign3A_132 = arith.constant 0 : i32
    %sign3A_133 = arith.cmpi slt, %jit3A_117, %sign3A_132 : i32
    %sign3A_134 = arith.extui %sign3A_133 : i1 to i32
    %sign3A_135 = arith.subi %sign3A_131, %sign3A_134 : i32
    %ne3A_136 = vector.broadcast %sign3A_135 : i32 to vector<128x784xi32>
    %ne3A_137 = arith.cmpi ne, %sign3A_128, %ne3A_136 : vector<128x784xi32>
    %rem3A_138 = vector.broadcast %jit3A_117 : i32 to vector<128x784xi32>
    %rem3A_139 = arith.remsi %iota3A, %rem3A_138 : vector<128x784xi32>
    %ne3A_140 = arith.constant 0 : i32
    %ne3A_141 = vector.broadcast %ne3A_140 : i32 to vector<128x784xi32>
    %ne3A_142 = arith.cmpi ne, %rem3A_139, %ne3A_141 : vector<128x784xi32>
    %and3A_143 = arith.andi %ne3A_137, %ne3A_142 : vector<128x784xi1>
    %sub3A_144 = arith.constant 1 : i32
    %sub3A_145 = vector.broadcast %sub3A_144 : i32 to vector<128x784xi32>
    %sub3A_146 = arith.subi %div3A_119, %sub3A_145 : vector<128x784xi32>
    %select_n3A_147 = arith.select %and3A_143, %sub3A_146, %div3A_119 : vector<128x784xi1>, vector<128x784xi32>
    %jit3A_148 = arith.constant 2 : i32
    %eq3A_149 = arith.constant 0 : i32
    %eq3A_150 = arith.cmpi eq, %jit3A_148, %eq3A_149 : i32
    %jit3A_151 = arith.constant 1 : i32
    %select_n3A_152 = arith.select %eq3A_150, %jit3A_151, %jit3A_148 : i32
    %rem3A_153 = vector.broadcast %select_n3A_152 : i32 to vector<128x784xi32>
    %rem3A_154 = arith.remsi %select_n3A_147, %rem3A_153 : vector<128x784xi32>
    %ne3A_155 = arith.constant 0 : i32
    %ne3A_156 = vector.broadcast %ne3A_155 : i32 to vector<128x784xi32>
    %ne3A_157 = arith.cmpi ne, %rem3A_154, %ne3A_156 : vector<128x784xi32>
    %lt3A_158 = arith.constant 0 : i32
    %lt3A_159 = vector.broadcast %lt3A_158 : i32 to vector<128x784xi32>
    %lt3A_160 = arith.cmpi slt, %rem3A_154, %lt3A_159 : vector<128x784xi32>
    %lt3A_161 = arith.constant 0 : i32
    %lt3A_162 = arith.cmpi slt, %select_n3A_152, %lt3A_161 : i32
    %ne3A_163 = vector.broadcast %lt3A_162 : i1 to vector<128x784xi1>
    %ne3A_164 = vector.broadcast %ne3A_163 : vector<128x784xi1> to vector<128x784xi1>
    %ne3A_165 = arith.xori %lt3A_160, %ne3A_164 : vector<128x784xi1>
    %and3A_166 = arith.andi %ne3A_165, %ne3A_157 : vector<128x784xi1>
    %add3A_167 = vector.broadcast %select_n3A_152 : i32 to vector<128x784xi32>
    %add3A_168 = arith.addi %rem3A_154, %add3A_167 : vector<128x784xi32>
    %select_n3A_169 = arith.select %and3A_166, %add3A_168, %rem3A_154 : vector<128x784xi1>, vector<128x784xi32>
    %jit3A_170 = arith.constant 16 : i32
    %div3A_171 = vector.broadcast %jit3A_170 : i32 to vector<128x784xi32>
    %div3A_172 = arith.divsi %iota3A, %div3A_171 : vector<128x784xi32>
    %sign3A_173 = arith.constant 0 : i32
    %sign3A_174 = vector.broadcast %sign3A_173 : i32 to vector<128x784xi32>
    %sign3A_175 = arith.cmpi sgt, %iota3A, %sign3A_174 : vector<128x784xi32>
    %sign3A_176 = arith.extui %sign3A_175 : vector<128x784xi1> to vector<128x784xi32>
    %sign3A_177 = arith.constant 0 : i32
    %sign3A_178 = vector.broadcast %sign3A_177 : i32 to vector<128x784xi32>
    %sign3A_179 = arith.cmpi slt, %iota3A, %sign3A_178 : vector<128x784xi32>
    %sign3A_180 = arith.extui %sign3A_179 : vector<128x784xi1> to vector<128x784xi32>
    %sign3A_181 = arith.subi %sign3A_176, %sign3A_180 : vector<128x784xi32>
    %sign3A_182 = arith.constant 0 : i32
    %sign3A_183 = arith.cmpi sgt, %jit3A_170, %sign3A_182 : i32
    %sign3A_184 = arith.extui %sign3A_183 : i1 to i32
    %sign3A_185 = arith.constant 0 : i32
    %sign3A_186 = arith.cmpi slt, %jit3A_170, %sign3A_185 : i32
    %sign3A_187 = arith.extui %sign3A_186 : i1 to i32
    %sign3A_188 = arith.subi %sign3A_184, %sign3A_187 : i32
    %ne3A_189 = vector.broadcast %sign3A_188 : i32 to vector<128x784xi32>
    %ne3A_190 = arith.cmpi ne, %sign3A_181, %ne3A_189 : vector<128x784xi32>
    %rem3A_191 = vector.broadcast %jit3A_170 : i32 to vector<128x784xi32>
    %rem3A_192 = arith.remsi %iota3A, %rem3A_191 : vector<128x784xi32>
    %ne3A_193 = arith.constant 0 : i32
    %ne3A_194 = vector.broadcast %ne3A_193 : i32 to vector<128x784xi32>
    %ne3A_195 = arith.cmpi ne, %rem3A_192, %ne3A_194 : vector<128x784xi32>
    %and3A_196 = arith.andi %ne3A_190, %ne3A_195 : vector<128x784xi1>
    %sub3A_197 = arith.constant 1 : i32
    %sub3A_198 = vector.broadcast %sub3A_197 : i32 to vector<128x784xi32>
    %sub3A_199 = arith.subi %div3A_172, %sub3A_198 : vector<128x784xi32>
    %select_n3A_200 = arith.select %and3A_196, %sub3A_199, %div3A_172 : vector<128x784xi1>, vector<128x784xi32>
    %jit3A_201 = arith.constant 7 : i32
    %eq3A_202 = arith.constant 0 : i32
    %eq3A_203 = arith.cmpi eq, %jit3A_201, %eq3A_202 : i32
    %jit3A_204 = arith.constant 1 : i32
    %select_n3A_205 = arith.select %eq3A_203, %jit3A_204, %jit3A_201 : i32
    %rem3A_206 = vector.broadcast %select_n3A_205 : i32 to vector<128x784xi32>
    %rem3A_207 = arith.remsi %select_n3A_200, %rem3A_206 : vector<128x784xi32>
    %ne3A_208 = arith.constant 0 : i32
    %ne3A_209 = vector.broadcast %ne3A_208 : i32 to vector<128x784xi32>
    %ne3A_210 = arith.cmpi ne, %rem3A_207, %ne3A_209 : vector<128x784xi32>
    %lt3A_211 = arith.constant 0 : i32
    %lt3A_212 = vector.broadcast %lt3A_211 : i32 to vector<128x784xi32>
    %lt3A_213 = arith.cmpi slt, %rem3A_207, %lt3A_212 : vector<128x784xi32>
    %lt3A_214 = arith.constant 0 : i32
    %lt3A_215 = arith.cmpi slt, %select_n3A_205, %lt3A_214 : i32
    %ne3A_216 = vector.broadcast %lt3A_215 : i1 to vector<128x784xi1>
    %ne3A_217 = vector.broadcast %ne3A_216 : vector<128x784xi1> to vector<128x784xi1>
    %ne3A_218 = arith.xori %lt3A_213, %ne3A_217 : vector<128x784xi1>
    %and3A_219 = arith.andi %ne3A_218, %ne3A_210 : vector<128x784xi1>
    %add3A_220 = vector.broadcast %select_n3A_205 : i32 to vector<128x784xi32>
    %add3A_221 = arith.addi %rem3A_207, %add3A_220 : vector<128x784xi32>
    %select_n3A_222 = arith.select %and3A_219, %add3A_221, %rem3A_207 : vector<128x784xi1>, vector<128x784xi32>
    %jit3A_223 = arith.constant 112 : i32
    %div3A_224 = vector.broadcast %jit3A_223 : i32 to vector<128x784xi32>
    %div3A_225 = arith.divsi %iota3A, %div3A_224 : vector<128x784xi32>
    %sign3A_226 = arith.constant 0 : i32
    %sign3A_227 = vector.broadcast %sign3A_226 : i32 to vector<128x784xi32>
    %sign3A_228 = arith.cmpi sgt, %iota3A, %sign3A_227 : vector<128x784xi32>
    %sign3A_229 = arith.extui %sign3A_228 : vector<128x784xi1> to vector<128x784xi32>
    %sign3A_230 = arith.constant 0 : i32
    %sign3A_231 = vector.broadcast %sign3A_230 : i32 to vector<128x784xi32>
    %sign3A_232 = arith.cmpi slt, %iota3A, %sign3A_231 : vector<128x784xi32>
    %sign3A_233 = arith.extui %sign3A_232 : vector<128x784xi1> to vector<128x784xi32>
    %sign3A_234 = arith.subi %sign3A_229, %sign3A_233 : vector<128x784xi32>
    %sign3A_235 = arith.constant 0 : i32
    %sign3A_236 = arith.cmpi sgt, %jit3A_223, %sign3A_235 : i32
    %sign3A_237 = arith.extui %sign3A_236 : i1 to i32
    %sign3A_238 = arith.constant 0 : i32
    %sign3A_239 = arith.cmpi slt, %jit3A_223, %sign3A_238 : i32
    %sign3A_240 = arith.extui %sign3A_239 : i1 to i32
    %sign3A_241 = arith.subi %sign3A_237, %sign3A_240 : i32
    %ne3A_242 = vector.broadcast %sign3A_241 : i32 to vector<128x784xi32>
    %ne3A_243 = arith.cmpi ne, %sign3A_234, %ne3A_242 : vector<128x784xi32>
    %rem3A_244 = vector.broadcast %jit3A_223 : i32 to vector<128x784xi32>
    %rem3A_245 = arith.remsi %iota3A, %rem3A_244 : vector<128x784xi32>
    %ne3A_246 = arith.constant 0 : i32
    %ne3A_247 = vector.broadcast %ne3A_246 : i32 to vector<128x784xi32>
    %ne3A_248 = arith.cmpi ne, %rem3A_245, %ne3A_247 : vector<128x784xi32>
    %and3A_249 = arith.andi %ne3A_243, %ne3A_248 : vector<128x784xi1>
    %sub3A_250 = arith.constant 1 : i32
    %sub3A_251 = vector.broadcast %sub3A_250 : i32 to vector<128x784xi32>
    %sub3A_252 = arith.subi %div3A_225, %sub3A_251 : vector<128x784xi32>
    %select_n3A_253 = arith.select %and3A_249, %sub3A_252, %div3A_225 : vector<128x784xi1>, vector<128x784xi32>
    %get3A = arith.constant 0 : index
    %get3A_254 = arith.constant 0 : index
    %get3A_255 = vector.load %arg1[%get3A, %get3A_254] : memref<128x5xf32, #tpu.memory_space<vmem>>, vector<128x1xf32>
    %convert_element_type3A = arith.fptosi %get3A_255 : vector<128x1xf32> to vector<128x1xi32>
    %get3A_256 = arith.constant 0 : index
    %get3A_257 = arith.constant 1 : index
    %get3A_258 = vector.load %arg1[%get3A_256, %get3A_257] : memref<128x5xf32, #tpu.memory_space<vmem>>, vector<128x1xf32>
    %mul3A = arith.constant 2.500000e-01 : f32
    %mul3A_259 = vector.broadcast %mul3A : f32 to vector<128x1xf32>
    %mul3A_260 = arith.mulf %get3A_258, %mul3A_259 : vector<128x1xf32>
    %get3A_261 = arith.constant 0 : index
    %get3A_262 = arith.constant 2 : index
    %get3A_263 = vector.load %arg1[%get3A_261, %get3A_262] : memref<128x5xf32, #tpu.memory_space<vmem>>, vector<128x1xf32>
    %mul3A_264 = arith.constant 2.500000e-01 : f32
    %mul3A_265 = vector.broadcast %mul3A_264 : f32 to vector<128x1xf32>
    %mul3A_266 = arith.mulf %get3A_263, %mul3A_265 : vector<128x1xf32>
    %get3A_267 = arith.constant 0 : index
    %get3A_268 = arith.constant 3 : index
    %get3A_269 = vector.load %arg1[%get3A_267, %get3A_268] : memref<128x5xf32, #tpu.memory_space<vmem>>, vector<128x1xf32>
    %mul3A_270 = arith.constant 2.500000e-01 : f32
    %mul3A_271 = vector.broadcast %mul3A_270 : f32 to vector<128x1xf32>
    %mul3A_272 = arith.mulf %get3A_269, %mul3A_271 : vector<128x1xf32>
    %get3A_273 = arith.constant 0 : index
    %get3A_274 = arith.constant 4 : index
    %get3A_275 = vector.load %arg1[%get3A_273, %get3A_274] : memref<128x5xf32, #tpu.memory_space<vmem>>, vector<128x1xf32>
    %mul3A_276 = arith.constant 2.500000e-01 : f32
    %mul3A_277 = vector.broadcast %mul3A_276 : f32 to vector<128x1xf32>
    %mul3A_278 = arith.mulf %get3A_275, %mul3A_277 : vector<128x1xf32>
    %sub3A_279 = arith.subf %mul3A_272, %mul3A_260 : vector<128x1xf32>
    %max3A = arith.constant 1.000000e+00 : f32
    %max3A_280 = vector.broadcast %max3A : f32 to vector<128x1xf32>
    %max3A_281 = arith.maximumf %sub3A_279, %max3A_280 : vector<128x1xf32>
    %sub3A_282 = arith.subf %mul3A_278, %mul3A_266 : vector<128x1xf32>
    %max3A_283 = arith.constant 1.000000e+00 : f32
    %max3A_284 = vector.broadcast %max3A_283 : f32 to vector<128x1xf32>
    %max3A_285 = arith.maximumf %sub3A_282, %max3A_284 : vector<128x1xf32>
    %mul3A_286 = arith.constant 2 : i32
    %mul3A_287 = vector.broadcast %mul3A_286 : i32 to vector<128x784xi32>
    %mul3A_288 = arith.muli %select_n3A_253, %mul3A_287 : vector<128x784xi32>
    %add3A_289 = arith.addi %mul3A_288, %select_n3A_169 : vector<128x784xi32>
    %convert_element_type3A_290 = arith.sitofp %add3A_289 : vector<128x784xi32> to vector<128x784xf32>
    %mul3A_291 = arith.constant 2 : i32
    %mul3A_292 = vector.broadcast %mul3A_291 : i32 to vector<128x784xi32>
    %mul3A_293 = arith.muli %select_n3A_222, %mul3A_292 : vector<128x784xi32>
    %add3A_294 = arith.addi %mul3A_293, %select_n3A_116 : vector<128x784xi32>
    %convert_element_type3A_295 = arith.sitofp %add3A_294 : vector<128x784xi32> to vector<128x784xf32>
    %add3A_296 = arith.constant 5.000000e-01 : f32
    %add3A_297 = vector.broadcast %add3A_296 : f32 to vector<128x784xf32>
    %add3A_298 = arith.addf %convert_element_type3A_290, %add3A_297 : vector<128x784xf32>
    %div3A_299 = arith.constant 1.400000e+01 : f32
    %div3A_300 = vector.broadcast %div3A_299 : f32 to vector<128x1xf32>
    %div3A_301 = arith.divf %max3A_285, %div3A_300 : vector<128x1xf32>
    %mul3A_302 = vector.broadcast %div3A_301 : vector<128x1xf32> to vector<128x784xf32>
    %mul3A_303 = arith.mulf %add3A_298, %mul3A_302 : vector<128x784xf32>
    %add3A_304 = vector.broadcast %mul3A_266 : vector<128x1xf32> to vector<128x784xf32>
    %add3A_305 = arith.addf %add3A_304, %mul3A_303 : vector<128x784xf32>
    %add3A_306 = arith.constant 5.000000e-01 : f32
    %add3A_307 = vector.broadcast %add3A_306 : f32 to vector<128x784xf32>
    %add3A_308 = arith.addf %convert_element_type3A_295, %add3A_307 : vector<128x784xf32>
    %div3A_309 = arith.constant 1.400000e+01 : f32
    %div3A_310 = vector.broadcast %div3A_309 : f32 to vector<128x1xf32>
    %div3A_311 = arith.divf %max3A_281, %div3A_310 : vector<128x1xf32>
    %mul3A_312 = vector.broadcast %div3A_311 : vector<128x1xf32> to vector<128x784xf32>
    %mul3A_313 = arith.mulf %add3A_308, %mul3A_312 : vector<128x784xf32>
    %add3A_314 = vector.broadcast %mul3A_260 : vector<128x1xf32> to vector<128x784xf32>
    %add3A_315 = arith.addf %add3A_314, %mul3A_313 : vector<128x784xf32>
    %ge3A = arith.constant -1.000000e+00 : f32
    %ge3A_316 = vector.broadcast %ge3A : f32 to vector<128x784xf32>
    %ge3A_317 = arith.cmpf oge, %add3A_305, %ge3A_316 : vector<128x784xf32>
    %le3A = arith.constant 2.000000e+02 : f32
    %le3A_318 = vector.broadcast %le3A : f32 to vector<128x784xf32>
    %le3A_319 = arith.cmpf ole, %add3A_305, %le3A_318 : vector<128x784xf32>
    %and3A_320 = arith.andi %ge3A_317, %le3A_319 : vector<128x784xi1>
    %ge3A_321 = arith.constant -1.000000e+00 : f32
    %ge3A_322 = vector.broadcast %ge3A_321 : f32 to vector<128x784xf32>
    %ge3A_323 = arith.cmpf oge, %add3A_315, %ge3A_322 : vector<128x784xf32>
    %le3A_324 = arith.constant 2.000000e+02 : f32
    %le3A_325 = vector.broadcast %le3A_324 : f32 to vector<128x784xf32>
    %le3A_326 = arith.cmpf ole, %add3A_315, %le3A_325 : vector<128x784xf32>
    %and3A_327 = arith.andi %ge3A_323, %le3A_326 : vector<128x784xi1>
    %jit3A_328 = arith.constant 0.000000e+00 : f32
    %jit3A_329 = arith.constant 1.990000e+02 : f32
    %max3A_330 = vector.broadcast %jit3A_328 : f32 to vector<128x784xf32>
    %max3A_331 = arith.maximumf %max3A_330, %add3A_305 : vector<128x784xf32>
    %min3A = vector.broadcast %jit3A_329 : f32 to vector<128x784xf32>
    %min3A_332 = arith.minimumf %min3A, %max3A_331 : vector<128x784xf32>
    %jit3A_333 = arith.constant 0.000000e+00 : f32
    %jit3A_334 = arith.constant 1.990000e+02 : f32
    %max3A_335 = vector.broadcast %jit3A_333 : f32 to vector<128x784xf32>
    %max3A_336 = arith.maximumf %max3A_335, %add3A_315 : vector<128x784xf32>
    %min3A_337 = vector.broadcast %jit3A_334 : f32 to vector<128x784xf32>
    %min3A_338 = arith.minimumf %min3A_337, %max3A_336 : vector<128x784xf32>
    %floor3A = math.floor %min3A_332 : vector<128x784xf32>
    %floor3A_339 = math.floor %min3A_338 : vector<128x784xf32>
    %sub3A_340 = arith.subf %min3A_332, %floor3A : vector<128x784xf32>
    %sub3A_341 = arith.subf %min3A_338, %floor3A_339 : vector<128x784xf32>
    %convert_element_type3A_342 = arith.fptosi %floor3A : vector<128x784xf32> to vector<128x784xi32>
    %convert_element_type3A_343 = arith.fptosi %floor3A_339 : vector<128x784xf32> to vector<128x784xi32>
    %add3A_344 = arith.constant 1 : i32
    %add3A_345 = vector.broadcast %add3A_344 : i32 to vector<128x784xi32>
    %add3A_346 = arith.addi %convert_element_type3A_342, %add3A_345 : vector<128x784xi32>
    %min3A_347 = arith.constant 199 : i32
    %min3A_348 = vector.broadcast %min3A_347 : i32 to vector<128x784xi32>
    %min3A_349 = arith.minsi %add3A_346, %min3A_348 : vector<128x784xi32>
    %add3A_350 = arith.constant 1 : i32
    %add3A_351 = vector.broadcast %add3A_350 : i32 to vector<128x784xi32>
    %add3A_352 = arith.addi %convert_element_type3A_343, %add3A_351 : vector<128x784xi32>
    %min3A_353 = arith.constant 199 : i32
    %min3A_354 = vector.broadcast %min3A_353 : i32 to vector<128x784xi32>
    %min3A_355 = arith.minsi %add3A_352, %min3A_354 : vector<128x784xi32>
    %eq3A_356 = arith.constant 1 : i32
    %eq3A_357 = vector.broadcast %eq3A_356 : i32 to vector<128x784xi32>
    %eq3A_358 = arith.cmpi eq, %select_n3A_63, %eq3A_357 : vector<128x784xi32>
    %select_n3A_359 = arith.select %eq3A_358, %min3A_349, %convert_element_type3A_342 : vector<128x784xi1>, vector<128x784xi32>
    %eq3A_360 = arith.constant 1 : i32
    %eq3A_361 = vector.broadcast %eq3A_360 : i32 to vector<128x784xi32>
    %eq3A_362 = arith.cmpi eq, %select_n3A_13, %eq3A_361 : vector<128x784xi32>
    %select_n3A_363 = arith.select %eq3A_362, %min3A_355, %convert_element_type3A_343 : vector<128x784xi1>, vector<128x784xi32>
    %eq3A_364 = arith.constant 1 : i32
    %eq3A_365 = vector.broadcast %eq3A_364 : i32 to vector<128x784xi32>
    %eq3A_366 = arith.cmpi eq, %select_n3A_63, %eq3A_365 : vector<128x784xi32>
    %sub3A_367 = arith.constant 1.000000e+00 : f32
    %sub3A_368 = vector.broadcast %sub3A_367 : f32 to vector<128x784xf32>
    %sub3A_369 = arith.subf %sub3A_368, %sub3A_340 : vector<128x784xf32>
    %select_n3A_370 = arith.select %eq3A_366, %sub3A_340, %sub3A_369 : vector<128x784xi1>, vector<128x784xf32>
    %eq3A_371 = arith.constant 1 : i32
    %eq3A_372 = vector.broadcast %eq3A_371 : i32 to vector<128x784xi32>
    %eq3A_373 = arith.cmpi eq, %select_n3A_13, %eq3A_372 : vector<128x784xi32>
    %sub3A_374 = arith.constant 1.000000e+00 : f32
    %sub3A_375 = vector.broadcast %sub3A_374 : f32 to vector<128x784xf32>
    %sub3A_376 = arith.subf %sub3A_375, %sub3A_341 : vector<128x784xf32>
    %select_n3A_377 = arith.select %eq3A_373, %sub3A_341, %sub3A_376 : vector<128x784xi1>, vector<128x784xf32>
    %and3A_378 = arith.andi %and3A_320, %and3A_327 : vector<128x784xi1>
    %convert_element_type3A_379 = arith.extui %and3A_378 : vector<128x784xi1> to vector<128x784xi32>
    %convert_element_type3A_380 = arith.sitofp %convert_element_type3A_379 : vector<128x784xi32> to vector<128x784xf32>
    %mul3A_381 = arith.constant 40000 : i32
    %mul3A_382 = vector.broadcast %mul3A_381 : i32 to vector<128x1xi32>
    %mul3A_383 = arith.muli %convert_element_type3A, %mul3A_382 : vector<128x1xi32>
    %mul3A_384 = arith.constant 200 : i32
    %mul3A_385 = vector.broadcast %mul3A_384 : i32 to vector<128x784xi32>
    %mul3A_386 = arith.muli %select_n3A_359, %mul3A_385 : vector<128x784xi32>
    %add3A_387 = vector.broadcast %mul3A_383 : vector<128x1xi32> to vector<128x784xi32>
    %add3A_388 = arith.addi %add3A_387, %mul3A_386 : vector<128x784xi32>
    %add3A_389 = arith.addi %add3A_388, %select_n3A_363 : vector<128x784xi32>
    %swap3A = arith.constant 0 : index
    %swap3A_390 = arith.constant 0 : index
    %swap3A_391 = vector.load %arg2[%swap3A, %swap3A_390] : memref<128x784xi32, #tpu.memory_space<vmem>>, vector<128x784xi32>
    tpu.vector_store %arg2[%swap3A, %swap3A_390], %add3A_389 {strides = array<i32>} : memref<128x784xi32, #tpu.memory_space<vmem>>, vector<128x784xi32>,
    %mul3A_392 = arith.mulf %select_n3A_370, %select_n3A_377 : vector<128x784xf32>
    %mul3A_393 = arith.mulf %mul3A_392, %convert_element_type3A_380 : vector<128x784xf32>
    %mul3A_394 = arith.constant 2.500000e-01 : f32
    %mul3A_395 = vector.broadcast %mul3A_394 : f32 to vector<128x784xf32>
    %mul3A_396 = arith.mulf %mul3A_393, %mul3A_395 : vector<128x784xf32>
    %swap3A_397 = arith.constant 0 : index
    %swap3A_398 = arith.constant 0 : index
    %swap3A_399 = vector.load %arg3[%swap3A_397, %swap3A_398] : memref<128x784xf32, #tpu.memory_space<vmem>>, vector<128x784xf32>
    tpu.vector_store %arg3[%swap3A_397, %swap3A_398], %mul3A_396 {strides = array<i32>} : memref<128x784xf32, #tpu.memory_space<vmem>>, vector<128x784xf32>,
    return
  }
  func.func @transform_0(%arg0: i32) -> (i32, i32) {
    %c0_i32 = arith.constant 0 : i32
    %c0_i32_0 = arith.constant 0 : i32
    return %arg0, %c0_i32 : i32, i32
  }
  func.func @transform_1(%arg0: i32) -> (i32, i32) {
    %c0_i32 = arith.constant 0 : i32
    %c0_i32_0 = arith.constant 0 : i32
    return %arg0, %c0_i32 : i32, i32
  }
  func.func @transform_2(%arg0: i32) -> (i32, i32) {
    %c0_i32 = arith.constant 0 : i32
    %c0_i32_0 = arith.constant 0 : i32
    return %arg0, %c0_i32 : i32, i32
  }
}

</mosaic_0001>

<sc_bundles>
// kernel: kernel.4.cloned.1.call-start
scs
__scs_entry_jumppad:
0x0: {  	(pc) =	sbr.rel $0x88, $3  }
0x1: {  	(tag) =	ssettag $0x0;
	lr =	simm.s32 $0x1  }
0x2: {  	[smem:$0x3F9F] =	sst lr;
	_ =	strace $0xD0000000  }
0x3: {  	_ = 	snop  }
0x4: {  	_ = 	snop  }
0x5: {  	_ = 	snop  }
0x6: {  	_ = 	snop  }
0x7: {  	_ = 	snop  }
__scs_overlays_trampoline_lowered:
0x8: {  	[smem:$0x3FAE] =	sst s0  }
0x9: {  	[smem:$0x3FAF] =	sst s1  }
0xa: {  	[smem:$0x3FB0] =	sst s2  }
0xb: {  	[smem:$0x3FB1] =	sst s3  }
0xc: {  	[smem:$0x3FB2] =	sst s4  }
0xd: {  	[smem:$0x3FB3] =	sst s5  }
0xe: {  	[smem:$0x3FB4] =	sst s6  }
0xf: {  	[smem:$0x3FB5] =	sst s7  }
0x10: {  	[smem:$0x3FB6] =	sst s8  }
0x11: {  	[smem:$0x3FB7] =	sst s9;
	s0 =	simm.s32 @!p0 $0x0  }
0x12: {  	s1 =	sld [smem:$0x3F9D];
	s0 =	simm.s32 @p0 $0x1  }
0x13: {  	[smem:$0x3FB8] =	sst s0;
	s0 =	simm.s32 @!p1 $0x0  }
0x14: {  	s2 =	sld [smem:$0x3F9C];
	s0 =	simm.s32 @p1 $0x1  }
0x15: {  	[smem:$0x3FB9] =	sst s0;
	s0 =	simm.s32 @!p2 $0x0  }
0x16: {  	s3 =	sld [smem:$0x3FDB];
	s0 =	simm.s32 @p2 $0x1  }
0x17: {  	s4 =	simm.s32 $0x1BF5;
	[smem:$0x3FBB] =	sst s0  }
0x18: {  	s0 =	sld [smem:$0x3F9E];
	_ =	swait.ge [sflag:s4], $0x0  }
0x19: {  	s7 =	sld [smem:$0x3F9F]  }
0x1a: {  	s8 =	sadd.s32 $0xFFFFE003, lr  }
0x1b: {  	s9 =	sadd.s32 $0xFFFFFEF7, lr;
	s5 =	simm.s32 $0xFFFFFFFF;
	p2 =	slt.u32 s8, $0xFFFFF086  }
0x1c: {  	p1 =	slt.u32 s9, $0xF7A;
	s5 =	simm.s32 @!p2 $0x0  }
0x1d: {  	s5 =	simm.s32 @p1 $0x1;
	p0 =	seq.s32 s7, s2  }
0x1e: {  	s7 =	smul.u32 @!p0 $0xF7A, s2;
	p2 =	seq.s32 @!p0 s5, $0x0  }
0x1f: {  	s9 =	smul.u32 $0xF7A, s1;
	s8 =	simm.s32 @!p0 $0x1BF5;
	p2 =	por !p2, p0  }
0x20: {  	[sflag:s8] =	ssyncset.s32 @!p0 $0xFFFFF086;
	s6 =	sadd.s32 @!p0 s3, s7;
	s7 =	simm.s32 @!p0 $0x108  }
0x21: {  	s3 =	sadd.s32 s3, s9;
	s6 =	sadd.s32 @!p0 $0x88, s6;
	s7 =	simm.s32 @p2 $0x1082  }
0x22: {  	[simem:s7], [sflag:s8] =	dma.local @!p0 [hbm:s6], $0xF7A  }
0x23: {  	s9 =	sor.u32 $0xD0000000, s2;
	s6 =	simm.s32 $0x108;
	_ =	swait.ge @!p0 [sflag:s8], $0x0  }
0x24: {  	s3 =	sadd.s32 $0x88, s3;
	s6 =	simm.s32 @!p1 $0x1082;
	[sflag:s4] =	ssyncset.s32 $0xFFFFF086  }
0x25: {  	[simem:s6], [sflag:s4] =	dma.local [hbm:s3], $0xF7A  }
0x26: {  	[smem:$0x3F9F] =	sst s1;
	(tag) =	ssettag s2;
	_ =	strace s9  }
0x27: {  	s1 =	sld [smem:$0x3FAF]  }
0x28: {  	s2 =	sld [smem:$0x3FB0]  }
0x29: {  	s4 =	sld [smem:$0x3FB2]  }
0x2a: {  	p0 =	seq.s32 s5, $0x0;
	s5 =	sld [smem:$0x3FB3]  }
0x2b: {  	s6 =	sld [smem:$0x3FB4]  }
0x2c: {  	s7 =	sld [smem:$0x3FB5]  }
0x2d: {  	s3 =	simm.s32 $0x108;
	s8 =	sld [smem:$0x3FB6]  }
0x2e: {  	s3 =	simm.s32 @!p0 $0x1082;
	s9 =	sld [smem:$0x3FB7]  }
0x2f: {  	lr =	sadd.s32 s0, s3;
	s0 =	sld [smem:$0x3FAE]  }
0x30: {  	s3 =	sld [smem:$0x3FB1]  }
0x31: {  	[smem:$0x3FBA] =	sst s10  }
0x32: {  	s10 =	sld [smem:$0x3FB8];
	_ =	sdelay $0x3  }
0x33: {  	p0 =	seq.s32 s10, $0x1;
	s10 =	sld [smem:$0x3FBA];
	_ =	sdelay $0x3  }
0x34: {  	[smem:$0x3FBA] =	sst s10  }
0x35: {  	s10 =	sld [smem:$0x3FB9];
	_ =	sdelay $0x3  }
0x36: {  	p1 =	seq.s32 s10, $0x1;
	s10 =	sld [smem:$0x3FBA];
	_ =	sdelay $0x3  }
0x37: {  	[smem:$0x3FBA] =	sst s10  }
0x38: {  	s10 =	sld [smem:$0x3FBB]  }
0x39: {  	_ = 	snop;
	(pc) =	sbr.ind lr, $3  }
0x3a: {  	_ = 	snop  }
0x3b: {  	_ = 	snop  }
0x3c: {  	p2 =	seq.s32 s10, $0x1;
	s10 =	sld [smem:$0x3FBA]  }
0x3d: {  	_ =	shalt  }
0x3e: {  	_ =	shalt  }
0x3f: {  	_ =	shalt  }
0x40: {  	_ =	shalt  }
0x41: {  	_ =	shalt  }
0x42: {  	_ =	shalt  }
0x43: {  	_ =	shalt  }
0x44: {  	_ =	shalt  }
0x45: {  	_ =	shalt  }
0x46: {  	_ =	shalt  }
0x47: {  	_ =	shalt  }
0x48: {  	_ =	shalt  }
0x49: {  	_ =	shalt  }
0x4a: {  	_ =	shalt  }
0x4b: {  	_ =	shalt  }
0x4c: {  	_ =	shalt  }
0x4d: {  	_ =	shalt  }
0x4e: {  	_ =	shalt  }
0x4f: {  	_ =	shalt  }
0x50: {  	_ =	shalt  }
0x51: {  	_ =	shalt  }
0x52: {  	_ =	shalt  }
0x53: {  	_ =	shalt  }
0x54: {  	_ =	shalt  }
0x55: {  	_ =	shalt  }
0x56: {  	_ =	shalt  }
0x57: {  	_ =	shalt  }
0x58: {  	_ =	shalt  }
0x59: {  	_ =	shalt  }
0x5a: {  	_ =	shalt  }
0x5b: {  	_ =	shalt  }
0x5c: {  	_ =	shalt  }
0x5d: {  	_ =	shalt  }
0x5e: {  	_ =	shalt  }
0x5f: {  	_ =	shalt  }
0x60: {  	_ =	shalt  }
0x61: {  	_ =	shalt  }
0x62: {  	_ =	shalt  }
0x63: {  	_ =	shalt  }
0x64: {  	_ =	shalt  }
0x65: {  	_ =	shalt  }
0x66: {  	_ =	shalt  }
0x67: {  	_ =	shalt  }
0x68: {  	_ =	shalt  }
0x69: {  	_ =	shalt  }
0x6a: {  	_ =	shalt  }
0x6b: {  	_ =	shalt  }
0x6c: {  	_ =	shalt  }
0x6d: {  	_ =	shalt  }
0x6e: {  	_ =	shalt  }
0x6f: {  	_ =	shalt  }
0x70: {  	_ =	shalt  }
0x71: {  	_ =	shalt  }
0x72: {  	_ =	shalt  }
0x73: {  	_ =	shalt  }
0x74: {  	_ =	shalt  }
0x75: {  	_ =	shalt  }
0x76: {  	_ =	shalt  }
0x77: {  	_ =	shalt  }
0x78: {  	_ =	shalt  }
0x79: {  	_ =	shalt  }
0x7a: {  	_ =	shalt  }
0x7b: {  	_ =	shalt  }
0x7c: {  	_ =	shalt  }
0x7d: {  	_ =	shalt  }
0x7e: {  	_ =	shalt  }
0x7f: {  	_ =	shalt  }
0x80: {  	_ =	shalt  }
0x81: {  	_ =	shalt  }
0x82: {  	_ =	shalt  }
0x83: {  	_ =	shalt  }
0x84: {  	_ =	shalt  }
0x85: {  	_ =	shalt  }
0x86: {  	_ =	shalt  }
0x87: {  	_ =	shalt  }
.Lfunc_end0:
.L_simem_size_0:
called_computation.1_lowered:
.L_overlay_start_0:
0x88: {  	s2 =	sld [smem:$0x3FD9]  }
0x89: {  	s3 =	sld [smem:$0x3FFE];
	_ =	sdelay $0x1  }
0x8a: {  	s1 =	srdreg.scid  }
0x8b: {  	s0 =	sand.u32 $0x1, s1  }
0x8c: {  	s17 =	sshll.u32 s0, $0xA;
	s2 =	sadd.s32 s3, s2  }
0x8d: {  	s2 =	sadd.s32 s2, s17  }
0x8e: {  	[smem:$0x3FC6] =	sst s2  }
0x8f: {  	_ = 	snop  }
0x90: {  	s2 =	sld [smem:$0x3FC9]  }
0x91: {  	s18 =	sld [smem:$0x3FD0];
	(tm) =	ssettm $0x1  }
0x92: {  	s4 =	sld [smem:$0x3FFB];
	_ =	sdelay $0x3  }
0x93: {  	_ =	strace s4  }
0x94: {  	s4 =	sld [smem:$0x3FFC];
	_ =	sdelay $0x3  }
0x95: {  	_ =	strace s4  }
0x96: {  	s4 =	sld [smem:$0x3FFD];
	_ =	sdelay $0x3  }
0x97: {  	_ =	strace s4  }
0x98: {  	_ =	strace $0x8FFFFFFF  }
0x99: {  	s19 =	sld [smem:$0x3FDB];
	_ =	sdelay $0x1  }
0x9a: {  	s5 =	simm.s32 $_scs_section_size  }
0x9b: {  	s6 =	simm.s32 $_size__tile_overlayer_lowered;
	s7 =	simm.s32 $_tile_overlayer_lowered  }
0x9c: {  	s22 =	simm.s32 $0x1BFF;
	s21 =	sshll.u32 s7, $0x1;
	s4 =	sadd.s32 s5, s19  }
0x9d: {  	s8 =	simm.s32 $0x0;
	s20 =	sshll.u32 s6, $0x1;
	s6 =	sadd.s32 s21, s4  }
0x9e: {  	[timem:s8], [sflag:s22] =	dma.local [hbm:s6], s20  }
0x9f: {  	_ =	swait.ge [sflag:s22], s20  }
0xa0: {  	s5 =	ssub.s32 $0x0, s20;
	[sflag:s22] =	ssyncset.done $0x0  }
0xa1: {  	[sflag:s22] =	ssyncadd.s32 s5;
	_ =	sdelay $0x1  }
0xa2: {  	s23 =	simm.s32 $0x1B8B  }
0xa3: {  	_ =	swait.ge [sflag:s23], $0x1  }
0xa4: {  	[sflag:s23] =	ssyncset.done $0x0  }
0xa5: {  	s25 =	simm.s32 $0x1B8E;
	s24 =	sld [smem:$0x3FFE];
	[sflag:s23] =	ssyncadd.s32 $0xFFFFFFFF  }
0xa6: {  	s26 =	simm.s32 $execute0_lowered;
	[smem:$0x3FD2] =	sst s25  }
0xa7: {  	s6 =	sshll.u32 s26, $0x1;
	_ =	strace $0x80000046;
	[dreg:$0x1] =	wrdreg $0xFFFFFFFF  }
0xa8: {  	s28 =	simm.s32 $_size_execute0_lowered;
	s4 =	sadd.s32 s4, s6;
	[dreg:$0x0] =	wrdreg $0x0  }
0xa9: {  	s6 =	sshll.u32 s28, $0x1;
	[dreg:$0x2] =	wrdreg s4  }
0xaa: {  	[dreg:$0x3] =	wrdreg s6  }
0xab: {  	[dreg:$0x4] =	wrdreg $0xC0  }
0xac: {  	_ =	task [dreg:s8], $0x5FFFF  }
0xad: {  	[dreg:$0x1] =	wrdreg $0xFFFFFFFF  }
0xae: {  	[dreg:$0x0] =	wrdreg $0x60  }
0xaf: {  	[dreg:$0x2] =	wrdreg s18  }
0xb0: {  	[dreg:$0x3] =	wrdreg s24  }
0xb1: {  	[dreg:$0x4] =	wrdreg s2  }
0xb2: {  	[dreg:$0x5] =	wrdreg $0x9  }
0xb3: {  	_ =	task.clear_ibuf [dreg:s8], $0x6FFFF;
	_ =	strace $0x90000046  }
0xb4: {  	s29 =	simm.s32 $0x9;
	_ =	strace $0x80000048  }
0xb5: {  	_ =	swait.ge [sflag:s29], $0x1  }
0xb6: {  	[sflag:s29] =	ssyncadd.s32 $0xFFFFFFFF  }
0xb7: {  	_ =	strace $0x90000048  }
0xb8: {  	_ =	sfence  }
0xb9: {  	s30 =	sld [smem:$0x0];
	_ =	sdelay $0x2  }
0xba: {  	s31 =	sshll.u32 s1, $0xD;
	s1 =	sshrl.u32 s1, $0x2  }
0xbb: {  	s3 =	sand.u32 $0x4000, s31;
	s1 =	sadd.s32 s1, s30  }
0xbc: {  	s0 =	sor.u32 s3, s0;
	s1 =	sshll.u32 s1, $0x11  }
0xbd: {  	s0 =	sor.u32 s1, s0  }
0xbe: {  	s0 =	sadd.s32 $0x8F2B, s0  }
0xbf: {  	[sflag:s0] =	ssyncadd.remote.s32 $0x1  }
0xc0: {  	_ =	sfence.sel $0xFFFF  }
0xc1: {  	[dreg:$0x0] =	wrdreg $0xFFFFFFFF;
	(pc) =	sbr.abs _section_cstart, $3  }
0xc2: {  	[dreg:$0x1] =	wrdreg $0xFFFFFFFF  }
0xc3: {  	_ =	task.clear_ibuf [dreg:s8], $0x2FFFF;
	_ =	strace $0x9FFFFFFF  }
0xc4: {  	(tm) =	ssettm $0x7FFFFFFF  }
0xc5: {  	_ =	shalt  }
tec
execute0_lowered:
.L_overlay_start_1:
0x0: {  	(tag) =	ssettag $0x1  }
0x1: {  	s0 =	rddreg [dreg:$0x0];
	s1 =	srdreg.scid  }
0x2: {  	s2 =	stileid.u32;
	s4 =	rddreg [dreg:$0x1];
	s29 =	simm.s32 $0x14400  }
0x3: {  	s30 =	simm.s32 $0x14C00;
	s31 =	simm.s32 $0x15400;
	s11 =	simm.s32 $0x16C00  }
0x4: {  	s9 =	simm.s32 $0x18400;
	s10 =	simm.s32 $0x18C00;
	s12 =	simm.s32 $0x19400  }
0x5: {  	s13 =	simm.s32 $0x19C00;
	s14 =	simm.s32 $0x1A400;
	s15 =	simm.s32 $0x1AC00  }
0x6: {  	s16 =	simm.s32 $0x1B400;
	s17 =	simm.s32 $0x1BC00;
	s18 =	simm.s32 $0x1  }
0x7: {  	s19 =	simm.s32 $0x1C400;
	s20 =	simm.s32 $0x2;
	s21 =	simm.s32 $0x1CC00  }
0x8: {  	s24 =	simm.s32 $0x0;
	s1 =	sand.u32 $0x1, s1;
	s3 =	sshll.u32 s2, $0x1  }
0x9: {  	s2 =	rddreg [dreg:$0x2];
	s6 =	sor.u32 s1, s3;
	s1 =	ssub.s32 $0x2, s1  }
0xa: {  	s3 =	simm.s32 $0x0;
	s7 =	smul.u32 $0xC40, s6;
	s5 =	sshrl.u32 s1, $0x1  }
0xb: {  	[smem:$0x7FF] =	sst s3;
	s1 =	ssub.s32 s1, s5;
	s5 =	smul.u32 $0x62000, s6  }
.Ltmp0:
0xc: {  	v0 =	vlaneseq.u32;
	_ =	strace $0x80000047;
	s8 =	sadd.s32 s7, s4;
	(pc) =	sbr.rel .LBB2_1-.Ltmp0, $4  }
0xd: {  	v1 =	vand.u32 $0x7, v0;
	v63 =	vshrl.u32 v0, $0x3;
	s4 =	sadd.s32 $0x19200, s4;
	s0 =	sadd.s32 s0, s7;
	s28 =	smax.u32 s1, $0x1  }
0xe: {  	v0 =	vor.u32 $0x8, v0;
	[tilespmem:$0x1FFD0] =	vst v1;
	v1 =	vmul.u32 $0x8, v63;
	s1 =	simm.s32 $0x15C00;
	s7 =	simm.s32 $0x17C00;
	[dreg:$0x4] =	wrdreg s0  }
0xf: {  	[tilespmem:$0x1FFF0] =	vst v0;
	s26 =	sadd.s32 $0xA00, s8;
	s8 =	smul.u32 $0xC4, s6;
	[dreg:$0x6] =	wrdreg s28  }
0x10: {  	vm0 =	vmmov $0xffff;
	s0 =	simm.s32 $0x16400;
	s6 =	simm.s32 $0x17400;
	[tilespmem:$0x1FFE0] =	vst v1;
	[dreg:$0x5] =	wrdreg s26  }
.LBB2_10:
0x11: {  	s22 =	simm.s32 $0x3  }
0x12: {  	_ =	swait.ge [sflag:s22], $0x800  }
0x13: {  	[sflag:s22] =	ssyncset.done $0x0  }
0x14: {  	s23 =	simm.s32 $0x4;
	[sflag:s22] =	ssyncadd.s32 $0xFFFFF800  }
0x15: {  	_ =	swait.ge [sflag:s23], $0x800  }
0x16: {  	s24 =	rddreg [dreg:$0x7]  }
0x17: {  	s28 =	rddreg [dreg:$0x6];
	s24 =	sadd.s32 $0x1, s24  }
0x18: {  	p0 =	sne.s32 s24, s28  }
.Ltmp1:
0x19: {  	_ = 	snop;
	(pc) =	sbr.rel @!p0 .LBB2_11-.Ltmp1, $3  }
0x1a: {  	_ =	sdelay $0x1  }
0x1b: {  	[sflag:s23] =	ssyncset.done $0x0  }
0x1c: {  	[sflag:s23] =	ssyncadd.s32 $0xFFFFF800  }
.LBB2_1:
0x1d: {  	[dreg:$0x7] =	wrdreg s24  }
0x1e: {  	s22 =	rddreg [dreg:$0x4];
	s23 =	simm.s32 $0x5  }
0x1f: {  	[tilespmem:s3], [sflag:$0x5] =	stream.linear.gather [hbm4b:s22+s3], $0x6200, $0x38;
	[tilespmem:$0x1D400] =	vst v63  }
0x20: {  	_ =	swait.ge [sflag:s23], $0x6200  }
0x21: {  	[sflag:s23] =	ssyncset.done $0x0  }
0x22: {  	s26 =	simm.s32 $0x6200;
	s25 =	rddreg [dreg:$0x5];
	[sflag:s23] =	ssyncadd.s32 $0xFFFF9E00  }
0x23: {  	[tilespmem:s26], [sflag:$0x5] =	stream.linear.gather [hbm4b:s25+s3], $0x6200, $0x38;
	[tilespmem:$0x1D400] =	vst v63  }
0x24: {  	_ =	swait.ge [sflag:s23], $0x6200  }
0x25: {  	[sflag:s23] =	ssyncset.done $0x0  }
0x26: {  	[sflag:s23] =	ssyncadd.s32 $0xFFFF9E00  }
0x27: {  	v0 =	vld [tilespmem:$0x0];
	_ =	sdelay $0x2  }
0x28: {  	v2 =	vld [tilespmem:$0x1FFD0]  }
0x29: {  	v3 =	vld [tilespmem:$0x1FFE0]  }
0x2a: {  	v4 =	vld [tilespmem:$0x1FFF0];
	v1 =	vshll.u32 v0, $0x1  }
0x2b: {  	v0 =	vand.u32 $0x7, v0;
	v1 =	vand.u32 $0xFFFFFFF0, v1  }
0x2c: {  	v0 =	vor.u32 v0, v1  }
0x2d: {  	v1 =	vperm.xlane v0, v2;
	_ =	sdelay $0x1  }
0x2e: {  	v0 =	vperm.xlane v0, v4;
	v1 =	vadd.s32 v3, v1;
	_ =	sdelay $0x1  }
0x2f: {  	v0 =	vadd.s32 v3, v0;
	_ =	sdelay $0x1  }
0x30: {  	s28 =	simm.s32 $0xC400  }
0x31: {  	[tilespmem:s28], [sflag:$0x1] =	stream.indirect_vreg.gather [hbm4b:s2+s3], $0x80, v1, vm0, $0xb8;
	[tilespmem:$0x1D400] =	vst v63  }
0x32: {  	s23 =	simm.s32 $0xCC00  }
0x33: {  	[tilespmem:s23], [sflag:$0x1] =	stream.indirect_vreg.gather [hbm4b:s2+s3], $0x80, v0, vm0, $0xb8;
	[tilespmem:$0x1D400] =	vst v63  }
0x34: {  	v0 =	vld [tilespmem:$0x10];
	_ =	sdelay $0x4  }
0x35: {  	v49 =	vshll.u32 v0, $0x1  }
0x36: {  	v0 =	vand.u32 $0x7, v0;
	v1 =	vand.u32 $0xFFFFFFF0, v49  }
0x37: {  	v0 =	vor.u32 v0, v1  }
0x38: {  	v1 =	vperm.xlane v0, v2;
	_ =	sdelay $0x1  }
0x39: {  	v0 =	vperm.xlane v0, v4;
	v1 =	vadd.s32 v3, v1;
	_ =	sdelay $0x1  }
0x3a: {  	v0 =	vadd.s32 v3, v0;
	_ =	sdelay $0x1  }
0x3b: {  	s24 =	simm.s32 $0xD400  }
0x3c: {  	[tilespmem:s24], [sflag:$0x1] =	stream.indirect_vreg.gather [hbm4b:s2+s3], $0x80, v1, vm0, $0xb8;
	[tilespmem:$0x1D400] =	vst v63  }
0x3d: {  	s25 =	simm.s32 $0xDC00  }
0x3e: {  	[tilespmem:s25], [sflag:$0x1] =	stream.indirect_vreg.gather [hbm4b:s2+s3], $0x80, v0, vm0, $0xb8;
	[tilespmem:$0x1D400] =	vst v63  }
0x3f: {  	v0 =	vld [tilespmem:$0x20];
	_ =	sdelay $0x4  }
0x40: {  	v50 =	vshll.u32 v0, $0x1  }
0x41: {  	v0 =	vand.u32 $0x7, v0;
	v1 =	vand.u32 $0xFFFFFFF0, v50  }
0x42: {  	v0 =	vor.u32 v0, v1  }
0x43: {  	v1 =	vperm.xlane v0, v2;
	_ =	sdelay $0x1  }
0x44: {  	v0 =	vperm.xlane v0, v4;
	v1 =	vadd.s32 v3, v1;
	_ =	sdelay $0x1  }
0x45: {  	v0 =	vadd.s32 v3, v0;
	_ =	sdelay $0x1  }
0x46: {  	s26 =	simm.s32 $0xE400  }
0x47: {  	[tilespmem:s26], [sflag:$0x1] =	stream.indirect_vreg.gather [hbm4b:s2+s3], $0x80, v1, vm0, $0xb8;
	[tilespmem:$0x1D400] =	vst v63  }
0x48: {  	s28 =	simm.s32 $0xEC00  }
0x49: {  	[tilespmem:s28], [sflag:$0x1] =	stream.indirect_vreg.gather [hbm4b:s2+s3], $0x80, v0, vm0, $0xb8;
	[tilespmem:$0x1D400] =	vst v63  }
0x4a: {  	v0 =	vld [tilespmem:$0x30];
	_ =	sdelay $0x4  }
0x4b: {  	v51 =	vshll.u32 v0, $0x1  }
0x4c: {  	v0 =	vand.u32 $0x7, v0;
	v1 =	vand.u32 $0xFFFFFFF0, v51  }
0x4d: {  	v0 =	vor.u32 v0, v1  }
0x4e: {  	v1 =	vperm.xlane v0, v2;
	_ =	sdelay $0x1  }
0x4f: {  	v0 =	vperm.xlane v0, v4;
	v1 =	vadd.s32 v3, v1;
	_ =	sdelay $0x1  }
0x50: {  	v0 =	vadd.s32 v3, v0;
	_ =	sdelay $0x1  }
0x51: {  	s23 =	simm.s32 $0xF400  }
0x52: {  	[tilespmem:s23], [sflag:$0x1] =	stream.indirect_vreg.gather [hbm4b:s2+s3], $0x80, v1, vm0, $0xb8;
	[tilespmem:$0x1D400] =	vst v63  }
0x53: {  	s24 =	simm.s32 $0xFC00  }
0x54: {  	[tilespmem:s24], [sflag:$0x1] =	stream.indirect_vreg.gather [hbm4b:s2+s3], $0x80, v0, vm0, $0xb8;
	[tilespmem:$0x1D400] =	vst v63  }
0x55: {  	v0 =	vld [tilespmem:$0x40];
	_ =	sdelay $0x4  }
0x56: {  	v52 =	vshll.u32 v0, $0x1  }
0x57: {  	v0 =	vand.u32 $0x7, v0;
	v1 =	vand.u32 $0xFFFFFFF0, v52  }
0x58: {  	v0 =	vor.u32 v0, v1  }
0x59: {  	v1 =	vperm.xlane v0, v2;
	_ =	sdelay $0x1  }
0x5a: {  	v0 =	vperm.xlane v0, v4;
	v1 =	vadd.s32 v3, v1;
	_ =	sdelay $0x1  }
0x5b: {  	v0 =	vadd.s32 v3, v0;
	_ =	sdelay $0x1  }
0x5c: {  	s25 =	simm.s32 $0x10400  }
0x5d: {  	[tilespmem:s25], [sflag:$0x1] =	stream.indirect_vreg.gather [hbm4b:s2+s3], $0x80, v1, vm0, $0xb8;
	[tilespmem:$0x1D400] =	vst v63  }
0x5e: {  	s26 =	simm.s32 $0x10C00  }
0x5f: {  	[tilespmem:s26], [sflag:$0x1] =	stream.indirect_vreg.gather [hbm4b:s2+s3], $0x80, v0, vm0, $0xb8;
	[tilespmem:$0x1D400] =	vst v63  }
0x60: {  	v0 =	vld [tilespmem:$0x50];
	_ =	sdelay $0x4  }
0x61: {  	v53 =	vshll.u32 v0, $0x1  }
0x62: {  	v0 =	vand.u32 $0x7, v0;
	v1 =	vand.u32 $0xFFFFFFF0, v53  }
0x63: {  	v0 =	vor.u32 v0, v1  }
0x64: {  	v1 =	vperm.xlane v0, v2;
	_ =	sdelay $0x1  }
0x65: {  	v0 =	vperm.xlane v0, v4;
	v1 =	vadd.s32 v3, v1;
	_ =	sdelay $0x1  }
0x66: {  	v0 =	vadd.s32 v3, v0;
	_ =	sdelay $0x1  }
0x67: {  	s28 =	simm.s32 $0x11400  }
0x68: {  	[tilespmem:s28], [sflag:$0x1] =	stream.indirect_vreg.gather [hbm4b:s2+s3], $0x80, v1, vm0, $0xb8;
	[tilespmem:$0x1D400] =	vst v63  }
0x69: {  	s23 =	simm.s32 $0x11C00  }
0x6a: {  	[tilespmem:s23], [sflag:$0x1] =	stream.indirect_vreg.gather [hbm4b:s2+s3], $0x80, v0, vm0, $0xb8;
	[tilespmem:$0x1D400] =	vst v63  }
0x6b: {  	v0 =	vld [tilespmem:$0x60];
	_ =	sdelay $0x4  }
0x6c: {  	v54 =	vshll.u32 v0, $0x1  }
0x6d: {  	v0 =	vand.u32 $0x7, v0;
	v1 =	vand.u32 $0xFFFFFFF0, v54  }
0x6e: {  	v0 =	vor.u32 v0, v1  }
0x6f: {  	v1 =	vperm.xlane v0, v2;
	_ =	sdelay $0x1  }
0x70: {  	v0 =	vperm.xlane v0, v4;
	v1 =	vadd.s32 v3, v1;
	_ =	sdelay $0x1  }
0x71: {  	v0 =	vadd.s32 v3, v0;
	_ =	sdelay $0x1  }
0x72: {  	s24 =	simm.s32 $0x12400  }
0x73: {  	[tilespmem:s24], [sflag:$0x1] =	stream.indirect_vreg.gather [hbm4b:s2+s3], $0x80, v1, vm0, $0xb8;
	[tilespmem:$0x1D400] =	vst v63  }
0x74: {  	s25 =	simm.s32 $0x12C00  }
0x75: {  	[tilespmem:s25], [sflag:$0x1] =	stream.indirect_vreg.gather [hbm4b:s2+s3], $0x80, v0, vm0, $0xb8;
	[tilespmem:$0x1D400] =	vst v63  }
0x76: {  	v0 =	vld [tilespmem:$0x70];
	_ =	sdelay $0x4  }
0x77: {  	v55 =	vshll.u32 v0, $0x1  }
0x78: {  	v0 =	vand.u32 $0x7, v0;
	v1 =	vand.u32 $0xFFFFFFF0, v55  }
0x79: {  	v0 =	vor.u32 v0, v1  }
0x7a: {  	v1 =	vperm.xlane v0, v2;
	_ =	sdelay $0x1  }
0x7b: {  	v0 =	vperm.xlane v0, v4;
	v1 =	vadd.s32 v3, v1;
	_ =	sdelay $0x1  }
0x7c: {  	v0 =	vadd.s32 v3, v0;
	_ =	sdelay $0x1  }
0x7d: {  	s26 =	simm.s32 $0x13400  }
0x7e: {  	[tilespmem:s26], [sflag:$0x1] =	stream.indirect_vreg.gather [hbm4b:s2+s3], $0x80, v1, vm0, $0xb8;
	[tilespmem:$0x1D400] =	vst v63  }
0x7f: {  	s28 =	simm.s32 $0x13C00  }
0x80: {  	[tilespmem:s28], [sflag:$0x1] =	stream.indirect_vreg.gather [hbm4b:s2+s3], $0x80, v0, vm0, $0xb8;
	[tilespmem:$0x1D400] =	vst v63  }
0x81: {  	v0 =	vld [tilespmem:$0x80];
	_ =	sdelay $0x4  }
0x82: {  	v56 =	vshll.u32 v0, $0x1  }
0x83: {  	v0 =	vand.u32 $0x7, v0;
	v1 =	vand.u32 $0xFFFFFFF0, v56  }
0x84: {  	v0 =	vor.u32 v0, v1  }
0x85: {  	v1 =	vperm.xlane v0, v2;
	_ =	sdelay $0x1  }
0x86: {  	v0 =	vperm.xlane v0, v4;
	v1 =	vadd.s32 v3, v1;
	_ =	sdelay $0x1  }
0x87: {  	v0 =	vadd.s32 v3, v0;
	_ =	sdelay $0x2  }
0x88: {  	[tilespmem:s29], [sflag:$0x2] =	stream.indirect_vreg.gather [hbm4b:s2+s3], $0x80, v1, vm0, $0xb8;
	[tilespmem:$0x1D400] =	vst v63  }
0x89: {  	_ = 	snop  }
0x8a: {  	[tilespmem:s30], [sflag:$0x2] =	stream.indirect_vreg.gather [hbm4b:s2+s3], $0x80, v0, vm0, $0xb8;
	[tilespmem:$0x1D400] =	vst v63  }
0x8b: {  	v0 =	vld [tilespmem:$0x90];
	_ =	sdelay $0x4  }
0x8c: {  	v57 =	vshll.u32 v0, $0x1  }
0x8d: {  	v0 =	vand.u32 $0x7, v0;
	v1 =	vand.u32 $0xFFFFFFF0, v57  }
0x8e: {  	v0 =	vor.u32 v0, v1  }
0x8f: {  	v1 =	vperm.xlane v0, v2;
	_ =	sdelay $0x1  }
0x90: {  	v0 =	vperm.xlane v0, v4;
	v1 =	vadd.s32 v3, v1;
	_ =	sdelay $0x1  }
0x91: {  	v0 =	vadd.s32 v3, v0;
	_ =	sdelay $0x2  }
0x92: {  	[tilespmem:s31], [sflag:$0x2] =	stream.indirect_vreg.gather [hbm4b:s2+s3], $0x80, v1, vm0, $0xb8;
	[tilespmem:$0x1D400] =	vst v63  }
0x93: {  	_ = 	snop  }
0x94: {  	[tilespmem:s1], [sflag:$0x2] =	stream.indirect_vreg.gather [hbm4b:s2+s3], $0x80, v0, vm0, $0xb8;
	[tilespmem:$0x1D400] =	vst v63  }
0x95: {  	v0 =	vld [tilespmem:$0xA0];
	_ =	sdelay $0x4  }
0x96: {  	v58 =	vshll.u32 v0, $0x1  }
0x97: {  	v0 =	vand.u32 $0x7, v0;
	v1 =	vand.u32 $0xFFFFFFF0, v58  }
0x98: {  	v0 =	vor.u32 v0, v1  }
0x99: {  	v1 =	vperm.xlane v0, v2;
	_ =	sdelay $0x1  }
0x9a: {  	v0 =	vperm.xlane v0, v4;
	v1 =	vadd.s32 v3, v1;
	_ =	sdelay $0x1  }
0x9b: {  	v0 =	vadd.s32 v3, v0;
	_ =	sdelay $0x2  }
0x9c: {  	[tilespmem:s0], [sflag:$0x2] =	stream.indirect_vreg.gather [hbm4b:s2+s3], $0x80, v1, vm0, $0xb8;
	[tilespmem:$0x1D400] =	vst v63  }
0x9d: {  	_ = 	snop  }
0x9e: {  	[tilespmem:s11], [sflag:$0x2] =	stream.indirect_vreg.gather [hbm4b:s2+s3], $0x80, v0, vm0, $0xb8;
	[tilespmem:$0x1D400] =	vst v63  }
0x9f: {  	v0 =	vld [tilespmem:$0xB0];
	_ =	sdelay $0x4  }
0xa0: {  	v59 =	vshll.u32 v0, $0x1  }
0xa1: {  	v0 =	vand.u32 $0x7, v0;
	v1 =	vand.u32 $0xFFFFFFF0, v59  }
0xa2: {  	v0 =	vor.u32 v0, v1  }
0xa3: {  	v1 =	vperm.xlane v0, v2;
	_ =	sdelay $0x1  }
0xa4: {  	v0 =	vperm.xlane v0, v4;
	v1 =	vadd.s32 v3, v1;
	_ =	sdelay $0x1  }
0xa5: {  	v0 =	vadd.s32 v3, v0;
	_ =	sdelay $0x2  }
0xa6: {  	[tilespmem:s6], [sflag:$0x2] =	stream.indirect_vreg.gather [hbm4b:s2+s3], $0x80, v1, vm0, $0xb8;
	[tilespmem:$0x1D400] =	vst v63  }
0xa7: {  	_ = 	snop  }
0xa8: {  	[tilespmem:s7], [sflag:$0x2] =	stream.indirect_vreg.gather [hbm4b:s2+s3], $0x80, v0, vm0, $0xb8;
	[tilespmem:$0x1D400] =	vst v63  }
0xa9: {  	v0 =	vld [tilespmem:$0xC0];
	_ =	sdelay $0x4  }
0xaa: {  	v60 =	vshll.u32 v0, $0x1  }
0xab: {  	v0 =	vand.u32 $0x7, v0;
	v1 =	vand.u32 $0xFFFFFFF0, v60  }
0xac: {  	v0 =	vor.u32 v0, v1  }
0xad: {  	v1 =	vperm.xlane v0, v2;
	_ =	sdelay $0x1  }
0xae: {  	v0 =	vperm.xlane v0, v4;
	v1 =	vadd.s32 v3, v1;
	_ =	sdelay $0x1  }
0xaf: {  	v0 =	vadd.s32 v3, v0;
	_ =	sdelay $0x2  }
0xb0: {  	[tilespmem:s9], [sflag:$0x2] =	stream.indirect_vreg.gather [hbm4b:s2+s3], $0x80, v1, vm0, $0xb8;
	[tilespmem:$0x1D400] =	vst v63  }
0xb1: {  	_ = 	snop  }
0xb2: {  	[tilespmem:s10], [sflag:$0x2] =	stream.indirect_vreg.gather [hbm4b:s2+s3], $0x80, v0, vm0, $0xb8;
	[tilespmem:$0x1D400] =	vst v63  }
0xb3: {  	v0 =	vld [tilespmem:$0xD0];
	_ =	sdelay $0x4  }
0xb4: {  	v61 =	vshll.u32 v0, $0x1  }
0xb5: {  	v0 =	vand.u32 $0x7, v0;
	v1 =	vand.u32 $0xFFFFFFF0, v61  }
0xb6: {  	v0 =	vor.u32 v0, v1  }
0xb7: {  	v1 =	vperm.xlane v0, v2;
	_ =	sdelay $0x1  }
0xb8: {  	v0 =	vperm.xlane v0, v4;
	v1 =	vadd.s32 v3, v1;
	_ =	sdelay $0x1  }
0xb9: {  	v0 =	vadd.s32 v3, v0;
	_ =	sdelay $0x2  }
0xba: {  	[tilespmem:s12], [sflag:$0x2] =	stream.indirect_vreg.gather [hbm4b:s2+s3], $0x80, v1, vm0, $0xb8;
	[tilespmem:$0x1D400] =	vst v63  }
0xbb: {  	_ = 	snop  }
0xbc: {  	[tilespmem:s13], [sflag:$0x2] =	stream.indirect_vreg.gather [hbm4b:s2+s3], $0x80, v0, vm0, $0xb8;
	[tilespmem:$0x1D400] =	vst v63  }
0xbd: {  	v0 =	vld [tilespmem:$0xE0];
	_ =	sdelay $0x4  }
0xbe: {  	v62 =	vshll.u32 v0, $0x1  }
0xbf: {  	v0 =	vand.u32 $0x7, v0;
	v1 =	vand.u32 $0xFFFFFFF0, v62  }
0xc0: {  	v0 =	vor.u32 v0, v1  }
0xc1: {  	v1 =	vperm.xlane v0, v2;
	_ =	sdelay $0x1  }
0xc2: {  	v0 =	vperm.xlane v0, v4;
	v1 =	vadd.s32 v3, v1;
	_ =	sdelay $0x1  }
0xc3: {  	v0 =	vadd.s32 v3, v0;
	_ =	sdelay $0x2  }
0xc4: {  	[tilespmem:s14], [sflag:$0x2] =	stream.indirect_vreg.gather [hbm4b:s2+s3], $0x80, v1, vm0, $0xb8;
	[tilespmem:$0x1D400] =	vst v63  }
0xc5: {  	_ = 	snop  }
0xc6: {  	[tilespmem:s15], [sflag:$0x2] =	stream.indirect_vreg.gather [hbm4b:s2+s3], $0x80, v0, vm0, $0xb8;
	[tilespmem:$0x1D400] =	vst v63  }
0xc7: {  	v0 =	vld [tilespmem:$0xF0];
	_ =	sdelay $0x4  }
0xc8: {  	v63 =	vshll.u32 v0, $0x1  }
0xc9: {  	v0 =	vand.u32 $0x7, v0;
	v1 =	vand.u32 $0xFFFFFFF0, v63  }
0xca: {  	v0 =	vor.u32 v0, v1  }
0xcb: {  	v1 =	vperm.xlane v0, v2;
	_ =	sdelay $0x1  }
0xcc: {  	v0 =	vperm.xlane v0, v4;
	v1 =	vadd.s32 v3, v1;
	_ =	sdelay $0x1  }
0xcd: {  	v0 =	vadd.s32 v3, v0;
	_ =	sdelay $0x2  }
0xce: {  	[tilespmem:s16], [sflag:$0x2] =	stream.indirect_vreg.gather [hbm4b:s2+s3], $0x80, v1, vm0, $0xb8;
	[tilespmem:$0x1D400] =	vst v63  }
0xcf: {  	s22 =	simm.s32 $0x0  }
0xd0: {  	[tilespmem:s17], [sflag:$0x2] =	stream.indirect_vreg.gather [hbm4b:s2+s3], $0x80, v0, vm0, $0xb8;
	[tilespmem:$0x1D400] =	vst v63  }
.LBB2_2:
0xd1: {  	_ =	swait.ge [sflag:s18], $0x8000  }
0xd2: {  	p0 =	seq.s32 s22, $0x0;
	s23 =	sshll.u32 s22, $0xA;
	[sflag:s18] =	ssyncset.done $0x0  }
0xd3: {  	s25 =	simm.s32 @!p0 $0x3;
	s23 =	sshrl.u32 s23, $0x2;
	[sflag:s18] =	ssyncadd.s32 $0xFFFF8000  }
0xd4: {  	s26 =	sadd.s32 $0x6200, s23;
	_ =	swait.ge @!p0 [sflag:s25], $0x800  }
0xd5: {  	v0 =	vmov s26;
	[sflag:s25] =	ssyncset.done @!p0 $0x0  }
0xd6: {  	s24 =	sshll.u32 s22, $0x1;
	[tilespmem:$0x1FFC0] =	vst v0;
	[sflag:s25] =	ssyncadd.s32 @!p0 $0xFFFFF800;
	s25 =	simm.s32 $0x0  }
.LBB2_3:
0xd7: {  	v0 =	vld [tilespmem:$0x1FFC0];
	_ =	sdelay $0x5  }
0xd8: {  	s26 =	sshll.u32 s25, $0x4  }
0xd9: {  	s28 =	sshll.u32 s25, $0xC;
	s26 =	sand.u32 $0x3FFFFFF0, s26  }
0xda: {  	v26 =	vld.idx.msk [tilespmem:v0+s26+$0x0 ss:$0x1], $0xffff;
	s26 =	sand.u32 $0x3FFFF000, s28  }
0xdb: {  	v58 =	vld [tilespmem:s26+$0xC9C0];
	_ =	sdelay $0x4  }
0xdc: {  	[tilespmem:$0x1FAD0] =	vst v58;
	v58 =	vld [tilespmem:s26+$0xC9D0];
	_ =	sdelay $0x4  }
0xdd: {  	[tilespmem:$0x1FAE0] =	vst v58;
	v58 =	vld [tilespmem:s26+$0xC9E0];
	_ =	sdelay $0x4  }
0xde: {  	[tilespmem:$0x1FAF0] =	vst v58;
	v58 =	vld [tilespmem:s26+$0xC9F0];
	_ =	sdelay $0x4  }
0xdf: {  	[tilespmem:$0x1FB00] =	vst v58;
	v58 =	vld [tilespmem:s26+$0xC600];
	_ =	sdelay $0x4  }
0xe0: {  	[tilespmem:$0x1FB10] =	vst v58;
	v58 =	vld [tilespmem:s26+$0xC610];
	_ =	sdelay $0x4  }
0xe1: {  	[tilespmem:$0x1FB20] =	vst v58;
	v58 =	vld [tilespmem:s26+$0xC620];
	_ =	sdelay $0x4  }
0xe2: {  	[tilespmem:$0x1FB30] =	vst v58;
	v58 =	vld [tilespmem:s26+$0xC630];
	_ =	sdelay $0x4  }
0xe3: {  	[tilespmem:$0x1FB40] =	vst v58;
	v58 =	vld [tilespmem:s26+$0xC640];
	_ =	sdelay $0x4  }
0xe4: {  	[tilespmem:$0x1FB50] =	vst v58;
	v58 =	vld [tilespmem:s26+$0xC650];
	_ =	sdelay $0x4  }
0xe5: {  	[tilespmem:$0x1FB60] =	vst v58;
	v58 =	vld [tilespmem:s26+$0xC660];
	_ =	sdelay $0x4  }
0xe6: {  	[tilespmem:$0x1FB70] =	vst v58;
	v58 =	vld [tilespmem:s26+$0xC670];
	_ =	sdelay $0x4  }
0xe7: {  	[tilespmem:$0x1FB80] =	vst v58;
	v58 =	vld [tilespmem:s26+$0xCA00];
	_ =	sdelay $0x4  }
0xe8: {  	[tilespmem:$0x1FB90] =	vst v58;
	v58 =	vld [tilespmem:s26+$0xCA10];
	_ =	sdelay $0x4  }
0xe9: {  	[tilespmem:$0x1FBA0] =	vst v58;
	v58 =	vld [tilespmem:s26+$0xCA20];
	_ =	sdelay $0x4  }
0xea: {  	[tilespmem:$0x1FBB0] =	vst v58;
	v58 =	vld [tilespmem:s26+$0xCA30];
	_ =	sdelay $0x4  }
0xeb: {  	[tilespmem:$0x1FBC0] =	vst v58;
	v58 =	vld [tilespmem:s26+$0xCA40];
	_ =	sdelay $0x4  }
0xec: {  	[tilespmem:$0x1FBD0] =	vst v58;
	v58 =	vld [tilespmem:s26+$0xCA50];
	_ =	sdelay $0x4  }
0xed: {  	[tilespmem:$0x1FBE0] =	vst v58;
	v58 =	vld [tilespmem:s26+$0xCA60];
	_ =	sdelay $0x3  }
0xee: {  	v3 =	vld [tilespmem:s26+$0xC400]  }
0xef: {  	[tilespmem:$0x1FBF0] =	vst v58;
	v58 =	vld [tilespmem:s26+$0xCA70]  }
0xf0: {  	v5 =	vld [tilespmem:s26+$0xC410]  }
0xf1: {  	v11 =	vld [tilespmem:s26+$0xC420]  }
0xf2: {  	v10 =	vld [tilespmem:s26+$0xC430]  }
0xf3: {  	v12 =	vld [tilespmem:s26+$0xC440]  }
0xf4: {  	[tilespmem:$0x1FC00] =	vst v58;
	v58 =	vld [tilespmem:s26+$0xC680]  }
0xf5: {  	v18 =	vld [tilespmem:s26+$0xC450]  }
0xf6: {  	v17 =	vld [tilespmem:s26+$0xC460]  }
0xf7: {  	v19 =	vld [tilespmem:s26+$0xC470]  }
0xf8: {  	v20 =	vld [tilespmem:s26+$0xC800]  }
0xf9: {  	[tilespmem:$0x1FC10] =	vst v58;
	v58 =	vld [tilespmem:s26+$0xC690]  }
0xfa: {  	v4 =	vld [tilespmem:s26+$0xC810]  }
0xfb: {  	v27 =	vld [tilespmem:s26+$0xC820]  }
0xfc: {  	v30 =	vld [tilespmem:s26+$0xC830]  }
0xfd: {  	v35 =	vld [tilespmem:s26+$0xC840]  }
0xfe: {  	[tilespmem:$0x1FC20] =	vst v58;
	v58 =	vld [tilespmem:s26+$0xC6A0]  }
0xff: {  	v32 =	vld [tilespmem:s26+$0xC850]  }
0x100: {  	v33 =	vld [tilespmem:s26+$0xC860]  }
0x101: {  	v36 =	vld [tilespmem:s26+$0xC870]  }
0x102: {  	v2 =	vld [tilespmem:s26+$0xC480]  }
0x103: {  	[tilespmem:$0x1FC30] =	vst v58;
	v58 =	vld [tilespmem:s26+$0xC6B0]  }
0x104: {  	v6 =	vld [tilespmem:s26+$0xC490]  }
0x105: {  	v7 =	vld [tilespmem:s26+$0xC4A0]  }
0x106: {  	v8 =	vld [tilespmem:s26+$0xC4B0]  }
0x107: {  	v9 =	vld [tilespmem:s26+$0xC4C0]  }
0x108: {  	[tilespmem:$0x1FC40] =	vst v58;
	v58 =	vld [tilespmem:s26+$0xC6C0]  }
0x109: {  	v13 =	vld [tilespmem:s26+$0xC4D0]  }
0x10a: {  	v14 =	vld [tilespmem:s26+$0xC4E0]  }
0x10b: {  	v15 =	vld [tilespmem:s26+$0xC4F0]  }
0x10c: {  	v16 =	vld [tilespmem:s26+$0xC880]  }
0x10d: {  	[tilespmem:$0x1FC50] =	vst v58;
	v58 =	vld [tilespmem:s26+$0xC6D0]  }
0x10e: {  	v21 =	vld [tilespmem:s26+$0xC890]  }
0x10f: {  	v22 =	vld [tilespmem:s26+$0xC8A0]  }
0x110: {  	v38 =	vld [tilespmem:s26+$0xC8B0]  }
0x111: {  	v23 =	vld [tilespmem:s26+$0xC8C0]  }
0x112: {  	[tilespmem:$0x1FC60] =	vst v58;
	v58 =	vld [tilespmem:s26+$0xC6E0]  }
0x113: {  	v24 =	vld [tilespmem:s26+$0xC8D0]  }
0x114: {  	v37 =	vld [tilespmem:s26+$0xC8E0]  }
0x115: {  	v39 =	vld [tilespmem:s26+$0xC8F0]  }
0x116: {  	v43 =	vld [tilespmem:s26+$0xC500]  }
0x117: {  	[tilespmem:$0x1FC70] =	vst v58;
	v58 =	vld [tilespmem:s26+$0xC6F0]  }
0x118: {  	v25 =	vld [tilespmem:s26+$0xC510]  }
0x119: {  	v44 =	vld [tilespmem:s26+$0xC520]  }
0x11a: {  	v48 =	vld [tilespmem:s26+$0xC530]  }
0x11b: {  	v49 =	vld [tilespmem:s26+$0xC540]  }
0x11c: {  	[tilespmem:$0x1FC80] =	vst v58;
	v58 =	vld [tilespmem:s26+$0xCA80]  }
0x11d: {  	v28 =	vld [tilespmem:s26+$0xC550]  }
0x11e: {  	v50 =	vld [tilespmem:s26+$0xC560]  }
0x11f: {  	v29 =	vld [tilespmem:s26+$0xC570]  }
0x120: {  	v51 =	vld [tilespmem:s26+$0xC900]  }
0x121: {  	[tilespmem:$0x1FC90] =	vst v58;
	v58 =	vld [tilespmem:s26+$0xCAA0]  }
0x122: {  	v53 =	vld [tilespmem:s26+$0xC910]  }
0x123: {  	v54 =	vld [tilespmem:s26+$0xC920]  }
0x124: {  	v31 =	vld [tilespmem:s26+$0xC930]  }
0x125: {  	v59 =	vld [tilespmem:s26+$0xC940]  }
0x126: {  	[tilespmem:$0x1FCB0] =	vst v58;
	v58 =	vld [tilespmem:s26+$0xCAB0]  }
0x127: {  	v34 =	vld [tilespmem:s26+$0xC950]  }
0x128: {  	v1 =	vld [tilespmem:s26+$0xCA90]  }
0x129: {  	v60 =	vld [tilespmem:s26+$0xC960]  }
0x12a: {  	v61 =	vld [tilespmem:s26+$0xC970]  }
0x12b: {  	[tilespmem:$0x1FCC0] =	vst v58;
	v58 =	vld [tilespmem:s26+$0xCAC0]  }
0x12c: {  	v62 =	vld [tilespmem:s26+$0xC580];
	v0 =	vbroadcast v26, $0x0  }
0x12d: {  	v63 =	vld [tilespmem:s26+$0xC590];
	[tilespmem:$0x1FCA0] =	vst v1;
	v1 =	vbroadcast v26, $0x1  }
0x12e: {  	v40 =	vld [tilespmem:s26+$0xC5A0];
	v3 =	vmul.f32 v3, v0;
	v5 =	vmul.f32 v5, v0  }
0x12f: {  	v41 =	vld [tilespmem:s26+$0xC5B0];
	v2 =	vmul.f32 v2, v1  }
0x130: {  	v6 =	vmul.f32 v6, v1;
	v3 =	vadd.f32 $0.0e+00, v3;
	v5 =	vadd.f32 $0.0e+00, v5;
	[tilespmem:$0x1FCD0] =	vst v58;
	v58 =	vld [tilespmem:s26+$0xCAD0]  }
0x131: {  	v42 =	vld [tilespmem:s26+$0xC5C0]  }
0x132: {  	v2 =	vadd.f32 v2, v3;
	v3 =	vadd.f32 v6, v5;
	v5 =	vmul.f32 v12, v0;
	v12 =	vld [tilespmem:s26+$0xC700]  }
0x133: {  	v45 =	vld [tilespmem:s26+$0xC5D0]  }
0x134: {  	v46 =	vld [tilespmem:s26+$0xC5E0]  }
0x135: {  	[tilespmem:$0x1FCE0] =	vst v58;
	v58 =	vld [tilespmem:s26+$0xCAE0]  }
0x136: {  	v47 =	vld [tilespmem:s26+$0xC5F0];
	v10 =	vmul.f32 v10, v0  }
0x137: {  	v11 =	vmul.f32 v11, v0;
	[tilespmem:$0x1FD10] =	vst v12;
	v12 =	vld [tilespmem:s26+$0xC720]  }
0x138: {  	v52 =	vld [tilespmem:s26+$0xC980];
	v17 =	vmul.f32 v17, v0;
	v8 =	vmul.f32 v8, v1;
	v10 =	vadd.f32 $0.0e+00, v10  }
0x139: {  	v56 =	vld [tilespmem:s26+$0xC990];
	v7 =	vmul.f32 v7, v1;
	v6 =	vadd.f32 $0.0e+00, v11  }
0x13a: {  	v8 =	vadd.f32 v8, v10;
	v10 =	vadd.f32 $0.0e+00, v17;
	v17 =	vmul.f32 v20, v0;
	[tilespmem:$0x1FCF0] =	vst v58;
	v58 =	vld [tilespmem:s26+$0xCAF0]  }
0x13b: {  	v6 =	vadd.f32 v7, v6;
	v7 =	vmul.f32 v18, v0;
	v18 =	vld [tilespmem:s26+$0xC730]  }
0x13c: {  	v20 =	vmul.f32 v16, v1;
	v11 =	vadd.f32 $0.0e+00, v17;
	[tilespmem:$0x1FD30] =	vst v12;
	v12 =	vld [tilespmem:s26+$0xC740]  }
0x13d: {  	v55 =	vld [tilespmem:s26+$0xC9A0]  }
0x13e: {  	v11 =	vadd.f32 v20, v11;
	v20 =	vmul.f32 v27, v0;
	v27 =	vld [tilespmem:s26+$0xCB10]  }
0x13f: {  	[tilespmem:$0x1FD00] =	vst v58;
	v58 =	vld [tilespmem:s26+$0xC710]  }
0x140: {  	v57 =	vld [tilespmem:s26+$0xC9B0];
	[tilespmem:$0x1FD40] =	vst v18  }
0x141: {  	v18 =	vld [tilespmem:s26+$0xC750];
	[tilespmem:$0x1FD50] =	vst v12;
	v12 =	vmul.f32 v13, v1;
	v13 =	vmul.f32 v14, v1  }
0x142: {  	v9 =	vmul.f32 v9, v1;
	v16 =	vmul.f32 v32, v0;
	v32 =	vld [tilespmem:s26+$0xCB60]  }
0x143: {  	v5 =	vadd.f32 $0.0e+00, v5;
	v17 =	vmul.f32 v33, v0;
	v33 =	vld [tilespmem:s26+$0xCB70];
	[tilespmem:$0x1FDA0] =	vst v27;
	v10 =	vadd.f32 v13, v10  }
0x144: {  	v27 =	vld [tilespmem:s26+$0xCB30];
	v13 =	vadd.f32 $0.0e+00, v20;
	v20 =	vbroadcast v26, $0x2;
	[tilespmem:$0x1FD20] =	vst v58;
	v58 =	vmul.f32 v19, v0  }
0x145: {  	v30 =	vmul.f32 v30, v0;
	v5 =	vadd.f32 v9, v5;
	v19 =	vld [tilespmem:s26+$0xC760]  }
0x146: {  	[tilespmem:$0x1FD60] =	vst v18;
	v18 =	vmul.f32 v4, v0;
	v48 =	vmul.f32 v48, v20;
	v9 =	vadd.f32 $0.0e+00, v58;
	v58 =	vld [tilespmem:s26+$0xC770]  }
0x147: {  	v4 =	vmul.f32 v23, v1;
	v23 =	vld [tilespmem:s26+$0xC790];
	v25 =	vmul.f32 v25, v20  }
0x148: {  	v7 =	vadd.f32 $0.0e+00, v7;
	v14 =	vmul.f32 v15, v1;
	v8 =	vadd.f32 v48, v8;
	v48 =	vld [tilespmem:s26+$0xCB80]  }
0x149: {  	v3 =	vadd.f32 v25, v3;
	v25 =	vmul.f32 v50, v20;
	v50 =	vmul.f32 v31, v20;
	v31 =	vld [tilespmem:s26+$0xCBF0]  }
0x14a: {  	v7 =	vadd.f32 v12, v7;
	[tilespmem:$0x1FD70] =	vst v19;
	v19 =	vld [tilespmem:s26+$0xCB00]  }
0x14b: {  	v9 =	vadd.f32 v14, v9;
	v14 =	vadd.f32 $0.0e+00, v30;
	v30 =	vld [tilespmem:s26+$0xCB40];
	[tilespmem:$0x1FD80] =	vst v58;
	v58 =	vmul.f32 v35, v0  }
0x14c: {  	v12 =	vadd.f32 $0.0e+00, v18;
	v18 =	vmul.f32 v21, v1;
	v35 =	vld [tilespmem:s26+$0xCB20];
	v0 =	vmul.f32 v36, v0  }
0x14d: {  	v36 =	vld [tilespmem:s26+$0xC7A0];
	v15 =	vadd.f32 $0.0e+00, v58;
	v58 =	vmul.f32 v38, v1;
	v38 =	vmul.f32 v24, v1  }
0x14e: {  	v16 =	vadd.f32 $0.0e+00, v16;
	v24 =	vmul.f32 v43, v20;
	v43 =	vmul.f32 v44, v20;
	v44 =	vld [tilespmem:s26+$0xC7B0]  }
0x14f: {  	v17 =	vadd.f32 $0.0e+00, v17;
	v12 =	vadd.f32 v18, v12;
	[tilespmem:$0x1FD90] =	vst v19;
	v19 =	vmul.f32 v22, v1;
	v22 =	vld [tilespmem:s26+$0xC780]  }
0x150: {  	v0 =	vadd.f32 $0.0e+00, v0;
	v14 =	vadd.f32 v58, v14;
	v58 =	vmul.f32 v37, v1;
	v37 =	vld [tilespmem:s26+$0xC7C0]  }
0x151: {  	v15 =	vadd.f32 v4, v15;
	v1 =	vmul.f32 v39, v1;
	v16 =	vadd.f32 v38, v16;
	v38 =	vld [tilespmem:s26+$0xC7D0]  }
0x152: {  	v2 =	vadd.f32 v24, v2;
	v24 =	vmul.f32 v28, v20;
	v28 =	vmul.f32 v29, v20;
	v39 =	vld [tilespmem:s26+$0xC7E0]  }
0x153: {  	v29 =	vmul.f32 v51, v20;
	v51 =	vld [tilespmem:s26+$0xCB90];
	v13 =	vadd.f32 v19, v13;
	v17 =	vadd.f32 v58, v17  }
0x154: {  	[tilespmem:$0x1FDB0] =	vst v35;
	v35 =	vld [tilespmem:s26+$0xCB50];
	v0 =	vadd.f32 v1, v0;
	v1 =	vadd.f32 v43, v6  }
0x155: {  	v58 =	vmul.f32 v49, v20;
	v6 =	vadd.f32 v24, v7;
	v43 =	vld [tilespmem:s26+$0xC7F0];
	v49 =	vmul.f32 v54, v20  }
0x156: {  	v7 =	vadd.f32 v29, v11;
	v19 =	vadd.f32 v50, v14;
	v50 =	vld [tilespmem:s26+$0xCBD0];
	[tilespmem:$0x1FDE0] =	vst v44;
	v44 =	vmul.f32 v53, v20  }
0x157: {  	v54 =	vmul.f32 v34, v20;
	v53 =	vmul.f32 v59, v20;
	v11 =	vadd.f32 v49, v13;
	v49 =	vld [tilespmem:s26+$0xCBC0]  }
0x158: {  	v59 =	vmul.f32 v61, v20;
	[tilespmem:$0x1FDC0] =	vst v22;
	v22 =	vbroadcast v26, $0x3;
	v12 =	vadd.f32 v44, v12;
	v44 =	vld [tilespmem:s26+$0xCBB0]  }
0x159: {  	[tilespmem:$0x1FDD0] =	vst v23;
	v5 =	vadd.f32 v58, v5;
	v58 =	vmul.f32 v60, v20;
	v23 =	vadd.f32 v53, v15;
	v53 =	vld [tilespmem:s26+$0xCC30]  }
0x15a: {  	v60 =	vmul.f32 v62, v22;
	v61 =	vmul.f32 v63, v22;
	v63 =	vld [tilespmem:s26+$0xCBE0]  }
0x15b: {  	v62 =	vmul.f32 v40, v22;
	v14 =	vmul.f32 v41, v22;
	v40 =	vld [tilespmem:s26+$0xCC00]  }
0x15c: {  	v15 =	vmul.f32 v42, v22;
	v34 =	vmul.f32 v45, v22;
	v42 =	vld [tilespmem:s26+$0xCC10]  }
0x15d: {  	v41 =	vmul.f32 v46, v22;
	v45 =	vmul.f32 v47, v22;
	v47 =	vld [tilespmem:s26+$0xCC20]  }
0x15e: {  	v46 =	vmul.f32 v52, v22;
	v52 =	vmul.f32 v55, v22;
	v55 =	vld [tilespmem:s26+$0xCC40]  }
0x15f: {  	[tilespmem:$0x1FE00] =	vst v51;
	v51 =	vmul.f32 v56, v22;
	v56 =	vld [tilespmem:$0x1FAD0]  }
0x160: {  	v13 =	vadd.f32 v58, v17;
	v58 =	vld [tilespmem:s26+$0xCC50]  }
0x161: {  	v17 =	vadd.f32 v59, v0;
	v59 =	vld [tilespmem:$0x1FAE0]  }
0x162: {  	[tilespmem:$0x1FDF0] =	vst v43;
	v43 =	vld [tilespmem:s26+$0xCBA0]  }
0x163: {  	v10 =	vadd.f32 v25, v10;
	v24 =	vadd.f32 v61, v3;
	v61 =	vld [tilespmem:s26+$0xCC60]  }
0x164: {  	v16 =	vadd.f32 v54, v16;
	v54 =	vmul.f32 v57, v22;
	v25 =	vadd.f32 v62, v1;
	v62 =	vld [tilespmem:$0x1FAF0]  }
0x165: {  	v21 =	vadd.f32 v15, v5;
	v15 =	vld [tilespmem:$0x1FB00]  }
0x166: {  	v19 =	vadd.f32 v54, v19;
	v54 =	vld [tilespmem:$0x1FB20]  }
0x167: {  	v5 =	vld [tilespmem:$0x1FB60]  }
0x168: {  	v29 =	vadd.f32 v34, v6;
	v34 =	vadd.f32 v46, v7;
	v7 =	vld [tilespmem:s26+$0xD030]  }
0x169: {  	v18 =	vadd.f32 v28, v9;
	v28 =	vadd.f32 v14, v8;
	v8 =	vld [tilespmem:$0x1FB70]  }
0x16a: {  	[tilespmem:$0x1FE20] =	vst v31;
	v31 =	vadd.f32 v41, v10;
	v10 =	vld [tilespmem:$0x1FB80]  }
0x16b: {  	[tilespmem:$0x1FE30] =	vst v40;
	v40 =	vadd.f32 v51, v12;
	v51 =	vld [tilespmem:s26+$0xCC70]  }
0x16c: {  	[tilespmem:$0x1FE40] =	vst v42;
	v42 =	vadd.f32 v52, v11;
	v52 =	vld [tilespmem:$0x1FB10]  }
0x16d: {  	v57 =	vmul.f32 v56, v22;
	v56 =	vld [tilespmem:s26+$0xD000]  }
0x16e: {  	v20 =	vadd.f32 v60, v2;
	v60 =	vmul.f32 v59, v22;
	v59 =	vld [tilespmem:s26+$0xD010]  }
0x16f: {  	v12 =	vld [tilespmem:s26+$0xD040]  }
0x170: {  	[tilespmem:$0x1FE50] =	vst v47;
	v47 =	vld [tilespmem:s26+$0xD060]  }
0x171: {  	v23 =	vadd.f32 v57, v23;
	v57 =	vld [tilespmem:$0x1FB30]  }
0x172: {  	[tilespmem:$0x1FE10] =	vst v63;
	v63 =	vmul.f32 v62, v22;
	v41 =	vmul.f32 v15, v22;
	v22 =	vadd.f32 v60, v16;
	v60 =	vld [tilespmem:$0x1FB40]  }
0x173: {  	v18 =	vadd.f32 v45, v18;
	v45 =	vbroadcast v26, $0x4;
	v62 =	vld [tilespmem:s26+$0xD020]  }
0x174: {  	v15 =	vld [tilespmem:s26+$0xD050]  }
0x175: {  	v6 =	vmul.f32 v5, v45;
	v5 =	vld [tilespmem:$0x1FBF0]  }
0x176: {  	[tilespmem:$0x1FEE0] =	vst v7;
	v7 =	vld [tilespmem:s26+$0xCC90]  }
0x177: {  	v9 =	vmul.f32 v8, v45;
	v8 =	vld [tilespmem:$0x1FC00]  }
0x178: {  	v11 =	vmul.f32 v10, v45;
	v10 =	vld [tilespmem:s26+$0xCCA0]  }
0x179: {  	v16 =	vld [tilespmem:s26+$0xD090]  }
0x17a: {  	[tilespmem:$0x1FE70] =	vst v55;
	v55 =	vmul.f32 v54, v45;
	v46 =	vadd.f32 v63, v13;
	v63 =	vld [tilespmem:$0x1FB50]  }
0x17b: {  	[tilespmem:$0x1FE60] =	vst v53;
	v13 =	vld [tilespmem:$0x1FB90]  }
0x17c: {  	[tilespmem:$0x1FE80] =	vst v58;
	v24 =	vadd.f32 v55, v24;
	v55 =	vadd.f32 v9, v31;
	v31 =	vld [tilespmem:$0x1FBA0]  }
0x17d: {  	[tilespmem:$0x1FEA0] =	vst v51;
	v51 =	vld [tilespmem:$0x1FBB0]  }
0x17e: {  	v53 =	vmul.f32 v52, v45;
	[tilespmem:$0x1FEC0] =	vst v59;
	v59 =	vld [tilespmem:$0x1FBD0]  }
0x17f: {  	[tilespmem:$0x1FF10] =	vst v47;
	v47 =	vld [tilespmem:$0x1FC60]  }
0x180: {  	[tilespmem:$0x1FE90] =	vst v61;
	v58 =	vmul.f32 v57, v45;
	v20 =	vadd.f32 v53, v20;
	v53 =	vld [tilespmem:$0x1FBC0]  }
0x181: {  	v61 =	vmul.f32 v60, v45;
	[tilespmem:$0x1FF40] =	vst v7;
	v7 =	vld [tilespmem:$0x1FC80]  }
0x182: {  	v25 =	vadd.f32 v58, v25;
	v58 =	vld [tilespmem:s26+$0xD070]  }
0x183: {  	v28 =	vadd.f32 v61, v28;
	v61 =	vld [tilespmem:$0x1FBE0]  }
0x184: {  	v17 =	vadd.f32 v41, v17;
	v9 =	vmul.f32 v8, v45;
	v4 =	vmul.f32 v63, v45;
	v63 =	vld [tilespmem:s26+$0xCC80]  }
0x185: {  	v0 =	vbroadcast v26, $0x5;
	v14 =	vmul.f32 v13, v45;
	v13 =	vld [tilespmem:s26+$0xCCB0]  }
0x186: {  	v9 =	vadd.f32 v9, v17;
	v17 =	vld [tilespmem:$0x1FC30]  }
0x187: {  	v52 =	vmul.f32 v51, v45;
	v51 =	vmul.f32 v47, v0;
	v47 =	vld [tilespmem:$0x1FD30]  }
0x188: {  	v21 =	vadd.f32 v4, v21;
	v4 =	vadd.f32 v11, v18;
	v11 =	vld [tilespmem:$0x1FC10]  }
0x189: {  	[tilespmem:$0x1FEB0] =	vst v56;
	v41 =	vmul.f32 v31, v45;
	v56 =	vadd.f32 v14, v34;
	v14 =	vld [tilespmem:$0x1FC20]  }
0x18a: {  	v34 =	vld [tilespmem:$0x1FC40]  }
0x18b: {  	v57 =	vadd.f32 v41, v40;
	v40 =	vld [tilespmem:$0x1FC50]  }
0x18c: {  	v60 =	vmul.f32 v59, v45;
	v41 =	vld [tilespmem:s26+$0xCCD0]  }
0x18d: {  	v54 =	vmul.f32 v53, v45;
	v53 =	vld [tilespmem:s26+$0xCCE0]  }
0x18e: {  	v42 =	vadd.f32 v52, v42;
	v52 =	vadd.f32 v60, v23;
	v60 =	vld [tilespmem:s26+$0xD0D0]  }
0x18f: {  	v29 =	vadd.f32 v6, v29;
	v6 =	vmul.f32 v5, v45;
	[tilespmem:$0x1FF30] =	vst v63;
	v63 =	vld [tilespmem:s26+$0xCCC0]  }
0x190: {  	v19 =	vadd.f32 v54, v19;
	v54 =	vld [tilespmem:$0x1FC70]  }
0x191: {  	[tilespmem:$0x1FF20] =	vst v58;
	v58 =	vadd.f32 v6, v46;
	v6 =	vld [tilespmem:s26+$0xCCF0]  }
0x192: {  	v31 =	vmul.f32 v17, v0;
	v17 =	vld [tilespmem:$0x1FCC0]  }
0x193: {  	[tilespmem:$0x1FED0] =	vst v62;
	v62 =	vmul.f32 v61, v45;
	v61 =	vld [tilespmem:s26+$0xD0C0]  }
0x194: {  	[tilespmem:$0x1FEF0] =	vst v12;
	v12 =	vmul.f32 v11, v0;
	v11 =	vld [tilespmem:$0x1FC90]  }
0x195: {  	v22 =	vadd.f32 v62, v22;
	v62 =	vld [tilespmem:s26+$0xD080]  }
0x196: {  	v25 =	vadd.f32 v31, v25;
	v31 =	vld [tilespmem:$0x1FCF0]  }
0x197: {  	v1 =	vmul.f32 v34, v0;
	v34 =	vld [tilespmem:$0x1FD00]  }
0x198: {  	[tilespmem:$0x1FF00] =	vst v15;
	v2 =	vmul.f32 v40, v0;
	v40 =	vld [tilespmem:$0x1FD10]  }
0x199: {  	v15 =	vmul.f32 v14, v0;
	[tilespmem:$0x1FF80] =	vst v53;
	v53 =	vld [tilespmem:s26+$0xCD30]  }
0x19a: {  	v46 =	vadd.f32 v12, v20;
	v12 =	vld [tilespmem:$0x1FCA0]  }
0x19b: {  	v5 =	vadd.f32 v15, v24;
	v15 =	vld [tilespmem:$0x1FCB0]  }
0x19c: {  	v20 =	vld [tilespmem:$0x1FCD0]  }
0x19d: {  	v24 =	vld [tilespmem:s26+$0xD0B0]  }
0x19e: {  	v8 =	vadd.f32 v1, v28;
	v28 =	vld [tilespmem:$0x1FCE0];
	v59 =	vmul.f32 v54, v0  }
0x19f: {  	v18 =	vmul.f32 v17, v0;
	v54 =	vld [tilespmem:s26+$0xCD00]  }
0x1a0: {  	v55 =	vadd.f32 v59, v55;
	v59 =	vld [tilespmem:s26+$0xD0A0]  }
0x1a1: {  	[tilespmem:$0x1FF50] =	vst v10;
	v17 =	vadd.f32 v18, v19;
	v19 =	vld [tilespmem:$0x1FD40]  }
0x1a2: {  	v10 =	vmul.f32 v7, v0;
	v14 =	vadd.f32 v2, v21;
	v2 =	vmul.f32 v15, v0;
	[tilespmem:$0x1FFB0] =	vst v24;
	v24 =	vld [tilespmem:$0x1FD60]  }
0x1a3: {  	v45 =	vadd.f32 v51, v29;
	v1 =	vmul.f32 v11, v0;
	v29 =	vmul.f32 v28, v0;
	v28 =	vld [tilespmem:$0x1FD70]  }
0x1a4: {  	[tilespmem:$0x1FF60] =	vst v13;
	v4 =	vadd.f32 v10, v4;
	v13 =	vmul.f32 v12, v0;
	v15 =	vadd.f32 v2, v42;
	v42 =	vld [tilespmem:$0x1FD20]  }
0x1a5: {  	v10 =	vadd.f32 v1, v56;
	v1 =	vbroadcast v26, $0x6;
	v11 =	vadd.f32 v29, v22;
	v22 =	vld [tilespmem:$0x1FD50]  }
0x1a6: {  	v23 =	vmul.f32 v20, v0;
	v2 =	vmul.f32 v31, v0;
	v31 =	vld [tilespmem:$0x1FD80]  }
0x1a7: {  	[tilespmem:$0x1FF70] =	vst v41;
	v21 =	vadd.f32 v13, v57;
	v0 =	vmul.f32 v34, v0;
	v41 =	vmul.f32 v40, v1;
	v34 =	vld [tilespmem:$0x1FD90]  }
0x1a8: {  	v13 =	vadd.f32 v23, v52;
	v51 =	vmul.f32 v47, v1;
	v47 =	vld [tilespmem:$0x1FDB0];
	v35 =	vmul.f32 v35, v1  }
0x1a9: {  	[tilespmem:$0x1FF90] =	vst v6;
	v56 =	vld [tilespmem:s26+$0xD0F0];
	v20 =	vmul.f32 v19, v1;
	v19 =	vmul.f32 v27, v1;
	v6 =	vadd.f32 v2, v58  }
0x1aa: {  	v57 =	vld [tilespmem:s26+$0xD0E0];
	v7 =	vadd.f32 v0, v9;
	v12 =	vadd.f32 v41, v46;
	v23 =	vmul.f32 v22, v1  }
0x1ab: {  	v9 =	vadd.f32 v51, v25;
	v41 =	vld [tilespmem:$0x1FDA0];
	v0 =	vmul.f32 v24, v1;
	v29 =	vmul.f32 v28, v1  }
0x1ac: {  	v3 =	vmul.f32 v42, v1;
	v2 =	vmul.f32 v31, v1;
	v14 =	vadd.f32 v23, v14;
	v23 =	vld [tilespmem:$0x1FDC0]  }
0x1ad: {  	v52 =	vld [tilespmem:s26+$0xCD20];
	v11 =	vadd.f32 v35, v11;
	v40 =	vmul.f32 v34, v1;
	v18 =	vmul.f32 v47, v1  }
0x1ae: {  	[tilespmem:$0x1FFA0] =	vst v16;
	v25 =	vld [tilespmem:$0x1FDD0];
	v22 =	vmul.f32 v32, v1;
	v16 =	vadd.f32 v3, v5;
	v5 =	vadd.f32 v20, v8  }
0x1af: {  	v3 =	vadd.f32 v0, v45;
	v8 =	vadd.f32 v29, v55;
	v0 =	vbroadcast v26, $0x7;
	v29 =	vld [tilespmem:$0x1FDE0]  }
0x1b0: {  	v58 =	vld [tilespmem:s26+$0xCD10];
	v4 =	vadd.f32 v2, v4;
	v42 =	vmul.f32 v41, v1;
	v10 =	vadd.f32 v40, v10  }
0x1b1: {  	v20 =	vmul.f32 v30, v1;
	v15 =	vadd.f32 v18, v15;
	v24 =	vmul.f32 v23, v0;
	v23 =	vld [tilespmem:$0x1FE00]  }
0x1b2: {  	v34 =	vld [tilespmem:$0x1FDF0];
	v2 =	vadd.f32 v19, v17;
	v1 =	vmul.f32 v33, v1;
	v19 =	vadd.f32 v22, v6  }
0x1b3: {  	v51 =	vld [tilespmem:s26+$0xCD40];
	v21 =	vadd.f32 v42, v21;
	v27 =	vmul.f32 v25, v0;
	v33 =	vmul.f32 v39, v0  }
0x1b4: {  	v46 =	vld [tilespmem:s26+$0xCD60];
	v13 =	vadd.f32 v20, v13;
	v28 =	vmul.f32 v36, v0;
	v30 =	vmul.f32 v29, v0  }
0x1b5: {  	v31 =	vmul.f32 v37, v0;
	v32 =	vmul.f32 v38, v0;
	v17 =	vadd.f32 v33, v8;
	v33 =	vld [tilespmem:$0x1FE20]  }
0x1b6: {  	v12 =	vadd.f32 v24, v12;
	v5 =	vadd.f32 v30, v5;
	v30 =	vld [tilespmem:$0x1FE10];
	v24 =	vmul.f32 v23, v0  }
0x1b7: {  	v18 =	vadd.f32 v1, v7;
	v22 =	vmul.f32 v48, v0;
	v35 =	vmul.f32 v34, v0;
	v34 =	vld [tilespmem:$0x1FE30]  }
0x1b8: {  	v25 =	vmul.f32 v43, v0;
	v7 =	vadd.f32 v27, v16;
	v21 =	vadd.f32 v24, v21;
	v24 =	vld [tilespmem:$0x1FE50]  }
0x1b9: {  	v47 =	vld [tilespmem:s26+$0xCD50];
	v16 =	vadd.f32 v28, v9;
	v27 =	vmul.f32 v44, v0;
	v28 =	vmul.f32 v49, v0  }
0x1ba: {  	v41 =	vld [tilespmem:s26+$0xCD70];
	v45 =	vadd.f32 v22, v10;
	v10 =	vbroadcast v26, $0x8;
	v29 =	vmul.f32 v50, v0  }
0x1bb: {  	v40 =	vld [tilespmem:s26+$0xD100];
	v20 =	vadd.f32 v31, v14;
	v31 =	vmul.f32 v30, v0;
	v0 =	vmul.f32 v33, v0  }
0x1bc: {  	v42 =	vld [tilespmem:s26+$0xD110];
	v55 =	vadd.f32 v25, v15  }
0x1bd: {  	v22 =	vld [tilespmem:$0x1FE40];
	v6 =	vmul.f32 v34, v10;
	v18 =	vadd.f32 v0, v18;
	v0 =	vmul.f32 v24, v10  }
0x1be: {  	v36 =	vld [tilespmem:s26+$0xD120];
	v15 =	vadd.f32 v28, v13;
	v13 =	vadd.f32 v29, v11  }
0x1bf: {  	v11 =	vadd.f32 v6, v12;
	v12 =	vadd.f32 v0, v16;
	v16 =	vld [tilespmem:$0x1FE80]  }
0x1c0: {  	v37 =	vld [tilespmem:s26+$0xD130]  }
0x1c1: {  	v38 =	vld [tilespmem:s26+$0xD140]  }
0x1c2: {  	v39 =	vld [tilespmem:s26+$0xD150];
	v1 =	vmul.f32 v22, v10  }
0x1c3: {  	v9 =	vld [tilespmem:$0x1FE70]  }
0x1c4: {  	v48 =	vld [tilespmem:s26+$0xD160];
	v14 =	vadd.f32 v32, v3;
	v22 =	vadd.f32 v1, v7;
	v1 =	vmul.f32 v16, v10  }
0x1c5: {  	v43 =	vld [tilespmem:s26+$0xD170]  }
0x1c6: {  	v6 =	vadd.f32 v1, v14;
	v14 =	vld [tilespmem:$0x1FEB0]  }
0x1c7: {  	v44 =	vld [tilespmem:s26+$0xCD80]  }
0x1c8: {  	v0 =	vmul.f32 v9, v10;
	v9 =	vld [tilespmem:$0x1FEA0]  }
0x1c9: {  	v49 =	vld [tilespmem:s26+$0xCD90]  }
0x1ca: {  	v25 =	vld [tilespmem:$0x1FE60]  }
0x1cb: {  	v24 =	vld [tilespmem:$0x1FE90];
	v16 =	vmul.f32 v14, v10  }
0x1cc: {  	v32 =	vld [tilespmem:s26+$0xCDE0]  }
0x1cd: {  	v23 =	vadd.f32 v27, v2;
	v2 =	vmul.f32 v9, v10;
	v9 =	vadd.f32 v16, v45;
	v16 =	vld [tilespmem:$0x1FEE0]  }
0x1ce: {  	v50 =	vld [tilespmem:s26+$0xCDA0]  }
0x1cf: {  	v4 =	vadd.f32 v35, v4;
	v35 =	vld [tilespmem:s26+$0xCDB0];
	v27 =	vmul.f32 v25, v10  }
0x1d0: {  	v28 =	vld [tilespmem:s26+$0xD1A0];
	v25 =	vmul.f32 v24, v10  }
0x1d1: {  	v8 =	vadd.f32 v27, v5;
	v5 =	vld [tilespmem:$0x1FED0]  }
0x1d2: {  	v7 =	vadd.f32 v25, v17;
	v17 =	vmul.f32 v16, v10;
	v16 =	vld [tilespmem:$0x1FF10]  }
0x1d3: {  	v27 =	vld [tilespmem:$0x1FEF0]  }
0x1d4: {  	v24 =	vld [tilespmem:$0x1FEC0]  }
0x1d5: {  	v14 =	vadd.f32 v2, v4;
	v4 =	vld [tilespmem:$0x1FF00]  }
0x1d6: {  	v20 =	vadd.f32 v0, v20;
	v0 =	vmul.f32 v5, v10;
	v5 =	vadd.f32 v17, v23;
	v17 =	vld [tilespmem:$0x1FF20]  }
0x1d7: {  	v19 =	vadd.f32 v31, v19;
	v23 =	vld [tilespmem:$0x1FF40];
	v2 =	vmul.f32 v16, v10  }
0x1d8: {  	v16 =	vld [tilespmem:$0x1FF50]  }
0x1d9: {  	v1 =	vmul.f32 v27, v10;
	v2 =	vadd.f32 v2, v19;
	v19 =	vld [tilespmem:$0x1FF30]  }
0x1da: {  	v29 =	vld [tilespmem:s26+$0xD190];
	v25 =	vmul.f32 v24, v10;
	v3 =	vmul.f32 v4, v10  }
0x1db: {  	v4 =	vadd.f32 v0, v55;
	v0 =	vbroadcast v26, $0x9;
	v10 =	vmul.f32 v17, v10;
	v17 =	vld [tilespmem:$0x1FF60]  }
0x1dc: {  	v34 =	vld [tilespmem:s26+$0xCDC0]  }
0x1dd: {  	v33 =	vld [tilespmem:s26+$0xCDD0];
	v10 =	vadd.f32 v10, v18;
	v18 =	vmul.f32 v23, v0;
	v23 =	vmul.f32 v16, v0  }
0x1de: {  	v30 =	vld [tilespmem:s26+$0xD180];
	v3 =	vadd.f32 v3, v13;
	v13 =	vmul.f32 v19, v0  }
0x1df: {  	v12 =	vadd.f32 v23, v12;
	v23 =	vld [tilespmem:$0x1FF70]  }
0x1e0: {  	v31 =	vld [tilespmem:s26+$0xCDF0];
	v63 =	vmul.f32 v63, v0;
	v11 =	vadd.f32 v13, v11;
	v13 =	vmul.f32 v17, v0  }
0x1e1: {  	v27 =	vld [tilespmem:s26+$0xD1C0]  }
0x1e2: {  	v8 =	vadd.f32 v13, v8;
	v13 =	vadd.f32 v63, v20;
	v63 =	vld [tilespmem:$0x1FF80]  }
0x1e3: {  	v24 =	vld [tilespmem:s26+$0xD1F0]  }
0x1e4: {  	v15 =	vadd.f32 v1, v15;
	v1 =	vld [tilespmem:s26+$0xCE50];
	v16 =	vmul.f32 v23, v0  }
0x1e5: {  	v21 =	vadd.f32 v25, v21;
	v25 =	vld [tilespmem:s26+$0xD1E0]  }
0x1e6: {  	v62 =	vmul.f32 v62, v0;
	v6 =	vadd.f32 v16, v6;
	v16 =	vld [tilespmem:$0x1FF90]  }
0x1e7: {  	v45 =	vld [tilespmem:s26+$0xD1B0];
	v20 =	vmul.f32 v63, v0  }
0x1e8: {  	v9 =	vadd.f32 v62, v9;
	v62 =	vld [tilespmem:$0x1FFB0]  }
0x1e9: {  	v59 =	vmul.f32 v59, v0;
	v7 =	vadd.f32 v20, v7;
	v20 =	vld [tilespmem:$0x1FFA0]  }
0x1ea: {  	v55 =	vld [tilespmem:s26+$0xD1D0]  }
0x1eb: {  	v4 =	vadd.f32 v59, v4;
	v59 =	vld [tilespmem:s26+$0xCE70];
	v18 =	vadd.f32 v18, v22;
	v22 =	vmul.f32 v16, v0  }
0x1ec: {  	v19 =	vld [tilespmem:s26+$0xCE00]  }
0x1ed: {  	v17 =	vld [tilespmem:s26+$0xCE10];
	v14 =	vadd.f32 v22, v14;
	v22 =	vmul.f32 v62, v0  }
0x1ee: {  	v23 =	vld [tilespmem:s26+$0xCE20];
	v20 =	vmul.f32 v20, v0  }
0x1ef: {  	v63 =	vld [tilespmem:s26+$0xCE30];
	v5 =	vadd.f32 v22, v5;
	v22 =	vmul.f32 v60, v0;
	v60 =	vbroadcast v26, $0xA  }
0x1f0: {  	v16 =	vld [tilespmem:s26+$0xCE40];
	v20 =	vadd.f32 v20, v21  }
0x1f1: {  	v62 =	vld [tilespmem:s26+$0xCE60];
	v21 =	vmul.f32 v61, v0;
	v3 =	vadd.f32 v22, v3;
	v22 =	vmul.f32 v54, v60  }
0x1f2: {  	v61 =	vld [tilespmem:s26+$0xD200];
	v54 =	vmul.f32 v58, v60;
	v58 =	vmul.f32 v52, v60  }
0x1f3: {  	v52 =	vld [tilespmem:s26+$0xD240];
	v47 =	vmul.f32 v47, v60;
	v41 =	vmul.f32 v41, v60  }
0x1f4: {  	v15 =	vadd.f32 v21, v15;
	v21 =	vmul.f32 v57, v0;
	v0 =	vmul.f32 v56, v0;
	v56 =	vld [tilespmem:s26+$0xD210]  }
0x1f5: {  	v43 =	vmul.f32 v43, v60;
	v57 =	vld [tilespmem:s26+$0xD220];
	v11 =	vadd.f32 v22, v11;
	v18 =	vadd.f32 v54, v18  }
0x1f6: {  	v22 =	vmul.f32 v53, v60;
	v53 =	vmul.f32 v46, v60;
	v46 =	vld [tilespmem:s26+$0xD260];
	v6 =	vadd.f32 v47, v6  }
0x1f7: {  	v54 =	vmul.f32 v40, v60;
	v40 =	vld [tilespmem:s26+$0xD270];
	v14 =	vadd.f32 v41, v14;
	v47 =	vmul.f32 v36, v60  }
0x1f8: {  	v41 =	vld [tilespmem:s26+$0xCE80];
	v0 =	vadd.f32 v0, v10;
	v10 =	vadd.f32 v58, v12;
	v58 =	vmul.f32 v51, v60  }
0x1f9: {  	v36 =	vmul.f32 v37, v60;
	v37 =	vld [tilespmem:s26+$0xCE90];
	v2 =	vadd.f32 v21, v2;
	v7 =	vadd.f32 v53, v7  }
0x1fa: {  	v21 =	vld [tilespmem:s26+$0xD230];
	v53 =	vmul.f32 v38, v60;
	v12 =	vadd.f32 v58, v13;
	v58 =	vmul.f32 v42, v60  }
0x1fb: {  	v51 =	vld [tilespmem:s26+$0xD250];
	v9 =	vadd.f32 v54, v9;
	v54 =	vmul.f32 v39, v60;
	v42 =	vbroadcast v26, $0xB  }
0x1fc: {  	v39 =	vld [tilespmem:s26+$0xCEA0];
	v4 =	vadd.f32 v47, v4;
	v20 =	vadd.f32 v58, v20;
	v58 =	vmul.f32 v48, v60  }
0x1fd: {  	v47 =	vld [tilespmem:s26+$0xCEB0];
	v5 =	vadd.f32 v36, v5;
	v48 =	vmul.f32 v44, v42;
	v49 =	vmul.f32 v49, v42  }
0x1fe: {  	v36 =	vld [tilespmem:s26+$0xCEC0];
	v15 =	vadd.f32 v53, v15;
	v50 =	vmul.f32 v50, v42;
	v53 =	vmul.f32 v35, v42  }
0x1ff: {  	v38 =	vld [tilespmem:s26+$0xCED0];
	v3 =	vadd.f32 v54, v3;
	v34 =	vmul.f32 v34, v42;
	v54 =	vmul.f32 v33, v42  }
0x200: {  	v8 =	vadd.f32 v22, v8;
	v22 =	vld [tilespmem:s26+$0xCF00];
	v60 =	vmul.f32 v31, v42;
	v30 =	vmul.f32 v30, v42  }
0x201: {  	v0 =	vadd.f32 v43, v0;
	v44 =	vld [tilespmem:s26+$0xCEE0];
	v28 =	vmul.f32 v28, v42;
	v43 =	vmul.f32 v45, v42  }
0x202: {  	v35 =	vld [tilespmem:s26+$0xCEF0];
	v45 =	vmul.f32 v27, v42;
	v2 =	vadd.f32 v58, v2;
	v11 =	vadd.f32 v48, v11  }
0x203: {  	v33 =	vld [tilespmem:s26+$0xD280];
	v24 =	vmul.f32 v24, v42;
	v18 =	vadd.f32 v49, v18;
	v10 =	vadd.f32 v50, v10  }
0x204: {  	v31 =	vld [tilespmem:s26+$0xD2A0];
	v8 =	vadd.f32 v53, v8;
	v12 =	vadd.f32 v34, v12;
	v58 =	vmul.f32 v32, v42  }
0x205: {  	v27 =	vld [tilespmem:s26+$0xD2D0];
	v6 =	vadd.f32 v54, v6;
	v34 =	vmul.f32 v29, v42;
	v14 =	vadd.f32 v60, v14  }
0x206: {  	v32 =	vld [tilespmem:s26+$0xD290];
	v9 =	vadd.f32 v30, v9;
	v4 =	vadd.f32 v28, v4;
	v28 =	vbroadcast v26, $0xC  }
0x207: {  	v29 =	vld [tilespmem:s26+$0xD2B0];
	v5 =	vadd.f32 v43, v5;
	v48 =	vmul.f32 v55, v42;
	v49 =	vmul.f32 v25, v42  }
0x208: {  	v30 =	vld [tilespmem:s26+$0xD2C0];
	v15 =	vadd.f32 v45, v15;
	v19 =	vmul.f32 v19, v28;
	v17 =	vmul.f32 v17, v28  }
0x209: {  	v25 =	vld [tilespmem:s26+$0xD2F0];
	v0 =	vadd.f32 v24, v0;
	v50 =	vmul.f32 v23, v28;
	v53 =	vmul.f32 v63, v28  }
0x20a: {  	v42 =	vld [tilespmem:s26+$0xCF40];
	v7 =	vadd.f32 v58, v7;
	v16 =	vmul.f32 v16, v28;
	v1 =	vmul.f32 v1, v28  }
0x20b: {  	v24 =	vld [tilespmem:s26+$0xCF60];
	v13 =	vadd.f32 v34, v20;
	v54 =	vmul.f32 v62, v28;
	v55 =	vmul.f32 v59, v28  }
0x20c: {  	v43 =	vld [tilespmem:s26+$0xCF70];
	v3 =	vadd.f32 v48, v3;
	v58 =	vmul.f32 v61, v28;
	v59 =	vmul.f32 v56, v28  }
0x20d: {  	v34 =	vld [tilespmem:s26+$0xD2E0];
	v2 =	vadd.f32 v49, v2;
	v60 =	vmul.f32 v57, v28;
	v21 =	vmul.f32 v21, v28  }
0x20e: {  	v23 =	vld [tilespmem:s26+$0xCF10];
	v61 =	vmul.f32 v52, v28;
	v11 =	vadd.f32 v19, v11;
	v17 =	vadd.f32 v17, v18  }
0x20f: {  	v20 =	vld [tilespmem:s26+$0xCF30];
	v62 =	vmul.f32 v51, v28;
	v10 =	vadd.f32 v50, v10;
	v8 =	vadd.f32 v53, v8  }
0x210: {  	v48 =	vld [tilespmem:s26+$0xD300];
	v63 =	vmul.f32 v46, v28;
	v12 =	vadd.f32 v16, v12;
	v1 =	vadd.f32 v1, v6  }
0x211: {  	v46 =	vbroadcast v26, $0xD;
	v49 =	vld [tilespmem:s26+$0xD310];
	v7 =	vadd.f32 v54, v7;
	v14 =	vadd.f32 v55, v14  }
0x212: {  	v19 =	vld [tilespmem:s26+$0xCF20];
	v6 =	vadd.f32 v58, v9;
	v13 =	vadd.f32 v59, v13;
	v50 =	vmul.f32 v40, v28  }
0x213: {  	v16 =	vld [tilespmem:s26+$0xCF50];
	v4 =	vadd.f32 v60, v4;
	v51 =	vmul.f32 v41, v46;
	v52 =	vmul.f32 v37, v46  }
0x214: {  	v5 =	vadd.f32 v21, v5;
	v21 =	vld [tilespmem:s26+$0xD320];
	v53 =	vmul.f32 v39, v46;
	v54 =	vmul.f32 v47, v46  }
0x215: {  	v15 =	vadd.f32 v61, v15;
	v28 =	vld [tilespmem:s26+$0xD330];
	v36 =	vmul.f32 v36, v46;
	v55 =	vmul.f32 v38, v46  }
0x216: {  	v3 =	vadd.f32 v62, v3;
	v39 =	vld [tilespmem:s26+$0xD340];
	v57 =	vmul.f32 v44, v46;
	v58 =	vmul.f32 v35, v46  }
0x217: {  	v2 =	vadd.f32 v63, v2;
	v40 =	vld [tilespmem:s26+$0xD350];
	v33 =	vmul.f32 v33, v46;
	v31 =	vmul.f32 v31, v46  }
0x218: {  	v37 =	vld [tilespmem:s26+$0xD360];
	v41 =	vmul.f32 v27, v46;
	v27 =	vbroadcast v26, $0xE;
	v0 =	vadd.f32 v50, v0  }
0x219: {  	v59 =	vld [tilespmem:s26+$0xCF80];
	v60 =	vmul.f32 v32, v46;
	v9 =	vadd.f32 v51, v11;
	v17 =	vadd.f32 v52, v17  }
0x21a: {  	v61 =	vld [tilespmem:s26+$0xCF90];
	v62 =	vmul.f32 v29, v46;
	v10 =	vadd.f32 v53, v10;
	v8 =	vadd.f32 v54, v8  }
0x21b: {  	v63 =	vld [tilespmem:s26+$0xCFA0];
	v38 =	vmul.f32 v30, v46;
	v56 =	vadd.f32 v36, v12;
	v1 =	vadd.f32 v55, v1  }
0x21c: {  	v30 =	vld [tilespmem:s26+$0xCFB0];
	v25 =	vmul.f32 v25, v46;
	v7 =	vadd.f32 v57, v7;
	v14 =	vadd.f32 v58, v14  }
0x21d: {  	v36 =	vld [tilespmem:s26+$0xD370];
	v6 =	vadd.f32 v33, v6;
	v4 =	vadd.f32 v31, v4;
	v45 =	vmul.f32 v22, v27  }
0x21e: {  	v31 =	vld [tilespmem:s26+$0xCFC0];
	v3 =	vadd.f32 v41, v3;
	v52 =	vmul.f32 v42, v27;
	v54 =	vmul.f32 v24, v27  }
0x21f: {  	v33 =	vld [tilespmem:s26+$0xCFD0];
	v24 =	vbroadcast v26, $0xF;
	v12 =	vadd.f32 v60, v13;
	v5 =	vadd.f32 v62, v5  }
0x220: {  	v51 =	vld [tilespmem:s26+$0xD380];
	v13 =	vadd.f32 v38, v15;
	v44 =	vmul.f32 v34, v46;
	v46 =	vmul.f32 v23, v27  }
0x221: {  	v53 =	vld [tilespmem:s26+$0xD390];
	v50 =	vmul.f32 v20, v27;
	v58 =	vmul.f32 v48, v27;
	v0 =	vadd.f32 v25, v0  }
0x222: {  	v55 =	vld [tilespmem:s26+$0xD3A0];
	v60 =	vmul.f32 v49, v27;
	v9 =	vadd.f32 v45, v9;
	v11 =	vadd.f32 v52, v56  }
0x223: {  	v57 =	vld [tilespmem:s26+$0xD3B0];
	v56 =	vmul.f32 v43, v27;
	v7 =	vadd.f32 v54, v7;
	v2 =	vadd.f32 v44, v2  }
0x224: {  	v23 =	vld [tilespmem:s26+$0xCFE0];
	v47 =	vmul.f32 v19, v27;
	v17 =	vadd.f32 v46, v17;
	v16 =	vmul.f32 v16, v27  }
0x225: {  	v38 =	vld [tilespmem:s26+$0xD3F0];
	v8 =	vadd.f32 v50, v8;
	v26 =	vmul.f32 v59, v24;
	v32 =	vmul.f32 v61, v24  }
0x226: {  	v19 =	vld [tilespmem:s26+$0xCFF0];
	v6 =	vadd.f32 v58, v6;
	v62 =	vmul.f32 v63, v24;
	v12 =	vadd.f32 v60, v12  }
0x227: {  	s28 =	sshll.u32 s25, $0x7;
	v59 =	vld [tilespmem:s26+$0xD3C0];
	v43 =	vmul.f32 v21, v27;
	v42 =	vmul.f32 v30, v24;
	v9 =	vadd.f32 v26, v9  }
0x228: {  	s28 =	sand.u32 $0x3FFFFF80, s28;
	v61 =	vld [tilespmem:s26+$0xD3D0];
	v45 =	vmul.f32 v28, v27;
	v10 =	vadd.f32 v47, v10;
	v41 =	vadd.f32 v32, v17  }
0x229: {  	v63 =	vld [tilespmem:s26+$0xD3E0];
	v50 =	vmul.f32 v39, v27;
	v44 =	vmul.f32 v31, v24;
	v8 =	vadd.f32 v42, v8;
	[tilespmem:s28+$0x1C400] =	vst v9  }
0x22a: {  	v1 =	vadd.f32 v16, v1;
	v46 =	vmul.f32 v33, v24;
	v10 =	vadd.f32 v62, v10;
	[tilespmem:s28+$0x1C410] =	vst v41  }
0x22b: {  	v52 =	vmul.f32 v40, v27;
	v51 =	vmul.f32 v51, v24;
	v47 =	vadd.f32 v44, v11;
	[tilespmem:s28+$0x1C430] =	vst v8  }
0x22c: {  	v14 =	vadd.f32 v56, v14;
	v53 =	vmul.f32 v53, v24;
	v1 =	vadd.f32 v46, v1;
	[tilespmem:s28+$0x1C420] =	vst v10  }
0x22d: {  	v4 =	vadd.f32 v43, v4;
	v54 =	vmul.f32 v55, v24;
	v6 =	vadd.f32 v51, v6;
	[tilespmem:s28+$0x1C440] =	vst v47  }
0x22e: {  	v5 =	vadd.f32 v45, v5;
	v56 =	vmul.f32 v57, v24;
	v55 =	vadd.f32 v53, v12;
	[tilespmem:s28+$0x1C450] =	vst v1  }
0x22f: {  	v57 =	vmul.f32 v37, v27;
	v48 =	vmul.f32 v23, v24;
	v4 =	vadd.f32 v54, v4;
	[tilespmem:s28+$0x1C800] =	vst v6  }
0x230: {  	v9 =	vadd.f32 v50, v13;
	v5 =	vadd.f32 v56, v5;
	v49 =	vmul.f32 v19, v24;
	[tilespmem:s28+$0x1C810] =	vst v55  }
0x231: {  	v2 =	vadd.f32 v57, v2;
	v7 =	vadd.f32 v48, v7;
	v58 =	vmul.f32 v59, v24;
	[tilespmem:s28+$0x1C820] =	vst v4  }
0x232: {  	v59 =	vmul.f32 v36, v27;
	v62 =	vmul.f32 v63, v24;
	[tilespmem:s28+$0x1C830] =	vst v5;
	v8 =	vadd.f32 v49, v14  }
0x233: {  	p1 =	sne.s32 s25, $0x7;
	v60 =	vmul.f32 v61, v24;
	v1 =	vadd.f32 v52, v3;
	[tilespmem:s28+$0x1C460] =	vst v7;
	v61 =	vadd.f32 v58, v9  }
.Ltmp2:
0x234: {  	v63 =	vmul.f32 v38, v24;
	v0 =	vadd.f32 v59, v0;
	v2 =	vadd.f32 v62, v2;
	[tilespmem:s28+$0x1C470] =	vst v8;
	(pc) =	sbr.rel @p1 .LBB2_3-.Ltmp2, $4  }
0x235: {  	v1 =	vadd.f32 v60, v1;
	[tilespmem:s28+$0x1C840] =	vst v61  }
0x236: {  	v0 =	vadd.f32 v63, v0;
	[tilespmem:s28+$0x1C860] =	vst v2  }
0x237: {  	[tilespmem:s28+$0x1C850] =	vst v1  }
0x238: {  	s25 =	sadd.s32 $0x1, s25;
	[tilespmem:s28+$0x1C870] =	vst v0  }
0x239: {  	p1 =	seq.s32 s22, $0x61  }
.Ltmp3:
0x23a: {  	s25 =	sshll.u32 s22, $0xC;
	(pc) =	sbr.rel @p1 .LBB2_6-.Ltmp3, $4  }
0x23b: {  	s25 =	sadd.s32 s5, s25  }
0x23c: {  	s25 =	sshrl.u32 s25, $0x3  }
0x23d: {  	s25 =	sadd.s32 s4, s25  }
0x23e: {  	[hbm4b:s25+s3] =	stream.linear.scatter [tilespmem:s19], [sflag:$0x3], $0x800, $0x38;
	[tilespmem:$0x1D400] =	vst v63  }
0x23f: {  	v0 =	vld [tilespmem:s23+$0x100];
	_ =	sdelay $0x2  }
0x240: {  	v2 =	vld [tilespmem:$0x1FFD0]  }
0x241: {  	v3 =	vld [tilespmem:$0x1FFE0]  }
0x242: {  	v4 =	vld [tilespmem:$0x1FFF0];
	v1 =	vshll.u32 v0, $0x1  }
0x243: {  	v0 =	vand.u32 $0x7, v0;
	v1 =	vand.u32 $0xFFFFFFF0, v1  }
0x244: {  	v0 =	vor.u32 v0, v1  }
0x245: {  	v1 =	vperm.xlane v0, v2;
	_ =	sdelay $0x1  }
0x246: {  	v0 =	vperm.xlane v0, v4;
	v1 =	vadd.s32 v3, v1;
	_ =	sdelay $0x1  }
0x247: {  	v0 =	vadd.s32 v3, v0;
	_ =	sdelay $0x1  }
0x248: {  	s25 =	simm.s32 $0xC400  }
0x249: {  	[tilespmem:s25], [sflag:$0x1] =	stream.indirect_vreg.gather [hbm4b:s2+s3], $0x80, v1, vm0, $0xb8;
	[tilespmem:$0x1D400] =	vst v63  }
0x24a: {  	s28 =	simm.s32 $0xCC00  }
0x24b: {  	[tilespmem:s28], [sflag:$0x1] =	stream.indirect_vreg.gather [hbm4b:s2+s3], $0x80, v0, vm0, $0xb8;
	[tilespmem:$0x1D400] =	vst v63  }
0x24c: {  	v0 =	vld [tilespmem:s23+$0x110];
	_ =	sdelay $0x4  }
0x24d: {  	v57 =	vshll.u32 v0, $0x1  }
0x24e: {  	v0 =	vand.u32 $0x7, v0;
	v1 =	vand.u32 $0xFFFFFFF0, v57  }
0x24f: {  	v0 =	vor.u32 v0, v1  }
0x250: {  	v1 =	vperm.xlane v0, v2;
	_ =	sdelay $0x1  }
0x251: {  	v0 =	vperm.xlane v0, v4;
	v1 =	vadd.s32 v3, v1;
	_ =	sdelay $0x1  }
0x252: {  	v0 =	vadd.s32 v3, v0;
	_ =	sdelay $0x1  }
0x253: {  	s26 =	simm.s32 $0xD400  }
0x254: {  	[tilespmem:s26], [sflag:$0x1] =	stream.indirect_vreg.gather [hbm4b:s2+s3], $0x80, v1, vm0, $0xb8;
	[tilespmem:$0x1D400] =	vst v63  }
0x255: {  	s28 =	simm.s32 $0xDC00  }
0x256: {  	[tilespmem:s28], [sflag:$0x1] =	stream.indirect_vreg.gather [hbm4b:s2+s3], $0x80, v0, vm0, $0xb8;
	[tilespmem:$0x1D400] =	vst v63  }
0x257: {  	v0 =	vld [tilespmem:s23+$0x120];
	_ =	sdelay $0x4  }
0x258: {  	v58 =	vshll.u32 v0, $0x1  }
0x259: {  	v0 =	vand.u32 $0x7, v0;
	v1 =	vand.u32 $0xFFFFFFF0, v58  }
0x25a: {  	v0 =	vor.u32 v0, v1  }
0x25b: {  	v1 =	vperm.xlane v0, v2;
	_ =	sdelay $0x1  }
0x25c: {  	v0 =	vperm.xlane v0, v4;
	v1 =	vadd.s32 v3, v1;
	_ =	sdelay $0x1  }
0x25d: {  	v0 =	vadd.s32 v3, v0;
	_ =	sdelay $0x1  }
0x25e: {  	s26 =	simm.s32 $0xE400  }
0x25f: {  	[tilespmem:s26], [sflag:$0x1] =	stream.indirect_vreg.gather [hbm4b:s2+s3], $0x80, v1, vm0, $0xb8;
	[tilespmem:$0x1D400] =	vst v63  }
0x260: {  	s28 =	simm.s32 $0xEC00  }
0x261: {  	[tilespmem:s28], [sflag:$0x1] =	stream.indirect_vreg.gather [hbm4b:s2+s3], $0x80, v0, vm0, $0xb8;
	[tilespmem:$0x1D400] =	vst v63  }
0x262: {  	v0 =	vld [tilespmem:s23+$0x130];
	_ =	sdelay $0x4  }
0x263: {  	v59 =	vshll.u32 v0, $0x1  }
0x264: {  	v0 =	vand.u32 $0x7, v0;
	v1 =	vand.u32 $0xFFFFFFF0, v59  }
0x265: {  	v0 =	vor.u32 v0, v1  }
0x266: {  	v1 =	vperm.xlane v0, v2;
	_ =	sdelay $0x1  }
0x267: {  	v0 =	vperm.xlane v0, v4;
	v1 =	vadd.s32 v3, v1;
	_ =	sdelay $0x1  }
0x268: {  	v0 =	vadd.s32 v3, v0;
	_ =	sdelay $0x1  }
0x269: {  	s26 =	simm.s32 $0xF400  }
0x26a: {  	[tilespmem:s26], [sflag:$0x1] =	stream.indirect_vreg.gather [hbm4b:s2+s3], $0x80, v1, vm0, $0xb8;
	[tilespmem:$0x1D400] =	vst v63  }
0x26b: {  	s28 =	simm.s32 $0xFC00  }
0x26c: {  	[tilespmem:s28], [sflag:$0x1] =	stream.indirect_vreg.gather [hbm4b:s2+s3], $0x80, v0, vm0, $0xb8;
	[tilespmem:$0x1D400] =	vst v63  }
0x26d: {  	v0 =	vld [tilespmem:s23+$0x140];
	_ =	sdelay $0x4  }
0x26e: {  	v60 =	vshll.u32 v0, $0x1  }
0x26f: {  	v0 =	vand.u32 $0x7, v0;
	v1 =	vand.u32 $0xFFFFFFF0, v60  }
0x270: {  	v0 =	vor.u32 v0, v1  }
0x271: {  	v1 =	vperm.xlane v0, v2;
	_ =	sdelay $0x1  }
0x272: {  	v0 =	vperm.xlane v0, v4;
	v1 =	vadd.s32 v3, v1;
	_ =	sdelay $0x1  }
0x273: {  	v0 =	vadd.s32 v3, v0;
	_ =	sdelay $0x1  }
0x274: {  	s26 =	simm.s32 $0x10400  }
0x275: {  	[tilespmem:s26], [sflag:$0x1] =	stream.indirect_vreg.gather [hbm4b:s2+s3], $0x80, v1, vm0, $0xb8;
	[tilespmem:$0x1D400] =	vst v63  }
0x276: {  	s28 =	simm.s32 $0x10C00  }
0x277: {  	[tilespmem:s28], [sflag:$0x1] =	stream.indirect_vreg.gather [hbm4b:s2+s3], $0x80, v0, vm0, $0xb8;
	[tilespmem:$0x1D400] =	vst v63  }
0x278: {  	v0 =	vld [tilespmem:s23+$0x150];
	_ =	sdelay $0x4  }
0x279: {  	v61 =	vshll.u32 v0, $0x1  }
0x27a: {  	v0 =	vand.u32 $0x7, v0;
	v1 =	vand.u32 $0xFFFFFFF0, v61  }
0x27b: {  	v0 =	vor.u32 v0, v1  }
0x27c: {  	v1 =	vperm.xlane v0, v2;
	_ =	sdelay $0x1  }
0x27d: {  	v0 =	vperm.xlane v0, v4;
	v1 =	vadd.s32 v3, v1;
	_ =	sdelay $0x1  }
0x27e: {  	v0 =	vadd.s32 v3, v0;
	_ =	sdelay $0x1  }
0x27f: {  	s26 =	simm.s32 $0x11400  }
0x280: {  	[tilespmem:s26], [sflag:$0x1] =	stream.indirect_vreg.gather [hbm4b:s2+s3], $0x80, v1, vm0, $0xb8;
	[tilespmem:$0x1D400] =	vst v63  }
0x281: {  	s28 =	simm.s32 $0x11C00  }
0x282: {  	[tilespmem:s28], [sflag:$0x1] =	stream.indirect_vreg.gather [hbm4b:s2+s3], $0x80, v0, vm0, $0xb8;
	[tilespmem:$0x1D400] =	vst v63  }
0x283: {  	v0 =	vld [tilespmem:s23+$0x160];
	_ =	sdelay $0x4  }
0x284: {  	v62 =	vshll.u32 v0, $0x1  }
0x285: {  	v0 =	vand.u32 $0x7, v0;
	v1 =	vand.u32 $0xFFFFFFF0, v62  }
0x286: {  	v0 =	vor.u32 v0, v1  }
0x287: {  	v1 =	vperm.xlane v0, v2;
	_ =	sdelay $0x1  }
0x288: {  	v0 =	vperm.xlane v0, v4;
	v1 =	vadd.s32 v3, v1;
	_ =	sdelay $0x1  }
0x289: {  	v0 =	vadd.s32 v3, v0;
	_ =	sdelay $0x1  }
0x28a: {  	s26 =	simm.s32 $0x12400  }
0x28b: {  	[tilespmem:s26], [sflag:$0x1] =	stream.indirect_vreg.gather [hbm4b:s2+s3], $0x80, v1, vm0, $0xb8;
	[tilespmem:$0x1D400] =	vst v63  }
0x28c: {  	s28 =	simm.s32 $0x12C00  }
0x28d: {  	[tilespmem:s28], [sflag:$0x1] =	stream.indirect_vreg.gather [hbm4b:s2+s3], $0x80, v0, vm0, $0xb8;
	[tilespmem:$0x1D400] =	vst v63  }
0x28e: {  	v0 =	vld [tilespmem:s23+$0x170];
	_ =	sdelay $0x4  }
0x28f: {  	v63 =	vshll.u32 v0, $0x1  }
0x290: {  	v0 =	vand.u32 $0x7, v0;
	v1 =	vand.u32 $0xFFFFFFF0, v63  }
0x291: {  	v0 =	vor.u32 v0, v1  }
0x292: {  	v1 =	vperm.xlane v0, v2;
	_ =	sdelay $0x1  }
0x293: {  	v0 =	vperm.xlane v0, v4;
	v1 =	vadd.s32 v3, v1;
	_ =	sdelay $0x1  }
0x294: {  	v0 =	vadd.s32 v3, v0;
	_ =	sdelay $0x1  }
0x295: {  	s26 =	simm.s32 $0x13400  }
0x296: {  	[tilespmem:s26], [sflag:$0x1] =	stream.indirect_vreg.gather [hbm4b:s2+s3], $0x80, v1, vm0, $0xb8;
	[tilespmem:$0x1D400] =	vst v63  }
0x297: {  	s28 =	simm.s32 $0x13C00  }
0x298: {  	[tilespmem:s28], [sflag:$0x1] =	stream.indirect_vreg.gather [hbm4b:s2+s3], $0x80, v0, vm0, $0xb8;
	[tilespmem:$0x1D400] =	vst v63  }
.LBB2_6:
0x299: {  	_ =	swait.ge [sflag:s20], $0x8000;
	s24 =	sor.u32 $0x1, s24  }
0x29a: {  	[sflag:s20] =	ssyncset.done $0x0;
	s26 =	sshll.u32 s24, $0x7  }
0x29b: {  	s25 =	simm.s32 @!p0 $0x4;
	[sflag:s20] =	ssyncadd.s32 $0xFFFF8000;
	s26 =	sand.u32 $0x3FFFFF80, s26  }
0x29c: {  	_ =	swait.ge @!p0 [sflag:s25], $0x800;
	s26 =	sadd.s32 $0x6200, s26  }
0x29d: {  	[sflag:s25] =	ssyncset.done @!p0 $0x0;
	v0 =	vmov s26  }
0x29e: {  	[sflag:s25] =	ssyncadd.s32 @!p0 $0xFFFFF800;
	s25 =	simm.s32 $0x0;
	[tilespmem:$0x1FAC0] =	vst v0  }
.LBB2_7:
0x29f: {  	v0 =	vld [tilespmem:$0x1FAC0];
	_ =	sdelay $0x5  }
0x2a0: {  	s26 =	sshll.u32 s25, $0x4  }
0x2a1: {  	s28 =	sshll.u32 s25, $0xC;
	s26 =	sand.u32 $0x3FFFFFF0, s26  }
0x2a2: {  	v26 =	vld.idx.msk [tilespmem:v0+s26+$0x0 ss:$0x1], $0xffff;
	s26 =	sand.u32 $0x3FFFF000, s28  }
0x2a3: {  	v58 =	vld [tilespmem:s26+$0x149C0];
	_ =	sdelay $0x4  }
0x2a4: {  	[tilespmem:$0x1F5D0] =	vst v58;
	v58 =	vld [tilespmem:s26+$0x149D0];
	_ =	sdelay $0x4  }
0x2a5: {  	[tilespmem:$0x1F5E0] =	vst v58;
	v58 =	vld [tilespmem:s26+$0x149E0];
	_ =	sdelay $0x4  }
0x2a6: {  	[tilespmem:$0x1F5F0] =	vst v58;
	v58 =	vld [tilespmem:s26+$0x149F0];
	_ =	sdelay $0x4  }
0x2a7: {  	[tilespmem:$0x1F600] =	vst v58;
	v58 =	vld [tilespmem:s26+$0x14600];
	_ =	sdelay $0x4  }
0x2a8: {  	[tilespmem:$0x1F610] =	vst v58;
	v58 =	vld [tilespmem:s26+$0x14610];
	_ =	sdelay $0x4  }
0x2a9: {  	[tilespmem:$0x1F620] =	vst v58;
	v58 =	vld [tilespmem:s26+$0x14620];
	_ =	sdelay $0x4  }
0x2aa: {  	[tilespmem:$0x1F630] =	vst v58;
	v58 =	vld [tilespmem:s26+$0x14630];
	_ =	sdelay $0x4  }
0x2ab: {  	[tilespmem:$0x1F640] =	vst v58;
	v58 =	vld [tilespmem:s26+$0x14640];
	_ =	sdelay $0x4  }
0x2ac: {  	[tilespmem:$0x1F650] =	vst v58;
	v58 =	vld [tilespmem:s26+$0x14650];
	_ =	sdelay $0x4  }
0x2ad: {  	[tilespmem:$0x1F660] =	vst v58;
	v58 =	vld [tilespmem:s26+$0x14660];
	_ =	sdelay $0x4  }
0x2ae: {  	[tilespmem:$0x1F670] =	vst v58;
	v58 =	vld [tilespmem:s26+$0x14670];
	_ =	sdelay $0x4  }
0x2af: {  	[tilespmem:$0x1F680] =	vst v58;
	v58 =	vld [tilespmem:s26+$0x14A00];
	_ =	sdelay $0x4  }
0x2b0: {  	[tilespmem:$0x1F690] =	vst v58;
	v58 =	vld [tilespmem:s26+$0x14A10];
	_ =	sdelay $0x4  }
0x2b1: {  	[tilespmem:$0x1F6A0] =	vst v58;
	v58 =	vld [tilespmem:s26+$0x14A20];
	_ =	sdelay $0x4  }
0x2b2: {  	[tilespmem:$0x1F6B0] =	vst v58;
	v58 =	vld [tilespmem:s26+$0x14A30];
	_ =	sdelay $0x4  }
0x2b3: {  	[tilespmem:$0x1F6C0] =	vst v58;
	v58 =	vld [tilespmem:s26+$0x14A40];
	_ =	sdelay $0x4  }
0x2b4: {  	[tilespmem:$0x1F6D0] =	vst v58;
	v58 =	vld [tilespmem:s26+$0x14A50];
	_ =	sdelay $0x4  }
0x2b5: {  	[tilespmem:$0x1F6E0] =	vst v58;
	v58 =	vld [tilespmem:s26+$0x14A60];
	_ =	sdelay $0x3  }
0x2b6: {  	v3 =	vld [tilespmem:s26+$0x14400]  }
0x2b7: {  	[tilespmem:$0x1F6F0] =	vst v58;
	v58 =	vld [tilespmem:s26+$0x14A70]  }
0x2b8: {  	v5 =	vld [tilespmem:s26+$0x14410]  }
0x2b9: {  	v11 =	vld [tilespmem:s26+$0x14420]  }
0x2ba: {  	v10 =	vld [tilespmem:s26+$0x14430]  }
0x2bb: {  	v12 =	vld [tilespmem:s26+$0x14440]  }
0x2bc: {  	[tilespmem:$0x1F700] =	vst v58;
	v58 =	vld [tilespmem:s26+$0x14680]  }
0x2bd: {  	v18 =	vld [tilespmem:s26+$0x14450]  }
0x2be: {  	v17 =	vld [tilespmem:s26+$0x14460]  }
0x2bf: {  	v19 =	vld [tilespmem:s26+$0x14470]  }
0x2c0: {  	v20 =	vld [tilespmem:s26+$0x14800]  }
0x2c1: {  	[tilespmem:$0x1F710] =	vst v58;
	v58 =	vld [tilespmem:s26+$0x14690]  }
0x2c2: {  	v4 =	vld [tilespmem:s26+$0x14810]  }
0x2c3: {  	v27 =	vld [tilespmem:s26+$0x14820]  }
0x2c4: {  	v30 =	vld [tilespmem:s26+$0x14830]  }
0x2c5: {  	v35 =	vld [tilespmem:s26+$0x14840]  }
0x2c6: {  	[tilespmem:$0x1F720] =	vst v58;
	v58 =	vld [tilespmem:s26+$0x146A0]  }
0x2c7: {  	v32 =	vld [tilespmem:s26+$0x14850]  }
0x2c8: {  	v33 =	vld [tilespmem:s26+$0x14860]  }
0x2c9: {  	v36 =	vld [tilespmem:s26+$0x14870]  }
0x2ca: {  	v2 =	vld [tilespmem:s26+$0x14480]  }
0x2cb: {  	[tilespmem:$0x1F730] =	vst v58;
	v58 =	vld [tilespmem:s26+$0x146B0]  }
0x2cc: {  	v6 =	vld [tilespmem:s26+$0x14490]  }
0x2cd: {  	v7 =	vld [tilespmem:s26+$0x144A0]  }
0x2ce: {  	v8 =	vld [tilespmem:s26+$0x144B0]  }
0x2cf: {  	v9 =	vld [tilespmem:s26+$0x144C0]  }
0x2d0: {  	[tilespmem:$0x1F740] =	vst v58;
	v58 =	vld [tilespmem:s26+$0x146C0]  }
0x2d1: {  	v13 =	vld [tilespmem:s26+$0x144D0]  }
0x2d2: {  	v14 =	vld [tilespmem:s26+$0x144E0]  }
0x2d3: {  	v15 =	vld [tilespmem:s26+$0x144F0]  }
0x2d4: {  	v16 =	vld [tilespmem:s26+$0x14880]  }
0x2d5: {  	[tilespmem:$0x1F750] =	vst v58;
	v58 =	vld [tilespmem:s26+$0x146D0]  }
0x2d6: {  	v21 =	vld [tilespmem:s26+$0x14890]  }
0x2d7: {  	v22 =	vld [tilespmem:s26+$0x148A0]  }
0x2d8: {  	v38 =	vld [tilespmem:s26+$0x148B0]  }
0x2d9: {  	v23 =	vld [tilespmem:s26+$0x148C0]  }
0x2da: {  	[tilespmem:$0x1F760] =	vst v58;
	v58 =	vld [tilespmem:s26+$0x146E0]  }
0x2db: {  	v24 =	vld [tilespmem:s26+$0x148D0]  }
0x2dc: {  	v37 =	vld [tilespmem:s26+$0x148E0]  }
0x2dd: {  	v39 =	vld [tilespmem:s26+$0x148F0]  }
0x2de: {  	v43 =	vld [tilespmem:s26+$0x14500]  }
0x2df: {  	[tilespmem:$0x1F770] =	vst v58;
	v58 =	vld [tilespmem:s26+$0x146F0]  }
0x2e0: {  	v25 =	vld [tilespmem:s26+$0x14510]  }
0x2e1: {  	v44 =	vld [tilespmem:s26+$0x14520]  }
0x2e2: {  	v48 =	vld [tilespmem:s26+$0x14530]  }
0x2e3: {  	v49 =	vld [tilespmem:s26+$0x14540]  }
0x2e4: {  	[tilespmem:$0x1F780] =	vst v58;
	v58 =	vld [tilespmem:s26+$0x14A80]  }
0x2e5: {  	v28 =	vld [tilespmem:s26+$0x14550]  }
0x2e6: {  	v50 =	vld [tilespmem:s26+$0x14560]  }
0x2e7: {  	v29 =	vld [tilespmem:s26+$0x14570]  }
0x2e8: {  	v51 =	vld [tilespmem:s26+$0x14900]  }
0x2e9: {  	[tilespmem:$0x1F790] =	vst v58;
	v58 =	vld [tilespmem:s26+$0x14AA0]  }
0x2ea: {  	v53 =	vld [tilespmem:s26+$0x14910]  }
0x2eb: {  	v54 =	vld [tilespmem:s26+$0x14920]  }
0x2ec: {  	v31 =	vld [tilespmem:s26+$0x14930]  }
0x2ed: {  	v59 =	vld [tilespmem:s26+$0x14940]  }
0x2ee: {  	[tilespmem:$0x1F7B0] =	vst v58;
	v58 =	vld [tilespmem:s26+$0x14AB0]  }
0x2ef: {  	v34 =	vld [tilespmem:s26+$0x14950]  }
0x2f0: {  	v1 =	vld [tilespmem:s26+$0x14A90]  }
0x2f1: {  	v60 =	vld [tilespmem:s26+$0x14960]  }
0x2f2: {  	v61 =	vld [tilespmem:s26+$0x14970]  }
0x2f3: {  	[tilespmem:$0x1F7C0] =	vst v58;
	v58 =	vld [tilespmem:s26+$0x14AC0]  }
0x2f4: {  	v62 =	vld [tilespmem:s26+$0x14580];
	v0 =	vbroadcast v26, $0x0  }
0x2f5: {  	v63 =	vld [tilespmem:s26+$0x14590];
	[tilespmem:$0x1F7A0] =	vst v1;
	v1 =	vbroadcast v26, $0x1  }
0x2f6: {  	v40 =	vld [tilespmem:s26+$0x145A0];
	v3 =	vmul.f32 v3, v0;
	v5 =	vmul.f32 v5, v0  }
0x2f7: {  	v41 =	vld [tilespmem:s26+$0x145B0];
	v2 =	vmul.f32 v2, v1  }
0x2f8: {  	v6 =	vmul.f32 v6, v1;
	v3 =	vadd.f32 $0.0e+00, v3;
	v5 =	vadd.f32 $0.0e+00, v5;
	[tilespmem:$0x1F7D0] =	vst v58;
	v58 =	vld [tilespmem:s26+$0x14AD0]  }
0x2f9: {  	v42 =	vld [tilespmem:s26+$0x145C0]  }
0x2fa: {  	v2 =	vadd.f32 v2, v3;
	v3 =	vadd.f32 v6, v5;
	v5 =	vmul.f32 v12, v0;
	v12 =	vld [tilespmem:s26+$0x14700]  }
0x2fb: {  	v45 =	vld [tilespmem:s26+$0x145D0]  }
0x2fc: {  	v46 =	vld [tilespmem:s26+$0x145E0]  }
0x2fd: {  	[tilespmem:$0x1F7E0] =	vst v58;
	v58 =	vld [tilespmem:s26+$0x14AE0]  }
0x2fe: {  	v47 =	vld [tilespmem:s26+$0x145F0];
	v10 =	vmul.f32 v10, v0  }
0x2ff: {  	v11 =	vmul.f32 v11, v0;
	[tilespmem:$0x1F810] =	vst v12;
	v12 =	vld [tilespmem:s26+$0x14720]  }
0x300: {  	v52 =	vld [tilespmem:s26+$0x14980];
	v17 =	vmul.f32 v17, v0;
	v8 =	vmul.f32 v8, v1;
	v10 =	vadd.f32 $0.0e+00, v10  }
0x301: {  	v56 =	vld [tilespmem:s26+$0x14990];
	v7 =	vmul.f32 v7, v1;
	v6 =	vadd.f32 $0.0e+00, v11  }
0x302: {  	v8 =	vadd.f32 v8, v10;
	v10 =	vadd.f32 $0.0e+00, v17;
	v17 =	vmul.f32 v20, v0;
	[tilespmem:$0x1F7F0] =	vst v58;
	v58 =	vld [tilespmem:s26+$0x14AF0]  }
0x303: {  	v6 =	vadd.f32 v7, v6;
	v7 =	vmul.f32 v18, v0;
	v18 =	vld [tilespmem:s26+$0x14730]  }
0x304: {  	v20 =	vmul.f32 v16, v1;
	v11 =	vadd.f32 $0.0e+00, v17;
	[tilespmem:$0x1F830] =	vst v12;
	v12 =	vld [tilespmem:s26+$0x14740]  }
0x305: {  	v55 =	vld [tilespmem:s26+$0x149A0]  }
0x306: {  	v11 =	vadd.f32 v20, v11;
	v20 =	vmul.f32 v27, v0;
	v27 =	vld [tilespmem:s26+$0x14B10]  }
0x307: {  	[tilespmem:$0x1F800] =	vst v58;
	v58 =	vld [tilespmem:s26+$0x14710]  }
0x308: {  	v57 =	vld [tilespmem:s26+$0x149B0];
	[tilespmem:$0x1F840] =	vst v18  }
0x309: {  	v18 =	vld [tilespmem:s26+$0x14750];
	[tilespmem:$0x1F850] =	vst v12;
	v12 =	vmul.f32 v13, v1;
	v13 =	vmul.f32 v14, v1  }
0x30a: {  	v9 =	vmul.f32 v9, v1;
	v16 =	vmul.f32 v32, v0;
	v32 =	vld [tilespmem:s26+$0x14B60]  }
0x30b: {  	v5 =	vadd.f32 $0.0e+00, v5;
	v17 =	vmul.f32 v33, v0;
	v33 =	vld [tilespmem:s26+$0x14B70];
	[tilespmem:$0x1F8A0] =	vst v27;
	v10 =	vadd.f32 v13, v10  }
0x30c: {  	v27 =	vld [tilespmem:s26+$0x14B30];
	v13 =	vadd.f32 $0.0e+00, v20;
	v20 =	vbroadcast v26, $0x2;
	[tilespmem:$0x1F820] =	vst v58;
	v58 =	vmul.f32 v19, v0  }
0x30d: {  	v30 =	vmul.f32 v30, v0;
	v5 =	vadd.f32 v9, v5;
	v19 =	vld [tilespmem:s26+$0x14760]  }
0x30e: {  	[tilespmem:$0x1F860] =	vst v18;
	v18 =	vmul.f32 v4, v0;
	v48 =	vmul.f32 v48, v20;
	v9 =	vadd.f32 $0.0e+00, v58;
	v58 =	vld [tilespmem:s26+$0x14770]  }
0x30f: {  	v4 =	vmul.f32 v23, v1;
	v23 =	vld [tilespmem:s26+$0x14790];
	v25 =	vmul.f32 v25, v20  }
0x310: {  	v7 =	vadd.f32 $0.0e+00, v7;
	v14 =	vmul.f32 v15, v1;
	v8 =	vadd.f32 v48, v8;
	v48 =	vld [tilespmem:s26+$0x14B80]  }
0x311: {  	v3 =	vadd.f32 v25, v3;
	v25 =	vmul.f32 v50, v20;
	v50 =	vmul.f32 v31, v20;
	v31 =	vld [tilespmem:s26+$0x14BF0]  }
0x312: {  	v7 =	vadd.f32 v12, v7;
	[tilespmem:$0x1F870] =	vst v19;
	v19 =	vld [tilespmem:s26+$0x14B00]  }
0x313: {  	v9 =	vadd.f32 v14, v9;
	v14 =	vadd.f32 $0.0e+00, v30;
	v30 =	vld [tilespmem:s26+$0x14B40];
	[tilespmem:$0x1F880] =	vst v58;
	v58 =	vmul.f32 v35, v0  }
0x314: {  	v12 =	vadd.f32 $0.0e+00, v18;
	v18 =	vmul.f32 v21, v1;
	v35 =	vld [tilespmem:s26+$0x14B20];
	v0 =	vmul.f32 v36, v0  }
0x315: {  	v36 =	vld [tilespmem:s26+$0x147A0];
	v15 =	vadd.f32 $0.0e+00, v58;
	v58 =	vmul.f32 v38, v1;
	v38 =	vmul.f32 v24, v1  }
0x316: {  	v16 =	vadd.f32 $0.0e+00, v16;
	v24 =	vmul.f32 v43, v20;
	v43 =	vmul.f32 v44, v20;
	v44 =	vld [tilespmem:s26+$0x147B0]  }
0x317: {  	v17 =	vadd.f32 $0.0e+00, v17;
	v12 =	vadd.f32 v18, v12;
	[tilespmem:$0x1F890] =	vst v19;
	v19 =	vmul.f32 v22, v1;
	v22 =	vld [tilespmem:s26+$0x14780]  }
0x318: {  	v0 =	vadd.f32 $0.0e+00, v0;
	v14 =	vadd.f32 v58, v14;
	v58 =	vmul.f32 v37, v1;
	v37 =	vld [tilespmem:s26+$0x147C0]  }
0x319: {  	v15 =	vadd.f32 v4, v15;
	v1 =	vmul.f32 v39, v1;
	v16 =	vadd.f32 v38, v16;
	v38 =	vld [tilespmem:s26+$0x147D0]  }
0x31a: {  	v2 =	vadd.f32 v24, v2;
	v24 =	vmul.f32 v28, v20;
	v28 =	vmul.f32 v29, v20;
	v39 =	vld [tilespmem:s26+$0x147E0]  }
0x31b: {  	v29 =	vmul.f32 v51, v20;
	v51 =	vld [tilespmem:s26+$0x14B90];
	v13 =	vadd.f32 v19, v13;
	v17 =	vadd.f32 v58, v17  }
0x31c: {  	[tilespmem:$0x1F8B0] =	vst v35;
	v35 =	vld [tilespmem:s26+$0x14B50];
	v0 =	vadd.f32 v1, v0;
	v1 =	vadd.f32 v43, v6  }
0x31d: {  	v58 =	vmul.f32 v49, v20;
	v6 =	vadd.f32 v24, v7;
	v43 =	vld [tilespmem:s26+$0x147F0];
	v49 =	vmul.f32 v54, v20  }
0x31e: {  	v7 =	vadd.f32 v29, v11;
	v19 =	vadd.f32 v50, v14;
	v50 =	vld [tilespmem:s26+$0x14BD0];
	[tilespmem:$0x1F8E0] =	vst v44;
	v44 =	vmul.f32 v53, v20  }
0x31f: {  	v54 =	vmul.f32 v34, v20;
	v53 =	vmul.f32 v59, v20;
	v11 =	vadd.f32 v49, v13;
	v49 =	vld [tilespmem:s26+$0x14BC0]  }
0x320: {  	v59 =	vmul.f32 v61, v20;
	[tilespmem:$0x1F8C0] =	vst v22;
	v22 =	vbroadcast v26, $0x3;
	v12 =	vadd.f32 v44, v12;
	v44 =	vld [tilespmem:s26+$0x14BB0]  }
0x321: {  	[tilespmem:$0x1F8D0] =	vst v23;
	v5 =	vadd.f32 v58, v5;
	v58 =	vmul.f32 v60, v20;
	v23 =	vadd.f32 v53, v15;
	v53 =	vld [tilespmem:s26+$0x14C30]  }
0x322: {  	v60 =	vmul.f32 v62, v22;
	v61 =	vmul.f32 v63, v22;
	v63 =	vld [tilespmem:s26+$0x14BE0]  }
0x323: {  	v62 =	vmul.f32 v40, v22;
	v14 =	vmul.f32 v41, v22;
	v40 =	vld [tilespmem:s26+$0x14C00]  }
0x324: {  	v15 =	vmul.f32 v42, v22;
	v34 =	vmul.f32 v45, v22;
	v42 =	vld [tilespmem:s26+$0x14C10]  }
0x325: {  	v41 =	vmul.f32 v46, v22;
	v45 =	vmul.f32 v47, v22;
	v47 =	vld [tilespmem:s26+$0x14C20]  }
0x326: {  	v46 =	vmul.f32 v52, v22;
	v52 =	vmul.f32 v55, v22;
	v55 =	vld [tilespmem:s26+$0x14C40]  }
0x327: {  	[tilespmem:$0x1F900] =	vst v51;
	v51 =	vmul.f32 v56, v22;
	v56 =	vld [tilespmem:$0x1F5D0]  }
0x328: {  	v13 =	vadd.f32 v58, v17;
	v58 =	vld [tilespmem:s26+$0x14C50]  }
0x329: {  	v17 =	vadd.f32 v59, v0;
	v59 =	vld [tilespmem:$0x1F5E0]  }
0x32a: {  	[tilespmem:$0x1F8F0] =	vst v43;
	v43 =	vld [tilespmem:s26+$0x14BA0]  }
0x32b: {  	v10 =	vadd.f32 v25, v10;
	v24 =	vadd.f32 v61, v3;
	v61 =	vld [tilespmem:s26+$0x14C60]  }
0x32c: {  	v16 =	vadd.f32 v54, v16;
	v54 =	vmul.f32 v57, v22;
	v25 =	vadd.f32 v62, v1;
	v62 =	vld [tilespmem:$0x1F5F0]  }
0x32d: {  	v21 =	vadd.f32 v15, v5;
	v15 =	vld [tilespmem:$0x1F600]  }
0x32e: {  	v19 =	vadd.f32 v54, v19;
	v54 =	vld [tilespmem:$0x1F620]  }
0x32f: {  	v5 =	vld [tilespmem:$0x1F660]  }
0x330: {  	v29 =	vadd.f32 v34, v6;
	v34 =	vadd.f32 v46, v7;
	v7 =	vld [tilespmem:s26+$0x15030]  }
0x331: {  	v18 =	vadd.f32 v28, v9;
	v28 =	vadd.f32 v14, v8;
	v8 =	vld [tilespmem:$0x1F670]  }
0x332: {  	[tilespmem:$0x1F920] =	vst v31;
	v31 =	vadd.f32 v41, v10;
	v10 =	vld [tilespmem:$0x1F680]  }
0x333: {  	[tilespmem:$0x1F930] =	vst v40;
	v40 =	vadd.f32 v51, v12;
	v51 =	vld [tilespmem:s26+$0x14C70]  }
0x334: {  	[tilespmem:$0x1F940] =	vst v42;
	v42 =	vadd.f32 v52, v11;
	v52 =	vld [tilespmem:$0x1F610]  }
0x335: {  	v57 =	vmul.f32 v56, v22;
	v56 =	vld [tilespmem:s26+$0x15000]  }
0x336: {  	v20 =	vadd.f32 v60, v2;
	v60 =	vmul.f32 v59, v22;
	v59 =	vld [tilespmem:s26+$0x15010]  }
0x337: {  	v12 =	vld [tilespmem:s26+$0x15040]  }
0x338: {  	[tilespmem:$0x1F950] =	vst v47;
	v47 =	vld [tilespmem:s26+$0x15060]  }
0x339: {  	v23 =	vadd.f32 v57, v23;
	v57 =	vld [tilespmem:$0x1F630]  }
0x33a: {  	[tilespmem:$0x1F910] =	vst v63;
	v63 =	vmul.f32 v62, v22;
	v41 =	vmul.f32 v15, v22;
	v22 =	vadd.f32 v60, v16;
	v60 =	vld [tilespmem:$0x1F640]  }
0x33b: {  	v18 =	vadd.f32 v45, v18;
	v45 =	vbroadcast v26, $0x4;
	v62 =	vld [tilespmem:s26+$0x15020]  }
0x33c: {  	v15 =	vld [tilespmem:s26+$0x15050]  }
0x33d: {  	v6 =	vmul.f32 v5, v45;
	v5 =	vld [tilespmem:$0x1F6F0]  }
0x33e: {  	[tilespmem:$0x1F9E0] =	vst v7;
	v7 =	vld [tilespmem:s26+$0x14C90]  }
0x33f: {  	v9 =	vmul.f32 v8, v45;
	v8 =	vld [tilespmem:$0x1F700]  }
0x340: {  	v11 =	vmul.f32 v10, v45;
	v10 =	vld [tilespmem:s26+$0x14CA0]  }
0x341: {  	v16 =	vld [tilespmem:s26+$0x15090]  }
0x342: {  	[tilespmem:$0x1F970] =	vst v55;
	v55 =	vmul.f32 v54, v45;
	v46 =	vadd.f32 v63, v13;
	v63 =	vld [tilespmem:$0x1F650]  }
0x343: {  	[tilespmem:$0x1F960] =	vst v53;
	v13 =	vld [tilespmem:$0x1F690]  }
0x344: {  	[tilespmem:$0x1F980] =	vst v58;
	v24 =	vadd.f32 v55, v24;
	v55 =	vadd.f32 v9, v31;
	v31 =	vld [tilespmem:$0x1F6A0]  }
0x345: {  	[tilespmem:$0x1F9A0] =	vst v51;
	v51 =	vld [tilespmem:$0x1F6B0]  }
0x346: {  	v53 =	vmul.f32 v52, v45;
	[tilespmem:$0x1F9C0] =	vst v59;
	v59 =	vld [tilespmem:$0x1F6D0]  }
0x347: {  	[tilespmem:$0x1FA10] =	vst v47;
	v47 =	vld [tilespmem:$0x1F760]  }
0x348: {  	[tilespmem:$0x1F990] =	vst v61;
	v58 =	vmul.f32 v57, v45;
	v20 =	vadd.f32 v53, v20;
	v53 =	vld [tilespmem:$0x1F6C0]  }
0x349: {  	v61 =	vmul.f32 v60, v45;
	[tilespmem:$0x1FA40] =	vst v7;
	v7 =	vld [tilespmem:$0x1F780]  }
0x34a: {  	v25 =	vadd.f32 v58, v25;
	v58 =	vld [tilespmem:s26+$0x15070]  }
0x34b: {  	v28 =	vadd.f32 v61, v28;
	v61 =	vld [tilespmem:$0x1F6E0]  }
0x34c: {  	v17 =	vadd.f32 v41, v17;
	v9 =	vmul.f32 v8, v45;
	v4 =	vmul.f32 v63, v45;
	v63 =	vld [tilespmem:s26+$0x14C80]  }
0x34d: {  	v0 =	vbroadcast v26, $0x5;
	v14 =	vmul.f32 v13, v45;
	v13 =	vld [tilespmem:s26+$0x14CB0]  }
0x34e: {  	v9 =	vadd.f32 v9, v17;
	v17 =	vld [tilespmem:$0x1F730]  }
0x34f: {  	v52 =	vmul.f32 v51, v45;
	v51 =	vmul.f32 v47, v0;
	v47 =	vld [tilespmem:$0x1F830]  }
0x350: {  	v21 =	vadd.f32 v4, v21;
	v4 =	vadd.f32 v11, v18;
	v11 =	vld [tilespmem:$0x1F710]  }
0x351: {  	[tilespmem:$0x1F9B0] =	vst v56;
	v41 =	vmul.f32 v31, v45;
	v56 =	vadd.f32 v14, v34;
	v14 =	vld [tilespmem:$0x1F720]  }
0x352: {  	v34 =	vld [tilespmem:$0x1F740]  }
0x353: {  	v57 =	vadd.f32 v41, v40;
	v40 =	vld [tilespmem:$0x1F750]  }
0x354: {  	v60 =	vmul.f32 v59, v45;
	v41 =	vld [tilespmem:s26+$0x14CD0]  }
0x355: {  	v54 =	vmul.f32 v53, v45;
	v53 =	vld [tilespmem:s26+$0x14CE0]  }
0x356: {  	v42 =	vadd.f32 v52, v42;
	v52 =	vadd.f32 v60, v23;
	v60 =	vld [tilespmem:s26+$0x150D0]  }
0x357: {  	v29 =	vadd.f32 v6, v29;
	v6 =	vmul.f32 v5, v45;
	[tilespmem:$0x1FA30] =	vst v63;
	v63 =	vld [tilespmem:s26+$0x14CC0]  }
0x358: {  	v19 =	vadd.f32 v54, v19;
	v54 =	vld [tilespmem:$0x1F770]  }
0x359: {  	[tilespmem:$0x1FA20] =	vst v58;
	v58 =	vadd.f32 v6, v46;
	v6 =	vld [tilespmem:s26+$0x14CF0]  }
0x35a: {  	v31 =	vmul.f32 v17, v0;
	v17 =	vld [tilespmem:$0x1F7C0]  }
0x35b: {  	[tilespmem:$0x1F9D0] =	vst v62;
	v62 =	vmul.f32 v61, v45;
	v61 =	vld [tilespmem:s26+$0x150C0]  }
0x35c: {  	[tilespmem:$0x1F9F0] =	vst v12;
	v12 =	vmul.f32 v11, v0;
	v11 =	vld [tilespmem:$0x1F790]  }
0x35d: {  	v22 =	vadd.f32 v62, v22;
	v62 =	vld [tilespmem:s26+$0x15080]  }
0x35e: {  	v25 =	vadd.f32 v31, v25;
	v31 =	vld [tilespmem:$0x1F7F0]  }
0x35f: {  	v1 =	vmul.f32 v34, v0;
	v34 =	vld [tilespmem:$0x1F800]  }
0x360: {  	[tilespmem:$0x1FA00] =	vst v15;
	v2 =	vmul.f32 v40, v0;
	v40 =	vld [tilespmem:$0x1F810]  }
0x361: {  	v15 =	vmul.f32 v14, v0;
	[tilespmem:$0x1FA80] =	vst v53;
	v53 =	vld [tilespmem:s26+$0x14D30]  }
0x362: {  	v46 =	vadd.f32 v12, v20;
	v12 =	vld [tilespmem:$0x1F7A0]  }
0x363: {  	v5 =	vadd.f32 v15, v24;
	v15 =	vld [tilespmem:$0x1F7B0]  }
0x364: {  	v20 =	vld [tilespmem:$0x1F7D0]  }
0x365: {  	v24 =	vld [tilespmem:s26+$0x150B0]  }
0x366: {  	v8 =	vadd.f32 v1, v28;
	v28 =	vld [tilespmem:$0x1F7E0];
	v59 =	vmul.f32 v54, v0  }
0x367: {  	v18 =	vmul.f32 v17, v0;
	v54 =	vld [tilespmem:s26+$0x14D00]  }
0x368: {  	v55 =	vadd.f32 v59, v55;
	v59 =	vld [tilespmem:s26+$0x150A0]  }
0x369: {  	[tilespmem:$0x1FA50] =	vst v10;
	v17 =	vadd.f32 v18, v19;
	v19 =	vld [tilespmem:$0x1F840]  }
0x36a: {  	v10 =	vmul.f32 v7, v0;
	v14 =	vadd.f32 v2, v21;
	v2 =	vmul.f32 v15, v0;
	[tilespmem:$0x1FAB0] =	vst v24;
	v24 =	vld [tilespmem:$0x1F860]  }
0x36b: {  	v45 =	vadd.f32 v51, v29;
	v1 =	vmul.f32 v11, v0;
	v29 =	vmul.f32 v28, v0;
	v28 =	vld [tilespmem:$0x1F870]  }
0x36c: {  	[tilespmem:$0x1FA60] =	vst v13;
	v4 =	vadd.f32 v10, v4;
	v13 =	vmul.f32 v12, v0;
	v15 =	vadd.f32 v2, v42;
	v42 =	vld [tilespmem:$0x1F820]  }
0x36d: {  	v10 =	vadd.f32 v1, v56;
	v1 =	vbroadcast v26, $0x6;
	v11 =	vadd.f32 v29, v22;
	v22 =	vld [tilespmem:$0x1F850]  }
0x36e: {  	v23 =	vmul.f32 v20, v0;
	v2 =	vmul.f32 v31, v0;
	v31 =	vld [tilespmem:$0x1F880]  }
0x36f: {  	[tilespmem:$0x1FA70] =	vst v41;
	v21 =	vadd.f32 v13, v57;
	v0 =	vmul.f32 v34, v0;
	v41 =	vmul.f32 v40, v1;
	v34 =	vld [tilespmem:$0x1F890]  }
0x370: {  	v13 =	vadd.f32 v23, v52;
	v51 =	vmul.f32 v47, v1;
	v47 =	vld [tilespmem:$0x1F8B0];
	v35 =	vmul.f32 v35, v1  }
0x371: {  	[tilespmem:$0x1FA90] =	vst v6;
	v56 =	vld [tilespmem:s26+$0x150F0];
	v20 =	vmul.f32 v19, v1;
	v19 =	vmul.f32 v27, v1;
	v6 =	vadd.f32 v2, v58  }
0x372: {  	v57 =	vld [tilespmem:s26+$0x150E0];
	v7 =	vadd.f32 v0, v9;
	v12 =	vadd.f32 v41, v46;
	v23 =	vmul.f32 v22, v1  }
0x373: {  	v9 =	vadd.f32 v51, v25;
	v41 =	vld [tilespmem:$0x1F8A0];
	v0 =	vmul.f32 v24, v1;
	v29 =	vmul.f32 v28, v1  }
0x374: {  	v3 =	vmul.f32 v42, v1;
	v2 =	vmul.f32 v31, v1;
	v14 =	vadd.f32 v23, v14;
	v23 =	vld [tilespmem:$0x1F8C0]  }
0x375: {  	v52 =	vld [tilespmem:s26+$0x14D20];
	v11 =	vadd.f32 v35, v11;
	v40 =	vmul.f32 v34, v1;
	v18 =	vmul.f32 v47, v1  }
0x376: {  	[tilespmem:$0x1FAA0] =	vst v16;
	v25 =	vld [tilespmem:$0x1F8D0];
	v22 =	vmul.f32 v32, v1;
	v16 =	vadd.f32 v3, v5;
	v5 =	vadd.f32 v20, v8  }
0x377: {  	v3 =	vadd.f32 v0, v45;
	v8 =	vadd.f32 v29, v55;
	v0 =	vbroadcast v26, $0x7;
	v29 =	vld [tilespmem:$0x1F8E0]  }
0x378: {  	v58 =	vld [tilespmem:s26+$0x14D10];
	v4 =	vadd.f32 v2, v4;
	v42 =	vmul.f32 v41, v1;
	v10 =	vadd.f32 v40, v10  }
0x379: {  	v20 =	vmul.f32 v30, v1;
	v15 =	vadd.f32 v18, v15;
	v24 =	vmul.f32 v23, v0;
	v23 =	vld [tilespmem:$0x1F900]  }
0x37a: {  	v34 =	vld [tilespmem:$0x1F8F0];
	v2 =	vadd.f32 v19, v17;
	v1 =	vmul.f32 v33, v1;
	v19 =	vadd.f32 v22, v6  }
0x37b: {  	v51 =	vld [tilespmem:s26+$0x14D40];
	v21 =	vadd.f32 v42, v21;
	v27 =	vmul.f32 v25, v0;
	v33 =	vmul.f32 v39, v0  }
0x37c: {  	v46 =	vld [tilespmem:s26+$0x14D60];
	v13 =	vadd.f32 v20, v13;
	v28 =	vmul.f32 v36, v0;
	v30 =	vmul.f32 v29, v0  }
0x37d: {  	v31 =	vmul.f32 v37, v0;
	v32 =	vmul.f32 v38, v0;
	v17 =	vadd.f32 v33, v8;
	v33 =	vld [tilespmem:$0x1F920]  }
0x37e: {  	v12 =	vadd.f32 v24, v12;
	v5 =	vadd.f32 v30, v5;
	v30 =	vld [tilespmem:$0x1F910];
	v24 =	vmul.f32 v23, v0  }
0x37f: {  	v18 =	vadd.f32 v1, v7;
	v22 =	vmul.f32 v48, v0;
	v35 =	vmul.f32 v34, v0;
	v34 =	vld [tilespmem:$0x1F930]  }
0x380: {  	v25 =	vmul.f32 v43, v0;
	v7 =	vadd.f32 v27, v16;
	v21 =	vadd.f32 v24, v21;
	v24 =	vld [tilespmem:$0x1F950]  }
0x381: {  	v47 =	vld [tilespmem:s26+$0x14D50];
	v16 =	vadd.f32 v28, v9;
	v27 =	vmul.f32 v44, v0;
	v28 =	vmul.f32 v49, v0  }
0x382: {  	v41 =	vld [tilespmem:s26+$0x14D70];
	v45 =	vadd.f32 v22, v10;
	v10 =	vbroadcast v26, $0x8;
	v29 =	vmul.f32 v50, v0  }
0x383: {  	v40 =	vld [tilespmem:s26+$0x15100];
	v20 =	vadd.f32 v31, v14;
	v31 =	vmul.f32 v30, v0;
	v0 =	vmul.f32 v33, v0  }
0x384: {  	v42 =	vld [tilespmem:s26+$0x15110];
	v55 =	vadd.f32 v25, v15  }
0x385: {  	v22 =	vld [tilespmem:$0x1F940];
	v6 =	vmul.f32 v34, v10;
	v18 =	vadd.f32 v0, v18;
	v0 =	vmul.f32 v24, v10  }
0x386: {  	v36 =	vld [tilespmem:s26+$0x15120];
	v15 =	vadd.f32 v28, v13;
	v13 =	vadd.f32 v29, v11  }
0x387: {  	v11 =	vadd.f32 v6, v12;
	v12 =	vadd.f32 v0, v16;
	v16 =	vld [tilespmem:$0x1F980]  }
0x388: {  	v37 =	vld [tilespmem:s26+$0x15130]  }
0x389: {  	v38 =	vld [tilespmem:s26+$0x15140]  }
0x38a: {  	v39 =	vld [tilespmem:s26+$0x15150];
	v1 =	vmul.f32 v22, v10  }
0x38b: {  	v9 =	vld [tilespmem:$0x1F970]  }
0x38c: {  	v48 =	vld [tilespmem:s26+$0x15160];
	v14 =	vadd.f32 v32, v3;
	v22 =	vadd.f32 v1, v7;
	v1 =	vmul.f32 v16, v10  }
0x38d: {  	v43 =	vld [tilespmem:s26+$0x15170]  }
0x38e: {  	v6 =	vadd.f32 v1, v14;
	v14 =	vld [tilespmem:$0x1F9B0]  }
0x38f: {  	v44 =	vld [tilespmem:s26+$0x14D80]  }
0x390: {  	v0 =	vmul.f32 v9, v10;
	v9 =	vld [tilespmem:$0x1F9A0]  }
0x391: {  	v49 =	vld [tilespmem:s26+$0x14D90]  }
0x392: {  	v25 =	vld [tilespmem:$0x1F960]  }
0x393: {  	v24 =	vld [tilespmem:$0x1F990];
	v16 =	vmul.f32 v14, v10  }
0x394: {  	v32 =	vld [tilespmem:s26+$0x14DE0]  }
0x395: {  	v23 =	vadd.f32 v27, v2;
	v2 =	vmul.f32 v9, v10;
	v9 =	vadd.f32 v16, v45;
	v16 =	vld [tilespmem:$0x1F9E0]  }
0x396: {  	v50 =	vld [tilespmem:s26+$0x14DA0]  }
0x397: {  	v4 =	vadd.f32 v35, v4;
	v35 =	vld [tilespmem:s26+$0x14DB0];
	v27 =	vmul.f32 v25, v10  }
0x398: {  	v28 =	vld [tilespmem:s26+$0x151A0];
	v25 =	vmul.f32 v24, v10  }
0x399: {  	v8 =	vadd.f32 v27, v5;
	v5 =	vld [tilespmem:$0x1F9D0]  }
0x39a: {  	v7 =	vadd.f32 v25, v17;
	v17 =	vmul.f32 v16, v10;
	v16 =	vld [tilespmem:$0x1FA10]  }
0x39b: {  	v27 =	vld [tilespmem:$0x1F9F0]  }
0x39c: {  	v24 =	vld [tilespmem:$0x1F9C0]  }
0x39d: {  	v14 =	vadd.f32 v2, v4;
	v4 =	vld [tilespmem:$0x1FA00]  }
0x39e: {  	v20 =	vadd.f32 v0, v20;
	v0 =	vmul.f32 v5, v10;
	v5 =	vadd.f32 v17, v23;
	v17 =	vld [tilespmem:$0x1FA20]  }
0x39f: {  	v19 =	vadd.f32 v31, v19;
	v23 =	vld [tilespmem:$0x1FA40];
	v2 =	vmul.f32 v16, v10  }
0x3a0: {  	v16 =	vld [tilespmem:$0x1FA50]  }
0x3a1: {  	v1 =	vmul.f32 v27, v10;
	v2 =	vadd.f32 v2, v19;
	v19 =	vld [tilespmem:$0x1FA30]  }
0x3a2: {  	v29 =	vld [tilespmem:s26+$0x15190];
	v25 =	vmul.f32 v24, v10;
	v3 =	vmul.f32 v4, v10  }
0x3a3: {  	v4 =	vadd.f32 v0, v55;
	v0 =	vbroadcast v26, $0x9;
	v10 =	vmul.f32 v17, v10;
	v17 =	vld [tilespmem:$0x1FA60]  }
0x3a4: {  	v34 =	vld [tilespmem:s26+$0x14DC0]  }
0x3a5: {  	v33 =	vld [tilespmem:s26+$0x14DD0];
	v10 =	vadd.f32 v10, v18;
	v18 =	vmul.f32 v23, v0;
	v23 =	vmul.f32 v16, v0  }
0x3a6: {  	v30 =	vld [tilespmem:s26+$0x15180];
	v3 =	vadd.f32 v3, v13;
	v13 =	vmul.f32 v19, v0  }
0x3a7: {  	v12 =	vadd.f32 v23, v12;
	v23 =	vld [tilespmem:$0x1FA70]  }
0x3a8: {  	v31 =	vld [tilespmem:s26+$0x14DF0];
	v63 =	vmul.f32 v63, v0;
	v11 =	vadd.f32 v13, v11;
	v13 =	vmul.f32 v17, v0  }
0x3a9: {  	v27 =	vld [tilespmem:s26+$0x151C0]  }
0x3aa: {  	v8 =	vadd.f32 v13, v8;
	v13 =	vadd.f32 v63, v20;
	v63 =	vld [tilespmem:$0x1FA80]  }
0x3ab: {  	v24 =	vld [tilespmem:s26+$0x151F0]  }
0x3ac: {  	v15 =	vadd.f32 v1, v15;
	v1 =	vld [tilespmem:s26+$0x14E50];
	v16 =	vmul.f32 v23, v0  }
0x3ad: {  	v21 =	vadd.f32 v25, v21;
	v25 =	vld [tilespmem:s26+$0x151E0]  }
0x3ae: {  	v62 =	vmul.f32 v62, v0;
	v6 =	vadd.f32 v16, v6;
	v16 =	vld [tilespmem:$0x1FA90]  }
0x3af: {  	v45 =	vld [tilespmem:s26+$0x151B0];
	v20 =	vmul.f32 v63, v0  }
0x3b0: {  	v9 =	vadd.f32 v62, v9;
	v62 =	vld [tilespmem:$0x1FAB0]  }
0x3b1: {  	v59 =	vmul.f32 v59, v0;
	v7 =	vadd.f32 v20, v7;
	v20 =	vld [tilespmem:$0x1FAA0]  }
0x3b2: {  	v55 =	vld [tilespmem:s26+$0x151D0]  }
0x3b3: {  	v4 =	vadd.f32 v59, v4;
	v59 =	vld [tilespmem:s26+$0x14E70];
	v18 =	vadd.f32 v18, v22;
	v22 =	vmul.f32 v16, v0  }
0x3b4: {  	v19 =	vld [tilespmem:s26+$0x14E00]  }
0x3b5: {  	v17 =	vld [tilespmem:s26+$0x14E10];
	v14 =	vadd.f32 v22, v14;
	v22 =	vmul.f32 v62, v0  }
0x3b6: {  	v23 =	vld [tilespmem:s26+$0x14E20];
	v20 =	vmul.f32 v20, v0  }
0x3b7: {  	v63 =	vld [tilespmem:s26+$0x14E30];
	v5 =	vadd.f32 v22, v5;
	v22 =	vmul.f32 v60, v0;
	v60 =	vbroadcast v26, $0xA  }
0x3b8: {  	v16 =	vld [tilespmem:s26+$0x14E40];
	v20 =	vadd.f32 v20, v21  }
0x3b9: {  	v62 =	vld [tilespmem:s26+$0x14E60];
	v21 =	vmul.f32 v61, v0;
	v3 =	vadd.f32 v22, v3;
	v22 =	vmul.f32 v54, v60  }
0x3ba: {  	v61 =	vld [tilespmem:s26+$0x15200];
	v54 =	vmul.f32 v58, v60;
	v58 =	vmul.f32 v52, v60  }
0x3bb: {  	v52 =	vld [tilespmem:s26+$0x15240];
	v47 =	vmul.f32 v47, v60;
	v41 =	vmul.f32 v41, v60  }
0x3bc: {  	v15 =	vadd.f32 v21, v15;
	v21 =	vmul.f32 v57, v0;
	v0 =	vmul.f32 v56, v0;
	v56 =	vld [tilespmem:s26+$0x15210]  }
0x3bd: {  	v43 =	vmul.f32 v43, v60;
	v57 =	vld [tilespmem:s26+$0x15220];
	v11 =	vadd.f32 v22, v11;
	v18 =	vadd.f32 v54, v18  }
0x3be: {  	v22 =	vmul.f32 v53, v60;
	v53 =	vmul.f32 v46, v60;
	v46 =	vld [tilespmem:s26+$0x15260];
	v6 =	vadd.f32 v47, v6  }
0x3bf: {  	v54 =	vmul.f32 v40, v60;
	v40 =	vld [tilespmem:s26+$0x15270];
	v14 =	vadd.f32 v41, v14;
	v47 =	vmul.f32 v36, v60  }
0x3c0: {  	v41 =	vld [tilespmem:s26+$0x14E80];
	v0 =	vadd.f32 v0, v10;
	v10 =	vadd.f32 v58, v12;
	v58 =	vmul.f32 v51, v60  }
0x3c1: {  	v36 =	vmul.f32 v37, v60;
	v37 =	vld [tilespmem:s26+$0x14E90];
	v2 =	vadd.f32 v21, v2;
	v7 =	vadd.f32 v53, v7  }
0x3c2: {  	v21 =	vld [tilespmem:s26+$0x15230];
	v53 =	vmul.f32 v38, v60;
	v12 =	vadd.f32 v58, v13;
	v58 =	vmul.f32 v42, v60  }
0x3c3: {  	v51 =	vld [tilespmem:s26+$0x15250];
	v9 =	vadd.f32 v54, v9;
	v54 =	vmul.f32 v39, v60;
	v42 =	vbroadcast v26, $0xB  }
0x3c4: {  	v39 =	vld [tilespmem:s26+$0x14EA0];
	v4 =	vadd.f32 v47, v4;
	v20 =	vadd.f32 v58, v20;
	v58 =	vmul.f32 v48, v60  }
0x3c5: {  	v47 =	vld [tilespmem:s26+$0x14EB0];
	v5 =	vadd.f32 v36, v5;
	v48 =	vmul.f32 v44, v42;
	v49 =	vmul.f32 v49, v42  }
0x3c6: {  	v36 =	vld [tilespmem:s26+$0x14EC0];
	v15 =	vadd.f32 v53, v15;
	v50 =	vmul.f32 v50, v42;
	v53 =	vmul.f32 v35, v42  }
0x3c7: {  	v38 =	vld [tilespmem:s26+$0x14ED0];
	v3 =	vadd.f32 v54, v3;
	v34 =	vmul.f32 v34, v42;
	v54 =	vmul.f32 v33, v42  }
0x3c8: {  	v8 =	vadd.f32 v22, v8;
	v22 =	vld [tilespmem:s26+$0x14F00];
	v60 =	vmul.f32 v31, v42;
	v30 =	vmul.f32 v30, v42  }
0x3c9: {  	v0 =	vadd.f32 v43, v0;
	v44 =	vld [tilespmem:s26+$0x14EE0];
	v28 =	vmul.f32 v28, v42;
	v43 =	vmul.f32 v45, v42  }
0x3ca: {  	v35 =	vld [tilespmem:s26+$0x14EF0];
	v45 =	vmul.f32 v27, v42;
	v2 =	vadd.f32 v58, v2;
	v11 =	vadd.f32 v48, v11  }
0x3cb: {  	v33 =	vld [tilespmem:s26+$0x15280];
	v24 =	vmul.f32 v24, v42;
	v18 =	vadd.f32 v49, v18;
	v10 =	vadd.f32 v50, v10  }
0x3cc: {  	v31 =	vld [tilespmem:s26+$0x152A0];
	v8 =	vadd.f32 v53, v8;
	v12 =	vadd.f32 v34, v12;
	v58 =	vmul.f32 v32, v42  }
0x3cd: {  	v27 =	vld [tilespmem:s26+$0x152D0];
	v6 =	vadd.f32 v54, v6;
	v34 =	vmul.f32 v29, v42;
	v14 =	vadd.f32 v60, v14  }
0x3ce: {  	v32 =	vld [tilespmem:s26+$0x15290];
	v9 =	vadd.f32 v30, v9;
	v4 =	vadd.f32 v28, v4;
	v28 =	vbroadcast v26, $0xC  }
0x3cf: {  	v29 =	vld [tilespmem:s26+$0x152B0];
	v5 =	vadd.f32 v43, v5;
	v48 =	vmul.f32 v55, v42;
	v49 =	vmul.f32 v25, v42  }
0x3d0: {  	v30 =	vld [tilespmem:s26+$0x152C0];
	v15 =	vadd.f32 v45, v15;
	v19 =	vmul.f32 v19, v28;
	v17 =	vmul.f32 v17, v28  }
0x3d1: {  	v25 =	vld [tilespmem:s26+$0x152F0];
	v0 =	vadd.f32 v24, v0;
	v50 =	vmul.f32 v23, v28;
	v53 =	vmul.f32 v63, v28  }
0x3d2: {  	v42 =	vld [tilespmem:s26+$0x14F40];
	v7 =	vadd.f32 v58, v7;
	v16 =	vmul.f32 v16, v28;
	v1 =	vmul.f32 v1, v28  }
0x3d3: {  	v24 =	vld [tilespmem:s26+$0x14F60];
	v13 =	vadd.f32 v34, v20;
	v54 =	vmul.f32 v62, v28;
	v55 =	vmul.f32 v59, v28  }
0x3d4: {  	v43 =	vld [tilespmem:s26+$0x14F70];
	v3 =	vadd.f32 v48, v3;
	v58 =	vmul.f32 v61, v28;
	v59 =	vmul.f32 v56, v28  }
0x3d5: {  	v34 =	vld [tilespmem:s26+$0x152E0];
	v2 =	vadd.f32 v49, v2;
	v60 =	vmul.f32 v57, v28;
	v21 =	vmul.f32 v21, v28  }
0x3d6: {  	v23 =	vld [tilespmem:s26+$0x14F10];
	v61 =	vmul.f32 v52, v28;
	v11 =	vadd.f32 v19, v11;
	v17 =	vadd.f32 v17, v18  }
0x3d7: {  	v20 =	vld [tilespmem:s26+$0x14F30];
	v62 =	vmul.f32 v51, v28;
	v10 =	vadd.f32 v50, v10;
	v8 =	vadd.f32 v53, v8  }
0x3d8: {  	v48 =	vld [tilespmem:s26+$0x15300];
	v63 =	vmul.f32 v46, v28;
	v12 =	vadd.f32 v16, v12;
	v1 =	vadd.f32 v1, v6  }
0x3d9: {  	v46 =	vbroadcast v26, $0xD;
	v49 =	vld [tilespmem:s26+$0x15310];
	v7 =	vadd.f32 v54, v7;
	v14 =	vadd.f32 v55, v14  }
0x3da: {  	v19 =	vld [tilespmem:s26+$0x14F20];
	v6 =	vadd.f32 v58, v9;
	v13 =	vadd.f32 v59, v13;
	v50 =	vmul.f32 v40, v28  }
0x3db: {  	v16 =	vld [tilespmem:s26+$0x14F50];
	v4 =	vadd.f32 v60, v4;
	v51 =	vmul.f32 v41, v46;
	v52 =	vmul.f32 v37, v46  }
0x3dc: {  	v5 =	vadd.f32 v21, v5;
	v21 =	vld [tilespmem:s26+$0x15320];
	v53 =	vmul.f32 v39, v46;
	v54 =	vmul.f32 v47, v46  }
0x3dd: {  	v15 =	vadd.f32 v61, v15;
	v28 =	vld [tilespmem:s26+$0x15330];
	v36 =	vmul.f32 v36, v46;
	v55 =	vmul.f32 v38, v46  }
0x3de: {  	v3 =	vadd.f32 v62, v3;
	v39 =	vld [tilespmem:s26+$0x15340];
	v57 =	vmul.f32 v44, v46;
	v58 =	vmul.f32 v35, v46  }
0x3df: {  	v2 =	vadd.f32 v63, v2;
	v40 =	vld [tilespmem:s26+$0x15350];
	v33 =	vmul.f32 v33, v46;
	v31 =	vmul.f32 v31, v46  }
0x3e0: {  	v37 =	vld [tilespmem:s26+$0x15360];
	v41 =	vmul.f32 v27, v46;
	v27 =	vbroadcast v26, $0xE;
	v0 =	vadd.f32 v50, v0  }
0x3e1: {  	v59 =	vld [tilespmem:s26+$0x14F80];
	v60 =	vmul.f32 v32, v46;
	v9 =	vadd.f32 v51, v11;
	v17 =	vadd.f32 v52, v17  }
0x3e2: {  	v61 =	vld [tilespmem:s26+$0x14F90];
	v62 =	vmul.f32 v29, v46;
	v10 =	vadd.f32 v53, v10;
	v8 =	vadd.f32 v54, v8  }
0x3e3: {  	v63 =	vld [tilespmem:s26+$0x14FA0];
	v38 =	vmul.f32 v30, v46;
	v56 =	vadd.f32 v36, v12;
	v1 =	vadd.f32 v55, v1  }
0x3e4: {  	v30 =	vld [tilespmem:s26+$0x14FB0];
	v25 =	vmul.f32 v25, v46;
	v7 =	vadd.f32 v57, v7;
	v14 =	vadd.f32 v58, v14  }
0x3e5: {  	v36 =	vld [tilespmem:s26+$0x15370];
	v6 =	vadd.f32 v33, v6;
	v4 =	vadd.f32 v31, v4;
	v45 =	vmul.f32 v22, v27  }
0x3e6: {  	v31 =	vld [tilespmem:s26+$0x14FC0];
	v3 =	vadd.f32 v41, v3;
	v52 =	vmul.f32 v42, v27;
	v54 =	vmul.f32 v24, v27  }
0x3e7: {  	v33 =	vld [tilespmem:s26+$0x14FD0];
	v24 =	vbroadcast v26, $0xF;
	v12 =	vadd.f32 v60, v13;
	v5 =	vadd.f32 v62, v5  }
0x3e8: {  	v51 =	vld [tilespmem:s26+$0x15380];
	v13 =	vadd.f32 v38, v15;
	v44 =	vmul.f32 v34, v46;
	v46 =	vmul.f32 v23, v27  }
0x3e9: {  	v53 =	vld [tilespmem:s26+$0x15390];
	v50 =	vmul.f32 v20, v27;
	v58 =	vmul.f32 v48, v27;
	v0 =	vadd.f32 v25, v0  }
0x3ea: {  	v55 =	vld [tilespmem:s26+$0x153A0];
	v60 =	vmul.f32 v49, v27;
	v9 =	vadd.f32 v45, v9;
	v11 =	vadd.f32 v52, v56  }
0x3eb: {  	v57 =	vld [tilespmem:s26+$0x153B0];
	v56 =	vmul.f32 v43, v27;
	v7 =	vadd.f32 v54, v7;
	v2 =	vadd.f32 v44, v2  }
0x3ec: {  	v23 =	vld [tilespmem:s26+$0x14FE0];
	v47 =	vmul.f32 v19, v27;
	v17 =	vadd.f32 v46, v17;
	v16 =	vmul.f32 v16, v27  }
0x3ed: {  	v38 =	vld [tilespmem:s26+$0x153F0];
	v8 =	vadd.f32 v50, v8;
	v26 =	vmul.f32 v59, v24;
	v32 =	vmul.f32 v61, v24  }
0x3ee: {  	v19 =	vld [tilespmem:s26+$0x14FF0];
	v6 =	vadd.f32 v58, v6;
	v62 =	vmul.f32 v63, v24;
	v12 =	vadd.f32 v60, v12  }
0x3ef: {  	s28 =	sshll.u32 s25, $0x7;
	v59 =	vld [tilespmem:s26+$0x153C0];
	v43 =	vmul.f32 v21, v27;
	v42 =	vmul.f32 v30, v24;
	v9 =	vadd.f32 v26, v9  }
0x3f0: {  	s28 =	sand.u32 $0x3FFFFF80, s28;
	v61 =	vld [tilespmem:s26+$0x153D0];
	v45 =	vmul.f32 v28, v27;
	v10 =	vadd.f32 v47, v10;
	v41 =	vadd.f32 v32, v17  }
0x3f1: {  	v63 =	vld [tilespmem:s26+$0x153E0];
	v50 =	vmul.f32 v39, v27;
	v44 =	vmul.f32 v31, v24;
	v8 =	vadd.f32 v42, v8;
	[tilespmem:s28+$0x1CC00] =	vst v9  }
0x3f2: {  	v1 =	vadd.f32 v16, v1;
	v46 =	vmul.f32 v33, v24;
	v10 =	vadd.f32 v62, v10;
	[tilespmem:s28+$0x1CC10] =	vst v41  }
0x3f3: {  	v52 =	vmul.f32 v40, v27;
	v51 =	vmul.f32 v51, v24;
	v47 =	vadd.f32 v44, v11;
	[tilespmem:s28+$0x1CC30] =	vst v8  }
0x3f4: {  	v14 =	vadd.f32 v56, v14;
	v53 =	vmul.f32 v53, v24;
	v1 =	vadd.f32 v46, v1;
	[tilespmem:s28+$0x1CC20] =	vst v10  }
0x3f5: {  	v4 =	vadd.f32 v43, v4;
	v54 =	vmul.f32 v55, v24;
	v6 =	vadd.f32 v51, v6;
	[tilespmem:s28+$0x1CC40] =	vst v47  }
0x3f6: {  	v5 =	vadd.f32 v45, v5;
	v56 =	vmul.f32 v57, v24;
	v55 =	vadd.f32 v53, v12;
	[tilespmem:s28+$0x1CC50] =	vst v1  }
0x3f7: {  	v57 =	vmul.f32 v37, v27;
	v48 =	vmul.f32 v23, v24;
	v4 =	vadd.f32 v54, v4;
	[tilespmem:s28+$0x1D000] =	vst v6  }
0x3f8: {  	v9 =	vadd.f32 v50, v13;
	v5 =	vadd.f32 v56, v5;
	v49 =	vmul.f32 v19, v24;
	[tilespmem:s28+$0x1D010] =	vst v55  }
0x3f9: {  	v2 =	vadd.f32 v57, v2;
	v7 =	vadd.f32 v48, v7;
	v58 =	vmul.f32 v59, v24;
	[tilespmem:s28+$0x1D020] =	vst v4  }
0x3fa: {  	v59 =	vmul.f32 v36, v27;
	v62 =	vmul.f32 v63, v24;
	[tilespmem:s28+$0x1D030] =	vst v5;
	v8 =	vadd.f32 v49, v14  }
0x3fb: {  	p0 =	sne.s32 s25, $0x7;
	v60 =	vmul.f32 v61, v24;
	v1 =	vadd.f32 v52, v3;
	[tilespmem:s28+$0x1CC60] =	vst v7;
	v61 =	vadd.f32 v58, v9  }
.Ltmp4:
0x3fc: {  	v63 =	vmul.f32 v38, v24;
	v0 =	vadd.f32 v59, v0;
	v2 =	vadd.f32 v62, v2;
	[tilespmem:s28+$0x1CC70] =	vst v8;
	(pc) =	sbr.rel @p0 .LBB2_7-.Ltmp4, $4  }
0x3fd: {  	v1 =	vadd.f32 v60, v1;
	[tilespmem:s28+$0x1D040] =	vst v61  }
0x3fe: {  	v0 =	vadd.f32 v63, v0;
	[tilespmem:s28+$0x1D060] =	vst v2  }
0x3ff: {  	[tilespmem:s28+$0x1D050] =	vst v1  }
0x400: {  	s25 =	sadd.s32 $0x1, s25;
	[tilespmem:s28+$0x1D070] =	vst v0  }
.Ltmp5:
0x401: {  	s24 =	sadd.s32 s8, s24;
	(pc) =	sbr.rel @p1 .LBB2_10-.Ltmp5, $4  }
0x402: {  	s24 =	sshll.u32 s24, $0x8  }
0x403: {  	s24 =	sand.u32 $0x1FFFFF00, s24  }
0x404: {  	s24 =	sadd.s32 s4, s24  }
0x405: {  	[hbm4b:s24+s3] =	stream.linear.scatter [tilespmem:s21], [sflag:$0x4], $0x800, $0x38;
	[tilespmem:$0x1D400] =	vst v63  }
0x406: {  	v0 =	vld [tilespmem:s23+$0x180];
	_ =	sdelay $0x2  }
0x407: {  	v2 =	vld [tilespmem:$0x1FFD0]  }
0x408: {  	v3 =	vld [tilespmem:$0x1FFE0]  }
0x409: {  	v4 =	vld [tilespmem:$0x1FFF0];
	v1 =	vshll.u32 v0, $0x1  }
0x40a: {  	v0 =	vand.u32 $0x7, v0;
	v1 =	vand.u32 $0xFFFFFFF0, v1  }
0x40b: {  	v0 =	vor.u32 v0, v1  }
0x40c: {  	v1 =	vperm.xlane v0, v2;
	_ =	sdelay $0x1  }
0x40d: {  	v0 =	vperm.xlane v0, v4;
	v1 =	vadd.s32 v3, v1;
	_ =	sdelay $0x1  }
0x40e: {  	v0 =	vadd.s32 v3, v0;
	_ =	sdelay $0x2  }
0x40f: {  	[tilespmem:s29], [sflag:$0x2] =	stream.indirect_vreg.gather [hbm4b:s2+s3], $0x80, v1, vm0, $0xb8;
	[tilespmem:$0x1D400] =	vst v63  }
0x410: {  	_ = 	snop  }
0x411: {  	[tilespmem:s30], [sflag:$0x2] =	stream.indirect_vreg.gather [hbm4b:s2+s3], $0x80, v0, vm0, $0xb8;
	[tilespmem:$0x1D400] =	vst v63  }
0x412: {  	v0 =	vld [tilespmem:s23+$0x190];
	_ =	sdelay $0x4  }
0x413: {  	v57 =	vshll.u32 v0, $0x1  }
0x414: {  	v0 =	vand.u32 $0x7, v0;
	v1 =	vand.u32 $0xFFFFFFF0, v57  }
0x415: {  	v0 =	vor.u32 v0, v1  }
0x416: {  	v1 =	vperm.xlane v0, v2;
	_ =	sdelay $0x1  }
0x417: {  	v0 =	vperm.xlane v0, v4;
	v1 =	vadd.s32 v3, v1;
	_ =	sdelay $0x1  }
0x418: {  	v0 =	vadd.s32 v3, v0;
	_ =	sdelay $0x2  }
0x419: {  	[tilespmem:s31], [sflag:$0x2] =	stream.indirect_vreg.gather [hbm4b:s2+s3], $0x80, v1, vm0, $0xb8;
	[tilespmem:$0x1D400] =	vst v63  }
0x41a: {  	_ = 	snop  }
0x41b: {  	[tilespmem:s1], [sflag:$0x2] =	stream.indirect_vreg.gather [hbm4b:s2+s3], $0x80, v0, vm0, $0xb8;
	[tilespmem:$0x1D400] =	vst v63  }
0x41c: {  	v0 =	vld [tilespmem:s23+$0x1A0];
	_ =	sdelay $0x4  }
0x41d: {  	v58 =	vshll.u32 v0, $0x1  }
0x41e: {  	v0 =	vand.u32 $0x7, v0;
	v1 =	vand.u32 $0xFFFFFFF0, v58  }
0x41f: {  	v0 =	vor.u32 v0, v1  }
0x420: {  	v1 =	vperm.xlane v0, v2;
	_ =	sdelay $0x1  }
0x421: {  	v0 =	vperm.xlane v0, v4;
	v1 =	vadd.s32 v3, v1;
	_ =	sdelay $0x1  }
0x422: {  	v0 =	vadd.s32 v3, v0;
	_ =	sdelay $0x2  }
0x423: {  	[tilespmem:s0], [sflag:$0x2] =	stream.indirect_vreg.gather [hbm4b:s2+s3], $0x80, v1, vm0, $0xb8;
	[tilespmem:$0x1D400] =	vst v63  }
0x424: {  	_ = 	snop  }
0x425: {  	[tilespmem:s11], [sflag:$0x2] =	stream.indirect_vreg.gather [hbm4b:s2+s3], $0x80, v0, vm0, $0xb8;
	[tilespmem:$0x1D400] =	vst v63  }
0x426: {  	v0 =	vld [tilespmem:s23+$0x1B0];
	_ =	sdelay $0x4  }
0x427: {  	v59 =	vshll.u32 v0, $0x1  }
0x428: {  	v0 =	vand.u32 $0x7, v0;
	v1 =	vand.u32 $0xFFFFFFF0, v59  }
0x429: {  	v0 =	vor.u32 v0, v1  }
0x42a: {  	v1 =	vperm.xlane v0, v2;
	_ =	sdelay $0x1  }
0x42b: {  	v0 =	vperm.xlane v0, v4;
	v1 =	vadd.s32 v3, v1;
	_ =	sdelay $0x1  }
0x42c: {  	v0 =	vadd.s32 v3, v0;
	_ =	sdelay $0x2  }
0x42d: {  	[tilespmem:s6], [sflag:$0x2] =	stream.indirect_vreg.gather [hbm4b:s2+s3], $0x80, v1, vm0, $0xb8;
	[tilespmem:$0x1D400] =	vst v63  }
0x42e: {  	_ = 	snop  }
0x42f: {  	[tilespmem:s7], [sflag:$0x2] =	stream.indirect_vreg.gather [hbm4b:s2+s3], $0x80, v0, vm0, $0xb8;
	[tilespmem:$0x1D400] =	vst v63  }
0x430: {  	v0 =	vld [tilespmem:s23+$0x1C0];
	_ =	sdelay $0x4  }
0x431: {  	v60 =	vshll.u32 v0, $0x1  }
0x432: {  	v0 =	vand.u32 $0x7, v0;
	v1 =	vand.u32 $0xFFFFFFF0, v60  }
0x433: {  	v0 =	vor.u32 v0, v1  }
0x434: {  	v1 =	vperm.xlane v0, v2;
	_ =	sdelay $0x1  }
0x435: {  	v0 =	vperm.xlane v0, v4;
	v1 =	vadd.s32 v3, v1;
	_ =	sdelay $0x1  }
0x436: {  	v0 =	vadd.s32 v3, v0;
	_ =	sdelay $0x2  }
0x437: {  	[tilespmem:s9], [sflag:$0x2] =	stream.indirect_vreg.gather [hbm4b:s2+s3], $0x80, v1, vm0, $0xb8;
	[tilespmem:$0x1D400] =	vst v63  }
0x438: {  	_ = 	snop  }
0x439: {  	[tilespmem:s10], [sflag:$0x2] =	stream.indirect_vreg.gather [hbm4b:s2+s3], $0x80, v0, vm0, $0xb8;
	[tilespmem:$0x1D400] =	vst v63  }
0x43a: {  	v0 =	vld [tilespmem:s23+$0x1D0];
	_ =	sdelay $0x4  }
0x43b: {  	v61 =	vshll.u32 v0, $0x1  }
0x43c: {  	v0 =	vand.u32 $0x7, v0;
	v1 =	vand.u32 $0xFFFFFFF0, v61  }
0x43d: {  	v0 =	vor.u32 v0, v1  }
0x43e: {  	v1 =	vperm.xlane v0, v2;
	_ =	sdelay $0x1  }
0x43f: {  	v0 =	vperm.xlane v0, v4;
	v1 =	vadd.s32 v3, v1;
	_ =	sdelay $0x1  }
0x440: {  	v0 =	vadd.s32 v3, v0;
	_ =	sdelay $0x2  }
0x441: {  	[tilespmem:s12], [sflag:$0x2] =	stream.indirect_vreg.gather [hbm4b:s2+s3], $0x80, v1, vm0, $0xb8;
	[tilespmem:$0x1D400] =	vst v63  }
0x442: {  	_ = 	snop  }
0x443: {  	[tilespmem:s13], [sflag:$0x2] =	stream.indirect_vreg.gather [hbm4b:s2+s3], $0x80, v0, vm0, $0xb8;
	[tilespmem:$0x1D400] =	vst v63  }
0x444: {  	v0 =	vld [tilespmem:s23+$0x1E0];
	_ =	sdelay $0x4  }
0x445: {  	v62 =	vshll.u32 v0, $0x1  }
0x446: {  	v0 =	vand.u32 $0x7, v0;
	v1 =	vand.u32 $0xFFFFFFF0, v62  }
0x447: {  	v0 =	vor.u32 v0, v1  }
0x448: {  	v1 =	vperm.xlane v0, v2;
	_ =	sdelay $0x1  }
0x449: {  	v0 =	vperm.xlane v0, v4;
	v1 =	vadd.s32 v3, v1;
	_ =	sdelay $0x1  }
0x44a: {  	v0 =	vadd.s32 v3, v0;
	_ =	sdelay $0x2  }
0x44b: {  	[tilespmem:s14], [sflag:$0x2] =	stream.indirect_vreg.gather [hbm4b:s2+s3], $0x80, v1, vm0, $0xb8;
	[tilespmem:$0x1D400] =	vst v63  }
0x44c: {  	_ = 	snop  }
0x44d: {  	[tilespmem:s15], [sflag:$0x2] =	stream.indirect_vreg.gather [hbm4b:s2+s3], $0x80, v0, vm0, $0xb8;
	[tilespmem:$0x1D400] =	vst v63  }
0x44e: {  	v0 =	vld [tilespmem:s23+$0x1F0];
	_ =	sdelay $0x4  }
0x44f: {  	v63 =	vshll.u32 v0, $0x1  }
0x450: {  	v0 =	vand.u32 $0x7, v0;
	v1 =	vand.u32 $0xFFFFFFF0, v63  }
0x451: {  	v0 =	vor.u32 v0, v1  }
0x452: {  	v1 =	vperm.xlane v0, v2;
	_ =	sdelay $0x1  }
0x453: {  	v0 =	vperm.xlane v0, v4;
	v1 =	vadd.s32 v3, v1;
	_ =	sdelay $0x1  }
0x454: {  	v0 =	vadd.s32 v3, v0  }
.Ltmp6:
0x455: {  	_ = 	snop;
	(pc) =	sbr.rel .LBB2_2-.Ltmp6, $4  }
0x456: {  	_ = 	snop  }
0x457: {  	[tilespmem:s16], [sflag:$0x2] =	stream.indirect_vreg.gather [hbm4b:s2+s3], $0x80, v1, vm0, $0xb8;
	[tilespmem:$0x1D400] =	vst v63  }
0x458: {  	s22 =	sadd.s32 $0x1, s22  }
0x459: {  	[tilespmem:s17], [sflag:$0x2] =	stream.indirect_vreg.gather [hbm4b:s2+s3], $0x80, v0, vm0, $0xb8;
	[tilespmem:$0x1D400] =	vst v63  }
.LBB2_11:
0x45a: {  	_ =	sfence.sel $0x180000  }
0x45b: {  	[bflag:$0x0] =	sbarrier.arrive $0xFFFF  }
0x45c: {  	_ =	strace $0x90000047  }
0x45d: {  	s0 =	stileid.u32;
	[bflag:$0x2] =	sbarrier.arrive $0xFFFF  }
0x45e: {  	p0 =	sne.s32 s0, $0x0;
	s0 =	rddreg [dreg:$0x3]  }
0x45f: {  	s0 =	sadd.s32 @!p0 $0x100000, s0  }
0x460: {  	[sflag:s0] =	ssyncadd.tile.s32 @!p0 $0x1;
	_ =	shalt  }
.Lfunc_end2:
_tile_overlayer_lowered:
.L_overlay_start_2:
0x461: {  	(tag) =	ssettag $0x2  }
0x462: {  	s0 =	rddreg [dreg:$0x0];
	s2 =	stileid.u32  }
0x463: {  	s1 =	rddreg [dreg:$0x1];
	p0 =	sne.s32 s2, $0x0  }
0x464: {  	s3 =	rddreg [dreg:$0x2];
	[bflag:$0x3] =	sbarrier.arrive $0xFFFF;
	s2 =	simm.s32 @!p0 $0x1C05  }
0x465: {  	[timem:s3], [sflag:s2] =	dma.local @!p0 [hbm:s0], s1  }
0x466: {  	s0 =	simm.s32 @!p0 $0x5  }
0x467: {  	_ =	swait.ge @!p0 [sflag:s0], s1  }
0x468: {  	s1 =	ssub.s32 @!p0 $0x0, s1;
	[sflag:s0] =	ssyncset.done @!p0 $0x0  }
0x469: {  	[sflag:s0] =	ssyncadd.s32 @!p0 s1  }
0x46a: {  	[bflag:$0x3] =	sbarrier.arrive $0xFFFF  }
0x46b: {  	_ =	shalt  }

// kernel: sparse-core-data-format-call.cloned.1.call-start
scs
called_computation_lowered:
.L_overlay_start_0:
0x0: {  	s2 =	sld [smem:$0x3FD9]  }
0x1: {  	s3 =	sld [smem:$0x3FFE];
	_ =	sdelay $0x1  }
0x2: {  	s1 =	srdreg.scid  }
0x3: {  	s0 =	sand.u32 $0x1, s1  }
0x4: {  	s18 =	sshll.u32 s0, $0xA;
	s2 =	sadd.s32 s3, s2  }
0x5: {  	s2 =	sadd.s32 s2, s18  }
0x6: {  	[smem:$0x3FC6] =	sst s2  }
0x7: {  	_ = 	snop  }
0x8: {  	s2 =	sld [smem:$0x3FD0];
	(tm) =	ssettm $0x1  }
0x9: {  	s19 =	sld [smem:$0x3FFB];
	_ =	sdelay $0x3  }
0xa: {  	_ =	strace s19  }
0xb: {  	s3 =	sld [smem:$0x3FFC];
	_ =	sdelay $0x3  }
0xc: {  	_ =	strace s3  }
0xd: {  	s3 =	sld [smem:$0x3FFD];
	_ =	sdelay $0x3  }
0xe: {  	_ =	strace s3  }
0xf: {  	_ =	strace $0x8FFFFFFF  }
0x10: {  	s20 =	sld [smem:$0x3FDB];
	_ =	sdelay $0x1  }
0x11: {  	s4 =	simm.s32 $_scs_section_size  }
0x12: {  	s5 =	simm.s32 $_size__tile_overlayer_lowered;
	s6 =	simm.s32 $_tile_overlayer_lowered  }
0x13: {  	s23 =	simm.s32 $0x1BFF;
	s22 =	sshll.u32 s6, $0x1;
	s3 =	sadd.s32 s4, s20  }
0x14: {  	s7 =	simm.s32 $0x0;
	s21 =	sshll.u32 s5, $0x1;
	s5 =	sadd.s32 s22, s3  }
0x15: {  	[timem:s7], [sflag:s23] =	dma.local [hbm:s5], s21  }
0x16: {  	_ =	swait.ge [sflag:s23], s21  }
0x17: {  	s4 =	ssub.s32 $0x0, s21;
	[sflag:s23] =	ssyncset.done $0x0  }
0x18: {  	[sflag:s23] =	ssyncadd.s32 s4;
	_ =	sdelay $0x1  }
0x19: {  	s24 =	simm.s32 $0x1B8B  }
0x1a: {  	_ =	swait.ge [sflag:s24], $0x1  }
0x1b: {  	[sflag:s24] =	ssyncset.done $0x0  }
0x1c: {  	s26 =	simm.s32 $0x1B8E;
	s25 =	sld [smem:$0x3FFE];
	[sflag:s24] =	ssyncadd.s32 $0xFFFFFFFF  }
0x1d: {  	s27 =	simm.s32 $execute0_lowered;
	[smem:$0x3FD2] =	sst s26  }
0x1e: {  	s5 =	sshll.u32 s27, $0x1;
	_ =	strace $0x80000049;
	[dreg:$0x1] =	wrdreg $0xFFFFFFFF  }
0x1f: {  	s28 =	simm.s32 $_size_execute0_lowered;
	s3 =	sadd.s32 s3, s5;
	[dreg:$0x0] =	wrdreg $0x0  }
0x20: {  	s5 =	sshll.u32 s28, $0x1;
	[dreg:$0x2] =	wrdreg s3  }
0x21: {  	[dreg:$0x3] =	wrdreg s5  }
0x22: {  	[dreg:$0x4] =	wrdreg $0xC0  }
0x23: {  	_ =	task [dreg:s7], $0x5FFFF  }
0x24: {  	[dreg:$0x1] =	wrdreg $0xFFFFFFFF  }
0x25: {  	[dreg:$0x0] =	wrdreg $0x60  }
0x26: {  	[dreg:$0x2] =	wrdreg s25  }
0x27: {  	[dreg:$0x3] =	wrdreg s2  }
0x28: {  	[dreg:$0x4] =	wrdreg $0x9  }
0x29: {  	_ =	task.clear_ibuf [dreg:s7], $0x5FFFF;
	_ =	strace $0x90000049  }
0x2a: {  	s29 =	simm.s32 $0x9;
	_ =	strace $0x8000004B  }
0x2b: {  	_ =	swait.ge [sflag:s29], $0x1  }
0x2c: {  	[sflag:s29] =	ssyncadd.s32 $0xFFFFFFFF  }
0x2d: {  	_ =	strace $0x9000004B  }
0x2e: {  	_ =	sfence  }
0x2f: {  	s30 =	sld [smem:$0x0];
	_ =	sdelay $0x2  }
0x30: {  	s31 =	sshll.u32 s1, $0xD;
	s1 =	sshrl.u32 s1, $0x2  }
0x31: {  	s3 =	sand.u32 $0x4000, s31;
	s1 =	sadd.s32 s1, s30  }
0x32: {  	s0 =	sor.u32 s3, s0;
	s1 =	sshll.u32 s1, $0x11  }
0x33: {  	s0 =	sor.u32 s1, s0  }
0x34: {  	s0 =	sadd.s32 $0x8F2B, s0  }
0x35: {  	[sflag:s0] =	ssyncadd.remote.s32 $0x1  }
0x36: {  	_ =	sfence.sel $0xFFFF  }
0x37: {  	[dreg:$0x0] =	wrdreg $0xFFFFFFFF;
	(pc) =	sbr.abs _section_cstart, $3  }
0x38: {  	[dreg:$0x1] =	wrdreg $0xFFFFFFFF  }
0x39: {  	_ =	task.clear_ibuf [dreg:s7], $0x2FFFF;
	_ =	strace $0x9FFFFFFF  }
0x3a: {  	(tm) =	ssettm $0x7FFFFFFF  }
0x3b: {  	_ =	shalt  }
tec
execute0_lowered:
.L_overlay_start_1:
0x0: {  	(tag) =	ssettag $0x1  }
0x1: {  	s0 =	srdreg.scid  }
0x2: {  	s1 =	rddreg [dreg:$0x0];
	s6 =	stileid.u32  }
0x3: {  	_ =	strace $0x8000004A;
	s7 =	simm.s32 $0x19;
	s31 =	simm.s32 $0x2  }
0x4: {  	s20 =	simm.s32 $0x0;
	s12 =	simm.s32 $0x800;
	s13 =	simm.s32 $0x0  }
0x5: {  	s19 =	simm.s32 $0x0;
	s21 =	simm.s32 $0x0;
	s0 =	sshll.u32 s0, $0x7  }
0x6: {  	s14 =	simm.s32 $0x0;
	s15 =	simm.s32 $0x0;
	s3 =	sand.u32 $0x80, s0  }
0x7: {  	s18 =	simm.s32 $0x0;
	s4 =	sshrl.u32 s6, $0x3;
	s0 =	ssub.s32 $0x100, s3  }
0x8: {  	s30 =	sshll.u32 s6, $0x7;
	p0 =	seq.s32 s4, $0x0;
	s2 =	sshrl.u32 s0, $0x7  }
.Ltmp0:
0x9: {  	s0 =	sshrl.u32 s0, $0x8;
	s2 =	sand.u32 $0x1, s2;
	(pc) =	sbr.rel .LBB1_1-.Ltmp0, $4  }
0xa: {  	s6 =	simm.s32 $0x1;
	s7 =	simm.s32 @!p0 $0x18;
	s0 =	sadd.s32 s0, s2  }
0xb: {  	s5 =	sadd.s32 $0x361200, s1;
	[sflag:s6] =	ssyncpa.u1 $0x0;
	s7 =	smul.u32 s7, s0  }
0xc: {  	s8 =	sand.u32 $0x380, s30;
	s16 =	smov.u32 s4;
	[sflag:s31] =	ssyncpa.u1 $0x0  }
0xd: {  	s9 =	sshll.u32 s3, $0x3;
	s17 =	smov.u32 s8;
	s10 =	sadd.s32 $0x1, s7  }
.LBB1_9:
0xe: {  	s0 =	sshll.u32 s15, $0x8  }
0xf: {  	s1 =	sshll.u32 s21, $0x3;
	s2 =	sshll.u32 s15, $0x7;
	s0 =	sand.u32 $0xFFFFF800, s0  }
0x10: {  	s24 =	sand.u32 $0x300, s2;
	s0 =	sor.u32 s0, s1  }
0x11: {  	p0 =	sgt.s32 s14, $0x30;
	s0 =	sor.u32 s24, s0  }
0x12: {  	s26 =	smul.u32 $0x7D00, s14;
	s1 =	smov.u32 s14;
	s0 =	sshrl.u32 s0, $0x8  }
0x13: {  	s1 =	simm.s32 @!p0 $0x30;
	s25 =	smulhi.u32 $0x83126F, s0  }
0x14: {  	s27 =	sshll.u32 s15, $0x4;
	s28 =	sshll.u32 s18, $0xE;
	s1 =	sadd.s32 s22, s1  }
0x15: {  	s29 =	rddreg [dreg:$0x1];
	s11 =	sadd.s32 $0xFFFFFFD0, s1;
	s2 =	sshrl.u32 s25, $0x1  }
0x16: {  	s1 =	ssub.s32 $0x31, s1;
	p0 =	sgt.s32 s11, $0x0;
	s2 =	smul.u32 $0x3E8, s2  }
0x17: {  	s31 =	simm.s32 $0x400;
	s11 =	sadd.s32 s29, s26;
	s1 =	simm.s32 @p0 $0x0  }
0x18: {  	s1 =	smul.u32 s1, s23;
	s0 =	ssub.s32 s0, s2;
	s2 =	sand.u32 $0x10, s27  }
0x19: {  	s21 =	sand.u32 $0x4000, s28;
	s0 =	sshll.u32 s0, $0x5;
	s2 =	sadd.s32 s2, s11  }
0x1a: {  	s30 =	sor.u32 $0x8000, s21;
	s1 =	sand.u32 $0x3FFFFF80, s1;
	s0 =	sadd.s32 s0, s2  }
0x1b: {  	[hbm4b:s0+s31] =	stream.strided.scatter [tilespmem:s30], [sflag:$0x2], s1, s12, s31, $0x38;
	[tilespmem:$0x10000] =	vst v63  }
.LBB1_10:
0x1c: {  	p0 =	slt.u32 s18, $0x2  }
0x1d: {  	p1 =	sgt.s32 @!p0 s20, $0x30  }
0x1e: {  	s0 =	smov.u32 s20;
	s2 =	smov.u32 s19;
	p1 =	por !p1, p0  }
0x1f: {  	s1 =	sshra.s32 @!p0 s20, $0x1F;
	s0 =	simm.s32 @p1 $0x30;
	p1 =	sgt.s32 @!p0 s19, $0x368  }
0x20: {  	s11 =	sshra.s32 @!p0 s19, $0x1F;
	s1 =	sand.u32 @!p0 s1, s20;
	p1 =	por !p1, p0  }
0x21: {  	s0 =	ssub.s32 @!p0 s0, s1;
	s1 =	sand.u32 @!p0 s11, s19;
	s2 =	simm.s32 @p1 $0x368  }
0x22: {  	s1 =	ssub.s32 @!p0 s2, s1  }
0x23: {  	s11 =	sadd.s32 @!p0 $0xFFFFFFD0, s0;
	s0 =	ssub.s32 @!p0 $0x31, s0;
	s1 =	sadd.s32 @!p0 $0xFFFFFC98, s1  }
0x24: {  	p1 =	sgt.s32 @!p0 s11, $0x0;
	p2 =	sgt.s32 @!p0 s1, $0x7F;
	s1 =	sshll.u32 @!p0 s1, $0x7  }
0x25: {  	p1 =	por !p1, p0;
	s1 =	ssub.s32 @!p0 $0x4000, s1;
	p2 =	por !p2, p0  }
0x26: {  	s0 =	simm.s32 @!p1 $0x0;
	s1 =	simm.s32 @!p2 $0x0  }
0x27: {  	s0 =	smul.u32 @!p0 s0, s1;
	s1 =	sadd.s32 $0x2, s16  }
0x28: {  	s22 =	smov.u32 s17;
	s11 =	sadd.s32 $0x400, s17;
	p1 =	sgt.s32 s1, $0x30  }
0x29: {  	s22 =	smov.u32 @p1 s11  }
0x2a: {  	s1 =	smov.u32 @p1 s4;
	p1 =	sgt.s32 s22, $0x3E7  }
0x2b: {  	s13 =	sadd.s32 $0x4000, s13;
	s22 =	smov.u32 @p1 s8;
	p1 =	sne.s32 s18, s10  }
.Ltmp1:
0x2c: {  	s21 =	smov.u32 s3;
	s20 =	smov.u32 s14;
	(pc) =	sbr.rel @!p1 .LBB1_11-.Ltmp1, $4  }
0x2d: {  	s14 =	smov.u32 s16;
	s2 =	simm.s32 @!p0 $0x2;
	s0 =	sand.u32 @!p0 $0x3FFFFF80, s0  }
0x2e: {  	s19 =	smov.u32 s15;
	s15 =	smov.u32 s17;
	_ =	swait.ge @!p0 [sflag:s2], s0  }
0x2f: {  	s0 =	ssub.s32 @!p0 $0x0, s0;
	s16 =	smov.u32 s1;
	[sflag:s2] =	ssyncset.done @!p0 $0x0  }
0x30: {  	s18 =	sadd.s32 $0x1, s18;
	[sflag:s2] =	ssyncadd.s32 @!p0 s0;
	s17 =	smov.u32 s22  }
.LBB1_1:
0x31: {  	p0 =	sge.u32 s18, s7;
	s11 =	smov.u32 s17;
	s31 =	sadd.s32 $0xFFFFFFFF, s18  }
0x32: {  	s0 =	sshll.u32 @!p0 s16, $0x8;
	s1 =	sshll.u32 @!p0 s16, $0x7;
	p1 =	sgt.s32 @!p0 s17, $0x368  }
0x33: {  	p2 =	sgt.s32 @!p0 s16, $0x37;
	s2 =	sshra.s32 @!p0 s16, $0x1F;
	s22 =	sshra.s32 @!p0 s17, $0x1F  }
0x34: {  	s0 =	sand.u32 @!p0 $0xFFFFF800, s0;
	s1 =	sand.u32 @!p0 $0x300, s1;
	p1 =	por !p1, p0  }
0x35: {  	p2 =	por !p2, p0;
	s22 =	sand.u32 @!p0 s22, s17;
	s0 =	sor.u32 @!p0 s9, s0  }
0x36: {  	s11 =	simm.s32 @p1 $0x368;
	s0 =	sor.u32 @!p0 s1, s0;
	s1 =	smov.u32 s16  }
0x37: {  	s2 =	sand.u32 @!p0 s2, s16;
	s11 =	ssub.s32 @!p0 s11, s22;
	s1 =	simm.s32 @p2 $0x37  }
0x38: {  	s0 =	sshrl.u32 @!p0 s0, $0x8;
	s11 =	sadd.s32 @!p0 $0xFFFFFC98, s11;
	s1 =	ssub.s32 @!p0 s1, s2  }
0x39: {  	s2 =	smulhi.u32 @!p0 $0x4924925, s0;
	p2 =	sgt.s32 @!p0 s11, $0x7F;
	s22 =	sadd.s32 @!p0 $0xFFFFFFC9, s1  }
0x3a: {  	s11 =	sshll.u32 @!p0 s11, $0x7;
	s1 =	ssub.s32 @!p0 $0x38, s1;
	p1 =	sgt.s32 @!p0 s22, $0x0  }
0x3b: {  	s11 =	ssub.s32 @!p0 $0x4000, s11;
	s2 =	smul.u32 @!p0 $0x38, s2;
	p1 =	por !p1, p0  }
0x3c: {  	s22 =	sxor.u32 @!p0 $0xFFFFFFFF, s18;
	s1 =	simm.s32 @!p1 $0x0;
	p1 =	por !p2, p0  }
0x3d: {  	s0 =	ssub.s32 @!p0 s0, s2;
	s2 =	smul.u32 @!p0 $0x700, s17;
	s11 =	simm.s32 @!p1 $0x0  }
0x3e: {  	s22 =	sshll.u32 @!p0 s22, $0xE;
	s1 =	smul.u32 @!p0 s1, s11;
	s11 =	sshll.u32 @!p0 s16, $0x4  }
0x3f: {  	s22 =	sand.u32 @!p0 $0x4000, s22;
	s2 =	sadd.s32 @!p0 s5, s2;
	s11 =	sand.u32 @!p0 $0x10, s11  }
0x40: {  	s0 =	sshll.u32 @!p0 s0, $0x5;
	s1 =	sand.u32 @!p0 $0x3FFFFF80, s1;
	s2 =	sadd.s32 @!p0 s11, s2  }
0x41: {  	s11 =	simm.s32 @!p0 $0x3800;
	s0 =	sadd.s32 @!p0 s0, s2;
	s2 =	simm.s32 @!p0 $0x80  }
0x42: {  	[tilespmem:s22], [sflag:$0x1] =	stream.strided.gather @!p0 [hbm4b:s0+s2], s1, s11, s2, $0x38;
	[tilespmem:$0x10000] =	vst v63  }
0x43: {  	p0 =	sge.u32 s31, s7  }
.Ltmp2:
0x44: {  	_ = 	snop;
	(pc) =	sbr.rel @p0 .LBB1_10-.Ltmp2, $1  }
0x45: {  	_ =	sdelay $0x3  }
0x46: {  	p0 =	sgt.s32 s15, $0x368;
	s0 =	smov.u32 s15;
	s1 =	sshra.s32 s15, $0x1F  }
0x47: {  	s2 =	ssub.s32 $0x0, s14;
	s0 =	simm.s32 @!p0 $0x368;
	s1 =	sand.u32 s1, s15  }
0x48: {  	s11 =	sshra.s32 s14, $0x1F;
	s23 =	smov.u32 s14;
	s0 =	ssub.s32 s0, s1  }
0x49: {  	p0 =	sgt.s32 s14, $0x37;
	s22 =	sand.u32 s2, s11;
	s0 =	sadd.s32 $0xFFFFFC98, s0  }
0x4a: {  	s23 =	simm.s32 @!p0 $0x37;
	p0 =	sgt.s32 s0, $0x7F;
	s0 =	sshll.u32 s0, $0x7  }
0x4b: {  	s29 =	sadd.s32 s22, s23;
	s23 =	ssub.s32 $0x4000, s0;
	s0 =	sadd.s32 $0x80, s15  }
0x4c: {  	s2 =	sadd.s32 $0x1, s14;
	s23 =	simm.s32 @p0 $0x0;
	p0 =	slt.s32 s0, $0x3E8  }
0x4d: {  	s30 =	sadd.s32 $0xFFFFFFC9, s29;
	s0 =	simm.s32 @!p0 $0x3E8;
	p0 =	slt.s32 s2, $0x31  }
0x4e: {  	s1 =	ssub.s32 $0x38, s29;
	s24 =	ssub.s32 s0, s15;
	s2 =	simm.s32 @!p0 $0x31  }
0x4f: {  	p1 =	sgt.s32 s30, $0x0;
	s25 =	ssub.s32 s2, s14;
	p0 =	slt.s32 s24, $0x1  }
0x50: {  	s1 =	simm.s32 @p1 $0x0;
	p1 =	slt.s32 @!p0 s25, $0x1  }
0x51: {  	s1 =	smul.u32 s1, s23;
	p0 =	por p0, p1  }
.Ltmp3:
0x52: {  	_ = 	snop;
	(pc) =	sbr.rel @p0 .LBB1_9-.Ltmp3, $4  }
0x53: {  	s31 =	sand.u32 $0x3FFFFF80, s1  }
0x54: {  	_ =	swait.ge [sflag:s6], s31  }
0x55: {  	s0 =	ssub.s32 $0x0, s31;
	[sflag:s6] =	ssyncset.done $0x0  }
0x56: {  	[sflag:s6] =	ssyncadd.s32 s0  }
0x57: {  	s0 =	sshll.u32 s13, $0x2  }
0x58: {  	s0 =	sand.u32 $0x10000, s0  }
0x59: {  	s26 =	sshrl.u32 s0, $0x2  }
0x5a: {  	s28 =	simm.s32 $0x0;
	s29 =	simm.s32 $0x0;
	s27 =	sor.u32 $0x8000, s26  }
.LBB1_4:
0x5b: {  	s0 =	sand.u32 $0x3F80, s28  }
0x5c: {  	s31 =	simm.s32 $0x0;
	s11 =	sadd.s32 s0, s27;
	s0 =	simm.s32 $0x0  }
.LBB1_5:
0x5d: {  	s1 =	sand.u32 $0x7, s31  }
0x5e: {  	s1 =	sadd.s32 s1, s29  }
0x5f: {  	s1 =	sshll.u32 s1, $0x9  }
0x60: {  	s1 =	sshra.s32 s1, $0x2  }
0x61: {  	s2 =	simm.s32 $0xFFFFFFF0;
	s30 =	smov.u32 s11;
	s1 =	sadd.s32 s1, s26  }
.LBB1_6:
0x62: {  	s2 =	sadd.s32 $0x10, s2  }
0x63: {  	v0 =	vld [tilespmem:s1+$0x0];
	p0 =	slt.u32 s2, $0x70  }
.Ltmp4:
0x64: {  	_ = 	snop;
	(pc) =	sbr.rel @p0 .LBB1_6-.Ltmp4, $2  }
0x65: {  	_ =	sdelay $0x2  }
0x66: {  	s1 =	sadd.s32 $0x10, s1;
	[tilespmem:s30+$0x0] =	vst v0;
	s30 =	sadd.s32 $0x10, s30  }
0x67: {  	s0 =	sadd.s32 $0x1, s0  }
0x68: {  	p0 =	sne.s32 s0, s25  }
.Ltmp5:
0x69: {  	_ = 	snop;
	(pc) =	sbr.rel @p0 .LBB1_5-.Ltmp5, $2  }
0x6a: {  	_ =	sdelay $0x2  }
0x6b: {  	s11 =	sadd.s32 $0x4000, s11;
	s31 =	sadd.s32 $0x1, s31  }
0x6c: {  	s29 =	sadd.s32 $0x1, s29  }
0x6d: {  	p0 =	sne.s32 s29, s24  }
.Ltmp6:
0x6e: {  	_ = 	snop;
	(pc) =	sbr.rel @p0 .LBB1_4-.Ltmp6, $4  }
.Ltmp7:
0x6f: {  	_ = 	snop;
	(pc) =	sbr.rel @!p0 .LBB1_9-.Ltmp7, $4  }
0x70: {  	_ = 	snop  }
0x71: {  	_ = 	snop  }
0x72: {  	s28 =	sadd.s32 $0x80, s28  }
0x73: {  	_ = 	snop  }
.LBB1_11:
0x74: {  	_ =	sfence.sel $0x180000  }
0x75: {  	s0 =	simm.s32 $0x1;
	[bflag:$0x0] =	sbarrier.arrive $0xFFFF  }
0x76: {  	s30 =	simm.s32 $0x2;
	[sflag:s0] =	ssyncpa.u1 $0x1  }
0x77: {  	[sflag:s30] =	ssyncpa.u1 $0x1  }
0x78: {  	_ =	strace $0x9000004A  }
0x79: {  	s31 =	stileid.u32;
	[bflag:$0x2] =	sbarrier.arrive $0xFFFF  }
0x7a: {  	p0 =	sne.s32 s31, $0x0;
	s0 =	rddreg [dreg:$0x2]  }
0x7b: {  	s0 =	sadd.s32 @!p0 $0x100000, s0  }
0x7c: {  	[sflag:s0] =	ssyncadd.tile.s32 @!p0 $0x1;
	_ =	shalt  }
.Lfunc_end1:
_tile_overlayer_lowered:
.L_overlay_start_2:
0x7d: {  	(tag) =	ssettag $0x2  }
0x7e: {  	s0 =	rddreg [dreg:$0x0];
	s2 =	stileid.u32  }
0x7f: {  	s1 =	rddreg [dreg:$0x1];
	p0 =	sne.s32 s2, $0x0  }
0x80: {  	s3 =	rddreg [dreg:$0x2];
	[bflag:$0x3] =	sbarrier.arrive $0xFFFF;
	s2 =	simm.s32 @!p0 $0x1C01  }
0x81: {  	[timem:s3], [sflag:s2] =	dma.local @!p0 [hbm:s0], s1  }
0x82: {  	s0 =	simm.s32 @!p0 $0x1  }
0x83: {  	_ =	swait.ge @!p0 [sflag:s0], s1  }
0x84: {  	s1 =	ssub.s32 @!p0 $0x0, s1;
	[sflag:s0] =	ssyncset.done @!p0 $0x0  }
0x85: {  	[sflag:s0] =	ssyncadd.s32 @!p0 s1  }
0x86: {  	[bflag:$0x3] =	sbarrier.arrive $0xFFFF  }
0x87: {  	_ =	shalt  }

</sc_bundles>
